<compile_context>
chip_gen: v7x
topology: tpu7x:2x2x1
jax: 0.10.2.dev20260603
libtpu: 0.0.44.dev20260713+nightly
codegen_flags: <defaults>
</compile_context>

<pallas_src>
import functools

import jax
import jax.numpy as jnp
from jax import lax
from jax.experimental import pallas as pl
from jax.experimental.pallas import tpu as pltpu
from jax.experimental.pallas import tpu_sc as plsc

N = 10000
E = 320000
D = 128
H = 128
O = 64
G = 64

NC = 2
NS = 16
NW = NC * NS
EPW = E // NW
C = 80
NCHUNK = EPW // C
RPT = N // NS


def _sc_mp_body(compute_deg, *refs):
    if compute_deg:
        (x_hbm, src3_hbm, dst3_hbm, out_hbm, deg_hbm,
         acc, idx_s, idx_d, sem0, sem1, sem2, ssem0, ssem1, ssem2) = refs
    else:
        (x_hbm, src3_hbm, dst3_hbm, out_hbm,
         acc, idx_s, idx_d, sem0, sem1, sem2, ssem0, ssem1, ssem2) = refs
    gsems = (sem0, sem1, sem2)
    ssems = (ssem0, ssem1, ssem2)
    cid = lax.axis_index("c")
    sid = lax.axis_index("s")
    wid = sid * NC + cid
    base_row = sid * RPT
    zeros16 = jnp.zeros((16,), jnp.float32)

    pltpu.async_copy(src3_hbm.at[wid], idx_s, sem0)
    pltpu.async_copy(dst3_hbm.at[wid], idx_d, sem1)

    CH = C // 2

    def g_start(t, rbuf, sem):
        pltpu.async_copy(x_hbm.at[idx_s.at[t, pl.ds(0, CH)]],
                         rbuf.at[pl.ds(0, CH)], sem)
        pltpu.async_copy(x_hbm.at[idx_s.at[t, pl.ds(CH, CH)]],
                         rbuf.at[pl.ds(CH, CH)], sem)

    def g_wait(t, rbuf, sem):
        pltpu.make_async_copy(x_hbm.at[idx_s.at[t, pl.ds(0, CH)]],
                              rbuf.at[pl.ds(0, CH)], sem).wait()
        pltpu.make_async_copy(x_hbm.at[idx_s.at[t, pl.ds(CH, CH)]],
                              rbuf.at[pl.ds(CH, CH)], sem).wait()

    def s_add(t, rbuf):
        pltpu.sync_copy(rbuf, acc.at[idx_d.at[t]], add=True)

    def s_start(t, rbuf, sem):
        pltpu.async_copy(rbuf, acc.at[idx_d.at[t]], sem, add=True)

    def s_wait(t, rbuf, sem):
        pltpu.make_async_copy(rbuf, acc.at[idx_d.at[t]], sem).wait()

    def edge_phase(rows0, rows1, rows2):
        bufs = (rows0, rows1, rows2)

        def zb(i, _):
            for j in range(8):
                rows0[i, pl.ds(j * 16, 16)] = zeros16
            return 0

        lax.fori_loop(0, C, zb, 0)
        for k in range(RPT // C):
            pltpu.async_copy(rows0, acc.at[pl.ds(base_row + k * C, C)], sem2)
        rem = RPT % C
        if rem:
            pltpu.async_copy(rows0.at[pl.ds(0, rem)],
                             acc.at[pl.ds(base_row + (RPT // C) * C, rem)],
                             sem2)
        for k in range(RPT // C):
            pltpu.make_async_copy(rows0, acc.at[pl.ds(base_row + k * C, C)],
                                  sem2).wait()
        if rem:
            pltpu.make_async_copy(rows0.at[pl.ds(0, rem)],
                                  acc.at[pl.ds(base_row + (RPT // C) * C, rem)],
                                  sem2).wait()
        pltpu.make_async_copy(src3_hbm.at[wid], idx_s, sem0).wait()
        pltpu.make_async_copy(dst3_hbm.at[wid], idx_d, sem1).wait()
        plsc.subcore_barrier()

        g_start(0, bufs[0], gsems[0])
        g_start(1, bufs[1], gsems[1])

        def step3(i, _):
            for k in range(3):
                t = 3 * i + k
                b, gs, ss = bufs[k], gsems[k], ssems[k]
                kp = (k + 2) % 3
                g_wait(t, b, gs)
                s_start(t, b, ss)

                @pl.when(t + 2 < NCHUNK)
                def _():
                    @pl.when(t >= 1)
                    def _():
                        s_wait(t - 1, bufs[kp], ssems[kp])

                    g_start(t + 2, bufs[kp], gsems[kp])
            return 0

        lax.fori_loop(0, NCHUNK // 3, step3, 0)
        nm = (NCHUNK // 3) * 3
        assert NCHUNK - nm == 2
        s_wait(nm - 1, bufs[(nm - 1) % 3], ssems[(nm - 1) % 3])
        for t in range(nm, NCHUNK):
            b = t % 3
            g_wait(t, bufs[b], gsems[b])
            s_add(t, bufs[b])

    pl.run_scoped(edge_phase,
                  pltpu.VMEM((C, D), jnp.float32),
                  pltpu.VMEM((C, D), jnp.float32),
                  pltpu.VMEM((C, D), jnp.float32))

    plsc.subcore_barrier()

    acc_sl = acc.at[pl.ds(base_row, RPT)]
    out_sl = out_hbm.at[cid, pl.ds(base_row, RPT)]
    pltpu.async_copy(acc_sl, out_sl, sem0)

    if compute_deg:
        def deg_phase(deg_loc):
            def zd(i, _):
                deg_loc[pl.ds(i * 16, 16)] = zeros16
                return 0

            lax.fori_loop(0, N // 16, zd, 0)
            ones16 = jnp.ones((16,), jnp.float32)

            def hist(t, _):
                for j in range(C // 16):
                    dv = idx_d[t, pl.ds(j * 16, 16)]
                    plsc.addupdate_scatter(deg_loc, [dv], ones16)
                return 0

            lax.fori_loop(0, NCHUNK, hist, 0)
            pltpu.sync_copy(deg_loc, deg_hbm.at[cid, sid])

        pl.run_scoped(deg_phase, pltpu.VMEM((N,), jnp.float32))

    pltpu.make_async_copy(acc_sl, out_sl, sem0).wait()


@functools.lru_cache(maxsize=None)
def _mp_kernel(compute_deg):
    mesh = plsc.VectorSubcoreMesh(core_axis_name="c", subcore_axis_name="s")
    out_type = [jax.ShapeDtypeStruct((NC, N, D), jnp.float32)]
    scratch = [
        pltpu.VMEM_SHARED((N, D), jnp.float32),
        pltpu.VMEM((NCHUNK, C), jnp.int32),
        pltpu.VMEM((NCHUNK, C), jnp.int32),
    ]
    if compute_deg:
        out_type.append(jax.ShapeDtypeStruct((NC, NS, N), jnp.float32))
    scratch += [pltpu.SemaphoreType.DMA] * 6
    return pl.kernel(
        functools.partial(_sc_mp_body, compute_deg),
        out_type=tuple(out_type),
        mesh=mesh,
        scratch_types=scratch,
        compiler_params=pltpu.CompilerParams(use_tc_tiling_on_sc=False,
                                             needs_layout_passes=False),
    )


def _sc_mp(x, src, dst, compute_deg=False):
    src3 = src.reshape(NW, NCHUNK, C)
    dst3 = dst.reshape(NW, NCHUNK, C)
    if compute_deg:
        return _mp_kernel(True)(x, src3, dst3)
    return _mp_kernel(False)(x, src3, dst3)[0]


def _dense_body(part_ref, deg_ref, x_ref, Wl_ref, Wr_ref, b_ref, g_ref,
                be_ref, a_ref, out_ref):
    deg = jnp.sum(deg_ref[...], axis=(0, 1))
    inv = 1.0 / jnp.maximum(deg, 1.0)
    agg = (part_ref[0] + part_ref[1]) * inv[:, None]
    y = (jnp.dot(agg, Wl_ref[...], preferred_element_type=jnp.float32)
         + jnp.dot(x_ref[...], Wr_ref[...], preferred_element_type=jnp.float32)
         + b_ref[...])
    m = jnp.mean(y, axis=0)
    v = jnp.mean((y - m) ** 2, axis=0)
    z = (y - m) / jnp.sqrt(v + 1e-5) * g_ref[...] + be_ref[...]
    out_ref[...] = jnp.where(z > 0, z, a_ref[...] * z)


def _dense(part, deg, x, Wl, Wr, b, g, be, a):
    return pl.pallas_call(
        _dense_body,
        out_shape=jax.ShapeDtypeStruct((N, H), jnp.float32),
    )(part, deg, x, Wl, Wr, b, g, be, a)


def _final_body(part_ref, deg_ref, x2_ref, x1_ref, batch_ref,
                Wl_ref, Wr_ref, b_ref, g_ref, be_ref, a_ref,
                Wjk_ref, bjk_ref, Wf_ref, bf_ref, out_ref):
    deg = jnp.sum(deg_ref[...], axis=(0, 1))
    inv = 1.0 / jnp.maximum(deg, 1.0)
    agg = (part_ref[0] + part_ref[1]) * inv[:, None]
    y = (jnp.dot(agg, Wl_ref[...], preferred_element_type=jnp.float32)
         + jnp.dot(x2_ref[...], Wr_ref[...], preferred_element_type=jnp.float32)
         + b_ref[...])
    m = jnp.mean(y, axis=0)
    v = jnp.mean((y - m) ** 2, axis=0)
    z = (y - m) / jnp.sqrt(v + 1e-5) * g_ref[...] + be_ref[...]
    x3 = jnp.where(z > 0, z, a_ref[...] * z)

    h = (jnp.dot(x1_ref[...], Wjk_ref[0], preferred_element_type=jnp.float32)
         + jnp.dot(x2_ref[...], Wjk_ref[1], preferred_element_type=jnp.float32)
         + jnp.dot(x3, Wjk_ref[2], preferred_element_type=jnp.float32)
         + bjk_ref[...])
    h = jnp.maximum(h, 0.0)

    gid = lax.broadcasted_iota(jnp.int32, (N, G), 1)
    onehot = (batch_ref[...][:, None] == gid).astype(jnp.float32)
    cnt = jnp.sum(onehot, axis=0)
    pooled = lax.dot_general(onehot, h, (((0,), (0,)), ((), ())),
                             preferred_element_type=jnp.float32)
    pooled = pooled / jnp.maximum(cnt, 1.0)[:, None]
    out_ref[...] = (jnp.dot(pooled, Wf_ref[...],
                            preferred_element_type=jnp.float32) + bf_ref[...])


def _final(part, deg, x2, x1, batch, Wl, Wr, b, g, be, a, Wjk, bjk, Wf, bf):
    return pl.pallas_call(
        _final_body,
        out_shape=jax.ShapeDtypeStruct((G, O), jnp.float32),
    )(part, deg, x2, x1, batch, Wl, Wr, b, g, be, a,
      Wjk.reshape(3, H, H), bjk, Wf, bf)


def kernel(x, edge_index, batch, Wl1, Wr1, b1, g1, be1, a1,
           Wl2, Wr2, b2, g2, be2, a2, Wl3, Wr3, b3, g3, be3, a3,
           Wjk, bjk, Wf, bf):
    src = edge_index[0]
    dst = edge_index[1]
    part1, deg = _sc_mp(x, src, dst, compute_deg=True)
    x1 = _dense(part1, deg, x, Wl1, Wr1, b1, g1, be1, a1)
    part2 = _sc_mp(x1, src, dst)
    x2 = _dense(part2, deg, x1, Wl2, Wr2, b2, g2, be2, a2)
    part3 = _sc_mp(x2, src, dst)
    return _final(part3, deg, x2, x1, batch,
                  Wl3, Wr3, b3, g3, be3, a3, Wjk, bjk, Wf, bf)

# --- scband reference (transcript-rebuilt; emitter-appended) ---
"""Pipeline reference for scband-jknet-3layer-17205638988376 (READ-ONLY COPY).

The authoritative reference and input builder live on the scoring server;
editing this copy changes nothing except your own understanding.
"""

import jax, jax.numpy as jnp
import numpy as np

N = 10000; E = 320000; D = 128; H = 128; O = 64; G = 64


def _sage(x, src, dst, Wl, Wr, b):
    ones = jnp.ones((src.shape[0],), jnp.float32)
    deg = jax.ops.segment_sum(ones, dst, num_segments=N)
    agg = jax.ops.segment_sum(x[src], dst, num_segments=N)
    agg = agg / jnp.clip(deg, 1.0)[:, None]
    return agg @ Wl + x @ Wr + b


def _bn(x, g, b):
    m = jnp.mean(x, axis=0)
    v = jnp.var(x, axis=0)
    return (x - m) / jnp.sqrt(v + 1e-5) * g + b


def _prelu(x, a):
    return jnp.where(x > 0, x, a * x)


def setup_inputs(seed: int = 0) -> dict:
    key = jax.random.key(seed)
    ks = jax.random.split(key, 32)
    inp = {}
    inp["x"] = jax.random.normal(ks[0], (N, D), jnp.float32)
    inp["edge_index"] = jax.random.randint(ks[1], (2, E), 0, N, jnp.int32)
    inp["batch"] = jnp.sort(jax.random.randint(ks[2], (N,), 0, G, jnp.int32))

    def lin(k, fi, fo):
        return jax.random.normal(k, (fi, fo), jnp.float32) * (1.0 / np.sqrt(fi))

    inp["Wl1"] = lin(ks[3], D, H); inp["Wr1"] = lin(ks[4], D, H); inp["b1"] = jnp.zeros((H,), jnp.float32)
    inp["g1"] = jnp.ones((H,), jnp.float32); inp["be1"] = jnp.zeros((H,), jnp.float32); inp["a1"] = jnp.full((1,), 0.25, jnp.float32)
    inp["Wl2"] = lin(ks[5], H, H); inp["Wr2"] = lin(ks[6], H, H); inp["b2"] = jnp.zeros((H,), jnp.float32)
    inp["g2"] = jnp.ones((H,), jnp.float32); inp["be2"] = jnp.zeros((H,), jnp.float32); inp["a2"] = jnp.full((1,), 0.25, jnp.float32)
    inp["Wl3"] = lin(ks[7], H, H); inp["Wr3"] = lin(ks[8], H, H); inp["b3"] = jnp.zeros((H,), jnp.float32)
    inp["g3"] = jnp.ones((H,), jnp.float32); inp["be3"] = jnp.zeros((H,), jnp.float32); inp["a3"] = jnp.full((1,), 0.25, jnp.float32)
    inp["Wjk"] = lin(ks[9], 3 * H, H); inp["bjk"] = jnp.zeros((H,), jnp.float32)
    inp["Wf"] = lin(ks[10], H, O); inp["bf"] = jnp.zeros((O,), jnp.float32)
    return inp


def reference(x, edge_index, batch, Wl1, Wr1, b1, g1, be1, a1, Wl2, Wr2, b2, g2, be2, a2, Wl3, Wr3, b3, g3, be3, a3, Wjk, bjk, Wf, bf):
    src = edge_index[0]; dst = edge_index[1]
    x1 = _prelu(_bn(_sage(x, src, dst, Wl1, Wr1, b1), g1, be1), a1)
    x2 = _prelu(_bn(_sage(x1, src, dst, Wl2, Wr2, b2), g2, be2), a2)
    x3 = _prelu(_bn(_sage(x2, src, dst, Wl3, Wr3, b3), g3, be3), a3)
    h = jnp.concatenate([x1, x2, x3], axis=1) @ Wjk + bjk
    h = jax.nn.relu(h)
    cnt = jax.ops.segment_sum(jnp.ones((N,), jnp.float32), batch, num_segments=G)
    pooled = jax.ops.segment_sum(h, batch, num_segments=G) / jnp.clip(cnt, 1.0)[:, None]
    return pooled @ Wf + bf

if __name__ == "__main__":
    import jax
    _d = setup_inputs()
    print(jax.jit(kernel)(*tuple(_d.values())))

</pallas_src>

<mosaic_0001>
#map = affine_map<(d0, d1) -> (0, 0)>
#map1 = affine_map<(d0, d1) -> (0, 0, 0)>
module attributes {stable_mosaic.version = 14 : i64} {
  func.func @_sc_mp_body(%arg0: i32, %arg1: i32, %arg2: memref<10000x128xf32, #tpu.memory_space<hbm>>, %arg3: memref<32x125x80xi32, #tpu.memory_space<hbm>>, %arg4: memref<32x125x80xi32, #tpu.memory_space<hbm>>, %arg5: memref<2x10000x128xf32, #tpu.memory_space<hbm>>, %arg6: memref<10000x128xf32, #tpu.memory_space<vmem_shared>>, %arg7: memref<125x80xi32, #tpu.memory_space<vmem>>, %arg8: memref<125x80xi32, #tpu.memory_space<vmem>>, %arg9: memref<!tpu.dma_semaphore, #tpu.memory_space<semaphore_mem>>, %arg10: memref<!tpu.dma_semaphore, #tpu.memory_space<semaphore_mem>>, %arg11: memref<!tpu.dma_semaphore, #tpu.memory_space<semaphore_mem>>, %arg12: memref<!tpu.dma_semaphore, #tpu.memory_space<semaphore_mem>>, %arg13: memref<!tpu.dma_semaphore, #tpu.memory_space<semaphore_mem>>, %arg14: memref<!tpu.dma_semaphore, #tpu.memory_space<semaphore_mem>>) attributes {dimension_semantics = [#tpu.dimension_semantics<core_parallel>, #tpu.dimension_semantics<subcore_parallel>], iteration_bounds = array<i64: 2, 16>, scalar_prefetch = 0 : i64, scratch_operands = 9 : i64, tpu.core_type = #tpu.core_type<sc_vector_subcore>, window_params = [{transform_indices = #map}, {transform_indices = #map1}, {transform_indices = #map1}, {transform_indices = #map1}]} {
    %mul3A = arith.constant 2 : i32
    %mul3A_0 = arith.muli %arg1, %mul3A : i32
    %add3A = arith.addi %mul3A_0, %arg0 : i32
    %mul3A_1 = arith.constant 625 : i32
    %mul3A_2 = arith.muli %arg1, %mul3A_1 : i32
    %broadcast_in_dim3A = arith.constant 0.000000e+00 : f32
    %broadcast_in_dim3A_3 = vector.broadcast %broadcast_in_dim3A : f32 to vector<16xf32>
    %dma_start3A = arith.constant 0 : i32
    %dma_start3A_4 = arith.constant 0 : i32
    %dma_start3A_5 = tpu.memref_slice %arg3[%add3A, %dma_start3A, %dma_start3A_4] : memref<32x125x80xi32, #tpu.memory_space<hbm>> -> memref<1x125x80xi32, #tpu.memory_space<hbm>>
    %dma_start3A_6 = tpu.memref_squeeze %dma_start3A_5 : memref<1x125x80xi32, #tpu.memory_space<hbm>> -> memref<125x80xi32, #tpu.memory_space<hbm>>
    %dma_start3A_7 = arith.constant 0 : i32
    %dma_start3A_8 = arith.constant 0 : i32
    %dma_start3A_9 = tpu.memref_slice %arg3[%add3A, %dma_start3A_7, %dma_start3A_8] : memref<32x125x80xi32, #tpu.memory_space<hbm>> -> memref<1x125x80xi32, #tpu.memory_space<hbm>>
    %dma_start3A_10 = tpu.memref_squeeze %dma_start3A_9 : memref<1x125x80xi32, #tpu.memory_space<hbm>> -> memref<125x80xi32, #tpu.memory_space<hbm>>
    tpu.enqueue_dma source(%dma_start3A_10 : memref<125x80xi32, #tpu.memory_space<hbm>>) target(%arg7 : memref<125x80xi32, #tpu.memory_space<vmem>>) target_semaphore(%arg9 : memref<!tpu.dma_semaphore, #tpu.memory_space<semaphore_mem>>)
    %dma_start3A_11 = arith.constant 0 : i32
    %dma_start3A_12 = arith.constant 0 : i32
    %dma_start3A_13 = tpu.memref_slice %arg4[%add3A, %dma_start3A_11, %dma_start3A_12] : memref<32x125x80xi32, #tpu.memory_space<hbm>> -> memref<1x125x80xi32, #tpu.memory_space<hbm>>
    %dma_start3A_14 = tpu.memref_squeeze %dma_start3A_13 : memref<1x125x80xi32, #tpu.memory_space<hbm>> -> memref<125x80xi32, #tpu.memory_space<hbm>>
    %dma_start3A_15 = arith.constant 0 : i32
    %dma_start3A_16 = arith.constant 0 : i32
    %dma_start3A_17 = tpu.memref_slice %arg4[%add3A, %dma_start3A_15, %dma_start3A_16] : memref<32x125x80xi32, #tpu.memory_space<hbm>> -> memref<1x125x80xi32, #tpu.memory_space<hbm>>
    %dma_start3A_18 = tpu.memref_squeeze %dma_start3A_17 : memref<1x125x80xi32, #tpu.memory_space<hbm>> -> memref<125x80xi32, #tpu.memory_space<hbm>>
    tpu.enqueue_dma source(%dma_start3A_18 : memref<125x80xi32, #tpu.memory_space<hbm>>) target(%arg8 : memref<125x80xi32, #tpu.memory_space<vmem>>) target_semaphore(%arg10 : memref<!tpu.dma_semaphore, #tpu.memory_space<semaphore_mem>>)
    "tpu.region"() ({
      %run_scoped3A = memref.alloca() : memref<80x128xf32, #tpu.memory_space<vmem>>
      %run_scoped3A_28 = memref.alloca() : memref<80x128xf32, #tpu.memory_space<vmem>>
      %run_scoped3A_29 = memref.alloca() : memref<80x128xf32, #tpu.memory_space<vmem>>
      %scan3A = arith.constant 0 : i32
      %scan3A_30 = arith.constant 0 : i32
      %scan3A_31 = arith.constant 80 : i32
      %scan3A_32 = arith.addi %scan3A_30, %scan3A_31 : i32
      %scan3A_33 = arith.constant 1 : i32
      %scan3A_34 = scf.for %scan3A_257 = %scan3A_30 to %scan3A_32 step %scan3A_33 iter_args(%scan3A_258 = %scan3A) -> (i32)  : i32 {
        %swap3A = arith.index_cast %scan3A_257 : i32 to index
        %swap3A_259 = arith.constant 0 : index
        %swap3A_260 = tpu.vector_load %run_scoped3A[%swap3A, %swap3A_259] {strides = array<i32>} : memref<80x128xf32, #tpu.memory_space<vmem>>, vector<16xf32>,
        tpu.vector_store %run_scoped3A[%swap3A, %swap3A_259], %broadcast_in_dim3A_3 {strides = array<i32>} : memref<80x128xf32, #tpu.memory_space<vmem>>, vector<16xf32>,
        %swap3A_261 = arith.index_cast %scan3A_257 : i32 to index
        %swap3A_262 = arith.constant 16 : index
        %swap3A_263 = tpu.vector_load %run_scoped3A[%swap3A_261, %swap3A_262] {strides = array<i32>} : memref<80x128xf32, #tpu.memory_space<vmem>>, vector<16xf32>,
        tpu.vector_store %run_scoped3A[%swap3A_261, %swap3A_262], %broadcast_in_dim3A_3 {strides = array<i32>} : memref<80x128xf32, #tpu.memory_space<vmem>>, vector<16xf32>,
        %swap3A_264 = arith.index_cast %scan3A_257 : i32 to index
        %swap3A_265 = arith.constant 32 : index
        %swap3A_266 = tpu.vector_load %run_scoped3A[%swap3A_264, %swap3A_265] {strides = array<i32>} : memref<80x128xf32, #tpu.memory_space<vmem>>, vector<16xf32>,
        tpu.vector_store %run_scoped3A[%swap3A_264, %swap3A_265], %broadcast_in_dim3A_3 {strides = array<i32>} : memref<80x128xf32, #tpu.memory_space<vmem>>, vector<16xf32>,
        %swap3A_267 = arith.index_cast %scan3A_257 : i32 to index
        %swap3A_268 = arith.constant 48 : index
        %swap3A_269 = tpu.vector_load %run_scoped3A[%swap3A_267, %swap3A_268] {strides = array<i32>} : memref<80x128xf32, #tpu.memory_space<vmem>>, vector<16xf32>,
        tpu.vector_store %run_scoped3A[%swap3A_267, %swap3A_268], %broadcast_in_dim3A_3 {strides = array<i32>} : memref<80x128xf32, #tpu.memory_space<vmem>>, vector<16xf32>,
        %swap3A_270 = arith.index_cast %scan3A_257 : i32 to index
        %swap3A_271 = arith.constant 64 : index
        %swap3A_272 = tpu.vector_load %run_scoped3A[%swap3A_270, %swap3A_271] {strides = array<i32>} : memref<80x128xf32, #tpu.memory_space<vmem>>, vector<16xf32>,
        tpu.vector_store %run_scoped3A[%swap3A_270, %swap3A_271], %broadcast_in_dim3A_3 {strides = array<i32>} : memref<80x128xf32, #tpu.memory_space<vmem>>, vector<16xf32>,
        %swap3A_273 = arith.index_cast %scan3A_257 : i32 to index
        %swap3A_274 = arith.constant 80 : index
        %swap3A_275 = tpu.vector_load %run_scoped3A[%swap3A_273, %swap3A_274] {strides = array<i32>} : memref<80x128xf32, #tpu.memory_space<vmem>>, vector<16xf32>,
        tpu.vector_store %run_scoped3A[%swap3A_273, %swap3A_274], %broadcast_in_dim3A_3 {strides = array<i32>} : memref<80x128xf32, #tpu.memory_space<vmem>>, vector<16xf32>,
        %swap3A_276 = arith.index_cast %scan3A_257 : i32 to index
        %swap3A_277 = arith.constant 96 : index
        %swap3A_278 = tpu.vector_load %run_scoped3A[%swap3A_276, %swap3A_277] {strides = array<i32>} : memref<80x128xf32, #tpu.memory_space<vmem>>, vector<16xf32>,
        tpu.vector_store %run_scoped3A[%swap3A_276, %swap3A_277], %broadcast_in_dim3A_3 {strides = array<i32>} : memref<80x128xf32, #tpu.memory_space<vmem>>, vector<16xf32>,
        %swap3A_279 = arith.index_cast %scan3A_257 : i32 to index
        %swap3A_280 = arith.constant 112 : index
        %swap3A_281 = tpu.vector_load %run_scoped3A[%swap3A_279, %swap3A_280] {strides = array<i32>} : memref<80x128xf32, #tpu.memory_space<vmem>>, vector<16xf32>,
        tpu.vector_store %run_scoped3A[%swap3A_279, %swap3A_280], %broadcast_in_dim3A_3 {strides = array<i32>} : memref<80x128xf32, #tpu.memory_space<vmem>>, vector<16xf32>,
        %scan3A_282 = arith.constant 0 : i32
        scf.yield %scan3A_282 : i32
      }
      %scan3A_35 = arith.constant 80 : i32
      %add3A_36 = arith.constant 0 : i32
      %add3A_37 = arith.addi %mul3A_2, %add3A_36 : i32
      %dma_start3A_38 = arith.constant 0 : i32
      %dma_start3A_39 = tpu.memref_slice %arg6[%add3A_37, %dma_start3A_38] : memref<10000x128xf32, #tpu.memory_space<vmem_shared>> -> memref<80x128xf32, #tpu.memory_space<vmem_shared>>
      %dma_start3A_40 = arith.constant 0 : i32
      %dma_start3A_41 = tpu.memref_slice %arg6[%add3A_37, %dma_start3A_40] : memref<10000x128xf32, #tpu.memory_space<vmem_shared>> -> memref<80x128xf32, #tpu.memory_space<vmem_shared>>
      tpu.enqueue_dma source(%run_scoped3A : memref<80x128xf32, #tpu.memory_space<vmem>>) target(%dma_start3A_41 : memref<80x128xf32, #tpu.memory_space<vmem_shared>>) target_semaphore(%arg11 : memref<!tpu.dma_semaphore, #tpu.memory_space<semaphore_mem>>)
      %add3A_42 = arith.constant 80 : i32
      %add3A_43 = arith.addi %mul3A_2, %add3A_42 : i32
      %dma_start3A_44 = arith.constant 0 : i32
      %dma_start3A_45 = tpu.memref_slice %arg6[%add3A_43, %dma_start3A_44] : memref<10000x128xf32, #tpu.memory_space<vmem_shared>> -> memref<80x128xf32, #tpu.memory_space<vmem_shared>>
      %dma_start3A_46 = arith.constant 0 : i32
      %dma_start3A_47 = tpu.memref_slice %arg6[%add3A_43, %dma_start3A_46] : memref<10000x128xf32, #tpu.memory_space<vmem_shared>> -> memref<80x128xf32, #tpu.memory_space<vmem_shared>>
      tpu.enqueue_dma source(%run_scoped3A : memref<80x128xf32, #tpu.memory_space<vmem>>) target(%dma_start3A_47 : memref<80x128xf32, #tpu.memory_space<vmem_shared>>) target_semaphore(%arg11 : memref<!tpu.dma_semaphore, #tpu.memory_space<semaphore_mem>>)
      %add3A_48 = arith.constant 160 : i32
      %add3A_49 = arith.addi %mul3A_2, %add3A_48 : i32
      %dma_start3A_50 = arith.constant 0 : i32
      %dma_start3A_51 = tpu.memref_slice %arg6[%add3A_49, %dma_start3A_50] : memref<10000x128xf32, #tpu.memory_space<vmem_shared>> -> memref<80x128xf32, #tpu.memory_space<vmem_shared>>
      %dma_start3A_52 = arith.constant 0 : i32
      %dma_start3A_53 = tpu.memref_slice %arg6[%add3A_49, %dma_start3A_52] : memref<10000x128xf32, #tpu.memory_space<vmem_shared>> -> memref<80x128xf32, #tpu.memory_space<vmem_shared>>
      tpu.enqueue_dma source(%run_scoped3A : memref<80x128xf32, #tpu.memory_space<vmem>>) target(%dma_start3A_53 : memref<80x128xf32, #tpu.memory_space<vmem_shared>>) target_semaphore(%arg11 : memref<!tpu.dma_semaphore, #tpu.memory_space<semaphore_mem>>)
      %add3A_54 = arith.constant 240 : i32
      %add3A_55 = arith.addi %mul3A_2, %add3A_54 : i32
      %dma_start3A_56 = arith.constant 0 : i32
      %dma_start3A_57 = tpu.memref_slice %arg6[%add3A_55, %dma_start3A_56] : memref<10000x128xf32, #tpu.memory_space<vmem_shared>> -> memref<80x128xf32, #tpu.memory_space<vmem_shared>>
      %dma_start3A_58 = arith.constant 0 : i32
      %dma_start3A_59 = tpu.memref_slice %arg6[%add3A_55, %dma_start3A_58] : memref<10000x128xf32, #tpu.memory_space<vmem_shared>> -> memref<80x128xf32, #tpu.memory_space<vmem_shared>>
      tpu.enqueue_dma source(%run_scoped3A : memref<80x128xf32, #tpu.memory_space<vmem>>) target(%dma_start3A_59 : memref<80x128xf32, #tpu.memory_space<vmem_shared>>) target_semaphore(%arg11 : memref<!tpu.dma_semaphore, #tpu.memory_space<semaphore_mem>>)
      %add3A_60 = arith.constant 320 : i32
      %add3A_61 = arith.addi %mul3A_2, %add3A_60 : i32
      %dma_start3A_62 = arith.constant 0 : i32
      %dma_start3A_63 = tpu.memref_slice %arg6[%add3A_61, %dma_start3A_62] : memref<10000x128xf32, #tpu.memory_space<vmem_shared>> -> memref<80x128xf32, #tpu.memory_space<vmem_shared>>
      %dma_start3A_64 = arith.constant 0 : i32
      %dma_start3A_65 = tpu.memref_slice %arg6[%add3A_61, %dma_start3A_64] : memref<10000x128xf32, #tpu.memory_space<vmem_shared>> -> memref<80x128xf32, #tpu.memory_space<vmem_shared>>
      tpu.enqueue_dma source(%run_scoped3A : memref<80x128xf32, #tpu.memory_space<vmem>>) target(%dma_start3A_65 : memref<80x128xf32, #tpu.memory_space<vmem_shared>>) target_semaphore(%arg11 : memref<!tpu.dma_semaphore, #tpu.memory_space<semaphore_mem>>)
      %add3A_66 = arith.constant 400 : i32
      %add3A_67 = arith.addi %mul3A_2, %add3A_66 : i32
      %dma_start3A_68 = arith.constant 0 : i32
      %dma_start3A_69 = tpu.memref_slice %arg6[%add3A_67, %dma_start3A_68] : memref<10000x128xf32, #tpu.memory_space<vmem_shared>> -> memref<80x128xf32, #tpu.memory_space<vmem_shared>>
      %dma_start3A_70 = arith.constant 0 : i32
      %dma_start3A_71 = tpu.memref_slice %arg6[%add3A_67, %dma_start3A_70] : memref<10000x128xf32, #tpu.memory_space<vmem_shared>> -> memref<80x128xf32, #tpu.memory_space<vmem_shared>>
      tpu.enqueue_dma source(%run_scoped3A : memref<80x128xf32, #tpu.memory_space<vmem>>) target(%dma_start3A_71 : memref<80x128xf32, #tpu.memory_space<vmem_shared>>) target_semaphore(%arg11 : memref<!tpu.dma_semaphore, #tpu.memory_space<semaphore_mem>>)
      %add3A_72 = arith.constant 480 : i32
      %add3A_73 = arith.addi %mul3A_2, %add3A_72 : i32
      %dma_start3A_74 = arith.constant 0 : i32
      %dma_start3A_75 = tpu.memref_slice %arg6[%add3A_73, %dma_start3A_74] : memref<10000x128xf32, #tpu.memory_space<vmem_shared>> -> memref<80x128xf32, #tpu.memory_space<vmem_shared>>
      %dma_start3A_76 = arith.constant 0 : i32
      %dma_start3A_77 = tpu.memref_slice %arg6[%add3A_73, %dma_start3A_76] : memref<10000x128xf32, #tpu.memory_space<vmem_shared>> -> memref<80x128xf32, #tpu.memory_space<vmem_shared>>
      tpu.enqueue_dma source(%run_scoped3A : memref<80x128xf32, #tpu.memory_space<vmem>>) target(%dma_start3A_77 : memref<80x128xf32, #tpu.memory_space<vmem_shared>>) target_semaphore(%arg11 : memref<!tpu.dma_semaphore, #tpu.memory_space<semaphore_mem>>)
      %add3A_78 = arith.constant 560 : i32
      %add3A_79 = arith.addi %mul3A_2, %add3A_78 : i32
      %dma_start3A_80 = arith.constant 0 : i32
      %dma_start3A_81 = arith.constant 0 : i32
      %dma_start3A_82 = tpu.memref_slice %run_scoped3A[%dma_start3A_80, %dma_start3A_81] : memref<80x128xf32, #tpu.memory_space<vmem>> -> memref<65x128xf32, #tpu.memory_space<vmem>>
      %dma_start3A_83 = arith.constant 0 : i32
      %dma_start3A_84 = tpu.memref_slice %arg6[%add3A_79, %dma_start3A_83] : memref<10000x128xf32, #tpu.memory_space<vmem_shared>> -> memref<65x128xf32, #tpu.memory_space<vmem_shared>>
      %dma_start3A_85 = arith.constant 0 : i32
      %dma_start3A_86 = tpu.memref_slice %arg6[%add3A_79, %dma_start3A_85] : memref<10000x128xf32, #tpu.memory_space<vmem_shared>> -> memref<65x128xf32, #tpu.memory_space<vmem_shared>>
      %dma_start3A_87 = arith.constant 0 : i32
      %dma_start3A_88 = arith.constant 0 : i32
      %dma_start3A_89 = tpu.memref_slice %run_scoped3A[%dma_start3A_87, %dma_start3A_88] : memref<80x128xf32, #tpu.memory_space<vmem>> -> memref<65x128xf32, #tpu.memory_space<vmem>>
      tpu.enqueue_dma source(%dma_start3A_89 : memref<65x128xf32, #tpu.memory_space<vmem>>) target(%dma_start3A_86 : memref<65x128xf32, #tpu.memory_space<vmem_shared>>) target_semaphore(%arg11 : memref<!tpu.dma_semaphore, #tpu.memory_space<semaphore_mem>>)
      %add3A_90 = arith.constant 0 : i32
      %add3A_91 = arith.addi %mul3A_2, %add3A_90 : i32
      %dma_wait3A_92 = arith.constant 0 : i32
      %dma_wait3A_93 = tpu.memref_slice %arg6[%add3A_91, %dma_wait3A_92] : memref<10000x128xf32, #tpu.memory_space<vmem_shared>> -> memref<80x128xf32, #tpu.memory_space<vmem_shared>>
      %dma_wait3A_94 = arith.constant 0 : i32
      %dma_wait3A_95 = tpu.memref_slice %arg6[%add3A_91, %dma_wait3A_94] : memref<10000x128xf32, #tpu.memory_space<vmem_shared>> -> memref<80x128xf32, #tpu.memory_space<vmem_shared>>
      tpu.wait_dma2 semaphore(%arg11 : memref<!tpu.dma_semaphore, #tpu.memory_space<semaphore_mem>>) src(%run_scoped3A : memref<80x128xf32, #tpu.memory_space<vmem>>) dst(%dma_wait3A_95 : memref<80x128xf32, #tpu.memory_space<vmem_shared>>)
      %add3A_96 = arith.constant 80 : i32
      %add3A_97 = arith.addi %mul3A_2, %add3A_96 : i32
      %dma_wait3A_98 = arith.constant 0 : i32
      %dma_wait3A_99 = tpu.memref_slice %arg6[%add3A_97, %dma_wait3A_98] : memref<10000x128xf32, #tpu.memory_space<vmem_shared>> -> memref<80x128xf32, #tpu.memory_space<vmem_shared>>
      %dma_wait3A_100 = arith.constant 0 : i32
      %dma_wait3A_101 = tpu.memref_slice %arg6[%add3A_97, %dma_wait3A_100] : memref<10000x128xf32, #tpu.memory_space<vmem_shared>> -> memref<80x128xf32, #tpu.memory_space<vmem_shared>>
      tpu.wait_dma2 semaphore(%arg11 : memref<!tpu.dma_semaphore, #tpu.memory_space<semaphore_mem>>) src(%run_scoped3A : memref<80x128xf32, #tpu.memory_space<vmem>>) dst(%dma_wait3A_101 : memref<80x128xf32, #tpu.memory_space<vmem_shared>>)
      %add3A_102 = arith.constant 160 : i32
      %add3A_103 = arith.addi %mul3A_2, %add3A_102 : i32
      %dma_wait3A_104 = arith.constant 0 : i32
      %dma_wait3A_105 = tpu.memref_slice %arg6[%add3A_103, %dma_wait3A_104] : memref<10000x128xf32, #tpu.memory_space<vmem_shared>> -> memref<80x128xf32, #tpu.memory_space<vmem_shared>>
      %dma_wait3A_106 = arith.constant 0 : i32
      %dma_wait3A_107 = tpu.memref_slice %arg6[%add3A_103, %dma_wait3A_106] : memref<10000x128xf32, #tpu.memory_space<vmem_shared>> -> memref<80x128xf32, #tpu.memory_space<vmem_shared>>
      tpu.wait_dma2 semaphore(%arg11 : memref<!tpu.dma_semaphore, #tpu.memory_space<semaphore_mem>>) src(%run_scoped3A : memref<80x128xf32, #tpu.memory_space<vmem>>) dst(%dma_wait3A_107 : memref<80x128xf32, #tpu.memory_space<vmem_shared>>)
      %add3A_108 = arith.constant 240 : i32
      %add3A_109 = arith.addi %mul3A_2, %add3A_108 : i32
      %dma_wait3A_110 = arith.constant 0 : i32
      %dma_wait3A_111 = tpu.memref_slice %arg6[%add3A_109, %dma_wait3A_110] : memref<10000x128xf32, #tpu.memory_space<vmem_shared>> -> memref<80x128xf32, #tpu.memory_space<vmem_shared>>
      %dma_wait3A_112 = arith.constant 0 : i32
      %dma_wait3A_113 = tpu.memref_slice %arg6[%add3A_109, %dma_wait3A_112] : memref<10000x128xf32, #tpu.memory_space<vmem_shared>> -> memref<80x128xf32, #tpu.memory_space<vmem_shared>>
      tpu.wait_dma2 semaphore(%arg11 : memref<!tpu.dma_semaphore, #tpu.memory_space<semaphore_mem>>) src(%run_scoped3A : memref<80x128xf32, #tpu.memory_space<vmem>>) dst(%dma_wait3A_113 : memref<80x128xf32, #tpu.memory_space<vmem_shared>>)
      %add3A_114 = arith.constant 320 : i32
      %add3A_115 = arith.addi %mul3A_2, %add3A_114 : i32
      %dma_wait3A_116 = arith.constant 0 : i32
      %dma_wait3A_117 = tpu.memref_slice %arg6[%add3A_115, %dma_wait3A_116] : memref<10000x128xf32, #tpu.memory_space<vmem_shared>> -> memref<80x128xf32, #tpu.memory_space<vmem_shared>>
      %dma_wait3A_118 = arith.constant 0 : i32
      %dma_wait3A_119 = tpu.memref_slice %arg6[%add3A_115, %dma_wait3A_118] : memref<10000x128xf32, #tpu.memory_space<vmem_shared>> -> memref<80x128xf32, #tpu.memory_space<vmem_shared>>
      tpu.wait_dma2 semaphore(%arg11 : memref<!tpu.dma_semaphore, #tpu.memory_space<semaphore_mem>>) src(%run_scoped3A : memref<80x128xf32, #tpu.memory_space<vmem>>) dst(%dma_wait3A_119 : memref<80x128xf32, #tpu.memory_space<vmem_shared>>)
      %add3A_120 = arith.constant 400 : i32
      %add3A_121 = arith.addi %mul3A_2, %add3A_120 : i32
      %dma_wait3A_122 = arith.constant 0 : i32
      %dma_wait3A_123 = tpu.memref_slice %arg6[%add3A_121, %dma_wait3A_122] : memref<10000x128xf32, #tpu.memory_space<vmem_shared>> -> memref<80x128xf32, #tpu.memory_space<vmem_shared>>
      %dma_wait3A_124 = arith.constant 0 : i32
      %dma_wait3A_125 = tpu.memref_slice %arg6[%add3A_121, %dma_wait3A_124] : memref<10000x128xf32, #tpu.memory_space<vmem_shared>> -> memref<80x128xf32, #tpu.memory_space<vmem_shared>>
      tpu.wait_dma2 semaphore(%arg11 : memref<!tpu.dma_semaphore, #tpu.memory_space<semaphore_mem>>) src(%run_scoped3A : memref<80x128xf32, #tpu.memory_space<vmem>>) dst(%dma_wait3A_125 : memref<80x128xf32, #tpu.memory_space<vmem_shared>>)
      %add3A_126 = arith.constant 480 : i32
      %add3A_127 = arith.addi %mul3A_2, %add3A_126 : i32
      %dma_wait3A_128 = arith.constant 0 : i32
      %dma_wait3A_129 = tpu.memref_slice %arg6[%add3A_127, %dma_wait3A_128] : memref<10000x128xf32, #tpu.memory_space<vmem_shared>> -> memref<80x128xf32, #tpu.memory_space<vmem_shared>>
      %dma_wait3A_130 = arith.constant 0 : i32
      %dma_wait3A_131 = tpu.memref_slice %arg6[%add3A_127, %dma_wait3A_130] : memref<10000x128xf32, #tpu.memory_space<vmem_shared>> -> memref<80x128xf32, #tpu.memory_space<vmem_shared>>
      tpu.wait_dma2 semaphore(%arg11 : memref<!tpu.dma_semaphore, #tpu.memory_space<semaphore_mem>>) src(%run_scoped3A : memref<80x128xf32, #tpu.memory_space<vmem>>) dst(%dma_wait3A_131 : memref<80x128xf32, #tpu.memory_space<vmem_shared>>)
      %add3A_132 = arith.constant 560 : i32
      %add3A_133 = arith.addi %mul3A_2, %add3A_132 : i32
      %dma_wait3A_134 = arith.constant 0 : i32
      %dma_wait3A_135 = arith.constant 0 : i32
      %dma_wait3A_136 = tpu.memref_slice %run_scoped3A[%dma_wait3A_134, %dma_wait3A_135] : memref<80x128xf32, #tpu.memory_space<vmem>> -> memref<65x128xf32, #tpu.memory_space<vmem>>
      %dma_wait3A_137 = arith.constant 0 : i32
      %dma_wait3A_138 = tpu.memref_slice %arg6[%add3A_133, %dma_wait3A_137] : memref<10000x128xf32, #tpu.memory_space<vmem_shared>> -> memref<65x128xf32, #tpu.memory_space<vmem_shared>>
      %dma_wait3A_139 = arith.constant 0 : i32
      %dma_wait3A_140 = tpu.memref_slice %arg6[%add3A_133, %dma_wait3A_139] : memref<10000x128xf32, #tpu.memory_space<vmem_shared>> -> memref<65x128xf32, #tpu.memory_space<vmem_shared>>
      %dma_wait3A_141 = arith.constant 0 : i32
      %dma_wait3A_142 = arith.constant 0 : i32
      %dma_wait3A_143 = tpu.memref_slice %run_scoped3A[%dma_wait3A_141, %dma_wait3A_142] : memref<80x128xf32, #tpu.memory_space<vmem>> -> memref<65x128xf32, #tpu.memory_space<vmem>>
      tpu.wait_dma2 semaphore(%arg11 : memref<!tpu.dma_semaphore, #tpu.memory_space<semaphore_mem>>) src(%dma_wait3A_143 : memref<65x128xf32, #tpu.memory_space<vmem>>) dst(%dma_wait3A_140 : memref<65x128xf32, #tpu.memory_space<vmem_shared>>)
      %dma_wait3A_144 = arith.constant 0 : i32
      %dma_wait3A_145 = arith.constant 0 : i32
      %dma_wait3A_146 = tpu.memref_slice %arg3[%add3A, %dma_wait3A_144, %dma_wait3A_145] : memref<32x125x80xi32, #tpu.memory_space<hbm>> -> memref<1x125x80xi32, #tpu.memory_space<hbm>>
      %dma_wait3A_147 = tpu.memref_squeeze %dma_wait3A_146 : memref<1x125x80xi32, #tpu.memory_space<hbm>> -> memref<125x80xi32, #tpu.memory_space<hbm>>
      %dma_wait3A_148 = arith.constant 0 : i32
      %dma_wait3A_149 = arith.constant 0 : i32
      %dma_wait3A_150 = tpu.memref_slice %arg3[%add3A, %dma_wait3A_148, %dma_wait3A_149] : memref<32x125x80xi32, #tpu.memory_space<hbm>> -> memref<1x125x80xi32, #tpu.memory_space<hbm>>
      %dma_wait3A_151 = tpu.memref_squeeze %dma_wait3A_150 : memref<1x125x80xi32, #tpu.memory_space<hbm>> -> memref<125x80xi32, #tpu.memory_space<hbm>>
      tpu.wait_dma2 semaphore(%arg9 : memref<!tpu.dma_semaphore, #tpu.memory_space<semaphore_mem>>) src(%dma_wait3A_151 : memref<125x80xi32, #tpu.memory_space<hbm>>) dst(%arg7 : memref<125x80xi32, #tpu.memory_space<vmem>>)
      %dma_wait3A_152 = arith.constant 0 : i32
      %dma_wait3A_153 = arith.constant 0 : i32
      %dma_wait3A_154 = tpu.memref_slice %arg4[%add3A, %dma_wait3A_152, %dma_wait3A_153] : memref<32x125x80xi32, #tpu.memory_space<hbm>> -> memref<1x125x80xi32, #tpu.memory_space<hbm>>
      %dma_wait3A_155 = tpu.memref_squeeze %dma_wait3A_154 : memref<1x125x80xi32, #tpu.memory_space<hbm>> -> memref<125x80xi32, #tpu.memory_space<hbm>>
      %dma_wait3A_156 = arith.constant 0 : i32
      %dma_wait3A_157 = arith.constant 0 : i32
      %dma_wait3A_158 = tpu.memref_slice %arg4[%add3A, %dma_wait3A_156, %dma_wait3A_157] : memref<32x125x80xi32, #tpu.memory_space<hbm>> -> memref<1x125x80xi32, #tpu.memory_space<hbm>>
      %dma_wait3A_159 = tpu.memref_squeeze %dma_wait3A_158 : memref<1x125x80xi32, #tpu.memory_space<hbm>> -> memref<125x80xi32, #tpu.memory_space<hbm>>
      tpu.wait_dma2 semaphore(%arg10 : memref<!tpu.dma_semaphore, #tpu.memory_space<semaphore_mem>>) src(%dma_wait3A_159 : memref<125x80xi32, #tpu.memory_space<hbm>>) dst(%arg8 : memref<125x80xi32, #tpu.memory_space<vmem>>)
      %barrier3A_160 = arith.constant 0 : index
      tpu.barrier barrier_id(%barrier3A_160)
      %dma_start3A_161 = arith.constant 0 : i32
      %dma_start3A_162 = arith.constant 0 : i32
      %dma_start3A_163 = arith.constant 0 : i32
      %dma_start3A_164 = tpu.memref_slice %run_scoped3A[%dma_start3A_162, %dma_start3A_163] : memref<80x128xf32, #tpu.memory_space<vmem>> -> memref<40x128xf32, #tpu.memory_space<vmem>>
      %dma_start3A_165 = arith.constant 0 : i32
      %dma_start3A_166 = tpu.memref_slice %arg7[%dma_start3A_161, %dma_start3A_165] : memref<125x80xi32, #tpu.memory_space<vmem>> -> memref<1x40xi32, #tpu.memory_space<vmem>>
      %dma_start3A_167 = tpu.memref_squeeze %dma_start3A_166 : memref<1x40xi32, #tpu.memory_space<vmem>> -> memref<40xi32, #tpu.memory_space<vmem>>
      %dma_start3A_168 = arith.constant 0 : i32
      %dma_start3A_169 = arith.constant 0 : i32
      %dma_start3A_170 = tpu.memref_slice %arg2[%dma_start3A_168, %dma_start3A_169] : memref<10000x128xf32, #tpu.memory_space<hbm>> -> memref<10000x128xf32, #tpu.memory_space<hbm>>
      tpu.enqueue_indirect_dma source(%dma_start3A_170 : memref<10000x128xf32, #tpu.memory_space<hbm>>) target(%dma_start3A_164 : memref<40x128xf32, #tpu.memory_space<vmem>>) offsets(%dma_start3A_167 : memref<40xi32, #tpu.memory_space<vmem>>) semaphore(%arg9 : memref<!tpu.dma_semaphore, #tpu.memory_space<semaphore_mem>>)
      %dma_start3A_171 = arith.constant 0 : i32
      %dma_start3A_172 = arith.constant 40 : i32
      %dma_start3A_173 = arith.constant 0 : i32
      %dma_start3A_174 = tpu.memref_slice %run_scoped3A[%dma_start3A_172, %dma_start3A_173] : memref<80x128xf32, #tpu.memory_space<vmem>> -> memref<40x128xf32, #tpu.memory_space<vmem>>
      %dma_start3A_175 = arith.constant 40 : i32
      %dma_start3A_176 = tpu.memref_slice %arg7[%dma_start3A_171, %dma_start3A_175] : memref<125x80xi32, #tpu.memory_space<vmem>> -> memref<1x40xi32, #tpu.memory_space<vmem>>
      %dma_start3A_177 = tpu.memref_squeeze %dma_start3A_176 : memref<1x40xi32, #tpu.memory_space<vmem>> -> memref<40xi32, #tpu.memory_space<vmem>>
      %dma_start3A_178 = arith.constant 0 : i32
      %dma_start3A_179 = arith.constant 0 : i32
      %dma_start3A_180 = tpu.memref_slice %arg2[%dma_start3A_178, %dma_start3A_179] : memref<10000x128xf32, #tpu.memory_space<hbm>> -> memref<10000x128xf32, #tpu.memory_space<hbm>>
      tpu.enqueue_indirect_dma source(%dma_start3A_180 : memref<10000x128xf32, #tpu.memory_space<hbm>>) target(%dma_start3A_174 : memref<40x128xf32, #tpu.memory_space<vmem>>) offsets(%dma_start3A_177 : memref<40xi32, #tpu.memory_space<vmem>>) semaphore(%arg9 : memref<!tpu.dma_semaphore, #tpu.memory_space<semaphore_mem>>)
      %dma_start3A_181 = arith.constant 1 : i32
      %dma_start3A_182 = arith.constant 0 : i32
      %dma_start3A_183 = arith.constant 0 : i32
      %dma_start3A_184 = tpu.memref_slice %run_scoped3A_28[%dma_start3A_182, %dma_start3A_183] : memref<80x128xf32, #tpu.memory_space<vmem>> -> memref<40x128xf32, #tpu.memory_space<vmem>>
      %dma_start3A_185 = arith.constant 0 : i32
      %dma_start3A_186 = tpu.memref_slice %arg7[%dma_start3A_181, %dma_start3A_185] : memref<125x80xi32, #tpu.memory_space<vmem>> -> memref<1x40xi32, #tpu.memory_space<vmem>>
      %dma_start3A_187 = tpu.memref_squeeze %dma_start3A_186 : memref<1x40xi32, #tpu.memory_space<vmem>> -> memref<40xi32, #tpu.memory_space<vmem>>
      %dma_start3A_188 = arith.constant 0 : i32
      %dma_start3A_189 = arith.constant 0 : i32
      %dma_start3A_190 = tpu.memref_slice %arg2[%dma_start3A_188, %dma_start3A_189] : memref<10000x128xf32, #tpu.memory_space<hbm>> -> memref<10000x128xf32, #tpu.memory_space<hbm>>
      tpu.enqueue_indirect_dma source(%dma_start3A_190 : memref<10000x128xf32, #tpu.memory_space<hbm>>) target(%dma_start3A_184 : memref<40x128xf32, #tpu.memory_space<vmem>>) offsets(%dma_start3A_187 : memref<40xi32, #tpu.memory_space<vmem>>) semaphore(%arg10 : memref<!tpu.dma_semaphore, #tpu.memory_space<semaphore_mem>>)
      %dma_start3A_191 = arith.constant 1 : i32
      %dma_start3A_192 = arith.constant 40 : i32
      %dma_start3A_193 = arith.constant 0 : i32
      %dma_start3A_194 = tpu.memref_slice %run_scoped3A_28[%dma_start3A_192, %dma_start3A_193] : memref<80x128xf32, #tpu.memory_space<vmem>> -> memref<40x128xf32, #tpu.memory_space<vmem>>
      %dma_start3A_195 = arith.constant 40 : i32
      %dma_start3A_196 = tpu.memref_slice %arg7[%dma_start3A_191, %dma_start3A_195] : memref<125x80xi32, #tpu.memory_space<vmem>> -> memref<1x40xi32, #tpu.memory_space<vmem>>
      %dma_start3A_197 = tpu.memref_squeeze %dma_start3A_196 : memref<1x40xi32, #tpu.memory_space<vmem>> -> memref<40xi32, #tpu.memory_space<vmem>>
      %dma_start3A_198 = arith.constant 0 : i32
      %dma_start3A_199 = arith.constant 0 : i32
      %dma_start3A_200 = tpu.memref_slice %arg2[%dma_start3A_198, %dma_start3A_199] : memref<10000x128xf32, #tpu.memory_space<hbm>> -> memref<10000x128xf32, #tpu.memory_space<hbm>>
      tpu.enqueue_indirect_dma source(%dma_start3A_200 : memref<10000x128xf32, #tpu.memory_space<hbm>>) target(%dma_start3A_194 : memref<40x128xf32, #tpu.memory_space<vmem>>) offsets(%dma_start3A_197 : memref<40xi32, #tpu.memory_space<vmem>>) semaphore(%arg10 : memref<!tpu.dma_semaphore, #tpu.memory_space<semaphore_mem>>)
      %scan3A_201 = arith.constant 0 : i32
      %scan3A_202 = arith.constant 0 : i32
      %scan3A_203 = arith.constant 41 : i32
      %scan3A_204 = arith.addi %scan3A_202, %scan3A_203 : i32
      %scan3A_205 = arith.constant 1 : i32
      %scan3A_206 = scf.for %scan3A_257 = %scan3A_202 to %scan3A_204 step %scan3A_205 iter_args(%scan3A_258 = %scan3A_201) -> (i32)  : i32 {
        %mul3A_259 = arith.constant 3 : i32
        %mul3A_260 = arith.muli %mul3A_259, %scan3A_257 : i32
        %add3A_261 = arith.constant 0 : i32
        %add3A_262 = arith.addi %mul3A_260, %add3A_261 : i32
        %dma_wait3A_263 = arith.constant 0 : i32
        %dma_wait3A_264 = arith.constant 0 : i32
        %dma_wait3A_265 = tpu.memref_slice %run_scoped3A[%dma_wait3A_263, %dma_wait3A_264] : memref<80x128xf32, #tpu.memory_space<vmem>> -> memref<40x128xf32, #tpu.memory_space<vmem>>
        %dma_wait3A_266 = arith.constant 0 : i32
        %dma_wait3A_267 = tpu.memref_slice %arg7[%add3A_262, %dma_wait3A_266] : memref<125x80xi32, #tpu.memory_space<vmem>> -> memref<1x40xi32, #tpu.memory_space<vmem>>
        %dma_wait3A_268 = tpu.memref_squeeze %dma_wait3A_267 : memref<1x40xi32, #tpu.memory_space<vmem>> -> memref<40xi32, #tpu.memory_space<vmem>>
        %dma_wait3A_269 = arith.constant 0 : i32
        %dma_wait3A_270 = arith.constant 0 : i32
        %dma_wait3A_271 = tpu.memref_slice %arg2[%dma_wait3A_269, %dma_wait3A_270] : memref<10000x128xf32, #tpu.memory_space<hbm>> -> memref<10000x128xf32, #tpu.memory_space<hbm>>
        tpu.wait_indirect_dma semaphore(%arg9 : memref<!tpu.dma_semaphore, #tpu.memory_space<semaphore_mem>>) src(%dma_wait3A_271 : memref<10000x128xf32, #tpu.memory_space<hbm>>) dst(%dma_wait3A_265 : memref<40x128xf32, #tpu.memory_space<vmem>>)
        %dma_wait3A_272 = arith.constant 40 : i32
        %dma_wait3A_273 = arith.constant 0 : i32
        %dma_wait3A_274 = tpu.memref_slice %run_scoped3A[%dma_wait3A_272, %dma_wait3A_273] : memref<80x128xf32, #tpu.memory_space<vmem>> -> memref<40x128xf32, #tpu.memory_space<vmem>>
        %dma_wait3A_275 = arith.constant 40 : i32
        %dma_wait3A_276 = tpu.memref_slice %arg7[%add3A_262, %dma_wait3A_275] : memref<125x80xi32, #tpu.memory_space<vmem>> -> memref<1x40xi32, #tpu.memory_space<vmem>>
        %dma_wait3A_277 = tpu.memref_squeeze %dma_wait3A_276 : memref<1x40xi32, #tpu.memory_space<vmem>> -> memref<40xi32, #tpu.memory_space<vmem>>
        %dma_wait3A_278 = arith.constant 0 : i32
        %dma_wait3A_279 = arith.constant 0 : i32
        %dma_wait3A_280 = tpu.memref_slice %arg2[%dma_wait3A_278, %dma_wait3A_279] : memref<10000x128xf32, #tpu.memory_space<hbm>> -> memref<10000x128xf32, #tpu.memory_space<hbm>>
        tpu.wait_indirect_dma semaphore(%arg9 : memref<!tpu.dma_semaphore, #tpu.memory_space<semaphore_mem>>) src(%dma_wait3A_280 : memref<10000x128xf32, #tpu.memory_space<hbm>>) dst(%dma_wait3A_274 : memref<40x128xf32, #tpu.memory_space<vmem>>)
        %dma_start3A_281 = arith.constant 0 : i32
        %dma_start3A_282 = tpu.memref_slice %arg8[%add3A_262, %dma_start3A_281] : memref<125x80xi32, #tpu.memory_space<vmem>> -> memref<1x80xi32, #tpu.memory_space<vmem>>
        %dma_start3A_283 = tpu.memref_squeeze %dma_start3A_282 : memref<1x80xi32, #tpu.memory_space<vmem>> -> memref<80xi32, #tpu.memory_space<vmem>>
        %dma_start3A_284 = arith.constant 0 : i32
        %dma_start3A_285 = arith.constant 0 : i32
        %dma_start3A_286 = tpu.memref_slice %arg6[%dma_start3A_284, %dma_start3A_285] : memref<10000x128xf32, #tpu.memory_space<vmem_shared>> -> memref<10000x128xf32, #tpu.memory_space<vmem_shared>>
        tpu.enqueue_indirect_dma source(%run_scoped3A : memref<80x128xf32, #tpu.memory_space<vmem>>) target(%dma_start3A_286 : memref<10000x128xf32, #tpu.memory_space<vmem_shared>>) offsets(%dma_start3A_283 : memref<80xi32, #tpu.memory_space<vmem>>) semaphore(%arg12 : memref<!tpu.dma_semaphore, #tpu.memory_space<semaphore_mem>>) {add = true}
        %add3A_287 = arith.constant 2 : i32
        %add3A_288 = arith.addi %add3A_262, %add3A_287 : i32
        %lt3A = arith.constant 125 : i32
        %lt3A_289 = arith.cmpi slt, %add3A_288, %lt3A : i32
        %convert_element_type3A = arith.extui %lt3A_289 : i1 to i32
        %cond3A = arith.constant 0 : i32
        %cond3A_290 = arith.cmpi ne, %convert_element_type3A, %cond3A : i32
        scf.if %cond3A_290 {
          %ge3A = arith.constant 1 : i32
          %ge3A_362 = arith.cmpi sge, %add3A_262, %ge3A : i32
          %convert_element_type3A_363 = arith.extui %ge3A_362 : i1 to i32
          %cond3A_364 = arith.constant 0 : i32
          %cond3A_365 = arith.cmpi ne, %convert_element_type3A_363, %cond3A_364 : i32
          scf.if %cond3A_365 {
            %sub3A = arith.constant 1 : i32
            %sub3A_386 = arith.subi %add3A_262, %sub3A : i32
            %dma_wait3A_387 = arith.constant 0 : i32
            %dma_wait3A_388 = tpu.memref_slice %arg8[%sub3A_386, %dma_wait3A_387] : memref<125x80xi32, #tpu.memory_space<vmem>> -> memref<1x80xi32, #tpu.memory_space<vmem>>
            %dma_wait3A_389 = tpu.memref_squeeze %dma_wait3A_388 : memref<1x80xi32, #tpu.memory_space<vmem>> -> memref<80xi32, #tpu.memory_space<vmem>>
            %dma_wait3A_390 = arith.constant 0 : i32
            %dma_wait3A_391 = arith.constant 0 : i32
            %dma_wait3A_392 = tpu.memref_slice %arg6[%dma_wait3A_390, %dma_wait3A_391] : memref<10000x128xf32, #tpu.memory_space<vmem_shared>> -> memref<10000x128xf32, #tpu.memory_space<vmem_shared>>
            tpu.wait_indirect_dma semaphore(%arg14 : memref<!tpu.dma_semaphore, #tpu.memory_space<semaphore_mem>>) src(%run_scoped3A_29 : memref<80x128xf32, #tpu.memory_space<vmem>>) dst(%dma_wait3A_392 : memref<10000x128xf32, #tpu.memory_space<vmem_shared>>)
          } else {
          }
          %add3A_366 = arith.constant 2 : i32
          %add3A_367 = arith.addi %add3A_262, %add3A_366 : i32
          %dma_start3A_368 = arith.constant 0 : i32
          %dma_start3A_369 = arith.constant 0 : i32
          %dma_start3A_370 = tpu.memref_slice %run_scoped3A_29[%dma_start3A_368, %dma_start3A_369] : memref<80x128xf32, #tpu.memory_space<vmem>> -> memref<40x128xf32, #tpu.memory_space<vmem>>
          %dma_start3A_371 = arith.constant 0 : i32
          %dma_start3A_372 = tpu.memref_slice %arg7[%add3A_367, %dma_start3A_371] : memref<125x80xi32, #tpu.memory_space<vmem>> -> memref<1x40xi32, #tpu.memory_space<vmem>>
          %dma_start3A_373 = tpu.memref_squeeze %dma_start3A_372 : memref<1x40xi32, #tpu.memory_space<vmem>> -> memref<40xi32, #tpu.memory_space<vmem>>
          %dma_start3A_374 = arith.constant 0 : i32
          %dma_start3A_375 = arith.constant 0 : i32
          %dma_start3A_376 = tpu.memref_slice %arg2[%dma_start3A_374, %dma_start3A_375] : memref<10000x128xf32, #tpu.memory_space<hbm>> -> memref<10000x128xf32, #tpu.memory_space<hbm>>
          tpu.enqueue_indirect_dma source(%dma_start3A_376 : memref<10000x128xf32, #tpu.memory_space<hbm>>) target(%dma_start3A_370 : memref<40x128xf32, #tpu.memory_space<vmem>>) offsets(%dma_start3A_373 : memref<40xi32, #tpu.memory_space<vmem>>) semaphore(%arg11 : memref<!tpu.dma_semaphore, #tpu.memory_space<semaphore_mem>>)
          %dma_start3A_377 = arith.constant 40 : i32
          %dma_start3A_378 = arith.constant 0 : i32
          %dma_start3A_379 = tpu.memref_slice %run_scoped3A_29[%dma_start3A_377, %dma_start3A_378] : memref<80x128xf32, #tpu.memory_space<vmem>> -> memref<40x128xf32, #tpu.memory_space<vmem>>
          %dma_start3A_380 = arith.constant 40 : i32
          %dma_start3A_381 = tpu.memref_slice %arg7[%add3A_367, %dma_start3A_380] : memref<125x80xi32, #tpu.memory_space<vmem>> -> memref<1x40xi32, #tpu.memory_space<vmem>>
          %dma_start3A_382 = tpu.memref_squeeze %dma_start3A_381 : memref<1x40xi32, #tpu.memory_space<vmem>> -> memref<40xi32, #tpu.memory_space<vmem>>
          %dma_start3A_383 = arith.constant 0 : i32
          %dma_start3A_384 = arith.constant 0 : i32
          %dma_start3A_385 = tpu.memref_slice %arg2[%dma_start3A_383, %dma_start3A_384] : memref<10000x128xf32, #tpu.memory_space<hbm>> -> memref<10000x128xf32, #tpu.memory_space<hbm>>
          tpu.enqueue_indirect_dma source(%dma_start3A_385 : memref<10000x128xf32, #tpu.memory_space<hbm>>) target(%dma_start3A_379 : memref<40x128xf32, #tpu.memory_space<vmem>>) offsets(%dma_start3A_382 : memref<40xi32, #tpu.memory_space<vmem>>) semaphore(%arg11 : memref<!tpu.dma_semaphore, #tpu.memory_space<semaphore_mem>>)
        } else {
        }
        %mul3A_291 = arith.constant 3 : i32
        %mul3A_292 = arith.muli %mul3A_291, %scan3A_257 : i32
        %add3A_293 = arith.constant 1 : i32
        %add3A_294 = arith.addi %mul3A_292, %add3A_293 : i32
        %dma_wait3A_295 = arith.constant 0 : i32
        %dma_wait3A_296 = arith.constant 0 : i32
        %dma_wait3A_297 = tpu.memref_slice %run_scoped3A_28[%dma_wait3A_295, %dma_wait3A_296] : memref<80x128xf32, #tpu.memory_space<vmem>> -> memref<40x128xf32, #tpu.memory_space<vmem>>
        %dma_wait3A_298 = arith.constant 0 : i32
        %dma_wait3A_299 = tpu.memref_slice %arg7[%add3A_294, %dma_wait3A_298] : memref<125x80xi32, #tpu.memory_space<vmem>> -> memref<1x40xi32, #tpu.memory_space<vmem>>
        %dma_wait3A_300 = tpu.memref_squeeze %dma_wait3A_299 : memref<1x40xi32, #tpu.memory_space<vmem>> -> memref<40xi32, #tpu.memory_space<vmem>>
        %dma_wait3A_301 = arith.constant 0 : i32
        %dma_wait3A_302 = arith.constant 0 : i32
        %dma_wait3A_303 = tpu.memref_slice %arg2[%dma_wait3A_301, %dma_wait3A_302] : memref<10000x128xf32, #tpu.memory_space<hbm>> -> memref<10000x128xf32, #tpu.memory_space<hbm>>
        tpu.wait_indirect_dma semaphore(%arg10 : memref<!tpu.dma_semaphore, #tpu.memory_space<semaphore_mem>>) src(%dma_wait3A_303 : memref<10000x128xf32, #tpu.memory_space<hbm>>) dst(%dma_wait3A_297 : memref<40x128xf32, #tpu.memory_space<vmem>>)
        %dma_wait3A_304 = arith.constant 40 : i32
        %dma_wait3A_305 = arith.constant 0 : i32
        %dma_wait3A_306 = tpu.memref_slice %run_scoped3A_28[%dma_wait3A_304, %dma_wait3A_305] : memref<80x128xf32, #tpu.memory_space<vmem>> -> memref<40x128xf32, #tpu.memory_space<vmem>>
        %dma_wait3A_307 = arith.constant 40 : i32
        %dma_wait3A_308 = tpu.memref_slice %arg7[%add3A_294, %dma_wait3A_307] : memref<125x80xi32, #tpu.memory_space<vmem>> -> memref<1x40xi32, #tpu.memory_space<vmem>>
        %dma_wait3A_309 = tpu.memref_squeeze %dma_wait3A_308 : memref<1x40xi32, #tpu.memory_space<vmem>> -> memref<40xi32, #tpu.memory_space<vmem>>
        %dma_wait3A_310 = arith.constant 0 : i32
        %dma_wait3A_311 = arith.constant 0 : i32
        %dma_wait3A_312 = tpu.memref_slice %arg2[%dma_wait3A_310, %dma_wait3A_311] : memref<10000x128xf32, #tpu.memory_space<hbm>> -> memref<10000x128xf32, #tpu.memory_space<hbm>>
        tpu.wait_indirect_dma semaphore(%arg10 : memref<!tpu.dma_semaphore, #tpu.memory_space<semaphore_mem>>) src(%dma_wait3A_312 : memref<10000x128xf32, #tpu.memory_space<hbm>>) dst(%dma_wait3A_306 : memref<40x128xf32, #tpu.memory_space<vmem>>)
        %dma_start3A_313 = arith.constant 0 : i32
        %dma_start3A_314 = tpu.memref_slice %arg8[%add3A_294, %dma_start3A_313] : memref<125x80xi32, #tpu.memory_space<vmem>> -> memref<1x80xi32, #tpu.memory_space<vmem>>
        %dma_start3A_315 = tpu.memref_squeeze %dma_start3A_314 : memref<1x80xi32, #tpu.memory_space<vmem>> -> memref<80xi32, #tpu.memory_space<vmem>>
        %dma_start3A_316 = arith.constant 0 : i32
        %dma_start3A_317 = arith.constant 0 : i32
        %dma_start3A_318 = tpu.memref_slice %arg6[%dma_start3A_316, %dma_start3A_317] : memref<10000x128xf32, #tpu.memory_space<vmem_shared>> -> memref<10000x128xf32, #tpu.memory_space<vmem_shared>>
        tpu.enqueue_indirect_dma source(%run_scoped3A_28 : memref<80x128xf32, #tpu.memory_space<vmem>>) target(%dma_start3A_318 : memref<10000x128xf32, #tpu.memory_space<vmem_shared>>) offsets(%dma_start3A_315 : memref<80xi32, #tpu.memory_space<vmem>>) semaphore(%arg13 : memref<!tpu.dma_semaphore, #tpu.memory_space<semaphore_mem>>) {add = true}
        %add3A_319 = arith.constant 2 : i32
        %add3A_320 = arith.addi %add3A_294, %add3A_319 : i32
        %lt3A_321 = arith.constant 125 : i32
        %lt3A_322 = arith.cmpi slt, %add3A_320, %lt3A_321 : i32
        %convert_element_type3A_323 = arith.extui %lt3A_322 : i1 to i32
        %cond3A_324 = arith.constant 0 : i32
        %cond3A_325 = arith.cmpi ne, %convert_element_type3A_323, %cond3A_324 : i32
        scf.if %cond3A_325 {
          %ge3A = arith.constant 1 : i32
          %ge3A_362 = arith.cmpi sge, %add3A_294, %ge3A : i32
          %convert_element_type3A_363 = arith.extui %ge3A_362 : i1 to i32
          %cond3A_364 = arith.constant 0 : i32
          %cond3A_365 = arith.cmpi ne, %convert_element_type3A_363, %cond3A_364 : i32
          scf.if %cond3A_365 {
            %sub3A = arith.constant 1 : i32
            %sub3A_386 = arith.subi %add3A_294, %sub3A : i32
            %dma_wait3A_387 = arith.constant 0 : i32
            %dma_wait3A_388 = tpu.memref_slice %arg8[%sub3A_386, %dma_wait3A_387] : memref<125x80xi32, #tpu.memory_space<vmem>> -> memref<1x80xi32, #tpu.memory_space<vmem>>
            %dma_wait3A_389 = tpu.memref_squeeze %dma_wait3A_388 : memref<1x80xi32, #tpu.memory_space<vmem>> -> memref<80xi32, #tpu.memory_space<vmem>>
            %dma_wait3A_390 = arith.constant 0 : i32
            %dma_wait3A_391 = arith.constant 0 : i32
            %dma_wait3A_392 = tpu.memref_slice %arg6[%dma_wait3A_390, %dma_wait3A_391] : memref<10000x128xf32, #tpu.memory_space<vmem_shared>> -> memref<10000x128xf32, #tpu.memory_space<vmem_shared>>
            tpu.wait_indirect_dma semaphore(%arg12 : memref<!tpu.dma_semaphore, #tpu.memory_space<semaphore_mem>>) src(%run_scoped3A : memref<80x128xf32, #tpu.memory_space<vmem>>) dst(%dma_wait3A_392 : memref<10000x128xf32, #tpu.memory_space<vmem_shared>>)
          } else {
          }
          %add3A_366 = arith.constant 2 : i32
          %add3A_367 = arith.addi %add3A_294, %add3A_366 : i32
          %dma_start3A_368 = arith.constant 0 : i32
          %dma_start3A_369 = arith.constant 0 : i32
          %dma_start3A_370 = tpu.memref_slice %run_scoped3A[%dma_start3A_368, %dma_start3A_369] : memref<80x128xf32, #tpu.memory_space<vmem>> -> memref<40x128xf32, #tpu.memory_space<vmem>>
          %dma_start3A_371 = arith.constant 0 : i32
          %dma_start3A_372 = tpu.memref_slice %arg7[%add3A_367, %dma_start3A_371] : memref<125x80xi32, #tpu.memory_space<vmem>> -> memref<1x40xi32, #tpu.memory_space<vmem>>
          %dma_start3A_373 = tpu.memref_squeeze %dma_start3A_372 : memref<1x40xi32, #tpu.memory_space<vmem>> -> memref<40xi32, #tpu.memory_space<vmem>>
          %dma_start3A_374 = arith.constant 0 : i32
          %dma_start3A_375 = arith.constant 0 : i32
          %dma_start3A_376 = tpu.memref_slice %arg2[%dma_start3A_374, %dma_start3A_375] : memref<10000x128xf32, #tpu.memory_space<hbm>> -> memref<10000x128xf32, #tpu.memory_space<hbm>>
          tpu.enqueue_indirect_dma source(%dma_start3A_376 : memref<10000x128xf32, #tpu.memory_space<hbm>>) target(%dma_start3A_370 : memref<40x128xf32, #tpu.memory_space<vmem>>) offsets(%dma_start3A_373 : memref<40xi32, #tpu.memory_space<vmem>>) semaphore(%arg9 : memref<!tpu.dma_semaphore, #tpu.memory_space<semaphore_mem>>)
          %dma_start3A_377 = arith.constant 40 : i32
          %dma_start3A_378 = arith.constant 0 : i32
          %dma_start3A_379 = tpu.memref_slice %run_scoped3A[%dma_start3A_377, %dma_start3A_378] : memref<80x128xf32, #tpu.memory_space<vmem>> -> memref<40x128xf32, #tpu.memory_space<vmem>>
          %dma_start3A_380 = arith.constant 40 : i32
          %dma_start3A_381 = tpu.memref_slice %arg7[%add3A_367, %dma_start3A_380] : memref<125x80xi32, #tpu.memory_space<vmem>> -> memref<1x40xi32, #tpu.memory_space<vmem>>
          %dma_start3A_382 = tpu.memref_squeeze %dma_start3A_381 : memref<1x40xi32, #tpu.memory_space<vmem>> -> memref<40xi32, #tpu.memory_space<vmem>>
          %dma_start3A_383 = arith.constant 0 : i32
          %dma_start3A_384 = arith.constant 0 : i32
          %dma_start3A_385 = tpu.memref_slice %arg2[%dma_start3A_383, %dma_start3A_384] : memref<10000x128xf32, #tpu.memory_space<hbm>> -> memref<10000x128xf32, #tpu.memory_space<hbm>>
          tpu.enqueue_indirect_dma source(%dma_start3A_385 : memref<10000x128xf32, #tpu.memory_space<hbm>>) target(%dma_start3A_379 : memref<40x128xf32, #tpu.memory_space<vmem>>) offsets(%dma_start3A_382 : memref<40xi32, #tpu.memory_space<vmem>>) semaphore(%arg9 : memref<!tpu.dma_semaphore, #tpu.memory_space<semaphore_mem>>)
        } else {
        }
        %mul3A_326 = arith.constant 3 : i32
        %mul3A_327 = arith.muli %mul3A_326, %scan3A_257 : i32
        %add3A_328 = arith.constant 2 : i32
        %add3A_329 = arith.addi %mul3A_327, %add3A_328 : i32
        %dma_wait3A_330 = arith.constant 0 : i32
        %dma_wait3A_331 = arith.constant 0 : i32
        %dma_wait3A_332 = tpu.memref_slice %run_scoped3A_29[%dma_wait3A_330, %dma_wait3A_331] : memref<80x128xf32, #tpu.memory_space<vmem>> -> memref<40x128xf32, #tpu.memory_space<vmem>>
        %dma_wait3A_333 = arith.constant 0 : i32
        %dma_wait3A_334 = tpu.memref_slice %arg7[%add3A_329, %dma_wait3A_333] : memref<125x80xi32, #tpu.memory_space<vmem>> -> memref<1x40xi32, #tpu.memory_space<vmem>>
        %dma_wait3A_335 = tpu.memref_squeeze %dma_wait3A_334 : memref<1x40xi32, #tpu.memory_space<vmem>> -> memref<40xi32, #tpu.memory_space<vmem>>
        %dma_wait3A_336 = arith.constant 0 : i32
        %dma_wait3A_337 = arith.constant 0 : i32
        %dma_wait3A_338 = tpu.memref_slice %arg2[%dma_wait3A_336, %dma_wait3A_337] : memref<10000x128xf32, #tpu.memory_space<hbm>> -> memref<10000x128xf32, #tpu.memory_space<hbm>>
        tpu.wait_indirect_dma semaphore(%arg11 : memref<!tpu.dma_semaphore, #tpu.memory_space<semaphore_mem>>) src(%dma_wait3A_338 : memref<10000x128xf32, #tpu.memory_space<hbm>>) dst(%dma_wait3A_332 : memref<40x128xf32, #tpu.memory_space<vmem>>)
        %dma_wait3A_339 = arith.constant 40 : i32
        %dma_wait3A_340 = arith.constant 0 : i32
        %dma_wait3A_341 = tpu.memref_slice %run_scoped3A_29[%dma_wait3A_339, %dma_wait3A_340] : memref<80x128xf32, #tpu.memory_space<vmem>> -> memref<40x128xf32, #tpu.memory_space<vmem>>
        %dma_wait3A_342 = arith.constant 40 : i32
        %dma_wait3A_343 = tpu.memref_slice %arg7[%add3A_329, %dma_wait3A_342] : memref<125x80xi32, #tpu.memory_space<vmem>> -> memref<1x40xi32, #tpu.memory_space<vmem>>
        %dma_wait3A_344 = tpu.memref_squeeze %dma_wait3A_343 : memref<1x40xi32, #tpu.memory_space<vmem>> -> memref<40xi32, #tpu.memory_space<vmem>>
        %dma_wait3A_345 = arith.constant 0 : i32
        %dma_wait3A_346 = arith.constant 0 : i32
        %dma_wait3A_347 = tpu.memref_slice %arg2[%dma_wait3A_345, %dma_wait3A_346] : memref<10000x128xf32, #tpu.memory_space<hbm>> -> memref<10000x128xf32, #tpu.memory_space<hbm>>
        tpu.wait_indirect_dma semaphore(%arg11 : memref<!tpu.dma_semaphore, #tpu.memory_space<semaphore_mem>>) src(%dma_wait3A_347 : memref<10000x128xf32, #tpu.memory_space<hbm>>) dst(%dma_wait3A_341 : memref<40x128xf32, #tpu.memory_space<vmem>>)
        %dma_start3A_348 = arith.constant 0 : i32
        %dma_start3A_349 = tpu.memref_slice %arg8[%add3A_329, %dma_start3A_348] : memref<125x80xi32, #tpu.memory_space<vmem>> -> memref<1x80xi32, #tpu.memory_space<vmem>>
        %dma_start3A_350 = tpu.memref_squeeze %dma_start3A_349 : memref<1x80xi32, #tpu.memory_space<vmem>> -> memref<80xi32, #tpu.memory_space<vmem>>
        %dma_start3A_351 = arith.constant 0 : i32
        %dma_start3A_352 = arith.constant 0 : i32
        %dma_start3A_353 = tpu.memref_slice %arg6[%dma_start3A_351, %dma_start3A_352] : memref<10000x128xf32, #tpu.memory_space<vmem_shared>> -> memref<10000x128xf32, #tpu.memory_space<vmem_shared>>
        tpu.enqueue_indirect_dma source(%run_scoped3A_29 : memref<80x128xf32, #tpu.memory_space<vmem>>) target(%dma_start3A_353 : memref<10000x128xf32, #tpu.memory_space<vmem_shared>>) offsets(%dma_start3A_350 : memref<80xi32, #tpu.memory_space<vmem>>) semaphore(%arg14 : memref<!tpu.dma_semaphore, #tpu.memory_space<semaphore_mem>>) {add = true}
        %add3A_354 = arith.constant 2 : i32
        %add3A_355 = arith.addi %add3A_329, %add3A_354 : i32
        %lt3A_356 = arith.constant 125 : i32
        %lt3A_357 = arith.cmpi slt, %add3A_355, %lt3A_356 : i32
        %convert_element_type3A_358 = arith.extui %lt3A_357 : i1 to i32
        %cond3A_359 = arith.constant 0 : i32
        %cond3A_360 = arith.cmpi ne, %convert_element_type3A_358, %cond3A_359 : i32
        scf.if %cond3A_360 {
          %ge3A = arith.constant 1 : i32
          %ge3A_362 = arith.cmpi sge, %add3A_329, %ge3A : i32
          %convert_element_type3A_363 = arith.extui %ge3A_362 : i1 to i32
          %cond3A_364 = arith.constant 0 : i32
          %cond3A_365 = arith.cmpi ne, %convert_element_type3A_363, %cond3A_364 : i32
          scf.if %cond3A_365 {
            %sub3A = arith.constant 1 : i32
            %sub3A_386 = arith.subi %add3A_329, %sub3A : i32
            %dma_wait3A_387 = arith.constant 0 : i32
            %dma_wait3A_388 = tpu.memref_slice %arg8[%sub3A_386, %dma_wait3A_387] : memref<125x80xi32, #tpu.memory_space<vmem>> -> memref<1x80xi32, #tpu.memory_space<vmem>>
            %dma_wait3A_389 = tpu.memref_squeeze %dma_wait3A_388 : memref<1x80xi32, #tpu.memory_space<vmem>> -> memref<80xi32, #tpu.memory_space<vmem>>
            %dma_wait3A_390 = arith.constant 0 : i32
            %dma_wait3A_391 = arith.constant 0 : i32
            %dma_wait3A_392 = tpu.memref_slice %arg6[%dma_wait3A_390, %dma_wait3A_391] : memref<10000x128xf32, #tpu.memory_space<vmem_shared>> -> memref<10000x128xf32, #tpu.memory_space<vmem_shared>>
            tpu.wait_indirect_dma semaphore(%arg13 : memref<!tpu.dma_semaphore, #tpu.memory_space<semaphore_mem>>) src(%run_scoped3A_28 : memref<80x128xf32, #tpu.memory_space<vmem>>) dst(%dma_wait3A_392 : memref<10000x128xf32, #tpu.memory_space<vmem_shared>>)
          } else {
          }
          %add3A_366 = arith.constant 2 : i32
          %add3A_367 = arith.addi %add3A_329, %add3A_366 : i32
          %dma_start3A_368 = arith.constant 0 : i32
          %dma_start3A_369 = arith.constant 0 : i32
          %dma_start3A_370 = tpu.memref_slice %run_scoped3A_28[%dma_start3A_368, %dma_start3A_369] : memref<80x128xf32, #tpu.memory_space<vmem>> -> memref<40x128xf32, #tpu.memory_space<vmem>>
          %dma_start3A_371 = arith.constant 0 : i32
          %dma_start3A_372 = tpu.memref_slice %arg7[%add3A_367, %dma_start3A_371] : memref<125x80xi32, #tpu.memory_space<vmem>> -> memref<1x40xi32, #tpu.memory_space<vmem>>
          %dma_start3A_373 = tpu.memref_squeeze %dma_start3A_372 : memref<1x40xi32, #tpu.memory_space<vmem>> -> memref<40xi32, #tpu.memory_space<vmem>>
          %dma_start3A_374 = arith.constant 0 : i32
          %dma_start3A_375 = arith.constant 0 : i32
          %dma_start3A_376 = tpu.memref_slice %arg2[%dma_start3A_374, %dma_start3A_375] : memref<10000x128xf32, #tpu.memory_space<hbm>> -> memref<10000x128xf32, #tpu.memory_space<hbm>>
          tpu.enqueue_indirect_dma source(%dma_start3A_376 : memref<10000x128xf32, #tpu.memory_space<hbm>>) target(%dma_start3A_370 : memref<40x128xf32, #tpu.memory_space<vmem>>) offsets(%dma_start3A_373 : memref<40xi32, #tpu.memory_space<vmem>>) semaphore(%arg10 : memref<!tpu.dma_semaphore, #tpu.memory_space<semaphore_mem>>)
          %dma_start3A_377 = arith.constant 40 : i32
          %dma_start3A_378 = arith.constant 0 : i32
          %dma_start3A_379 = tpu.memref_slice %run_scoped3A_28[%dma_start3A_377, %dma_start3A_378] : memref<80x128xf32, #tpu.memory_space<vmem>> -> memref<40x128xf32, #tpu.memory_space<vmem>>
          %dma_start3A_380 = arith.constant 40 : i32
          %dma_start3A_381 = tpu.memref_slice %arg7[%add3A_367, %dma_start3A_380] : memref<125x80xi32, #tpu.memory_space<vmem>> -> memref<1x40xi32, #tpu.memory_space<vmem>>
          %dma_start3A_382 = tpu.memref_squeeze %dma_start3A_381 : memref<1x40xi32, #tpu.memory_space<vmem>> -> memref<40xi32, #tpu.memory_space<vmem>>
          %dma_start3A_383 = arith.constant 0 : i32
          %dma_start3A_384 = arith.constant 0 : i32
          %dma_start3A_385 = tpu.memref_slice %arg2[%dma_start3A_383, %dma_start3A_384] : memref<10000x128xf32, #tpu.memory_space<hbm>> -> memref<10000x128xf32, #tpu.memory_space<hbm>>
          tpu.enqueue_indirect_dma source(%dma_start3A_385 : memref<10000x128xf32, #tpu.memory_space<hbm>>) target(%dma_start3A_379 : memref<40x128xf32, #tpu.memory_space<vmem>>) offsets(%dma_start3A_382 : memref<40xi32, #tpu.memory_space<vmem>>) semaphore(%arg10 : memref<!tpu.dma_semaphore, #tpu.memory_space<semaphore_mem>>)
        } else {
        }
        %scan3A_361 = arith.constant 0 : i32
        scf.yield %scan3A_361 : i32
      }
      %scan3A_207 = arith.constant 41 : i32
      %dma_wait3A_208 = arith.constant 122 : i32
      %dma_wait3A_209 = arith.constant 0 : i32
      %dma_wait3A_210 = tpu.memref_slice %arg8[%dma_wait3A_208, %dma_wait3A_209] : memref<125x80xi32, #tpu.memory_space<vmem>> -> memref<1x80xi32, #tpu.memory_space<vmem>>
      %dma_wait3A_211 = tpu.memref_squeeze %dma_wait3A_210 : memref<1x80xi32, #tpu.memory_space<vmem>> -> memref<80xi32, #tpu.memory_space<vmem>>
      %dma_wait3A_212 = arith.constant 0 : i32
      %dma_wait3A_213 = arith.constant 0 : i32
      %dma_wait3A_214 = tpu.memref_slice %arg6[%dma_wait3A_212, %dma_wait3A_213] : memref<10000x128xf32, #tpu.memory_space<vmem_shared>> -> memref<10000x128xf32, #tpu.memory_space<vmem_shared>>
      tpu.wait_indirect_dma semaphore(%arg14 : memref<!tpu.dma_semaphore, #tpu.memory_space<semaphore_mem>>) src(%run_scoped3A_29 : memref<80x128xf32, #tpu.memory_space<vmem>>) dst(%dma_wait3A_214 : memref<10000x128xf32, #tpu.memory_space<vmem_shared>>)
      %dma_wait3A_215 = arith.constant 123 : i32
      %dma_wait3A_216 = arith.constant 0 : i32
      %dma_wait3A_217 = arith.constant 0 : i32
      %dma_wait3A_218 = tpu.memref_slice %run_scoped3A[%dma_wait3A_216, %dma_wait3A_217] : memref<80x128xf32, #tpu.memory_space<vmem>> -> memref<40x128xf32, #tpu.memory_space<vmem>>
      %dma_wait3A_219 = arith.constant 0 : i32
      %dma_wait3A_220 = tpu.memref_slice %arg7[%dma_wait3A_215, %dma_wait3A_219] : memref<125x80xi32, #tpu.memory_space<vmem>> -> memref<1x40xi32, #tpu.memory_space<vmem>>
      %dma_wait3A_221 = tpu.memref_squeeze %dma_wait3A_220 : memref<1x40xi32, #tpu.memory_space<vmem>> -> memref<40xi32, #tpu.memory_space<vmem>>
      %dma_wait3A_222 = arith.constant 0 : i32
      %dma_wait3A_223 = arith.constant 0 : i32
      %dma_wait3A_224 = tpu.memref_slice %arg2[%dma_wait3A_222, %dma_wait3A_223] : memref<10000x128xf32, #tpu.memory_space<hbm>> -> memref<10000x128xf32, #tpu.memory_space<hbm>>
      tpu.wait_indirect_dma semaphore(%arg9 : memref<!tpu.dma_semaphore, #tpu.memory_space<semaphore_mem>>) src(%dma_wait3A_224 : memref<10000x128xf32, #tpu.memory_space<hbm>>) dst(%dma_wait3A_218 : memref<40x128xf32, #tpu.memory_space<vmem>>)
      %dma_wait3A_225 = arith.constant 123 : i32
      %dma_wait3A_226 = arith.constant 40 : i32
      %dma_wait3A_227 = arith.constant 0 : i32
      %dma_wait3A_228 = tpu.memref_slice %run_scoped3A[%dma_wait3A_226, %dma_wait3A_227] : memref<80x128xf32, #tpu.memory_space<vmem>> -> memref<40x128xf32, #tpu.memory_space<vmem>>
      %dma_wait3A_229 = arith.constant 40 : i32
      %dma_wait3A_230 = tpu.memref_slice %arg7[%dma_wait3A_225, %dma_wait3A_229] : memref<125x80xi32, #tpu.memory_space<vmem>> -> memref<1x40xi32, #tpu.memory_space<vmem>>
      %dma_wait3A_231 = tpu.memref_squeeze %dma_wait3A_230 : memref<1x40xi32, #tpu.memory_space<vmem>> -> memref<40xi32, #tpu.memory_space<vmem>>
      %dma_wait3A_232 = arith.constant 0 : i32
      %dma_wait3A_233 = arith.constant 0 : i32
      %dma_wait3A_234 = tpu.memref_slice %arg2[%dma_wait3A_232, %dma_wait3A_233] : memref<10000x128xf32, #tpu.memory_space<hbm>> -> memref<10000x128xf32, #tpu.memory_space<hbm>>
      tpu.wait_indirect_dma semaphore(%arg9 : memref<!tpu.dma_semaphore, #tpu.memory_space<semaphore_mem>>) src(%dma_wait3A_234 : memref<10000x128xf32, #tpu.memory_space<hbm>>) dst(%dma_wait3A_228 : memref<40x128xf32, #tpu.memory_space<vmem>>)
      %run_scoped3A_235 = arith.constant 123 : i32
      "tpu.region"() ({
        %run_scoped3A_257 = tpu.sem_alloc : memref<!tpu.dma_semaphore, #tpu.memory_space<semaphore_mem>>
        %dma_start3A_258 = arith.constant 0 : i32
        %dma_start3A_259 = tpu.memref_slice %arg8[%run_scoped3A_235, %dma_start3A_258] : memref<125x80xi32, #tpu.memory_space<vmem>> -> memref<1x80xi32, #tpu.memory_space<vmem>>
        %dma_start3A_260 = tpu.memref_squeeze %dma_start3A_259 : memref<1x80xi32, #tpu.memory_space<vmem>> -> memref<80xi32, #tpu.memory_space<vmem>>
        %dma_start3A_261 = arith.constant 0 : i32
        %dma_start3A_262 = arith.constant 0 : i32
        %dma_start3A_263 = tpu.memref_slice %arg6[%dma_start3A_261, %dma_start3A_262] : memref<10000x128xf32, #tpu.memory_space<vmem_shared>> -> memref<10000x128xf32, #tpu.memory_space<vmem_shared>>
        tpu.enqueue_indirect_dma source(%run_scoped3A : memref<80x128xf32, #tpu.memory_space<vmem>>) target(%dma_start3A_263 : memref<10000x128xf32, #tpu.memory_space<vmem_shared>>) offsets(%dma_start3A_260 : memref<80xi32, #tpu.memory_space<vmem>>) semaphore(%run_scoped3A_257 : memref<!tpu.dma_semaphore, #tpu.memory_space<semaphore_mem>>) {add = true}
        %dma_wait3A_264 = arith.constant 0 : i32
        %dma_wait3A_265 = tpu.memref_slice %arg8[%run_scoped3A_235, %dma_wait3A_264] : memref<125x80xi32, #tpu.memory_space<vmem>> -> memref<1x80xi32, #tpu.memory_space<vmem>>
        %dma_wait3A_266 = tpu.memref_squeeze %dma_wait3A_265 : memref<1x80xi32, #tpu.memory_space<vmem>> -> memref<80xi32, #tpu.memory_space<vmem>>
        %dma_wait3A_267 = arith.constant 0 : i32
        %dma_wait3A_268 = arith.constant 0 : i32
        %dma_wait3A_269 = tpu.memref_slice %arg6[%dma_wait3A_267, %dma_wait3A_268] : memref<10000x128xf32, #tpu.memory_space<vmem_shared>> -> memref<10000x128xf32, #tpu.memory_space<vmem_shared>>
        tpu.wait_indirect_dma semaphore(%run_scoped3A_257 : memref<!tpu.dma_semaphore, #tpu.memory_space<semaphore_mem>>) src(%run_scoped3A : memref<80x128xf32, #tpu.memory_space<vmem>>) dst(%dma_wait3A_269 : memref<10000x128xf32, #tpu.memory_space<vmem_shared>>)
        tpu.yield
      }) : () -> ()
      %dma_wait3A_236 = arith.constant 124 : i32
      %dma_wait3A_237 = arith.constant 0 : i32
      %dma_wait3A_238 = arith.constant 0 : i32
      %dma_wait3A_239 = tpu.memref_slice %run_scoped3A_28[%dma_wait3A_237, %dma_wait3A_238] : memref<80x128xf32, #tpu.memory_space<vmem>> -> memref<40x128xf32, #tpu.memory_space<vmem>>
      %dma_wait3A_240 = arith.constant 0 : i32
      %dma_wait3A_241 = tpu.memref_slice %arg7[%dma_wait3A_236, %dma_wait3A_240] : memref<125x80xi32, #tpu.memory_space<vmem>> -> memref<1x40xi32, #tpu.memory_space<vmem>>
      %dma_wait3A_242 = tpu.memref_squeeze %dma_wait3A_241 : memref<1x40xi32, #tpu.memory_space<vmem>> -> memref<40xi32, #tpu.memory_space<vmem>>
      %dma_wait3A_243 = arith.constant 0 : i32
      %dma_wait3A_244 = arith.constant 0 : i32
      %dma_wait3A_245 = tpu.memref_slice %arg2[%dma_wait3A_243, %dma_wait3A_244] : memref<10000x128xf32, #tpu.memory_space<hbm>> -> memref<10000x128xf32, #tpu.memory_space<hbm>>
      tpu.wait_indirect_dma semaphore(%arg10 : memref<!tpu.dma_semaphore, #tpu.memory_space<semaphore_mem>>) src(%dma_wait3A_245 : memref<10000x128xf32, #tpu.memory_space<hbm>>) dst(%dma_wait3A_239 : memref<40x128xf32, #tpu.memory_space<vmem>>)
      %dma_wait3A_246 = arith.constant 124 : i32
      %dma_wait3A_247 = arith.constant 40 : i32
      %dma_wait3A_248 = arith.constant 0 : i32
      %dma_wait3A_249 = tpu.memref_slice %run_scoped3A_28[%dma_wait3A_247, %dma_wait3A_248] : memref<80x128xf32, #tpu.memory_space<vmem>> -> memref<40x128xf32, #tpu.memory_space<vmem>>
      %dma_wait3A_250 = arith.constant 40 : i32
      %dma_wait3A_251 = tpu.memref_slice %arg7[%dma_wait3A_246, %dma_wait3A_250] : memref<125x80xi32, #tpu.memory_space<vmem>> -> memref<1x40xi32, #tpu.memory_space<vmem>>
      %dma_wait3A_252 = tpu.memref_squeeze %dma_wait3A_251 : memref<1x40xi32, #tpu.memory_space<vmem>> -> memref<40xi32, #tpu.memory_space<vmem>>
      %dma_wait3A_253 = arith.constant 0 : i32
      %dma_wait3A_254 = arith.constant 0 : i32
      %dma_wait3A_255 = tpu.memref_slice %arg2[%dma_wait3A_253, %dma_wait3A_254] : memref<10000x128xf32, #tpu.memory_space<hbm>> -> memref<10000x128xf32, #tpu.memory_space<hbm>>
      tpu.wait_indirect_dma semaphore(%arg10 : memref<!tpu.dma_semaphore, #tpu.memory_space<semaphore_mem>>) src(%dma_wait3A_255 : memref<10000x128xf32, #tpu.memory_space<hbm>>) dst(%dma_wait3A_249 : memref<40x128xf32, #tpu.memory_space<vmem>>)
      %run_scoped3A_256 = arith.constant 124 : i32
      "tpu.region"() ({
        %run_scoped3A_257 = tpu.sem_alloc : memref<!tpu.dma_semaphore, #tpu.memory_space<semaphore_mem>>
        %dma_start3A_258 = arith.constant 0 : i32
        %dma_start3A_259 = tpu.memref_slice %arg8[%run_scoped3A_256, %dma_start3A_258] : memref<125x80xi32, #tpu.memory_space<vmem>> -> memref<1x80xi32, #tpu.memory_space<vmem>>
        %dma_start3A_260 = tpu.memref_squeeze %dma_start3A_259 : memref<1x80xi32, #tpu.memory_space<vmem>> -> memref<80xi32, #tpu.memory_space<vmem>>
        %dma_start3A_261 = arith.constant 0 : i32
        %dma_start3A_262 = arith.constant 0 : i32
        %dma_start3A_263 = tpu.memref_slice %arg6[%dma_start3A_261, %dma_start3A_262] : memref<10000x128xf32, #tpu.memory_space<vmem_shared>> -> memref<10000x128xf32, #tpu.memory_space<vmem_shared>>
        tpu.enqueue_indirect_dma source(%run_scoped3A_28 : memref<80x128xf32, #tpu.memory_space<vmem>>) target(%dma_start3A_263 : memref<10000x128xf32, #tpu.memory_space<vmem_shared>>) offsets(%dma_start3A_260 : memref<80xi32, #tpu.memory_space<vmem>>) semaphore(%run_scoped3A_257 : memref<!tpu.dma_semaphore, #tpu.memory_space<semaphore_mem>>) {add = true}
        %dma_wait3A_264 = arith.constant 0 : i32
        %dma_wait3A_265 = tpu.memref_slice %arg8[%run_scoped3A_256, %dma_wait3A_264] : memref<125x80xi32, #tpu.memory_space<vmem>> -> memref<1x80xi32, #tpu.memory_space<vmem>>
        %dma_wait3A_266 = tpu.memref_squeeze %dma_wait3A_265 : memref<1x80xi32, #tpu.memory_space<vmem>> -> memref<80xi32, #tpu.memory_space<vmem>>
        %dma_wait3A_267 = arith.constant 0 : i32
        %dma_wait3A_268 = arith.constant 0 : i32
        %dma_wait3A_269 = tpu.memref_slice %arg6[%dma_wait3A_267, %dma_wait3A_268] : memref<10000x128xf32, #tpu.memory_space<vmem_shared>> -> memref<10000x128xf32, #tpu.memory_space<vmem_shared>>
        tpu.wait_indirect_dma semaphore(%run_scoped3A_257 : memref<!tpu.dma_semaphore, #tpu.memory_space<semaphore_mem>>) src(%run_scoped3A_28 : memref<80x128xf32, #tpu.memory_space<vmem>>) dst(%dma_wait3A_269 : memref<10000x128xf32, #tpu.memory_space<vmem_shared>>)
        tpu.yield
      }) : () -> ()
      tpu.yield
    }) : () -> ()
    %barrier3A = arith.constant 0 : index
    tpu.barrier barrier_id(%barrier3A)
    %dma_start3A_19 = arith.constant 0 : i32
    %dma_start3A_20 = tpu.memref_slice %arg5[%arg0, %mul3A_2, %dma_start3A_19] : memref<2x10000x128xf32, #tpu.memory_space<hbm>> -> memref<1x625x128xf32, #tpu.memory_space<hbm>>
    %dma_start3A_21 = tpu.memref_squeeze %dma_start3A_20 : memref<1x625x128xf32, #tpu.memory_space<hbm>> -> memref<625x128xf32, #tpu.memory_space<hbm>>
    %dma_start3A_22 = arith.constant 0 : i32
    %dma_start3A_23 = tpu.memref_slice %arg6[%mul3A_2, %dma_start3A_22] : memref<10000x128xf32, #tpu.memory_space<vmem_shared>> -> memref<625x128xf32, #tpu.memory_space<vmem_shared>>
    tpu.enqueue_dma source(%dma_start3A_23 : memref<625x128xf32, #tpu.memory_space<vmem_shared>>) target(%dma_start3A_21 : memref<625x128xf32, #tpu.memory_space<hbm>>) target_semaphore(%arg9 : memref<!tpu.dma_semaphore, #tpu.memory_space<semaphore_mem>>)
    %dma_wait3A = arith.constant 0 : i32
    %dma_wait3A_24 = tpu.memref_slice %arg5[%arg0, %mul3A_2, %dma_wait3A] : memref<2x10000x128xf32, #tpu.memory_space<hbm>> -> memref<1x625x128xf32, #tpu.memory_space<hbm>>
    %dma_wait3A_25 = tpu.memref_squeeze %dma_wait3A_24 : memref<1x625x128xf32, #tpu.memory_space<hbm>> -> memref<625x128xf32, #tpu.memory_space<hbm>>
    %dma_wait3A_26 = arith.constant 0 : i32
    %dma_wait3A_27 = tpu.memref_slice %arg6[%mul3A_2, %dma_wait3A_26] : memref<10000x128xf32, #tpu.memory_space<vmem_shared>> -> memref<625x128xf32, #tpu.memory_space<vmem_shared>>
    tpu.wait_dma2 semaphore(%arg9 : memref<!tpu.dma_semaphore, #tpu.memory_space<semaphore_mem>>) src(%dma_wait3A_27 : memref<625x128xf32, #tpu.memory_space<vmem_shared>>) dst(%dma_wait3A_25 : memref<625x128xf32, #tpu.memory_space<hbm>>)
    return
  }
}

#map = affine_map<(d0, d1) -> (0, 0)>
#map1 = affine_map<(d0, d1) -> (0, 0, 0)>
module attributes {stable_mosaic.version = 14 : i64} {
  func.func @_sc_mp_body(%arg0: i32, %arg1: i32, %arg2: memref<10000x128xf32, #tpu.memory_space<hbm>>, %arg3: memref<32x125x80xi32, #tpu.memory_space<hbm>>, %arg4: memref<32x125x80xi32, #tpu.memory_space<hbm>>, %arg5: memref<2x10000x128xf32, #tpu.memory_space<hbm>>, %arg6: memref<10000x128xf32, #tpu.memory_space<vmem_shared>>, %arg7: memref<125x80xi32, #tpu.memory_space<vmem>>, %arg8: memref<125x80xi32, #tpu.memory_space<vmem>>, %arg9: memref<!tpu.dma_semaphore, #tpu.memory_space<semaphore_mem>>, %arg10: memref<!tpu.dma_semaphore, #tpu.memory_space<semaphore_mem>>, %arg11: memref<!tpu.dma_semaphore, #tpu.memory_space<semaphore_mem>>, %arg12: memref<!tpu.dma_semaphore, #tpu.memory_space<semaphore_mem>>, %arg13: memref<!tpu.dma_semaphore, #tpu.memory_space<semaphore_mem>>, %arg14: memref<!tpu.dma_semaphore, #tpu.memory_space<semaphore_mem>>) attributes {dimension_semantics = [#tpu.dimension_semantics<core_parallel>, #tpu.dimension_semantics<subcore_parallel>], iteration_bounds = array<i64: 2, 16>, scalar_prefetch = 0 : i64, scratch_operands = 9 : i64, tpu.core_type = #tpu.core_type<sc_vector_subcore>, window_params = [{transform_indices = #map}, {transform_indices = #map1}, {transform_indices = #map1}, {transform_indices = #map1}]} {
    %mul3A = arith.constant 2 : i32
    %mul3A_0 = arith.muli %arg1, %mul3A : i32
    %add3A = arith.addi %mul3A_0, %arg0 : i32
    %mul3A_1 = arith.constant 625 : i32
    %mul3A_2 = arith.muli %arg1, %mul3A_1 : i32
    %broadcast_in_dim3A = arith.constant 0.000000e+00 : f32
    %broadcast_in_dim3A_3 = vector.broadcast %broadcast_in_dim3A : f32 to vector<16xf32>
    %dma_start3A = arith.constant 0 : i32
    %dma_start3A_4 = arith.constant 0 : i32
    %dma_start3A_5 = tpu.memref_slice %arg3[%add3A, %dma_start3A, %dma_start3A_4] : memref<32x125x80xi32, #tpu.memory_space<hbm>> -> memref<1x125x80xi32, #tpu.memory_space<hbm>>
    %dma_start3A_6 = tpu.memref_squeeze %dma_start3A_5 : memref<1x125x80xi32, #tpu.memory_space<hbm>> -> memref<125x80xi32, #tpu.memory_space<hbm>>
    %dma_start3A_7 = arith.constant 0 : i32
    %dma_start3A_8 = arith.constant 0 : i32
    %dma_start3A_9 = tpu.memref_slice %arg3[%add3A, %dma_start3A_7, %dma_start3A_8] : memref<32x125x80xi32, #tpu.memory_space<hbm>> -> memref<1x125x80xi32, #tpu.memory_space<hbm>>
    %dma_start3A_10 = tpu.memref_squeeze %dma_start3A_9 : memref<1x125x80xi32, #tpu.memory_space<hbm>> -> memref<125x80xi32, #tpu.memory_space<hbm>>
    tpu.enqueue_dma source(%dma_start3A_10 : memref<125x80xi32, #tpu.memory_space<hbm>>) target(%arg7 : memref<125x80xi32, #tpu.memory_space<vmem>>) target_semaphore(%arg9 : memref<!tpu.dma_semaphore, #tpu.memory_space<semaphore_mem>>)
    %dma_start3A_11 = arith.constant 0 : i32
    %dma_start3A_12 = arith.constant 0 : i32
    %dma_start3A_13 = tpu.memref_slice %arg4[%add3A, %dma_start3A_11, %dma_start3A_12] : memref<32x125x80xi32, #tpu.memory_space<hbm>> -> memref<1x125x80xi32, #tpu.memory_space<hbm>>
    %dma_start3A_14 = tpu.memref_squeeze %dma_start3A_13 : memref<1x125x80xi32, #tpu.memory_space<hbm>> -> memref<125x80xi32, #tpu.memory_space<hbm>>
    %dma_start3A_15 = arith.constant 0 : i32
    %dma_start3A_16 = arith.constant 0 : i32
    %dma_start3A_17 = tpu.memref_slice %arg4[%add3A, %dma_start3A_15, %dma_start3A_16] : memref<32x125x80xi32, #tpu.memory_space<hbm>> -> memref<1x125x80xi32, #tpu.memory_space<hbm>>
    %dma_start3A_18 = tpu.memref_squeeze %dma_start3A_17 : memref<1x125x80xi32, #tpu.memory_space<hbm>> -> memref<125x80xi32, #tpu.memory_space<hbm>>
    tpu.enqueue_dma source(%dma_start3A_18 : memref<125x80xi32, #tpu.memory_space<hbm>>) target(%arg8 : memref<125x80xi32, #tpu.memory_space<vmem>>) target_semaphore(%arg10 : memref<!tpu.dma_semaphore, #tpu.memory_space<semaphore_mem>>)
    "tpu.region"() ({
      %run_scoped3A = memref.alloca() : memref<80x128xf32, #tpu.memory_space<vmem>>
      %run_scoped3A_28 = memref.alloca() : memref<80x128xf32, #tpu.memory_space<vmem>>
      %run_scoped3A_29 = memref.alloca() : memref<80x128xf32, #tpu.memory_space<vmem>>
      %scan3A = arith.constant 0 : i32
      %scan3A_30 = arith.constant 0 : i32
      %scan3A_31 = arith.constant 80 : i32
      %scan3A_32 = arith.addi %scan3A_30, %scan3A_31 : i32
      %scan3A_33 = arith.constant 1 : i32
      %scan3A_34 = scf.for %scan3A_257 = %scan3A_30 to %scan3A_32 step %scan3A_33 iter_args(%scan3A_258 = %scan3A) -> (i32)  : i32 {
        %swap3A = arith.index_cast %scan3A_257 : i32 to index
        %swap3A_259 = arith.constant 0 : index
        %swap3A_260 = tpu.vector_load %run_scoped3A[%swap3A, %swap3A_259] {strides = array<i32>} : memref<80x128xf32, #tpu.memory_space<vmem>>, vector<16xf32>,
        tpu.vector_store %run_scoped3A[%swap3A, %swap3A_259], %broadcast_in_dim3A_3 {strides = array<i32>} : memref<80x128xf32, #tpu.memory_space<vmem>>, vector<16xf32>,
        %swap3A_261 = arith.index_cast %scan3A_257 : i32 to index
        %swap3A_262 = arith.constant 16 : index
        %swap3A_263 = tpu.vector_load %run_scoped3A[%swap3A_261, %swap3A_262] {strides = array<i32>} : memref<80x128xf32, #tpu.memory_space<vmem>>, vector<16xf32>,
        tpu.vector_store %run_scoped3A[%swap3A_261, %swap3A_262], %broadcast_in_dim3A_3 {strides = array<i32>} : memref<80x128xf32, #tpu.memory_space<vmem>>, vector<16xf32>,
        %swap3A_264 = arith.index_cast %scan3A_257 : i32 to index
        %swap3A_265 = arith.constant 32 : index
        %swap3A_266 = tpu.vector_load %run_scoped3A[%swap3A_264, %swap3A_265] {strides = array<i32>} : memref<80x128xf32, #tpu.memory_space<vmem>>, vector<16xf32>,
        tpu.vector_store %run_scoped3A[%swap3A_264, %swap3A_265], %broadcast_in_dim3A_3 {strides = array<i32>} : memref<80x128xf32, #tpu.memory_space<vmem>>, vector<16xf32>,
        %swap3A_267 = arith.index_cast %scan3A_257 : i32 to index
        %swap3A_268 = arith.constant 48 : index
        %swap3A_269 = tpu.vector_load %run_scoped3A[%swap3A_267, %swap3A_268] {strides = array<i32>} : memref<80x128xf32, #tpu.memory_space<vmem>>, vector<16xf32>,
        tpu.vector_store %run_scoped3A[%swap3A_267, %swap3A_268], %broadcast_in_dim3A_3 {strides = array<i32>} : memref<80x128xf32, #tpu.memory_space<vmem>>, vector<16xf32>,
        %swap3A_270 = arith.index_cast %scan3A_257 : i32 to index
        %swap3A_271 = arith.constant 64 : index
        %swap3A_272 = tpu.vector_load %run_scoped3A[%swap3A_270, %swap3A_271] {strides = array<i32>} : memref<80x128xf32, #tpu.memory_space<vmem>>, vector<16xf32>,
        tpu.vector_store %run_scoped3A[%swap3A_270, %swap3A_271], %broadcast_in_dim3A_3 {strides = array<i32>} : memref<80x128xf32, #tpu.memory_space<vmem>>, vector<16xf32>,
        %swap3A_273 = arith.index_cast %scan3A_257 : i32 to index
        %swap3A_274 = arith.constant 80 : index
        %swap3A_275 = tpu.vector_load %run_scoped3A[%swap3A_273, %swap3A_274] {strides = array<i32>} : memref<80x128xf32, #tpu.memory_space<vmem>>, vector<16xf32>,
        tpu.vector_store %run_scoped3A[%swap3A_273, %swap3A_274], %broadcast_in_dim3A_3 {strides = array<i32>} : memref<80x128xf32, #tpu.memory_space<vmem>>, vector<16xf32>,
        %swap3A_276 = arith.index_cast %scan3A_257 : i32 to index
        %swap3A_277 = arith.constant 96 : index
        %swap3A_278 = tpu.vector_load %run_scoped3A[%swap3A_276, %swap3A_277] {strides = array<i32>} : memref<80x128xf32, #tpu.memory_space<vmem>>, vector<16xf32>,
        tpu.vector_store %run_scoped3A[%swap3A_276, %swap3A_277], %broadcast_in_dim3A_3 {strides = array<i32>} : memref<80x128xf32, #tpu.memory_space<vmem>>, vector<16xf32>,
        %swap3A_279 = arith.index_cast %scan3A_257 : i32 to index
        %swap3A_280 = arith.constant 112 : index
        %swap3A_281 = tpu.vector_load %run_scoped3A[%swap3A_279, %swap3A_280] {strides = array<i32>} : memref<80x128xf32, #tpu.memory_space<vmem>>, vector<16xf32>,
        tpu.vector_store %run_scoped3A[%swap3A_279, %swap3A_280], %broadcast_in_dim3A_3 {strides = array<i32>} : memref<80x128xf32, #tpu.memory_space<vmem>>, vector<16xf32>,
        %scan3A_282 = arith.constant 0 : i32
        scf.yield %scan3A_282 : i32
      }
      %scan3A_35 = arith.constant 80 : i32
      %add3A_36 = arith.constant 0 : i32
      %add3A_37 = arith.addi %mul3A_2, %add3A_36 : i32
      %dma_start3A_38 = arith.constant 0 : i32
      %dma_start3A_39 = tpu.memref_slice %arg6[%add3A_37, %dma_start3A_38] : memref<10000x128xf32, #tpu.memory_space<vmem_shared>> -> memref<80x128xf32, #tpu.memory_space<vmem_shared>>
      %dma_start3A_40 = arith.constant 0 : i32
      %dma_start3A_41 = tpu.memref_slice %arg6[%add3A_37, %dma_start3A_40] : memref<10000x128xf32, #tpu.memory_space<vmem_shared>> -> memref<80x128xf32, #tpu.memory_space<vmem_shared>>
      tpu.enqueue_dma source(%run_scoped3A : memref<80x128xf32, #tpu.memory_space<vmem>>) target(%dma_start3A_41 : memref<80x128xf32, #tpu.memory_space<vmem_shared>>) target_semaphore(%arg11 : memref<!tpu.dma_semaphore, #tpu.memory_space<semaphore_mem>>)
      %add3A_42 = arith.constant 80 : i32
      %add3A_43 = arith.addi %mul3A_2, %add3A_42 : i32
      %dma_start3A_44 = arith.constant 0 : i32
      %dma_start3A_45 = tpu.memref_slice %arg6[%add3A_43, %dma_start3A_44] : memref<10000x128xf32, #tpu.memory_space<vmem_shared>> -> memref<80x128xf32, #tpu.memory_space<vmem_shared>>
      %dma_start3A_46 = arith.constant 0 : i32
      %dma_start3A_47 = tpu.memref_slice %arg6[%add3A_43, %dma_start3A_46] : memref<10000x128xf32, #tpu.memory_space<vmem_shared>> -> memref<80x128xf32, #tpu.memory_space<vmem_shared>>
      tpu.enqueue_dma source(%run_scoped3A : memref<80x128xf32, #tpu.memory_space<vmem>>) target(%dma_start3A_47 : memref<80x128xf32, #tpu.memory_space<vmem_shared>>) target_semaphore(%arg11 : memref<!tpu.dma_semaphore, #tpu.memory_space<semaphore_mem>>)
      %add3A_48 = arith.constant 160 : i32
      %add3A_49 = arith.addi %mul3A_2, %add3A_48 : i32
      %dma_start3A_50 = arith.constant 0 : i32
      %dma_start3A_51 = tpu.memref_slice %arg6[%add3A_49, %dma_start3A_50] : memref<10000x128xf32, #tpu.memory_space<vmem_shared>> -> memref<80x128xf32, #tpu.memory_space<vmem_shared>>
      %dma_start3A_52 = arith.constant 0 : i32
      %dma_start3A_53 = tpu.memref_slice %arg6[%add3A_49, %dma_start3A_52] : memref<10000x128xf32, #tpu.memory_space<vmem_shared>> -> memref<80x128xf32, #tpu.memory_space<vmem_shared>>
      tpu.enqueue_dma source(%run_scoped3A : memref<80x128xf32, #tpu.memory_space<vmem>>) target(%dma_start3A_53 : memref<80x128xf32, #tpu.memory_space<vmem_shared>>) target_semaphore(%arg11 : memref<!tpu.dma_semaphore, #tpu.memory_space<semaphore_mem>>)
      %add3A_54 = arith.constant 240 : i32
      %add3A_55 = arith.addi %mul3A_2, %add3A_54 : i32
      %dma_start3A_56 = arith.constant 0 : i32
      %dma_start3A_57 = tpu.memref_slice %arg6[%add3A_55, %dma_start3A_56] : memref<10000x128xf32, #tpu.memory_space<vmem_shared>> -> memref<80x128xf32, #tpu.memory_space<vmem_shared>>
      %dma_start3A_58 = arith.constant 0 : i32
      %dma_start3A_59 = tpu.memref_slice %arg6[%add3A_55, %dma_start3A_58] : memref<10000x128xf32, #tpu.memory_space<vmem_shared>> -> memref<80x128xf32, #tpu.memory_space<vmem_shared>>
      tpu.enqueue_dma source(%run_scoped3A : memref<80x128xf32, #tpu.memory_space<vmem>>) target(%dma_start3A_59 : memref<80x128xf32, #tpu.memory_space<vmem_shared>>) target_semaphore(%arg11 : memref<!tpu.dma_semaphore, #tpu.memory_space<semaphore_mem>>)
      %add3A_60 = arith.constant 320 : i32
      %add3A_61 = arith.addi %mul3A_2, %add3A_60 : i32
      %dma_start3A_62 = arith.constant 0 : i32
      %dma_start3A_63 = tpu.memref_slice %arg6[%add3A_61, %dma_start3A_62] : memref<10000x128xf32, #tpu.memory_space<vmem_shared>> -> memref<80x128xf32, #tpu.memory_space<vmem_shared>>
      %dma_start3A_64 = arith.constant 0 : i32
      %dma_start3A_65 = tpu.memref_slice %arg6[%add3A_61, %dma_start3A_64] : memref<10000x128xf32, #tpu.memory_space<vmem_shared>> -> memref<80x128xf32, #tpu.memory_space<vmem_shared>>
      tpu.enqueue_dma source(%run_scoped3A : memref<80x128xf32, #tpu.memory_space<vmem>>) target(%dma_start3A_65 : memref<80x128xf32, #tpu.memory_space<vmem_shared>>) target_semaphore(%arg11 : memref<!tpu.dma_semaphore, #tpu.memory_space<semaphore_mem>>)
      %add3A_66 = arith.constant 400 : i32
      %add3A_67 = arith.addi %mul3A_2, %add3A_66 : i32
      %dma_start3A_68 = arith.constant 0 : i32
      %dma_start3A_69 = tpu.memref_slice %arg6[%add3A_67, %dma_start3A_68] : memref<10000x128xf32, #tpu.memory_space<vmem_shared>> -> memref<80x128xf32, #tpu.memory_space<vmem_shared>>
      %dma_start3A_70 = arith.constant 0 : i32
      %dma_start3A_71 = tpu.memref_slice %arg6[%add3A_67, %dma_start3A_70] : memref<10000x128xf32, #tpu.memory_space<vmem_shared>> -> memref<80x128xf32, #tpu.memory_space<vmem_shared>>
      tpu.enqueue_dma source(%run_scoped3A : memref<80x128xf32, #tpu.memory_space<vmem>>) target(%dma_start3A_71 : memref<80x128xf32, #tpu.memory_space<vmem_shared>>) target_semaphore(%arg11 : memref<!tpu.dma_semaphore, #tpu.memory_space<semaphore_mem>>)
      %add3A_72 = arith.constant 480 : i32
      %add3A_73 = arith.addi %mul3A_2, %add3A_72 : i32
      %dma_start3A_74 = arith.constant 0 : i32
      %dma_start3A_75 = tpu.memref_slice %arg6[%add3A_73, %dma_start3A_74] : memref<10000x128xf32, #tpu.memory_space<vmem_shared>> -> memref<80x128xf32, #tpu.memory_space<vmem_shared>>
      %dma_start3A_76 = arith.constant 0 : i32
      %dma_start3A_77 = tpu.memref_slice %arg6[%add3A_73, %dma_start3A_76] : memref<10000x128xf32, #tpu.memory_space<vmem_shared>> -> memref<80x128xf32, #tpu.memory_space<vmem_shared>>
      tpu.enqueue_dma source(%run_scoped3A : memref<80x128xf32, #tpu.memory_space<vmem>>) target(%dma_start3A_77 : memref<80x128xf32, #tpu.memory_space<vmem_shared>>) target_semaphore(%arg11 : memref<!tpu.dma_semaphore, #tpu.memory_space<semaphore_mem>>)
      %add3A_78 = arith.constant 560 : i32
      %add3A_79 = arith.addi %mul3A_2, %add3A_78 : i32
      %dma_start3A_80 = arith.constant 0 : i32
      %dma_start3A_81 = arith.constant 0 : i32
      %dma_start3A_82 = tpu.memref_slice %run_scoped3A[%dma_start3A_80, %dma_start3A_81] : memref<80x128xf32, #tpu.memory_space<vmem>> -> memref<65x128xf32, #tpu.memory_space<vmem>>
      %dma_start3A_83 = arith.constant 0 : i32
      %dma_start3A_84 = tpu.memref_slice %arg6[%add3A_79, %dma_start3A_83] : memref<10000x128xf32, #tpu.memory_space<vmem_shared>> -> memref<65x128xf32, #tpu.memory_space<vmem_shared>>
      %dma_start3A_85 = arith.constant 0 : i32
      %dma_start3A_86 = tpu.memref_slice %arg6[%add3A_79, %dma_start3A_85] : memref<10000x128xf32, #tpu.memory_space<vmem_shared>> -> memref<65x128xf32, #tpu.memory_space<vmem_shared>>
      %dma_start3A_87 = arith.constant 0 : i32
      %dma_start3A_88 = arith.constant 0 : i32
      %dma_start3A_89 = tpu.memref_slice %run_scoped3A[%dma_start3A_87, %dma_start3A_88] : memref<80x128xf32, #tpu.memory_space<vmem>> -> memref<65x128xf32, #tpu.memory_space<vmem>>
      tpu.enqueue_dma source(%dma_start3A_89 : memref<65x128xf32, #tpu.memory_space<vmem>>) target(%dma_start3A_86 : memref<65x128xf32, #tpu.memory_space<vmem_shared>>) target_semaphore(%arg11 : memref<!tpu.dma_semaphore, #tpu.memory_space<semaphore_mem>>)
      %add3A_90 = arith.constant 0 : i32
      %add3A_91 = arith.addi %mul3A_2, %add3A_90 : i32
      %dma_wait3A_92 = arith.constant 0 : i32
      %dma_wait3A_93 = tpu.memref_slice %arg6[%add3A_91, %dma_wait3A_92] : memref<10000x128xf32, #tpu.memory_space<vmem_shared>> -> memref<80x128xf32, #tpu.memory_space<vmem_shared>>
      %dma_wait3A_94 = arith.constant 0 : i32
      %dma_wait3A_95 = tpu.memref_slice %arg6[%add3A_91, %dma_wait3A_94] : memref<10000x128xf32, #tpu.memory_space<vmem_shared>> -> memref<80x128xf32, #tpu.memory_space<vmem_shared>>
      tpu.wait_dma2 semaphore(%arg11 : memref<!tpu.dma_semaphore, #tpu.memory_space<semaphore_mem>>) src(%run_scoped3A : memref<80x128xf32, #tpu.memory_space<vmem>>) dst(%dma_wait3A_95 : memref<80x128xf32, #tpu.memory_space<vmem_shared>>)
      %add3A_96 = arith.constant 80 : i32
      %add3A_97 = arith.addi %mul3A_2, %add3A_96 : i32
      %dma_wait3A_98 = arith.constant 0 : i32
      %dma_wait3A_99 = tpu.memref_slice %arg6[%add3A_97, %dma_wait3A_98] : memref<10000x128xf32, #tpu.memory_space<vmem_shared>> -> memref<80x128xf32, #tpu.memory_space<vmem_shared>>
      %dma_wait3A_100 = arith.constant 0 : i32
      %dma_wait3A_101 = tpu.memref_slice %arg6[%add3A_97, %dma_wait3A_100] : memref<10000x128xf32, #tpu.memory_space<vmem_shared>> -> memref<80x128xf32, #tpu.memory_space<vmem_shared>>
      tpu.wait_dma2 semaphore(%arg11 : memref<!tpu.dma_semaphore, #tpu.memory_space<semaphore_mem>>) src(%run_scoped3A : memref<80x128xf32, #tpu.memory_space<vmem>>) dst(%dma_wait3A_101 : memref<80x128xf32, #tpu.memory_space<vmem_shared>>)
      %add3A_102 = arith.constant 160 : i32
      %add3A_103 = arith.addi %mul3A_2, %add3A_102 : i32
      %dma_wait3A_104 = arith.constant 0 : i32
      %dma_wait3A_105 = tpu.memref_slice %arg6[%add3A_103, %dma_wait3A_104] : memref<10000x128xf32, #tpu.memory_space<vmem_shared>> -> memref<80x128xf32, #tpu.memory_space<vmem_shared>>
      %dma_wait3A_106 = arith.constant 0 : i32
      %dma_wait3A_107 = tpu.memref_slice %arg6[%add3A_103, %dma_wait3A_106] : memref<10000x128xf32, #tpu.memory_space<vmem_shared>> -> memref<80x128xf32, #tpu.memory_space<vmem_shared>>
      tpu.wait_dma2 semaphore(%arg11 : memref<!tpu.dma_semaphore, #tpu.memory_space<semaphore_mem>>) src(%run_scoped3A : memref<80x128xf32, #tpu.memory_space<vmem>>) dst(%dma_wait3A_107 : memref<80x128xf32, #tpu.memory_space<vmem_shared>>)
      %add3A_108 = arith.constant 240 : i32
      %add3A_109 = arith.addi %mul3A_2, %add3A_108 : i32
      %dma_wait3A_110 = arith.constant 0 : i32
      %dma_wait3A_111 = tpu.memref_slice %arg6[%add3A_109, %dma_wait3A_110] : memref<10000x128xf32, #tpu.memory_space<vmem_shared>> -> memref<80x128xf32, #tpu.memory_space<vmem_shared>>
      %dma_wait3A_112 = arith.constant 0 : i32
      %dma_wait3A_113 = tpu.memref_slice %arg6[%add3A_109, %dma_wait3A_112] : memref<10000x128xf32, #tpu.memory_space<vmem_shared>> -> memref<80x128xf32, #tpu.memory_space<vmem_shared>>
      tpu.wait_dma2 semaphore(%arg11 : memref<!tpu.dma_semaphore, #tpu.memory_space<semaphore_mem>>) src(%run_scoped3A : memref<80x128xf32, #tpu.memory_space<vmem>>) dst(%dma_wait3A_113 : memref<80x128xf32, #tpu.memory_space<vmem_shared>>)
      %add3A_114 = arith.constant 320 : i32
      %add3A_115 = arith.addi %mul3A_2, %add3A_114 : i32
      %dma_wait3A_116 = arith.constant 0 : i32
      %dma_wait3A_117 = tpu.memref_slice %arg6[%add3A_115, %dma_wait3A_116] : memref<10000x128xf32, #tpu.memory_space<vmem_shared>> -> memref<80x128xf32, #tpu.memory_space<vmem_shared>>
      %dma_wait3A_118 = arith.constant 0 : i32
      %dma_wait3A_119 = tpu.memref_slice %arg6[%add3A_115, %dma_wait3A_118] : memref<10000x128xf32, #tpu.memory_space<vmem_shared>> -> memref<80x128xf32, #tpu.memory_space<vmem_shared>>
      tpu.wait_dma2 semaphore(%arg11 : memref<!tpu.dma_semaphore, #tpu.memory_space<semaphore_mem>>) src(%run_scoped3A : memref<80x128xf32, #tpu.memory_space<vmem>>) dst(%dma_wait3A_119 : memref<80x128xf32, #tpu.memory_space<vmem_shared>>)
      %add3A_120 = arith.constant 400 : i32
      %add3A_121 = arith.addi %mul3A_2, %add3A_120 : i32
      %dma_wait3A_122 = arith.constant 0 : i32
      %dma_wait3A_123 = tpu.memref_slice %arg6[%add3A_121, %dma_wait3A_122] : memref<10000x128xf32, #tpu.memory_space<vmem_shared>> -> memref<80x128xf32, #tpu.memory_space<vmem_shared>>
      %dma_wait3A_124 = arith.constant 0 : i32
      %dma_wait3A_125 = tpu.memref_slice %arg6[%add3A_121, %dma_wait3A_124] : memref<10000x128xf32, #tpu.memory_space<vmem_shared>> -> memref<80x128xf32, #tpu.memory_space<vmem_shared>>
      tpu.wait_dma2 semaphore(%arg11 : memref<!tpu.dma_semaphore, #tpu.memory_space<semaphore_mem>>) src(%run_scoped3A : memref<80x128xf32, #tpu.memory_space<vmem>>) dst(%dma_wait3A_125 : memref<80x128xf32, #tpu.memory_space<vmem_shared>>)
      %add3A_126 = arith.constant 480 : i32
      %add3A_127 = arith.addi %mul3A_2, %add3A_126 : i32
      %dma_wait3A_128 = arith.constant 0 : i32
      %dma_wait3A_129 = tpu.memref_slice %arg6[%add3A_127, %dma_wait3A_128] : memref<10000x128xf32, #tpu.memory_space<vmem_shared>> -> memref<80x128xf32, #tpu.memory_space<vmem_shared>>
      %dma_wait3A_130 = arith.constant 0 : i32
      %dma_wait3A_131 = tpu.memref_slice %arg6[%add3A_127, %dma_wait3A_130] : memref<10000x128xf32, #tpu.memory_space<vmem_shared>> -> memref<80x128xf32, #tpu.memory_space<vmem_shared>>
      tpu.wait_dma2 semaphore(%arg11 : memref<!tpu.dma_semaphore, #tpu.memory_space<semaphore_mem>>) src(%run_scoped3A : memref<80x128xf32, #tpu.memory_space<vmem>>) dst(%dma_wait3A_131 : memref<80x128xf32, #tpu.memory_space<vmem_shared>>)
      %add3A_132 = arith.constant 560 : i32
      %add3A_133 = arith.addi %mul3A_2, %add3A_132 : i32
      %dma_wait3A_134 = arith.constant 0 : i32
      %dma_wait3A_135 = arith.constant 0 : i32
      %dma_wait3A_136 = tpu.memref_slice %run_scoped3A[%dma_wait3A_134, %dma_wait3A_135] : memref<80x128xf32, #tpu.memory_space<vmem>> -> memref<65x128xf32, #tpu.memory_space<vmem>>
      %dma_wait3A_137 = arith.constant 0 : i32
      %dma_wait3A_138 = tpu.memref_slice %arg6[%add3A_133, %dma_wait3A_137] : memref<10000x128xf32, #tpu.memory_space<vmem_shared>> -> memref<65x128xf32, #tpu.memory_space<vmem_shared>>
      %dma_wait3A_139 = arith.constant 0 : i32
      %dma_wait3A_140 = tpu.memref_slice %arg6[%add3A_133, %dma_wait3A_139] : memref<10000x128xf32, #tpu.memory_space<vmem_shared>> -> memref<65x128xf32, #tpu.memory_space<vmem_shared>>
      %dma_wait3A_141 = arith.constant 0 : i32
      %dma_wait3A_142 = arith.constant 0 : i32
      %dma_wait3A_143 = tpu.memref_slice %run_scoped3A[%dma_wait3A_141, %dma_wait3A_142] : memref<80x128xf32, #tpu.memory_space<vmem>> -> memref<65x128xf32, #tpu.memory_space<vmem>>
      tpu.wait_dma2 semaphore(%arg11 : memref<!tpu.dma_semaphore, #tpu.memory_space<semaphore_mem>>) src(%dma_wait3A_143 : memref<65x128xf32, #tpu.memory_space<vmem>>) dst(%dma_wait3A_140 : memref<65x128xf32, #tpu.memory_space<vmem_shared>>)
      %dma_wait3A_144 = arith.constant 0 : i32
      %dma_wait3A_145 = arith.constant 0 : i32
      %dma_wait3A_146 = tpu.memref_slice %arg3[%add3A, %dma_wait3A_144, %dma_wait3A_145] : memref<32x125x80xi32, #tpu.memory_space<hbm>> -> memref<1x125x80xi32, #tpu.memory_space<hbm>>
      %dma_wait3A_147 = tpu.memref_squeeze %dma_wait3A_146 : memref<1x125x80xi32, #tpu.memory_space<hbm>> -> memref<125x80xi32, #tpu.memory_space<hbm>>
      %dma_wait3A_148 = arith.constant 0 : i32
      %dma_wait3A_149 = arith.constant 0 : i32
      %dma_wait3A_150 = tpu.memref_slice %arg3[%add3A, %dma_wait3A_148, %dma_wait3A_149] : memref<32x125x80xi32, #tpu.memory_space<hbm>> -> memref<1x125x80xi32, #tpu.memory_space<hbm>>
      %dma_wait3A_151 = tpu.memref_squeeze %dma_wait3A_150 : memref<1x125x80xi32, #tpu.memory_space<hbm>> -> memref<125x80xi32, #tpu.memory_space<hbm>>
      tpu.wait_dma2 semaphore(%arg9 : memref<!tpu.dma_semaphore, #tpu.memory_space<semaphore_mem>>) src(%dma_wait3A_151 : memref<125x80xi32, #tpu.memory_space<hbm>>) dst(%arg7 : memref<125x80xi32, #tpu.memory_space<vmem>>)
      %dma_wait3A_152 = arith.constant 0 : i32
      %dma_wait3A_153 = arith.constant 0 : i32
      %dma_wait3A_154 = tpu.memref_slice %arg4[%add3A, %dma_wait3A_152, %dma_wait3A_153] : memref<32x125x80xi32, #tpu.memory_space<hbm>> -> memref<1x125x80xi32, #tpu.memory_space<hbm>>
      %dma_wait3A_155 = tpu.memref_squeeze %dma_wait3A_154 : memref<1x125x80xi32, #tpu.memory_space<hbm>> -> memref<125x80xi32, #tpu.memory_space<hbm>>
      %dma_wait3A_156 = arith.constant 0 : i32
      %dma_wait3A_157 = arith.constant 0 : i32
      %dma_wait3A_158 = tpu.memref_slice %arg4[%add3A, %dma_wait3A_156, %dma_wait3A_157] : memref<32x125x80xi32, #tpu.memory_space<hbm>> -> memref<1x125x80xi32, #tpu.memory_space<hbm>>
      %dma_wait3A_159 = tpu.memref_squeeze %dma_wait3A_158 : memref<1x125x80xi32, #tpu.memory_space<hbm>> -> memref<125x80xi32, #tpu.memory_space<hbm>>
      tpu.wait_dma2 semaphore(%arg10 : memref<!tpu.dma_semaphore, #tpu.memory_space<semaphore_mem>>) src(%dma_wait3A_159 : memref<125x80xi32, #tpu.memory_space<hbm>>) dst(%arg8 : memref<125x80xi32, #tpu.memory_space<vmem>>)
      %barrier3A_160 = arith.constant 0 : index
      tpu.barrier barrier_id(%barrier3A_160)
      %dma_start3A_161 = arith.constant 0 : i32
      %dma_start3A_162 = arith.constant 0 : i32
      %dma_start3A_163 = arith.constant 0 : i32
      %dma_start3A_164 = tpu.memref_slice %run_scoped3A[%dma_start3A_162, %dma_start3A_163] : memref<80x128xf32, #tpu.memory_space<vmem>> -> memref<40x128xf32, #tpu.memory_space<vmem>>
      %dma_start3A_165 = arith.constant 0 : i32
      %dma_start3A_166 = tpu.memref_slice %arg7[%dma_start3A_161, %dma_start3A_165] : memref<125x80xi32, #tpu.memory_space<vmem>> -> memref<1x40xi32, #tpu.memory_space<vmem>>
      %dma_start3A_167 = tpu.memref_squeeze %dma_start3A_166 : memref<1x40xi32, #tpu.memory_space<vmem>> -> memref<40xi32, #tpu.memory_space<vmem>>
      %dma_start3A_168 = arith.constant 0 : i32
      %dma_start3A_169 = arith.constant 0 : i32
      %dma_start3A_170 = tpu.memref_slice %arg2[%dma_start3A_168, %dma_start3A_169] : memref<10000x128xf32, #tpu.memory_space<hbm>> -> memref<10000x128xf32, #tpu.memory_space<hbm>>
      tpu.enqueue_indirect_dma source(%dma_start3A_170 : memref<10000x128xf32, #tpu.memory_space<hbm>>) target(%dma_start3A_164 : memref<40x128xf32, #tpu.memory_space<vmem>>) offsets(%dma_start3A_167 : memref<40xi32, #tpu.memory_space<vmem>>) semaphore(%arg9 : memref<!tpu.dma_semaphore, #tpu.memory_space<semaphore_mem>>)
      %dma_start3A_171 = arith.constant 0 : i32
      %dma_start3A_172 = arith.constant 40 : i32
      %dma_start3A_173 = arith.constant 0 : i32
      %dma_start3A_174 = tpu.memref_slice %run_scoped3A[%dma_start3A_172, %dma_start3A_173] : memref<80x128xf32, #tpu.memory_space<vmem>> -> memref<40x128xf32, #tpu.memory_space<vmem>>
      %dma_start3A_175 = arith.constant 40 : i32
      %dma_start3A_176 = tpu.memref_slice %arg7[%dma_start3A_171, %dma_start3A_175] : memref<125x80xi32, #tpu.memory_space<vmem>> -> memref<1x40xi32, #tpu.memory_space<vmem>>
      %dma_start3A_177 = tpu.memref_squeeze %dma_start3A_176 : memref<1x40xi32, #tpu.memory_space<vmem>> -> memref<40xi32, #tpu.memory_space<vmem>>
      %dma_start3A_178 = arith.constant 0 : i32
      %dma_start3A_179 = arith.constant 0 : i32
      %dma_start3A_180 = tpu.memref_slice %arg2[%dma_start3A_178, %dma_start3A_179] : memref<10000x128xf32, #tpu.memory_space<hbm>> -> memref<10000x128xf32, #tpu.memory_space<hbm>>
      tpu.enqueue_indirect_dma source(%dma_start3A_180 : memref<10000x128xf32, #tpu.memory_space<hbm>>) target(%dma_start3A_174 : memref<40x128xf32, #tpu.memory_space<vmem>>) offsets(%dma_start3A_177 : memref<40xi32, #tpu.memory_space<vmem>>) semaphore(%arg9 : memref<!tpu.dma_semaphore, #tpu.memory_space<semaphore_mem>>)
      %dma_start3A_181 = arith.constant 1 : i32
      %dma_start3A_182 = arith.constant 0 : i32
      %dma_start3A_183 = arith.constant 0 : i32
      %dma_start3A_184 = tpu.memref_slice %run_scoped3A_28[%dma_start3A_182, %dma_start3A_183] : memref<80x128xf32, #tpu.memory_space<vmem>> -> memref<40x128xf32, #tpu.memory_space<vmem>>
      %dma_start3A_185 = arith.constant 0 : i32
      %dma_start3A_186 = tpu.memref_slice %arg7[%dma_start3A_181, %dma_start3A_185] : memref<125x80xi32, #tpu.memory_space<vmem>> -> memref<1x40xi32, #tpu.memory_space<vmem>>
      %dma_start3A_187 = tpu.memref_squeeze %dma_start3A_186 : memref<1x40xi32, #tpu.memory_space<vmem>> -> memref<40xi32, #tpu.memory_space<vmem>>
      %dma_start3A_188 = arith.constant 0 : i32
      %dma_start3A_189 = arith.constant 0 : i32
      %dma_start3A_190 = tpu.memref_slice %arg2[%dma_start3A_188, %dma_start3A_189] : memref<10000x128xf32, #tpu.memory_space<hbm>> -> memref<10000x128xf32, #tpu.memory_space<hbm>>
      tpu.enqueue_indirect_dma source(%dma_start3A_190 : memref<10000x128xf32, #tpu.memory_space<hbm>>) target(%dma_start3A_184 : memref<40x128xf32, #tpu.memory_space<vmem>>) offsets(%dma_start3A_187 : memref<40xi32, #tpu.memory_space<vmem>>) semaphore(%arg10 : memref<!tpu.dma_semaphore, #tpu.memory_space<semaphore_mem>>)
      %dma_start3A_191 = arith.constant 1 : i32
      %dma_start3A_192 = arith.constant 40 : i32
      %dma_start3A_193 = arith.constant 0 : i32
      %dma_start3A_194 = tpu.memref_slice %run_scoped3A_28[%dma_start3A_192, %dma_start3A_193] : memref<80x128xf32, #tpu.memory_space<vmem>> -> memref<40x128xf32, #tpu.memory_space<vmem>>
      %dma_start3A_195 = arith.constant 40 : i32
      %dma_start3A_196 = tpu.memref_slice %arg7[%dma_start3A_191, %dma_start3A_195] : memref<125x80xi32, #tpu.memory_space<vmem>> -> memref<1x40xi32, #tpu.memory_space<vmem>>
      %dma_start3A_197 = tpu.memref_squeeze %dma_start3A_196 : memref<1x40xi32, #tpu.memory_space<vmem>> -> memref<40xi32, #tpu.memory_space<vmem>>
      %dma_start3A_198 = arith.constant 0 : i32
      %dma_start3A_199 = arith.constant 0 : i32
      %dma_start3A_200 = tpu.memref_slice %arg2[%dma_start3A_198, %dma_start3A_199] : memref<10000x128xf32, #tpu.memory_space<hbm>> -> memref<10000x128xf32, #tpu.memory_space<hbm>>
      tpu.enqueue_indirect_dma source(%dma_start3A_200 : memref<10000x128xf32, #tpu.memory_space<hbm>>) target(%dma_start3A_194 : memref<40x128xf32, #tpu.memory_space<vmem>>) offsets(%dma_start3A_197 : memref<40xi32, #tpu.memory_space<vmem>>) semaphore(%arg10 : memref<!tpu.dma_semaphore, #tpu.memory_space<semaphore_mem>>)
      %scan3A_201 = arith.constant 0 : i32
      %scan3A_202 = arith.constant 0 : i32
      %scan3A_203 = arith.constant 41 : i32
      %scan3A_204 = arith.addi %scan3A_202, %scan3A_203 : i32
      %scan3A_205 = arith.constant 1 : i32
      %scan3A_206 = scf.for %scan3A_257 = %scan3A_202 to %scan3A_204 step %scan3A_205 iter_args(%scan3A_258 = %scan3A_201) -> (i32)  : i32 {
        %mul3A_259 = arith.constant 3 : i32
        %mul3A_260 = arith.muli %mul3A_259, %scan3A_257 : i32
        %add3A_261 = arith.constant 0 : i32
        %add3A_262 = arith.addi %mul3A_260, %add3A_261 : i32
        %dma_wait3A_263 = arith.constant 0 : i32
        %dma_wait3A_264 = arith.constant 0 : i32
        %dma_wait3A_265 = tpu.memref_slice %run_scoped3A[%dma_wait3A_263, %dma_wait3A_264] : memref<80x128xf32, #tpu.memory_space<vmem>> -> memref<40x128xf32, #tpu.memory_space<vmem>>
        %dma_wait3A_266 = arith.constant 0 : i32
        %dma_wait3A_267 = tpu.memref_slice %arg7[%add3A_262, %dma_wait3A_266] : memref<125x80xi32, #tpu.memory_space<vmem>> -> memref<1x40xi32, #tpu.memory_space<vmem>>
        %dma_wait3A_268 = tpu.memref_squeeze %dma_wait3A_267 : memref<1x40xi32, #tpu.memory_space<vmem>> -> memref<40xi32, #tpu.memory_space<vmem>>
        %dma_wait3A_269 = arith.constant 0 : i32
        %dma_wait3A_270 = arith.constant 0 : i32
        %dma_wait3A_271 = tpu.memref_slice %arg2[%dma_wait3A_269, %dma_wait3A_270] : memref<10000x128xf32, #tpu.memory_space<hbm>> -> memref<10000x128xf32, #tpu.memory_space<hbm>>
        tpu.wait_indirect_dma semaphore(%arg9 : memref<!tpu.dma_semaphore, #tpu.memory_space<semaphore_mem>>) src(%dma_wait3A_271 : memref<10000x128xf32, #tpu.memory_space<hbm>>) dst(%dma_wait3A_265 : memref<40x128xf32, #tpu.memory_space<vmem>>)
        %dma_wait3A_272 = arith.constant 40 : i32
        %dma_wait3A_273 = arith.constant 0 : i32
        %dma_wait3A_274 = tpu.memref_slice %run_scoped3A[%dma_wait3A_272, %dma_wait3A_273] : memref<80x128xf32, #tpu.memory_space<vmem>> -> memref<40x128xf32, #tpu.memory_space<vmem>>
        %dma_wait3A_275 = arith.constant 40 : i32
        %dma_wait3A_276 = tpu.memref_slice %arg7[%add3A_262, %dma_wait3A_275] : memref<125x80xi32, #tpu.memory_space<vmem>> -> memref<1x40xi32, #tpu.memory_space<vmem>>
        %dma_wait3A_277 = tpu.memref_squeeze %dma_wait3A_276 : memref<1x40xi32, #tpu.memory_space<vmem>> -> memref<40xi32, #tpu.memory_space<vmem>>
        %dma_wait3A_278 = arith.constant 0 : i32
        %dma_wait3A_279 = arith.constant 0 : i32
        %dma_wait3A_280 = tpu.memref_slice %arg2[%dma_wait3A_278, %dma_wait3A_279] : memref<10000x128xf32, #tpu.memory_space<hbm>> -> memref<10000x128xf32, #tpu.memory_space<hbm>>
        tpu.wait_indirect_dma semaphore(%arg9 : memref<!tpu.dma_semaphore, #tpu.memory_space<semaphore_mem>>) src(%dma_wait3A_280 : memref<10000x128xf32, #tpu.memory_space<hbm>>) dst(%dma_wait3A_274 : memref<40x128xf32, #tpu.memory_space<vmem>>)
        %dma_start3A_281 = arith.constant 0 : i32
        %dma_start3A_282 = tpu.memref_slice %arg8[%add3A_262, %dma_start3A_281] : memref<125x80xi32, #tpu.memory_space<vmem>> -> memref<1x80xi32, #tpu.memory_space<vmem>>
        %dma_start3A_283 = tpu.memref_squeeze %dma_start3A_282 : memref<1x80xi32, #tpu.memory_space<vmem>> -> memref<80xi32, #tpu.memory_space<vmem>>
        %dma_start3A_284 = arith.constant 0 : i32
        %dma_start3A_285 = arith.constant 0 : i32
        %dma_start3A_286 = tpu.memref_slice %arg6[%dma_start3A_284, %dma_start3A_285] : memref<10000x128xf32, #tpu.memory_space<vmem_shared>> -> memref<10000x128xf32, #tpu.memory_space<vmem_shared>>
        tpu.enqueue_indirect_dma source(%run_scoped3A : memref<80x128xf32, #tpu.memory_space<vmem>>) target(%dma_start3A_286 : memref<10000x128xf32, #tpu.memory_space<vmem_shared>>) offsets(%dma_start3A_283 : memref<80xi32, #tpu.memory_space<vmem>>) semaphore(%arg12 : memref<!tpu.dma_semaphore, #tpu.memory_space<semaphore_mem>>) {add = true}
        %add3A_287 = arith.constant 2 : i32
        %add3A_288 = arith.addi %add3A_262, %add3A_287 : i32
        %lt3A = arith.constant 125 : i32
        %lt3A_289 = arith.cmpi slt, %add3A_288, %lt3A : i32
        %convert_element_type3A = arith.extui %lt3A_289 : i1 to i32
        %cond3A = arith.constant 0 : i32
        %cond3A_290 = arith.cmpi ne, %convert_element_type3A, %cond3A : i32
        scf.if %cond3A_290 {
          %ge3A = arith.constant 1 : i32
          %ge3A_362 = arith.cmpi sge, %add3A_262, %ge3A : i32
          %convert_element_type3A_363 = arith.extui %ge3A_362 : i1 to i32
          %cond3A_364 = arith.constant 0 : i32
          %cond3A_365 = arith.cmpi ne, %convert_element_type3A_363, %cond3A_364 : i32
          scf.if %cond3A_365 {
            %sub3A = arith.constant 1 : i32
            %sub3A_386 = arith.subi %add3A_262, %sub3A : i32
            %dma_wait3A_387 = arith.constant 0 : i32
            %dma_wait3A_388 = tpu.memref_slice %arg8[%sub3A_386, %dma_wait3A_387] : memref<125x80xi32, #tpu.memory_space<vmem>> -> memref<1x80xi32, #tpu.memory_space<vmem>>
            %dma_wait3A_389 = tpu.memref_squeeze %dma_wait3A_388 : memref<1x80xi32, #tpu.memory_space<vmem>> -> memref<80xi32, #tpu.memory_space<vmem>>
            %dma_wait3A_390 = arith.constant 0 : i32
            %dma_wait3A_391 = arith.constant 0 : i32
            %dma_wait3A_392 = tpu.memref_slice %arg6[%dma_wait3A_390, %dma_wait3A_391] : memref<10000x128xf32, #tpu.memory_space<vmem_shared>> -> memref<10000x128xf32, #tpu.memory_space<vmem_shared>>
            tpu.wait_indirect_dma semaphore(%arg14 : memref<!tpu.dma_semaphore, #tpu.memory_space<semaphore_mem>>) src(%run_scoped3A_29 : memref<80x128xf32, #tpu.memory_space<vmem>>) dst(%dma_wait3A_392 : memref<10000x128xf32, #tpu.memory_space<vmem_shared>>)
          } else {
          }
          %add3A_366 = arith.constant 2 : i32
          %add3A_367 = arith.addi %add3A_262, %add3A_366 : i32
          %dma_start3A_368 = arith.constant 0 : i32
          %dma_start3A_369 = arith.constant 0 : i32
          %dma_start3A_370 = tpu.memref_slice %run_scoped3A_29[%dma_start3A_368, %dma_start3A_369] : memref<80x128xf32, #tpu.memory_space<vmem>> -> memref<40x128xf32, #tpu.memory_space<vmem>>
          %dma_start3A_371 = arith.constant 0 : i32
          %dma_start3A_372 = tpu.memref_slice %arg7[%add3A_367, %dma_start3A_371] : memref<125x80xi32, #tpu.memory_space<vmem>> -> memref<1x40xi32, #tpu.memory_space<vmem>>
          %dma_start3A_373 = tpu.memref_squeeze %dma_start3A_372 : memref<1x40xi32, #tpu.memory_space<vmem>> -> memref<40xi32, #tpu.memory_space<vmem>>
          %dma_start3A_374 = arith.constant 0 : i32
          %dma_start3A_375 = arith.constant 0 : i32
          %dma_start3A_376 = tpu.memref_slice %arg2[%dma_start3A_374, %dma_start3A_375] : memref<10000x128xf32, #tpu.memory_space<hbm>> -> memref<10000x128xf32, #tpu.memory_space<hbm>>
          tpu.enqueue_indirect_dma source(%dma_start3A_376 : memref<10000x128xf32, #tpu.memory_space<hbm>>) target(%dma_start3A_370 : memref<40x128xf32, #tpu.memory_space<vmem>>) offsets(%dma_start3A_373 : memref<40xi32, #tpu.memory_space<vmem>>) semaphore(%arg11 : memref<!tpu.dma_semaphore, #tpu.memory_space<semaphore_mem>>)
          %dma_start3A_377 = arith.constant 40 : i32
          %dma_start3A_378 = arith.constant 0 : i32
          %dma_start3A_379 = tpu.memref_slice %run_scoped3A_29[%dma_start3A_377, %dma_start3A_378] : memref<80x128xf32, #tpu.memory_space<vmem>> -> memref<40x128xf32, #tpu.memory_space<vmem>>
          %dma_start3A_380 = arith.constant 40 : i32
          %dma_start3A_381 = tpu.memref_slice %arg7[%add3A_367, %dma_start3A_380] : memref<125x80xi32, #tpu.memory_space<vmem>> -> memref<1x40xi32, #tpu.memory_space<vmem>>
          %dma_start3A_382 = tpu.memref_squeeze %dma_start3A_381 : memref<1x40xi32, #tpu.memory_space<vmem>> -> memref<40xi32, #tpu.memory_space<vmem>>
          %dma_start3A_383 = arith.constant 0 : i32
          %dma_start3A_384 = arith.constant 0 : i32
          %dma_start3A_385 = tpu.memref_slice %arg2[%dma_start3A_383, %dma_start3A_384] : memref<10000x128xf32, #tpu.memory_space<hbm>> -> memref<10000x128xf32, #tpu.memory_space<hbm>>
          tpu.enqueue_indirect_dma source(%dma_start3A_385 : memref<10000x128xf32, #tpu.memory_space<hbm>>) target(%dma_start3A_379 : memref<40x128xf32, #tpu.memory_space<vmem>>) offsets(%dma_start3A_382 : memref<40xi32, #tpu.memory_space<vmem>>) semaphore(%arg11 : memref<!tpu.dma_semaphore, #tpu.memory_space<semaphore_mem>>)
        } else {
        }
        %mul3A_291 = arith.constant 3 : i32
        %mul3A_292 = arith.muli %mul3A_291, %scan3A_257 : i32
        %add3A_293 = arith.constant 1 : i32
        %add3A_294 = arith.addi %mul3A_292, %add3A_293 : i32
        %dma_wait3A_295 = arith.constant 0 : i32
        %dma_wait3A_296 = arith.constant 0 : i32
        %dma_wait3A_297 = tpu.memref_slice %run_scoped3A_28[%dma_wait3A_295, %dma_wait3A_296] : memref<80x128xf32, #tpu.memory_space<vmem>> -> memref<40x128xf32, #tpu.memory_space<vmem>>
        %dma_wait3A_298 = arith.constant 0 : i32
        %dma_wait3A_299 = tpu.memref_slice %arg7[%add3A_294, %dma_wait3A_298] : memref<125x80xi32, #tpu.memory_space<vmem>> -> memref<1x40xi32, #tpu.memory_space<vmem>>
        %dma_wait3A_300 = tpu.memref_squeeze %dma_wait3A_299 : memref<1x40xi32, #tpu.memory_space<vmem>> -> memref<40xi32, #tpu.memory_space<vmem>>
        %dma_wait3A_301 = arith.constant 0 : i32
        %dma_wait3A_302 = arith.constant 0 : i32
        %dma_wait3A_303 = tpu.memref_slice %arg2[%dma_wait3A_301, %dma_wait3A_302] : memref<10000x128xf32, #tpu.memory_space<hbm>> -> memref<10000x128xf32, #tpu.memory_space<hbm>>
        tpu.wait_indirect_dma semaphore(%arg10 : memref<!tpu.dma_semaphore, #tpu.memory_space<semaphore_mem>>) src(%dma_wait3A_303 : memref<10000x128xf32, #tpu.memory_space<hbm>>) dst(%dma_wait3A_297 : memref<40x128xf32, #tpu.memory_space<vmem>>)
        %dma_wait3A_304 = arith.constant 40 : i32
        %dma_wait3A_305 = arith.constant 0 : i32
        %dma_wait3A_306 = tpu.memref_slice %run_scoped3A_28[%dma_wait3A_304, %dma_wait3A_305] : memref<80x128xf32, #tpu.memory_space<vmem>> -> memref<40x128xf32, #tpu.memory_space<vmem>>
        %dma_wait3A_307 = arith.constant 40 : i32
        %dma_wait3A_308 = tpu.memref_slice %arg7[%add3A_294, %dma_wait3A_307] : memref<125x80xi32, #tpu.memory_space<vmem>> -> memref<1x40xi32, #tpu.memory_space<vmem>>
        %dma_wait3A_309 = tpu.memref_squeeze %dma_wait3A_308 : memref<1x40xi32, #tpu.memory_space<vmem>> -> memref<40xi32, #tpu.memory_space<vmem>>
        %dma_wait3A_310 = arith.constant 0 : i32
        %dma_wait3A_311 = arith.constant 0 : i32
        %dma_wait3A_312 = tpu.memref_slice %arg2[%dma_wait3A_310, %dma_wait3A_311] : memref<10000x128xf32, #tpu.memory_space<hbm>> -> memref<10000x128xf32, #tpu.memory_space<hbm>>
        tpu.wait_indirect_dma semaphore(%arg10 : memref<!tpu.dma_semaphore, #tpu.memory_space<semaphore_mem>>) src(%dma_wait3A_312 : memref<10000x128xf32, #tpu.memory_space<hbm>>) dst(%dma_wait3A_306 : memref<40x128xf32, #tpu.memory_space<vmem>>)
        %dma_start3A_313 = arith.constant 0 : i32
        %dma_start3A_314 = tpu.memref_slice %arg8[%add3A_294, %dma_start3A_313] : memref<125x80xi32, #tpu.memory_space<vmem>> -> memref<1x80xi32, #tpu.memory_space<vmem>>
        %dma_start3A_315 = tpu.memref_squeeze %dma_start3A_314 : memref<1x80xi32, #tpu.memory_space<vmem>> -> memref<80xi32, #tpu.memory_space<vmem>>
        %dma_start3A_316 = arith.constant 0 : i32
        %dma_start3A_317 = arith.constant 0 : i32
        %dma_start3A_318 = tpu.memref_slice %arg6[%dma_start3A_316, %dma_start3A_317] : memref<10000x128xf32, #tpu.memory_space<vmem_shared>> -> memref<10000x128xf32, #tpu.memory_space<vmem_shared>>
        tpu.enqueue_indirect_dma source(%run_scoped3A_28 : memref<80x128xf32, #tpu.memory_space<vmem>>) target(%dma_start3A_318 : memref<10000x128xf32, #tpu.memory_space<vmem_shared>>) offsets(%dma_start3A_315 : memref<80xi32, #tpu.memory_space<vmem>>) semaphore(%arg13 : memref<!tpu.dma_semaphore, #tpu.memory_space<semaphore_mem>>) {add = true}
        %add3A_319 = arith.constant 2 : i32
        %add3A_320 = arith.addi %add3A_294, %add3A_319 : i32
        %lt3A_321 = arith.constant 125 : i32
        %lt3A_322 = arith.cmpi slt, %add3A_320, %lt3A_321 : i32
        %convert_element_type3A_323 = arith.extui %lt3A_322 : i1 to i32
        %cond3A_324 = arith.constant 0 : i32
        %cond3A_325 = arith.cmpi ne, %convert_element_type3A_323, %cond3A_324 : i32
        scf.if %cond3A_325 {
          %ge3A = arith.constant 1 : i32
          %ge3A_362 = arith.cmpi sge, %add3A_294, %ge3A : i32
          %convert_element_type3A_363 = arith.extui %ge3A_362 : i1 to i32
          %cond3A_364 = arith.constant 0 : i32
          %cond3A_365 = arith.cmpi ne, %convert_element_type3A_363, %cond3A_364 : i32
          scf.if %cond3A_365 {
            %sub3A = arith.constant 1 : i32
            %sub3A_386 = arith.subi %add3A_294, %sub3A : i32
            %dma_wait3A_387 = arith.constant 0 : i32
            %dma_wait3A_388 = tpu.memref_slice %arg8[%sub3A_386, %dma_wait3A_387] : memref<125x80xi32, #tpu.memory_space<vmem>> -> memref<1x80xi32, #tpu.memory_space<vmem>>
            %dma_wait3A_389 = tpu.memref_squeeze %dma_wait3A_388 : memref<1x80xi32, #tpu.memory_space<vmem>> -> memref<80xi32, #tpu.memory_space<vmem>>
            %dma_wait3A_390 = arith.constant 0 : i32
            %dma_wait3A_391 = arith.constant 0 : i32
            %dma_wait3A_392 = tpu.memref_slice %arg6[%dma_wait3A_390, %dma_wait3A_391] : memref<10000x128xf32, #tpu.memory_space<vmem_shared>> -> memref<10000x128xf32, #tpu.memory_space<vmem_shared>>
            tpu.wait_indirect_dma semaphore(%arg12 : memref<!tpu.dma_semaphore, #tpu.memory_space<semaphore_mem>>) src(%run_scoped3A : memref<80x128xf32, #tpu.memory_space<vmem>>) dst(%dma_wait3A_392 : memref<10000x128xf32, #tpu.memory_space<vmem_shared>>)
          } else {
          }
          %add3A_366 = arith.constant 2 : i32
          %add3A_367 = arith.addi %add3A_294, %add3A_366 : i32
          %dma_start3A_368 = arith.constant 0 : i32
          %dma_start3A_369 = arith.constant 0 : i32
          %dma_start3A_370 = tpu.memref_slice %run_scoped3A[%dma_start3A_368, %dma_start3A_369] : memref<80x128xf32, #tpu.memory_space<vmem>> -> memref<40x128xf32, #tpu.memory_space<vmem>>
          %dma_start3A_371 = arith.constant 0 : i32
          %dma_start3A_372 = tpu.memref_slice %arg7[%add3A_367, %dma_start3A_371] : memref<125x80xi32, #tpu.memory_space<vmem>> -> memref<1x40xi32, #tpu.memory_space<vmem>>
          %dma_start3A_373 = tpu.memref_squeeze %dma_start3A_372 : memref<1x40xi32, #tpu.memory_space<vmem>> -> memref<40xi32, #tpu.memory_space<vmem>>
          %dma_start3A_374 = arith.constant 0 : i32
          %dma_start3A_375 = arith.constant 0 : i32
          %dma_start3A_376 = tpu.memref_slice %arg2[%dma_start3A_374, %dma_start3A_375] : memref<10000x128xf32, #tpu.memory_space<hbm>> -> memref<10000x128xf32, #tpu.memory_space<hbm>>
          tpu.enqueue_indirect_dma source(%dma_start3A_376 : memref<10000x128xf32, #tpu.memory_space<hbm>>) target(%dma_start3A_370 : memref<40x128xf32, #tpu.memory_space<vmem>>) offsets(%dma_start3A_373 : memref<40xi32, #tpu.memory_space<vmem>>) semaphore(%arg9 : memref<!tpu.dma_semaphore, #tpu.memory_space<semaphore_mem>>)
          %dma_start3A_377 = arith.constant 40 : i32
          %dma_start3A_378 = arith.constant 0 : i32
          %dma_start3A_379 = tpu.memref_slice %run_scoped3A[%dma_start3A_377, %dma_start3A_378] : memref<80x128xf32, #tpu.memory_space<vmem>> -> memref<40x128xf32, #tpu.memory_space<vmem>>
          %dma_start3A_380 = arith.constant 40 : i32
          %dma_start3A_381 = tpu.memref_slice %arg7[%add3A_367, %dma_start3A_380] : memref<125x80xi32, #tpu.memory_space<vmem>> -> memref<1x40xi32, #tpu.memory_space<vmem>>
          %dma_start3A_382 = tpu.memref_squeeze %dma_start3A_381 : memref<1x40xi32, #tpu.memory_space<vmem>> -> memref<40xi32, #tpu.memory_space<vmem>>
          %dma_start3A_383 = arith.constant 0 : i32
          %dma_start3A_384 = arith.constant 0 : i32
          %dma_start3A_385 = tpu.memref_slice %arg2[%dma_start3A_383, %dma_start3A_384] : memref<10000x128xf32, #tpu.memory_space<hbm>> -> memref<10000x128xf32, #tpu.memory_space<hbm>>
          tpu.enqueue_indirect_dma source(%dma_start3A_385 : memref<10000x128xf32, #tpu.memory_space<hbm>>) target(%dma_start3A_379 : memref<40x128xf32, #tpu.memory_space<vmem>>) offsets(%dma_start3A_382 : memref<40xi32, #tpu.memory_space<vmem>>) semaphore(%arg9 : memref<!tpu.dma_semaphore, #tpu.memory_space<semaphore_mem>>)
        } else {
        }
        %mul3A_326 = arith.constant 3 : i32
        %mul3A_327 = arith.muli %mul3A_326, %scan3A_257 : i32
        %add3A_328 = arith.constant 2 : i32
        %add3A_329 = arith.addi %mul3A_327, %add3A_328 : i32
        %dma_wait3A_330 = arith.constant 0 : i32
        %dma_wait3A_331 = arith.constant 0 : i32
        %dma_wait3A_332 = tpu.memref_slice %run_scoped3A_29[%dma_wait3A_330, %dma_wait3A_331] : memref<80x128xf32, #tpu.memory_space<vmem>> -> memref<40x128xf32, #tpu.memory_space<vmem>>
        %dma_wait3A_333 = arith.constant 0 : i32
        %dma_wait3A_334 = tpu.memref_slice %arg7[%add3A_329, %dma_wait3A_333] : memref<125x80xi32, #tpu.memory_space<vmem>> -> memref<1x40xi32, #tpu.memory_space<vmem>>
        %dma_wait3A_335 = tpu.memref_squeeze %dma_wait3A_334 : memref<1x40xi32, #tpu.memory_space<vmem>> -> memref<40xi32, #tpu.memory_space<vmem>>
        %dma_wait3A_336 = arith.constant 0 : i32
        %dma_wait3A_337 = arith.constant 0 : i32
        %dma_wait3A_338 = tpu.memref_slice %arg2[%dma_wait3A_336, %dma_wait3A_337] : memref<10000x128xf32, #tpu.memory_space<hbm>> -> memref<10000x128xf32, #tpu.memory_space<hbm>>
        tpu.wait_indirect_dma semaphore(%arg11 : memref<!tpu.dma_semaphore, #tpu.memory_space<semaphore_mem>>) src(%dma_wait3A_338 : memref<10000x128xf32, #tpu.memory_space<hbm>>) dst(%dma_wait3A_332 : memref<40x128xf32, #tpu.memory_space<vmem>>)
        %dma_wait3A_339 = arith.constant 40 : i32
        %dma_wait3A_340 = arith.constant 0 : i32
        %dma_wait3A_341 = tpu.memref_slice %run_scoped3A_29[%dma_wait3A_339, %dma_wait3A_340] : memref<80x128xf32, #tpu.memory_space<vmem>> -> memref<40x128xf32, #tpu.memory_space<vmem>>
        %dma_wait3A_342 = arith.constant 40 : i32
        %dma_wait3A_343 = tpu.memref_slice %arg7[%add3A_329, %dma_wait3A_342] : memref<125x80xi32, #tpu.memory_space<vmem>> -> memref<1x40xi32, #tpu.memory_space<vmem>>
        %dma_wait3A_344 = tpu.memref_squeeze %dma_wait3A_343 : memref<1x40xi32, #tpu.memory_space<vmem>> -> memref<40xi32, #tpu.memory_space<vmem>>
        %dma_wait3A_345 = arith.constant 0 : i32
        %dma_wait3A_346 = arith.constant 0 : i32
        %dma_wait3A_347 = tpu.memref_slice %arg2[%dma_wait3A_345, %dma_wait3A_346] : memref<10000x128xf32, #tpu.memory_space<hbm>> -> memref<10000x128xf32, #tpu.memory_space<hbm>>
        tpu.wait_indirect_dma semaphore(%arg11 : memref<!tpu.dma_semaphore, #tpu.memory_space<semaphore_mem>>) src(%dma_wait3A_347 : memref<10000x128xf32, #tpu.memory_space<hbm>>) dst(%dma_wait3A_341 : memref<40x128xf32, #tpu.memory_space<vmem>>)
        %dma_start3A_348 = arith.constant 0 : i32
        %dma_start3A_349 = tpu.memref_slice %arg8[%add3A_329, %dma_start3A_348] : memref<125x80xi32, #tpu.memory_space<vmem>> -> memref<1x80xi32, #tpu.memory_space<vmem>>
        %dma_start3A_350 = tpu.memref_squeeze %dma_start3A_349 : memref<1x80xi32, #tpu.memory_space<vmem>> -> memref<80xi32, #tpu.memory_space<vmem>>
        %dma_start3A_351 = arith.constant 0 : i32
        %dma_start3A_352 = arith.constant 0 : i32
        %dma_start3A_353 = tpu.memref_slice %arg6[%dma_start3A_351, %dma_start3A_352] : memref<10000x128xf32, #tpu.memory_space<vmem_shared>> -> memref<10000x128xf32, #tpu.memory_space<vmem_shared>>
        tpu.enqueue_indirect_dma source(%run_scoped3A_29 : memref<80x128xf32, #tpu.memory_space<vmem>>) target(%dma_start3A_353 : memref<10000x128xf32, #tpu.memory_space<vmem_shared>>) offsets(%dma_start3A_350 : memref<80xi32, #tpu.memory_space<vmem>>) semaphore(%arg14 : memref<!tpu.dma_semaphore, #tpu.memory_space<semaphore_mem>>) {add = true}
        %add3A_354 = arith.constant 2 : i32
        %add3A_355 = arith.addi %add3A_329, %add3A_354 : i32
        %lt3A_356 = arith.constant 125 : i32
        %lt3A_357 = arith.cmpi slt, %add3A_355, %lt3A_356 : i32
        %convert_element_type3A_358 = arith.extui %lt3A_357 : i1 to i32
        %cond3A_359 = arith.constant 0 : i32
        %cond3A_360 = arith.cmpi ne, %convert_element_type3A_358, %cond3A_359 : i32
        scf.if %cond3A_360 {
          %ge3A = arith.constant 1 : i32
          %ge3A_362 = arith.cmpi sge, %add3A_329, %ge3A : i32
          %convert_element_type3A_363 = arith.extui %ge3A_362 : i1 to i32
          %cond3A_364 = arith.constant 0 : i32
          %cond3A_365 = arith.cmpi ne, %convert_element_type3A_363, %cond3A_364 : i32
          scf.if %cond3A_365 {
            %sub3A = arith.constant 1 : i32
            %sub3A_386 = arith.subi %add3A_329, %sub3A : i32
            %dma_wait3A_387 = arith.constant 0 : i32
            %dma_wait3A_388 = tpu.memref_slice %arg8[%sub3A_386, %dma_wait3A_387] : memref<125x80xi32, #tpu.memory_space<vmem>> -> memref<1x80xi32, #tpu.memory_space<vmem>>
            %dma_wait3A_389 = tpu.memref_squeeze %dma_wait3A_388 : memref<1x80xi32, #tpu.memory_space<vmem>> -> memref<80xi32, #tpu.memory_space<vmem>>
            %dma_wait3A_390 = arith.constant 0 : i32
            %dma_wait3A_391 = arith.constant 0 : i32
            %dma_wait3A_392 = tpu.memref_slice %arg6[%dma_wait3A_390, %dma_wait3A_391] : memref<10000x128xf32, #tpu.memory_space<vmem_shared>> -> memref<10000x128xf32, #tpu.memory_space<vmem_shared>>
            tpu.wait_indirect_dma semaphore(%arg13 : memref<!tpu.dma_semaphore, #tpu.memory_space<semaphore_mem>>) src(%run_scoped3A_28 : memref<80x128xf32, #tpu.memory_space<vmem>>) dst(%dma_wait3A_392 : memref<10000x128xf32, #tpu.memory_space<vmem_shared>>)
          } else {
          }
          %add3A_366 = arith.constant 2 : i32
          %add3A_367 = arith.addi %add3A_329, %add3A_366 : i32
          %dma_start3A_368 = arith.constant 0 : i32
          %dma_start3A_369 = arith.constant 0 : i32
          %dma_start3A_370 = tpu.memref_slice %run_scoped3A_28[%dma_start3A_368, %dma_start3A_369] : memref<80x128xf32, #tpu.memory_space<vmem>> -> memref<40x128xf32, #tpu.memory_space<vmem>>
          %dma_start3A_371 = arith.constant 0 : i32
          %dma_start3A_372 = tpu.memref_slice %arg7[%add3A_367, %dma_start3A_371] : memref<125x80xi32, #tpu.memory_space<vmem>> -> memref<1x40xi32, #tpu.memory_space<vmem>>
          %dma_start3A_373 = tpu.memref_squeeze %dma_start3A_372 : memref<1x40xi32, #tpu.memory_space<vmem>> -> memref<40xi32, #tpu.memory_space<vmem>>
          %dma_start3A_374 = arith.constant 0 : i32
          %dma_start3A_375 = arith.constant 0 : i32
          %dma_start3A_376 = tpu.memref_slice %arg2[%dma_start3A_374, %dma_start3A_375] : memref<10000x128xf32, #tpu.memory_space<hbm>> -> memref<10000x128xf32, #tpu.memory_space<hbm>>
          tpu.enqueue_indirect_dma source(%dma_start3A_376 : memref<10000x128xf32, #tpu.memory_space<hbm>>) target(%dma_start3A_370 : memref<40x128xf32, #tpu.memory_space<vmem>>) offsets(%dma_start3A_373 : memref<40xi32, #tpu.memory_space<vmem>>) semaphore(%arg10 : memref<!tpu.dma_semaphore, #tpu.memory_space<semaphore_mem>>)
          %dma_start3A_377 = arith.constant 40 : i32
          %dma_start3A_378 = arith.constant 0 : i32
          %dma_start3A_379 = tpu.memref_slice %run_scoped3A_28[%dma_start3A_377, %dma_start3A_378] : memref<80x128xf32, #tpu.memory_space<vmem>> -> memref<40x128xf32, #tpu.memory_space<vmem>>
          %dma_start3A_380 = arith.constant 40 : i32
          %dma_start3A_381 = tpu.memref_slice %arg7[%add3A_367, %dma_start3A_380] : memref<125x80xi32, #tpu.memory_space<vmem>> -> memref<1x40xi32, #tpu.memory_space<vmem>>
          %dma_start3A_382 = tpu.memref_squeeze %dma_start3A_381 : memref<1x40xi32, #tpu.memory_space<vmem>> -> memref<40xi32, #tpu.memory_space<vmem>>
          %dma_start3A_383 = arith.constant 0 : i32
          %dma_start3A_384 = arith.constant 0 : i32
          %dma_start3A_385 = tpu.memref_slice %arg2[%dma_start3A_383, %dma_start3A_384] : memref<10000x128xf32, #tpu.memory_space<hbm>> -> memref<10000x128xf32, #tpu.memory_space<hbm>>
          tpu.enqueue_indirect_dma source(%dma_start3A_385 : memref<10000x128xf32, #tpu.memory_space<hbm>>) target(%dma_start3A_379 : memref<40x128xf32, #tpu.memory_space<vmem>>) offsets(%dma_start3A_382 : memref<40xi32, #tpu.memory_space<vmem>>) semaphore(%arg10 : memref<!tpu.dma_semaphore, #tpu.memory_space<semaphore_mem>>)
        } else {
        }
        %scan3A_361 = arith.constant 0 : i32
        scf.yield %scan3A_361 : i32
      }
      %scan3A_207 = arith.constant 41 : i32
      %dma_wait3A_208 = arith.constant 122 : i32
      %dma_wait3A_209 = arith.constant 0 : i32
      %dma_wait3A_210 = tpu.memref_slice %arg8[%dma_wait3A_208, %dma_wait3A_209] : memref<125x80xi32, #tpu.memory_space<vmem>> -> memref<1x80xi32, #tpu.memory_space<vmem>>
      %dma_wait3A_211 = tpu.memref_squeeze %dma_wait3A_210 : memref<1x80xi32, #tpu.memory_space<vmem>> -> memref<80xi32, #tpu.memory_space<vmem>>
      %dma_wait3A_212 = arith.constant 0 : i32
      %dma_wait3A_213 = arith.constant 0 : i32
      %dma_wait3A_214 = tpu.memref_slice %arg6[%dma_wait3A_212, %dma_wait3A_213] : memref<10000x128xf32, #tpu.memory_space<vmem_shared>> -> memref<10000x128xf32, #tpu.memory_space<vmem_shared>>
      tpu.wait_indirect_dma semaphore(%arg14 : memref<!tpu.dma_semaphore, #tpu.memory_space<semaphore_mem>>) src(%run_scoped3A_29 : memref<80x128xf32, #tpu.memory_space<vmem>>) dst(%dma_wait3A_214 : memref<10000x128xf32, #tpu.memory_space<vmem_shared>>)
      %dma_wait3A_215 = arith.constant 123 : i32
      %dma_wait3A_216 = arith.constant 0 : i32
      %dma_wait3A_217 = arith.constant 0 : i32
      %dma_wait3A_218 = tpu.memref_slice %run_scoped3A[%dma_wait3A_216, %dma_wait3A_217] : memref<80x128xf32, #tpu.memory_space<vmem>> -> memref<40x128xf32, #tpu.memory_space<vmem>>
      %dma_wait3A_219 = arith.constant 0 : i32
      %dma_wait3A_220 = tpu.memref_slice %arg7[%dma_wait3A_215, %dma_wait3A_219] : memref<125x80xi32, #tpu.memory_space<vmem>> -> memref<1x40xi32, #tpu.memory_space<vmem>>
      %dma_wait3A_221 = tpu.memref_squeeze %dma_wait3A_220 : memref<1x40xi32, #tpu.memory_space<vmem>> -> memref<40xi32, #tpu.memory_space<vmem>>
      %dma_wait3A_222 = arith.constant 0 : i32
      %dma_wait3A_223 = arith.constant 0 : i32
      %dma_wait3A_224 = tpu.memref_slice %arg2[%dma_wait3A_222, %dma_wait3A_223] : memref<10000x128xf32, #tpu.memory_space<hbm>> -> memref<10000x128xf32, #tpu.memory_space<hbm>>
      tpu.wait_indirect_dma semaphore(%arg9 : memref<!tpu.dma_semaphore, #tpu.memory_space<semaphore_mem>>) src(%dma_wait3A_224 : memref<10000x128xf32, #tpu.memory_space<hbm>>) dst(%dma_wait3A_218 : memref<40x128xf32, #tpu.memory_space<vmem>>)
      %dma_wait3A_225 = arith.constant 123 : i32
      %dma_wait3A_226 = arith.constant 40 : i32
      %dma_wait3A_227 = arith.constant 0 : i32
      %dma_wait3A_228 = tpu.memref_slice %run_scoped3A[%dma_wait3A_226, %dma_wait3A_227] : memref<80x128xf32, #tpu.memory_space<vmem>> -> memref<40x128xf32, #tpu.memory_space<vmem>>
      %dma_wait3A_229 = arith.constant 40 : i32
      %dma_wait3A_230 = tpu.memref_slice %arg7[%dma_wait3A_225, %dma_wait3A_229] : memref<125x80xi32, #tpu.memory_space<vmem>> -> memref<1x40xi32, #tpu.memory_space<vmem>>
      %dma_wait3A_231 = tpu.memref_squeeze %dma_wait3A_230 : memref<1x40xi32, #tpu.memory_space<vmem>> -> memref<40xi32, #tpu.memory_space<vmem>>
      %dma_wait3A_232 = arith.constant 0 : i32
      %dma_wait3A_233 = arith.constant 0 : i32
      %dma_wait3A_234 = tpu.memref_slice %arg2[%dma_wait3A_232, %dma_wait3A_233] : memref<10000x128xf32, #tpu.memory_space<hbm>> -> memref<10000x128xf32, #tpu.memory_space<hbm>>
      tpu.wait_indirect_dma semaphore(%arg9 : memref<!tpu.dma_semaphore, #tpu.memory_space<semaphore_mem>>) src(%dma_wait3A_234 : memref<10000x128xf32, #tpu.memory_space<hbm>>) dst(%dma_wait3A_228 : memref<40x128xf32, #tpu.memory_space<vmem>>)
      %run_scoped3A_235 = arith.constant 123 : i32
      "tpu.region"() ({
        %run_scoped3A_257 = tpu.sem_alloc : memref<!tpu.dma_semaphore, #tpu.memory_space<semaphore_mem>>
        %dma_start3A_258 = arith.constant 0 : i32
        %dma_start3A_259 = tpu.memref_slice %arg8[%run_scoped3A_235, %dma_start3A_258] : memref<125x80xi32, #tpu.memory_space<vmem>> -> memref<1x80xi32, #tpu.memory_space<vmem>>
        %dma_start3A_260 = tpu.memref_squeeze %dma_start3A_259 : memref<1x80xi32, #tpu.memory_space<vmem>> -> memref<80xi32, #tpu.memory_space<vmem>>
        %dma_start3A_261 = arith.constant 0 : i32
        %dma_start3A_262 = arith.constant 0 : i32
        %dma_start3A_263 = tpu.memref_slice %arg6[%dma_start3A_261, %dma_start3A_262] : memref<10000x128xf32, #tpu.memory_space<vmem_shared>> -> memref<10000x128xf32, #tpu.memory_space<vmem_shared>>
        tpu.enqueue_indirect_dma source(%run_scoped3A : memref<80x128xf32, #tpu.memory_space<vmem>>) target(%dma_start3A_263 : memref<10000x128xf32, #tpu.memory_space<vmem_shared>>) offsets(%dma_start3A_260 : memref<80xi32, #tpu.memory_space<vmem>>) semaphore(%run_scoped3A_257 : memref<!tpu.dma_semaphore, #tpu.memory_space<semaphore_mem>>) {add = true}
        %dma_wait3A_264 = arith.constant 0 : i32
        %dma_wait3A_265 = tpu.memref_slice %arg8[%run_scoped3A_235, %dma_wait3A_264] : memref<125x80xi32, #tpu.memory_space<vmem>> -> memref<1x80xi32, #tpu.memory_space<vmem>>
        %dma_wait3A_266 = tpu.memref_squeeze %dma_wait3A_265 : memref<1x80xi32, #tpu.memory_space<vmem>> -> memref<80xi32, #tpu.memory_space<vmem>>
        %dma_wait3A_267 = arith.constant 0 : i32
        %dma_wait3A_268 = arith.constant 0 : i32
        %dma_wait3A_269 = tpu.memref_slice %arg6[%dma_wait3A_267, %dma_wait3A_268] : memref<10000x128xf32, #tpu.memory_space<vmem_shared>> -> memref<10000x128xf32, #tpu.memory_space<vmem_shared>>
        tpu.wait_indirect_dma semaphore(%run_scoped3A_257 : memref<!tpu.dma_semaphore, #tpu.memory_space<semaphore_mem>>) src(%run_scoped3A : memref<80x128xf32, #tpu.memory_space<vmem>>) dst(%dma_wait3A_269 : memref<10000x128xf32, #tpu.memory_space<vmem_shared>>)
        tpu.yield
      }) : () -> ()
      %dma_wait3A_236 = arith.constant 124 : i32
      %dma_wait3A_237 = arith.constant 0 : i32
      %dma_wait3A_238 = arith.constant 0 : i32
      %dma_wait3A_239 = tpu.memref_slice %run_scoped3A_28[%dma_wait3A_237, %dma_wait3A_238] : memref<80x128xf32, #tpu.memory_space<vmem>> -> memref<40x128xf32, #tpu.memory_space<vmem>>
      %dma_wait3A_240 = arith.constant 0 : i32
      %dma_wait3A_241 = tpu.memref_slice %arg7[%dma_wait3A_236, %dma_wait3A_240] : memref<125x80xi32, #tpu.memory_space<vmem>> -> memref<1x40xi32, #tpu.memory_space<vmem>>
      %dma_wait3A_242 = tpu.memref_squeeze %dma_wait3A_241 : memref<1x40xi32, #tpu.memory_space<vmem>> -> memref<40xi32, #tpu.memory_space<vmem>>
      %dma_wait3A_243 = arith.constant 0 : i32
      %dma_wait3A_244 = arith.constant 0 : i32
      %dma_wait3A_245 = tpu.memref_slice %arg2[%dma_wait3A_243, %dma_wait3A_244] : memref<10000x128xf32, #tpu.memory_space<hbm>> -> memref<10000x128xf32, #tpu.memory_space<hbm>>
      tpu.wait_indirect_dma semaphore(%arg10 : memref<!tpu.dma_semaphore, #tpu.memory_space<semaphore_mem>>) src(%dma_wait3A_245 : memref<10000x128xf32, #tpu.memory_space<hbm>>) dst(%dma_wait3A_239 : memref<40x128xf32, #tpu.memory_space<vmem>>)
      %dma_wait3A_246 = arith.constant 124 : i32
      %dma_wait3A_247 = arith.constant 40 : i32
      %dma_wait3A_248 = arith.constant 0 : i32
      %dma_wait3A_249 = tpu.memref_slice %run_scoped3A_28[%dma_wait3A_247, %dma_wait3A_248] : memref<80x128xf32, #tpu.memory_space<vmem>> -> memref<40x128xf32, #tpu.memory_space<vmem>>
      %dma_wait3A_250 = arith.constant 40 : i32
      %dma_wait3A_251 = tpu.memref_slice %arg7[%dma_wait3A_246, %dma_wait3A_250] : memref<125x80xi32, #tpu.memory_space<vmem>> -> memref<1x40xi32, #tpu.memory_space<vmem>>
      %dma_wait3A_252 = tpu.memref_squeeze %dma_wait3A_251 : memref<1x40xi32, #tpu.memory_space<vmem>> -> memref<40xi32, #tpu.memory_space<vmem>>
      %dma_wait3A_253 = arith.constant 0 : i32
      %dma_wait3A_254 = arith.constant 0 : i32
      %dma_wait3A_255 = tpu.memref_slice %arg2[%dma_wait3A_253, %dma_wait3A_254] : memref<10000x128xf32, #tpu.memory_space<hbm>> -> memref<10000x128xf32, #tpu.memory_space<hbm>>
      tpu.wait_indirect_dma semaphore(%arg10 : memref<!tpu.dma_semaphore, #tpu.memory_space<semaphore_mem>>) src(%dma_wait3A_255 : memref<10000x128xf32, #tpu.memory_space<hbm>>) dst(%dma_wait3A_249 : memref<40x128xf32, #tpu.memory_space<vmem>>)
      %run_scoped3A_256 = arith.constant 124 : i32
      "tpu.region"() ({
        %run_scoped3A_257 = tpu.sem_alloc : memref<!tpu.dma_semaphore, #tpu.memory_space<semaphore_mem>>
        %dma_start3A_258 = arith.constant 0 : i32
        %dma_start3A_259 = tpu.memref_slice %arg8[%run_scoped3A_256, %dma_start3A_258] : memref<125x80xi32, #tpu.memory_space<vmem>> -> memref<1x80xi32, #tpu.memory_space<vmem>>
        %dma_start3A_260 = tpu.memref_squeeze %dma_start3A_259 : memref<1x80xi32, #tpu.memory_space<vmem>> -> memref<80xi32, #tpu.memory_space<vmem>>
        %dma_start3A_261 = arith.constant 0 : i32
        %dma_start3A_262 = arith.constant 0 : i32
        %dma_start3A_263 = tpu.memref_slice %arg6[%dma_start3A_261, %dma_start3A_262] : memref<10000x128xf32, #tpu.memory_space<vmem_shared>> -> memref<10000x128xf32, #tpu.memory_space<vmem_shared>>
        tpu.enqueue_indirect_dma source(%run_scoped3A_28 : memref<80x128xf32, #tpu.memory_space<vmem>>) target(%dma_start3A_263 : memref<10000x128xf32, #tpu.memory_space<vmem_shared>>) offsets(%dma_start3A_260 : memref<80xi32, #tpu.memory_space<vmem>>) semaphore(%run_scoped3A_257 : memref<!tpu.dma_semaphore, #tpu.memory_space<semaphore_mem>>) {add = true}
        %dma_wait3A_264 = arith.constant 0 : i32
        %dma_wait3A_265 = tpu.memref_slice %arg8[%run_scoped3A_256, %dma_wait3A_264] : memref<125x80xi32, #tpu.memory_space<vmem>> -> memref<1x80xi32, #tpu.memory_space<vmem>>
        %dma_wait3A_266 = tpu.memref_squeeze %dma_wait3A_265 : memref<1x80xi32, #tpu.memory_space<vmem>> -> memref<80xi32, #tpu.memory_space<vmem>>
        %dma_wait3A_267 = arith.constant 0 : i32
        %dma_wait3A_268 = arith.constant 0 : i32
        %dma_wait3A_269 = tpu.memref_slice %arg6[%dma_wait3A_267, %dma_wait3A_268] : memref<10000x128xf32, #tpu.memory_space<vmem_shared>> -> memref<10000x128xf32, #tpu.memory_space<vmem_shared>>
        tpu.wait_indirect_dma semaphore(%run_scoped3A_257 : memref<!tpu.dma_semaphore, #tpu.memory_space<semaphore_mem>>) src(%run_scoped3A_28 : memref<80x128xf32, #tpu.memory_space<vmem>>) dst(%dma_wait3A_269 : memref<10000x128xf32, #tpu.memory_space<vmem_shared>>)
        tpu.yield
      }) : () -> ()
      tpu.yield
    }) : () -> ()
    %barrier3A = arith.constant 0 : index
    tpu.barrier barrier_id(%barrier3A)
    %dma_start3A_19 = arith.constant 0 : i32
    %dma_start3A_20 = tpu.memref_slice %arg5[%arg0, %mul3A_2, %dma_start3A_19] : memref<2x10000x128xf32, #tpu.memory_space<hbm>> -> memref<1x625x128xf32, #tpu.memory_space<hbm>>
    %dma_start3A_21 = tpu.memref_squeeze %dma_start3A_20 : memref<1x625x128xf32, #tpu.memory_space<hbm>> -> memref<625x128xf32, #tpu.memory_space<hbm>>
    %dma_start3A_22 = arith.constant 0 : i32
    %dma_start3A_23 = tpu.memref_slice %arg6[%mul3A_2, %dma_start3A_22] : memref<10000x128xf32, #tpu.memory_space<vmem_shared>> -> memref<625x128xf32, #tpu.memory_space<vmem_shared>>
    tpu.enqueue_dma source(%dma_start3A_23 : memref<625x128xf32, #tpu.memory_space<vmem_shared>>) target(%dma_start3A_21 : memref<625x128xf32, #tpu.memory_space<hbm>>) target_semaphore(%arg9 : memref<!tpu.dma_semaphore, #tpu.memory_space<semaphore_mem>>)
    %dma_wait3A = arith.constant 0 : i32
    %dma_wait3A_24 = tpu.memref_slice %arg5[%arg0, %mul3A_2, %dma_wait3A] : memref<2x10000x128xf32, #tpu.memory_space<hbm>> -> memref<1x625x128xf32, #tpu.memory_space<hbm>>
    %dma_wait3A_25 = tpu.memref_squeeze %dma_wait3A_24 : memref<1x625x128xf32, #tpu.memory_space<hbm>> -> memref<625x128xf32, #tpu.memory_space<hbm>>
    %dma_wait3A_26 = arith.constant 0 : i32
    %dma_wait3A_27 = tpu.memref_slice %arg6[%mul3A_2, %dma_wait3A_26] : memref<10000x128xf32, #tpu.memory_space<vmem_shared>> -> memref<625x128xf32, #tpu.memory_space<vmem_shared>>
    tpu.wait_dma2 semaphore(%arg9 : memref<!tpu.dma_semaphore, #tpu.memory_space<semaphore_mem>>) src(%dma_wait3A_27 : memref<625x128xf32, #tpu.memory_space<vmem_shared>>) dst(%dma_wait3A_25 : memref<625x128xf32, #tpu.memory_space<hbm>>)
    return
  }
}

#map = affine_map<(d0, d1) -> (0, 0)>
#map1 = affine_map<(d0, d1) -> (0, 0, 0)>
module attributes {stable_mosaic.version = 14 : i64} {
  func.func @_sc_mp_body(%arg0: i32, %arg1: i32, %arg2: memref<10000x128xf32, #tpu.memory_space<hbm>>, %arg3: memref<32x125x80xi32, #tpu.memory_space<hbm>>, %arg4: memref<32x125x80xi32, #tpu.memory_space<hbm>>, %arg5: memref<2x10000x128xf32, #tpu.memory_space<hbm>>, %arg6: memref<2x16x10000xf32, #tpu.memory_space<hbm>>, %arg7: memref<10000x128xf32, #tpu.memory_space<vmem_shared>>, %arg8: memref<125x80xi32, #tpu.memory_space<vmem>>, %arg9: memref<125x80xi32, #tpu.memory_space<vmem>>, %arg10: memref<!tpu.dma_semaphore, #tpu.memory_space<semaphore_mem>>, %arg11: memref<!tpu.dma_semaphore, #tpu.memory_space<semaphore_mem>>, %arg12: memref<!tpu.dma_semaphore, #tpu.memory_space<semaphore_mem>>, %arg13: memref<!tpu.dma_semaphore, #tpu.memory_space<semaphore_mem>>, %arg14: memref<!tpu.dma_semaphore, #tpu.memory_space<semaphore_mem>>, %arg15: memref<!tpu.dma_semaphore, #tpu.memory_space<semaphore_mem>>) attributes {dimension_semantics = [#tpu.dimension_semantics<core_parallel>, #tpu.dimension_semantics<subcore_parallel>], iteration_bounds = array<i64: 2, 16>, scalar_prefetch = 0 : i64, scratch_operands = 9 : i64, tpu.core_type = #tpu.core_type<sc_vector_subcore>, window_params = [{transform_indices = #map}, {transform_indices = #map1}, {transform_indices = #map1}, {transform_indices = #map1}, {transform_indices = #map1}]} {
    %mul3A = arith.constant 2 : i32
    %mul3A_0 = arith.muli %arg1, %mul3A : i32
    %add3A = arith.addi %mul3A_0, %arg0 : i32
    %mul3A_1 = arith.constant 625 : i32
    %mul3A_2 = arith.muli %arg1, %mul3A_1 : i32
    %broadcast_in_dim3A = arith.constant 0.000000e+00 : f32
    %broadcast_in_dim3A_3 = vector.broadcast %broadcast_in_dim3A : f32 to vector<16xf32>
    %dma_start3A = arith.constant 0 : i32
    %dma_start3A_4 = arith.constant 0 : i32
    %dma_start3A_5 = tpu.memref_slice %arg3[%add3A, %dma_start3A, %dma_start3A_4] : memref<32x125x80xi32, #tpu.memory_space<hbm>> -> memref<1x125x80xi32, #tpu.memory_space<hbm>>
    %dma_start3A_6 = tpu.memref_squeeze %dma_start3A_5 : memref<1x125x80xi32, #tpu.memory_space<hbm>> -> memref<125x80xi32, #tpu.memory_space<hbm>>
    %dma_start3A_7 = arith.constant 0 : i32
    %dma_start3A_8 = arith.constant 0 : i32
    %dma_start3A_9 = tpu.memref_slice %arg3[%add3A, %dma_start3A_7, %dma_start3A_8] : memref<32x125x80xi32, #tpu.memory_space<hbm>> -> memref<1x125x80xi32, #tpu.memory_space<hbm>>
    %dma_start3A_10 = tpu.memref_squeeze %dma_start3A_9 : memref<1x125x80xi32, #tpu.memory_space<hbm>> -> memref<125x80xi32, #tpu.memory_space<hbm>>
    tpu.enqueue_dma source(%dma_start3A_10 : memref<125x80xi32, #tpu.memory_space<hbm>>) target(%arg8 : memref<125x80xi32, #tpu.memory_space<vmem>>) target_semaphore(%arg10 : memref<!tpu.dma_semaphore, #tpu.memory_space<semaphore_mem>>)
    %dma_start3A_11 = arith.constant 0 : i32
    %dma_start3A_12 = arith.constant 0 : i32
    %dma_start3A_13 = tpu.memref_slice %arg4[%add3A, %dma_start3A_11, %dma_start3A_12] : memref<32x125x80xi32, #tpu.memory_space<hbm>> -> memref<1x125x80xi32, #tpu.memory_space<hbm>>
    %dma_start3A_14 = tpu.memref_squeeze %dma_start3A_13 : memref<1x125x80xi32, #tpu.memory_space<hbm>> -> memref<125x80xi32, #tpu.memory_space<hbm>>
    %dma_start3A_15 = arith.constant 0 : i32
    %dma_start3A_16 = arith.constant 0 : i32
    %dma_start3A_17 = tpu.memref_slice %arg4[%add3A, %dma_start3A_15, %dma_start3A_16] : memref<32x125x80xi32, #tpu.memory_space<hbm>> -> memref<1x125x80xi32, #tpu.memory_space<hbm>>
    %dma_start3A_18 = tpu.memref_squeeze %dma_start3A_17 : memref<1x125x80xi32, #tpu.memory_space<hbm>> -> memref<125x80xi32, #tpu.memory_space<hbm>>
    tpu.enqueue_dma source(%dma_start3A_18 : memref<125x80xi32, #tpu.memory_space<hbm>>) target(%arg9 : memref<125x80xi32, #tpu.memory_space<vmem>>) target_semaphore(%arg11 : memref<!tpu.dma_semaphore, #tpu.memory_space<semaphore_mem>>)
    "tpu.region"() ({
      %run_scoped3A = memref.alloca() : memref<80x128xf32, #tpu.memory_space<vmem>>
      %run_scoped3A_28 = memref.alloca() : memref<80x128xf32, #tpu.memory_space<vmem>>
      %run_scoped3A_29 = memref.alloca() : memref<80x128xf32, #tpu.memory_space<vmem>>
      %scan3A = arith.constant 0 : i32
      %scan3A_30 = arith.constant 0 : i32
      %scan3A_31 = arith.constant 80 : i32
      %scan3A_32 = arith.addi %scan3A_30, %scan3A_31 : i32
      %scan3A_33 = arith.constant 1 : i32
      %scan3A_34 = scf.for %scan3A_257 = %scan3A_30 to %scan3A_32 step %scan3A_33 iter_args(%scan3A_258 = %scan3A) -> (i32)  : i32 {
        %swap3A = arith.index_cast %scan3A_257 : i32 to index
        %swap3A_259 = arith.constant 0 : index
        %swap3A_260 = tpu.vector_load %run_scoped3A[%swap3A, %swap3A_259] {strides = array<i32>} : memref<80x128xf32, #tpu.memory_space<vmem>>, vector<16xf32>,
        tpu.vector_store %run_scoped3A[%swap3A, %swap3A_259], %broadcast_in_dim3A_3 {strides = array<i32>} : memref<80x128xf32, #tpu.memory_space<vmem>>, vector<16xf32>,
        %swap3A_261 = arith.index_cast %scan3A_257 : i32 to index
        %swap3A_262 = arith.constant 16 : index
        %swap3A_263 = tpu.vector_load %run_scoped3A[%swap3A_261, %swap3A_262] {strides = array<i32>} : memref<80x128xf32, #tpu.memory_space<vmem>>, vector<16xf32>,
        tpu.vector_store %run_scoped3A[%swap3A_261, %swap3A_262], %broadcast_in_dim3A_3 {strides = array<i32>} : memref<80x128xf32, #tpu.memory_space<vmem>>, vector<16xf32>,
        %swap3A_264 = arith.index_cast %scan3A_257 : i32 to index
        %swap3A_265 = arith.constant 32 : index
        %swap3A_266 = tpu.vector_load %run_scoped3A[%swap3A_264, %swap3A_265] {strides = array<i32>} : memref<80x128xf32, #tpu.memory_space<vmem>>, vector<16xf32>,
        tpu.vector_store %run_scoped3A[%swap3A_264, %swap3A_265], %broadcast_in_dim3A_3 {strides = array<i32>} : memref<80x128xf32, #tpu.memory_space<vmem>>, vector<16xf32>,
        %swap3A_267 = arith.index_cast %scan3A_257 : i32 to index
        %swap3A_268 = arith.constant 48 : index
        %swap3A_269 = tpu.vector_load %run_scoped3A[%swap3A_267, %swap3A_268] {strides = array<i32>} : memref<80x128xf32, #tpu.memory_space<vmem>>, vector<16xf32>,
        tpu.vector_store %run_scoped3A[%swap3A_267, %swap3A_268], %broadcast_in_dim3A_3 {strides = array<i32>} : memref<80x128xf32, #tpu.memory_space<vmem>>, vector<16xf32>,
        %swap3A_270 = arith.index_cast %scan3A_257 : i32 to index
        %swap3A_271 = arith.constant 64 : index
        %swap3A_272 = tpu.vector_load %run_scoped3A[%swap3A_270, %swap3A_271] {strides = array<i32>} : memref<80x128xf32, #tpu.memory_space<vmem>>, vector<16xf32>,
        tpu.vector_store %run_scoped3A[%swap3A_270, %swap3A_271], %broadcast_in_dim3A_3 {strides = array<i32>} : memref<80x128xf32, #tpu.memory_space<vmem>>, vector<16xf32>,
        %swap3A_273 = arith.index_cast %scan3A_257 : i32 to index
        %swap3A_274 = arith.constant 80 : index
        %swap3A_275 = tpu.vector_load %run_scoped3A[%swap3A_273, %swap3A_274] {strides = array<i32>} : memref<80x128xf32, #tpu.memory_space<vmem>>, vector<16xf32>,
        tpu.vector_store %run_scoped3A[%swap3A_273, %swap3A_274], %broadcast_in_dim3A_3 {strides = array<i32>} : memref<80x128xf32, #tpu.memory_space<vmem>>, vector<16xf32>,
        %swap3A_276 = arith.index_cast %scan3A_257 : i32 to index
        %swap3A_277 = arith.constant 96 : index
        %swap3A_278 = tpu.vector_load %run_scoped3A[%swap3A_276, %swap3A_277] {strides = array<i32>} : memref<80x128xf32, #tpu.memory_space<vmem>>, vector<16xf32>,
        tpu.vector_store %run_scoped3A[%swap3A_276, %swap3A_277], %broadcast_in_dim3A_3 {strides = array<i32>} : memref<80x128xf32, #tpu.memory_space<vmem>>, vector<16xf32>,
        %swap3A_279 = arith.index_cast %scan3A_257 : i32 to index
        %swap3A_280 = arith.constant 112 : index
        %swap3A_281 = tpu.vector_load %run_scoped3A[%swap3A_279, %swap3A_280] {strides = array<i32>} : memref<80x128xf32, #tpu.memory_space<vmem>>, vector<16xf32>,
        tpu.vector_store %run_scoped3A[%swap3A_279, %swap3A_280], %broadcast_in_dim3A_3 {strides = array<i32>} : memref<80x128xf32, #tpu.memory_space<vmem>>, vector<16xf32>,
        %scan3A_282 = arith.constant 0 : i32
        scf.yield %scan3A_282 : i32
      }
      %scan3A_35 = arith.constant 80 : i32
      %add3A_36 = arith.constant 0 : i32
      %add3A_37 = arith.addi %mul3A_2, %add3A_36 : i32
      %dma_start3A_38 = arith.constant 0 : i32
      %dma_start3A_39 = tpu.memref_slice %arg7[%add3A_37, %dma_start3A_38] : memref<10000x128xf32, #tpu.memory_space<vmem_shared>> -> memref<80x128xf32, #tpu.memory_space<vmem_shared>>
      %dma_start3A_40 = arith.constant 0 : i32
      %dma_start3A_41 = tpu.memref_slice %arg7[%add3A_37, %dma_start3A_40] : memref<10000x128xf32, #tpu.memory_space<vmem_shared>> -> memref<80x128xf32, #tpu.memory_space<vmem_shared>>
      tpu.enqueue_dma source(%run_scoped3A : memref<80x128xf32, #tpu.memory_space<vmem>>) target(%dma_start3A_41 : memref<80x128xf32, #tpu.memory_space<vmem_shared>>) target_semaphore(%arg12 : memref<!tpu.dma_semaphore, #tpu.memory_space<semaphore_mem>>)
      %add3A_42 = arith.constant 80 : i32
      %add3A_43 = arith.addi %mul3A_2, %add3A_42 : i32
      %dma_start3A_44 = arith.constant 0 : i32
      %dma_start3A_45 = tpu.memref_slice %arg7[%add3A_43, %dma_start3A_44] : memref<10000x128xf32, #tpu.memory_space<vmem_shared>> -> memref<80x128xf32, #tpu.memory_space<vmem_shared>>
      %dma_start3A_46 = arith.constant 0 : i32
      %dma_start3A_47 = tpu.memref_slice %arg7[%add3A_43, %dma_start3A_46] : memref<10000x128xf32, #tpu.memory_space<vmem_shared>> -> memref<80x128xf32, #tpu.memory_space<vmem_shared>>
      tpu.enqueue_dma source(%run_scoped3A : memref<80x128xf32, #tpu.memory_space<vmem>>) target(%dma_start3A_47 : memref<80x128xf32, #tpu.memory_space<vmem_shared>>) target_semaphore(%arg12 : memref<!tpu.dma_semaphore, #tpu.memory_space<semaphore_mem>>)
      %add3A_48 = arith.constant 160 : i32
      %add3A_49 = arith.addi %mul3A_2, %add3A_48 : i32
      %dma_start3A_50 = arith.constant 0 : i32
      %dma_start3A_51 = tpu.memref_slice %arg7[%add3A_49, %dma_start3A_50] : memref<10000x128xf32, #tpu.memory_space<vmem_shared>> -> memref<80x128xf32, #tpu.memory_space<vmem_shared>>
      %dma_start3A_52 = arith.constant 0 : i32
      %dma_start3A_53 = tpu.memref_slice %arg7[%add3A_49, %dma_start3A_52] : memref<10000x128xf32, #tpu.memory_space<vmem_shared>> -> memref<80x128xf32, #tpu.memory_space<vmem_shared>>
      tpu.enqueue_dma source(%run_scoped3A : memref<80x128xf32, #tpu.memory_space<vmem>>) target(%dma_start3A_53 : memref<80x128xf32, #tpu.memory_space<vmem_shared>>) target_semaphore(%arg12 : memref<!tpu.dma_semaphore, #tpu.memory_space<semaphore_mem>>)
      %add3A_54 = arith.constant 240 : i32
      %add3A_55 = arith.addi %mul3A_2, %add3A_54 : i32
      %dma_start3A_56 = arith.constant 0 : i32
      %dma_start3A_57 = tpu.memref_slice %arg7[%add3A_55, %dma_start3A_56] : memref<10000x128xf32, #tpu.memory_space<vmem_shared>> -> memref<80x128xf32, #tpu.memory_space<vmem_shared>>
      %dma_start3A_58 = arith.constant 0 : i32
      %dma_start3A_59 = tpu.memref_slice %arg7[%add3A_55, %dma_start3A_58] : memref<10000x128xf32, #tpu.memory_space<vmem_shared>> -> memref<80x128xf32, #tpu.memory_space<vmem_shared>>
      tpu.enqueue_dma source(%run_scoped3A : memref<80x128xf32, #tpu.memory_space<vmem>>) target(%dma_start3A_59 : memref<80x128xf32, #tpu.memory_space<vmem_shared>>) target_semaphore(%arg12 : memref<!tpu.dma_semaphore, #tpu.memory_space<semaphore_mem>>)
      %add3A_60 = arith.constant 320 : i32
      %add3A_61 = arith.addi %mul3A_2, %add3A_60 : i32
      %dma_start3A_62 = arith.constant 0 : i32
      %dma_start3A_63 = tpu.memref_slice %arg7[%add3A_61, %dma_start3A_62] : memref<10000x128xf32, #tpu.memory_space<vmem_shared>> -> memref<80x128xf32, #tpu.memory_space<vmem_shared>>
      %dma_start3A_64 = arith.constant 0 : i32
      %dma_start3A_65 = tpu.memref_slice %arg7[%add3A_61, %dma_start3A_64] : memref<10000x128xf32, #tpu.memory_space<vmem_shared>> -> memref<80x128xf32, #tpu.memory_space<vmem_shared>>
      tpu.enqueue_dma source(%run_scoped3A : memref<80x128xf32, #tpu.memory_space<vmem>>) target(%dma_start3A_65 : memref<80x128xf32, #tpu.memory_space<vmem_shared>>) target_semaphore(%arg12 : memref<!tpu.dma_semaphore, #tpu.memory_space<semaphore_mem>>)
      %add3A_66 = arith.constant 400 : i32
      %add3A_67 = arith.addi %mul3A_2, %add3A_66 : i32
      %dma_start3A_68 = arith.constant 0 : i32
      %dma_start3A_69 = tpu.memref_slice %arg7[%add3A_67, %dma_start3A_68] : memref<10000x128xf32, #tpu.memory_space<vmem_shared>> -> memref<80x128xf32, #tpu.memory_space<vmem_shared>>
      %dma_start3A_70 = arith.constant 0 : i32
      %dma_start3A_71 = tpu.memref_slice %arg7[%add3A_67, %dma_start3A_70] : memref<10000x128xf32, #tpu.memory_space<vmem_shared>> -> memref<80x128xf32, #tpu.memory_space<vmem_shared>>
      tpu.enqueue_dma source(%run_scoped3A : memref<80x128xf32, #tpu.memory_space<vmem>>) target(%dma_start3A_71 : memref<80x128xf32, #tpu.memory_space<vmem_shared>>) target_semaphore(%arg12 : memref<!tpu.dma_semaphore, #tpu.memory_space<semaphore_mem>>)
      %add3A_72 = arith.constant 480 : i32
      %add3A_73 = arith.addi %mul3A_2, %add3A_72 : i32
      %dma_start3A_74 = arith.constant 0 : i32
      %dma_start3A_75 = tpu.memref_slice %arg7[%add3A_73, %dma_start3A_74] : memref<10000x128xf32, #tpu.memory_space<vmem_shared>> -> memref<80x128xf32, #tpu.memory_space<vmem_shared>>
      %dma_start3A_76 = arith.constant 0 : i32
      %dma_start3A_77 = tpu.memref_slice %arg7[%add3A_73, %dma_start3A_76] : memref<10000x128xf32, #tpu.memory_space<vmem_shared>> -> memref<80x128xf32, #tpu.memory_space<vmem_shared>>
      tpu.enqueue_dma source(%run_scoped3A : memref<80x128xf32, #tpu.memory_space<vmem>>) target(%dma_start3A_77 : memref<80x128xf32, #tpu.memory_space<vmem_shared>>) target_semaphore(%arg12 : memref<!tpu.dma_semaphore, #tpu.memory_space<semaphore_mem>>)
      %add3A_78 = arith.constant 560 : i32
      %add3A_79 = arith.addi %mul3A_2, %add3A_78 : i32
      %dma_start3A_80 = arith.constant 0 : i32
      %dma_start3A_81 = arith.constant 0 : i32
      %dma_start3A_82 = tpu.memref_slice %run_scoped3A[%dma_start3A_80, %dma_start3A_81] : memref<80x128xf32, #tpu.memory_space<vmem>> -> memref<65x128xf32, #tpu.memory_space<vmem>>
      %dma_start3A_83 = arith.constant 0 : i32
      %dma_start3A_84 = tpu.memref_slice %arg7[%add3A_79, %dma_start3A_83] : memref<10000x128xf32, #tpu.memory_space<vmem_shared>> -> memref<65x128xf32, #tpu.memory_space<vmem_shared>>
      %dma_start3A_85 = arith.constant 0 : i32
      %dma_start3A_86 = tpu.memref_slice %arg7[%add3A_79, %dma_start3A_85] : memref<10000x128xf32, #tpu.memory_space<vmem_shared>> -> memref<65x128xf32, #tpu.memory_space<vmem_shared>>
      %dma_start3A_87 = arith.constant 0 : i32
      %dma_start3A_88 = arith.constant 0 : i32
      %dma_start3A_89 = tpu.memref_slice %run_scoped3A[%dma_start3A_87, %dma_start3A_88] : memref<80x128xf32, #tpu.memory_space<vmem>> -> memref<65x128xf32, #tpu.memory_space<vmem>>
      tpu.enqueue_dma source(%dma_start3A_89 : memref<65x128xf32, #tpu.memory_space<vmem>>) target(%dma_start3A_86 : memref<65x128xf32, #tpu.memory_space<vmem_shared>>) target_semaphore(%arg12 : memref<!tpu.dma_semaphore, #tpu.memory_space<semaphore_mem>>)
      %add3A_90 = arith.constant 0 : i32
      %add3A_91 = arith.addi %mul3A_2, %add3A_90 : i32
      %dma_wait3A_92 = arith.constant 0 : i32
      %dma_wait3A_93 = tpu.memref_slice %arg7[%add3A_91, %dma_wait3A_92] : memref<10000x128xf32, #tpu.memory_space<vmem_shared>> -> memref<80x128xf32, #tpu.memory_space<vmem_shared>>
      %dma_wait3A_94 = arith.constant 0 : i32
      %dma_wait3A_95 = tpu.memref_slice %arg7[%add3A_91, %dma_wait3A_94] : memref<10000x128xf32, #tpu.memory_space<vmem_shared>> -> memref<80x128xf32, #tpu.memory_space<vmem_shared>>
      tpu.wait_dma2 semaphore(%arg12 : memref<!tpu.dma_semaphore, #tpu.memory_space<semaphore_mem>>) src(%run_scoped3A : memref<80x128xf32, #tpu.memory_space<vmem>>) dst(%dma_wait3A_95 : memref<80x128xf32, #tpu.memory_space<vmem_shared>>)
      %add3A_96 = arith.constant 80 : i32
      %add3A_97 = arith.addi %mul3A_2, %add3A_96 : i32
      %dma_wait3A_98 = arith.constant 0 : i32
      %dma_wait3A_99 = tpu.memref_slice %arg7[%add3A_97, %dma_wait3A_98] : memref<10000x128xf32, #tpu.memory_space<vmem_shared>> -> memref<80x128xf32, #tpu.memory_space<vmem_shared>>
      %dma_wait3A_100 = arith.constant 0 : i32
      %dma_wait3A_101 = tpu.memref_slice %arg7[%add3A_97, %dma_wait3A_100] : memref<10000x128xf32, #tpu.memory_space<vmem_shared>> -> memref<80x128xf32, #tpu.memory_space<vmem_shared>>
      tpu.wait_dma2 semaphore(%arg12 : memref<!tpu.dma_semaphore, #tpu.memory_space<semaphore_mem>>) src(%run_scoped3A : memref<80x128xf32, #tpu.memory_space<vmem>>) dst(%dma_wait3A_101 : memref<80x128xf32, #tpu.memory_space<vmem_shared>>)
      %add3A_102 = arith.constant 160 : i32
      %add3A_103 = arith.addi %mul3A_2, %add3A_102 : i32
      %dma_wait3A_104 = arith.constant 0 : i32
      %dma_wait3A_105 = tpu.memref_slice %arg7[%add3A_103, %dma_wait3A_104] : memref<10000x128xf32, #tpu.memory_space<vmem_shared>> -> memref<80x128xf32, #tpu.memory_space<vmem_shared>>
      %dma_wait3A_106 = arith.constant 0 : i32
      %dma_wait3A_107 = tpu.memref_slice %arg7[%add3A_103, %dma_wait3A_106] : memref<10000x128xf32, #tpu.memory_space<vmem_shared>> -> memref<80x128xf32, #tpu.memory_space<vmem_shared>>
      tpu.wait_dma2 semaphore(%arg12 : memref<!tpu.dma_semaphore, #tpu.memory_space<semaphore_mem>>) src(%run_scoped3A : memref<80x128xf32, #tpu.memory_space<vmem>>) dst(%dma_wait3A_107 : memref<80x128xf32, #tpu.memory_space<vmem_shared>>)
      %add3A_108 = arith.constant 240 : i32
      %add3A_109 = arith.addi %mul3A_2, %add3A_108 : i32
      %dma_wait3A_110 = arith.constant 0 : i32
      %dma_wait3A_111 = tpu.memref_slice %arg7[%add3A_109, %dma_wait3A_110] : memref<10000x128xf32, #tpu.memory_space<vmem_shared>> -> memref<80x128xf32, #tpu.memory_space<vmem_shared>>
      %dma_wait3A_112 = arith.constant 0 : i32
      %dma_wait3A_113 = tpu.memref_slice %arg7[%add3A_109, %dma_wait3A_112] : memref<10000x128xf32, #tpu.memory_space<vmem_shared>> -> memref<80x128xf32, #tpu.memory_space<vmem_shared>>
      tpu.wait_dma2 semaphore(%arg12 : memref<!tpu.dma_semaphore, #tpu.memory_space<semaphore_mem>>) src(%run_scoped3A : memref<80x128xf32, #tpu.memory_space<vmem>>) dst(%dma_wait3A_113 : memref<80x128xf32, #tpu.memory_space<vmem_shared>>)
      %add3A_114 = arith.constant 320 : i32
      %add3A_115 = arith.addi %mul3A_2, %add3A_114 : i32
      %dma_wait3A_116 = arith.constant 0 : i32
      %dma_wait3A_117 = tpu.memref_slice %arg7[%add3A_115, %dma_wait3A_116] : memref<10000x128xf32, #tpu.memory_space<vmem_shared>> -> memref<80x128xf32, #tpu.memory_space<vmem_shared>>
      %dma_wait3A_118 = arith.constant 0 : i32
      %dma_wait3A_119 = tpu.memref_slice %arg7[%add3A_115, %dma_wait3A_118] : memref<10000x128xf32, #tpu.memory_space<vmem_shared>> -> memref<80x128xf32, #tpu.memory_space<vmem_shared>>
      tpu.wait_dma2 semaphore(%arg12 : memref<!tpu.dma_semaphore, #tpu.memory_space<semaphore_mem>>) src(%run_scoped3A : memref<80x128xf32, #tpu.memory_space<vmem>>) dst(%dma_wait3A_119 : memref<80x128xf32, #tpu.memory_space<vmem_shared>>)
      %add3A_120 = arith.constant 400 : i32
      %add3A_121 = arith.addi %mul3A_2, %add3A_120 : i32
      %dma_wait3A_122 = arith.constant 0 : i32
      %dma_wait3A_123 = tpu.memref_slice %arg7[%add3A_121, %dma_wait3A_122] : memref<10000x128xf32, #tpu.memory_space<vmem_shared>> -> memref<80x128xf32, #tpu.memory_space<vmem_shared>>
      %dma_wait3A_124 = arith.constant 0 : i32
      %dma_wait3A_125 = tpu.memref_slice %arg7[%add3A_121, %dma_wait3A_124] : memref<10000x128xf32, #tpu.memory_space<vmem_shared>> -> memref<80x128xf32, #tpu.memory_space<vmem_shared>>
      tpu.wait_dma2 semaphore(%arg12 : memref<!tpu.dma_semaphore, #tpu.memory_space<semaphore_mem>>) src(%run_scoped3A : memref<80x128xf32, #tpu.memory_space<vmem>>) dst(%dma_wait3A_125 : memref<80x128xf32, #tpu.memory_space<vmem_shared>>)
      %add3A_126 = arith.constant 480 : i32
      %add3A_127 = arith.addi %mul3A_2, %add3A_126 : i32
      %dma_wait3A_128 = arith.constant 0 : i32
      %dma_wait3A_129 = tpu.memref_slice %arg7[%add3A_127, %dma_wait3A_128] : memref<10000x128xf32, #tpu.memory_space<vmem_shared>> -> memref<80x128xf32, #tpu.memory_space<vmem_shared>>
      %dma_wait3A_130 = arith.constant 0 : i32
      %dma_wait3A_131 = tpu.memref_slice %arg7[%add3A_127, %dma_wait3A_130] : memref<10000x128xf32, #tpu.memory_space<vmem_shared>> -> memref<80x128xf32, #tpu.memory_space<vmem_shared>>
      tpu.wait_dma2 semaphore(%arg12 : memref<!tpu.dma_semaphore, #tpu.memory_space<semaphore_mem>>) src(%run_scoped3A : memref<80x128xf32, #tpu.memory_space<vmem>>) dst(%dma_wait3A_131 : memref<80x128xf32, #tpu.memory_space<vmem_shared>>)
      %add3A_132 = arith.constant 560 : i32
      %add3A_133 = arith.addi %mul3A_2, %add3A_132 : i32
      %dma_wait3A_134 = arith.constant 0 : i32
      %dma_wait3A_135 = arith.constant 0 : i32
      %dma_wait3A_136 = tpu.memref_slice %run_scoped3A[%dma_wait3A_134, %dma_wait3A_135] : memref<80x128xf32, #tpu.memory_space<vmem>> -> memref<65x128xf32, #tpu.memory_space<vmem>>
      %dma_wait3A_137 = arith.constant 0 : i32
      %dma_wait3A_138 = tpu.memref_slice %arg7[%add3A_133, %dma_wait3A_137] : memref<10000x128xf32, #tpu.memory_space<vmem_shared>> -> memref<65x128xf32, #tpu.memory_space<vmem_shared>>
      %dma_wait3A_139 = arith.constant 0 : i32
      %dma_wait3A_140 = tpu.memref_slice %arg7[%add3A_133, %dma_wait3A_139] : memref<10000x128xf32, #tpu.memory_space<vmem_shared>> -> memref<65x128xf32, #tpu.memory_space<vmem_shared>>
      %dma_wait3A_141 = arith.constant 0 : i32
      %dma_wait3A_142 = arith.constant 0 : i32
      %dma_wait3A_143 = tpu.memref_slice %run_scoped3A[%dma_wait3A_141, %dma_wait3A_142] : memref<80x128xf32, #tpu.memory_space<vmem>> -> memref<65x128xf32, #tpu.memory_space<vmem>>
      tpu.wait_dma2 semaphore(%arg12 : memref<!tpu.dma_semaphore, #tpu.memory_space<semaphore_mem>>) src(%dma_wait3A_143 : memref<65x128xf32, #tpu.memory_space<vmem>>) dst(%dma_wait3A_140 : memref<65x128xf32, #tpu.memory_space<vmem_shared>>)
      %dma_wait3A_144 = arith.constant 0 : i32
      %dma_wait3A_145 = arith.constant 0 : i32
      %dma_wait3A_146 = tpu.memref_slice %arg3[%add3A, %dma_wait3A_144, %dma_wait3A_145] : memref<32x125x80xi32, #tpu.memory_space<hbm>> -> memref<1x125x80xi32, #tpu.memory_space<hbm>>
      %dma_wait3A_147 = tpu.memref_squeeze %dma_wait3A_146 : memref<1x125x80xi32, #tpu.memory_space<hbm>> -> memref<125x80xi32, #tpu.memory_space<hbm>>
      %dma_wait3A_148 = arith.constant 0 : i32
      %dma_wait3A_149 = arith.constant 0 : i32
      %dma_wait3A_150 = tpu.memref_slice %arg3[%add3A, %dma_wait3A_148, %dma_wait3A_149] : memref<32x125x80xi32, #tpu.memory_space<hbm>> -> memref<1x125x80xi32, #tpu.memory_space<hbm>>
      %dma_wait3A_151 = tpu.memref_squeeze %dma_wait3A_150 : memref<1x125x80xi32, #tpu.memory_space<hbm>> -> memref<125x80xi32, #tpu.memory_space<hbm>>
      tpu.wait_dma2 semaphore(%arg10 : memref<!tpu.dma_semaphore, #tpu.memory_space<semaphore_mem>>) src(%dma_wait3A_151 : memref<125x80xi32, #tpu.memory_space<hbm>>) dst(%arg8 : memref<125x80xi32, #tpu.memory_space<vmem>>)
      %dma_wait3A_152 = arith.constant 0 : i32
      %dma_wait3A_153 = arith.constant 0 : i32
      %dma_wait3A_154 = tpu.memref_slice %arg4[%add3A, %dma_wait3A_152, %dma_wait3A_153] : memref<32x125x80xi32, #tpu.memory_space<hbm>> -> memref<1x125x80xi32, #tpu.memory_space<hbm>>
      %dma_wait3A_155 = tpu.memref_squeeze %dma_wait3A_154 : memref<1x125x80xi32, #tpu.memory_space<hbm>> -> memref<125x80xi32, #tpu.memory_space<hbm>>
      %dma_wait3A_156 = arith.constant 0 : i32
      %dma_wait3A_157 = arith.constant 0 : i32
      %dma_wait3A_158 = tpu.memref_slice %arg4[%add3A, %dma_wait3A_156, %dma_wait3A_157] : memref<32x125x80xi32, #tpu.memory_space<hbm>> -> memref<1x125x80xi32, #tpu.memory_space<hbm>>
      %dma_wait3A_159 = tpu.memref_squeeze %dma_wait3A_158 : memref<1x125x80xi32, #tpu.memory_space<hbm>> -> memref<125x80xi32, #tpu.memory_space<hbm>>
      tpu.wait_dma2 semaphore(%arg11 : memref<!tpu.dma_semaphore, #tpu.memory_space<semaphore_mem>>) src(%dma_wait3A_159 : memref<125x80xi32, #tpu.memory_space<hbm>>) dst(%arg9 : memref<125x80xi32, #tpu.memory_space<vmem>>)
      %barrier3A_160 = arith.constant 0 : index
      tpu.barrier barrier_id(%barrier3A_160)
      %dma_start3A_161 = arith.constant 0 : i32
      %dma_start3A_162 = arith.constant 0 : i32
      %dma_start3A_163 = arith.constant 0 : i32
      %dma_start3A_164 = tpu.memref_slice %run_scoped3A[%dma_start3A_162, %dma_start3A_163] : memref<80x128xf32, #tpu.memory_space<vmem>> -> memref<40x128xf32, #tpu.memory_space<vmem>>
      %dma_start3A_165 = arith.constant 0 : i32
      %dma_start3A_166 = tpu.memref_slice %arg8[%dma_start3A_161, %dma_start3A_165] : memref<125x80xi32, #tpu.memory_space<vmem>> -> memref<1x40xi32, #tpu.memory_space<vmem>>
      %dma_start3A_167 = tpu.memref_squeeze %dma_start3A_166 : memref<1x40xi32, #tpu.memory_space<vmem>> -> memref<40xi32, #tpu.memory_space<vmem>>
      %dma_start3A_168 = arith.constant 0 : i32
      %dma_start3A_169 = arith.constant 0 : i32
      %dma_start3A_170 = tpu.memref_slice %arg2[%dma_start3A_168, %dma_start3A_169] : memref<10000x128xf32, #tpu.memory_space<hbm>> -> memref<10000x128xf32, #tpu.memory_space<hbm>>
      tpu.enqueue_indirect_dma source(%dma_start3A_170 : memref<10000x128xf32, #tpu.memory_space<hbm>>) target(%dma_start3A_164 : memref<40x128xf32, #tpu.memory_space<vmem>>) offsets(%dma_start3A_167 : memref<40xi32, #tpu.memory_space<vmem>>) semaphore(%arg10 : memref<!tpu.dma_semaphore, #tpu.memory_space<semaphore_mem>>)
      %dma_start3A_171 = arith.constant 0 : i32
      %dma_start3A_172 = arith.constant 40 : i32
      %dma_start3A_173 = arith.constant 0 : i32
      %dma_start3A_174 = tpu.memref_slice %run_scoped3A[%dma_start3A_172, %dma_start3A_173] : memref<80x128xf32, #tpu.memory_space<vmem>> -> memref<40x128xf32, #tpu.memory_space<vmem>>
      %dma_start3A_175 = arith.constant 40 : i32
      %dma_start3A_176 = tpu.memref_slice %arg8[%dma_start3A_171, %dma_start3A_175] : memref<125x80xi32, #tpu.memory_space<vmem>> -> memref<1x40xi32, #tpu.memory_space<vmem>>
      %dma_start3A_177 = tpu.memref_squeeze %dma_start3A_176 : memref<1x40xi32, #tpu.memory_space<vmem>> -> memref<40xi32, #tpu.memory_space<vmem>>
      %dma_start3A_178 = arith.constant 0 : i32
      %dma_start3A_179 = arith.constant 0 : i32
      %dma_start3A_180 = tpu.memref_slice %arg2[%dma_start3A_178, %dma_start3A_179] : memref<10000x128xf32, #tpu.memory_space<hbm>> -> memref<10000x128xf32, #tpu.memory_space<hbm>>
      tpu.enqueue_indirect_dma source(%dma_start3A_180 : memref<10000x128xf32, #tpu.memory_space<hbm>>) target(%dma_start3A_174 : memref<40x128xf32, #tpu.memory_space<vmem>>) offsets(%dma_start3A_177 : memref<40xi32, #tpu.memory_space<vmem>>) semaphore(%arg10 : memref<!tpu.dma_semaphore, #tpu.memory_space<semaphore_mem>>)
      %dma_start3A_181 = arith.constant 1 : i32
      %dma_start3A_182 = arith.constant 0 : i32
      %dma_start3A_183 = arith.constant 0 : i32
      %dma_start3A_184 = tpu.memref_slice %run_scoped3A_28[%dma_start3A_182, %dma_start3A_183] : memref<80x128xf32, #tpu.memory_space<vmem>> -> memref<40x128xf32, #tpu.memory_space<vmem>>
      %dma_start3A_185 = arith.constant 0 : i32
      %dma_start3A_186 = tpu.memref_slice %arg8[%dma_start3A_181, %dma_start3A_185] : memref<125x80xi32, #tpu.memory_space<vmem>> -> memref<1x40xi32, #tpu.memory_space<vmem>>
      %dma_start3A_187 = tpu.memref_squeeze %dma_start3A_186 : memref<1x40xi32, #tpu.memory_space<vmem>> -> memref<40xi32, #tpu.memory_space<vmem>>
      %dma_start3A_188 = arith.constant 0 : i32
      %dma_start3A_189 = arith.constant 0 : i32
      %dma_start3A_190 = tpu.memref_slice %arg2[%dma_start3A_188, %dma_start3A_189] : memref<10000x128xf32, #tpu.memory_space<hbm>> -> memref<10000x128xf32, #tpu.memory_space<hbm>>
      tpu.enqueue_indirect_dma source(%dma_start3A_190 : memref<10000x128xf32, #tpu.memory_space<hbm>>) target(%dma_start3A_184 : memref<40x128xf32, #tpu.memory_space<vmem>>) offsets(%dma_start3A_187 : memref<40xi32, #tpu.memory_space<vmem>>) semaphore(%arg11 : memref<!tpu.dma_semaphore, #tpu.memory_space<semaphore_mem>>)
      %dma_start3A_191 = arith.constant 1 : i32
      %dma_start3A_192 = arith.constant 40 : i32
      %dma_start3A_193 = arith.constant 0 : i32
      %dma_start3A_194 = tpu.memref_slice %run_scoped3A_28[%dma_start3A_192, %dma_start3A_193] : memref<80x128xf32, #tpu.memory_space<vmem>> -> memref<40x128xf32, #tpu.memory_space<vmem>>
      %dma_start3A_195 = arith.constant 40 : i32
      %dma_start3A_196 = tpu.memref_slice %arg8[%dma_start3A_191, %dma_start3A_195] : memref<125x80xi32, #tpu.memory_space<vmem>> -> memref<1x40xi32, #tpu.memory_space<vmem>>
      %dma_start3A_197 = tpu.memref_squeeze %dma_start3A_196 : memref<1x40xi32, #tpu.memory_space<vmem>> -> memref<40xi32, #tpu.memory_space<vmem>>
      %dma_start3A_198 = arith.constant 0 : i32
      %dma_start3A_199 = arith.constant 0 : i32
      %dma_start3A_200 = tpu.memref_slice %arg2[%dma_start3A_198, %dma_start3A_199] : memref<10000x128xf32, #tpu.memory_space<hbm>> -> memref<10000x128xf32, #tpu.memory_space<hbm>>
      tpu.enqueue_indirect_dma source(%dma_start3A_200 : memref<10000x128xf32, #tpu.memory_space<hbm>>) target(%dma_start3A_194 : memref<40x128xf32, #tpu.memory_space<vmem>>) offsets(%dma_start3A_197 : memref<40xi32, #tpu.memory_space<vmem>>) semaphore(%arg11 : memref<!tpu.dma_semaphore, #tpu.memory_space<semaphore_mem>>)
      %scan3A_201 = arith.constant 0 : i32
      %scan3A_202 = arith.constant 0 : i32
      %scan3A_203 = arith.constant 41 : i32
      %scan3A_204 = arith.addi %scan3A_202, %scan3A_203 : i32
      %scan3A_205 = arith.constant 1 : i32
      %scan3A_206 = scf.for %scan3A_257 = %scan3A_202 to %scan3A_204 step %scan3A_205 iter_args(%scan3A_258 = %scan3A_201) -> (i32)  : i32 {
        %mul3A_259 = arith.constant 3 : i32
        %mul3A_260 = arith.muli %mul3A_259, %scan3A_257 : i32
        %add3A_261 = arith.constant 0 : i32
        %add3A_262 = arith.addi %mul3A_260, %add3A_261 : i32
        %dma_wait3A_263 = arith.constant 0 : i32
        %dma_wait3A_264 = arith.constant 0 : i32
        %dma_wait3A_265 = tpu.memref_slice %run_scoped3A[%dma_wait3A_263, %dma_wait3A_264] : memref<80x128xf32, #tpu.memory_space<vmem>> -> memref<40x128xf32, #tpu.memory_space<vmem>>
        %dma_wait3A_266 = arith.constant 0 : i32
        %dma_wait3A_267 = tpu.memref_slice %arg8[%add3A_262, %dma_wait3A_266] : memref<125x80xi32, #tpu.memory_space<vmem>> -> memref<1x40xi32, #tpu.memory_space<vmem>>
        %dma_wait3A_268 = tpu.memref_squeeze %dma_wait3A_267 : memref<1x40xi32, #tpu.memory_space<vmem>> -> memref<40xi32, #tpu.memory_space<vmem>>
        %dma_wait3A_269 = arith.constant 0 : i32
        %dma_wait3A_270 = arith.constant 0 : i32
        %dma_wait3A_271 = tpu.memref_slice %arg2[%dma_wait3A_269, %dma_wait3A_270] : memref<10000x128xf32, #tpu.memory_space<hbm>> -> memref<10000x128xf32, #tpu.memory_space<hbm>>
        tpu.wait_indirect_dma semaphore(%arg10 : memref<!tpu.dma_semaphore, #tpu.memory_space<semaphore_mem>>) src(%dma_wait3A_271 : memref<10000x128xf32, #tpu.memory_space<hbm>>) dst(%dma_wait3A_265 : memref<40x128xf32, #tpu.memory_space<vmem>>)
        %dma_wait3A_272 = arith.constant 40 : i32
        %dma_wait3A_273 = arith.constant 0 : i32
        %dma_wait3A_274 = tpu.memref_slice %run_scoped3A[%dma_wait3A_272, %dma_wait3A_273] : memref<80x128xf32, #tpu.memory_space<vmem>> -> memref<40x128xf32, #tpu.memory_space<vmem>>
        %dma_wait3A_275 = arith.constant 40 : i32
        %dma_wait3A_276 = tpu.memref_slice %arg8[%add3A_262, %dma_wait3A_275] : memref<125x80xi32, #tpu.memory_space<vmem>> -> memref<1x40xi32, #tpu.memory_space<vmem>>
        %dma_wait3A_277 = tpu.memref_squeeze %dma_wait3A_276 : memref<1x40xi32, #tpu.memory_space<vmem>> -> memref<40xi32, #tpu.memory_space<vmem>>
        %dma_wait3A_278 = arith.constant 0 : i32
        %dma_wait3A_279 = arith.constant 0 : i32
        %dma_wait3A_280 = tpu.memref_slice %arg2[%dma_wait3A_278, %dma_wait3A_279] : memref<10000x128xf32, #tpu.memory_space<hbm>> -> memref<10000x128xf32, #tpu.memory_space<hbm>>
        tpu.wait_indirect_dma semaphore(%arg10 : memref<!tpu.dma_semaphore, #tpu.memory_space<semaphore_mem>>) src(%dma_wait3A_280 : memref<10000x128xf32, #tpu.memory_space<hbm>>) dst(%dma_wait3A_274 : memref<40x128xf32, #tpu.memory_space<vmem>>)
        %dma_start3A_281 = arith.constant 0 : i32
        %dma_start3A_282 = tpu.memref_slice %arg9[%add3A_262, %dma_start3A_281] : memref<125x80xi32, #tpu.memory_space<vmem>> -> memref<1x80xi32, #tpu.memory_space<vmem>>
        %dma_start3A_283 = tpu.memref_squeeze %dma_start3A_282 : memref<1x80xi32, #tpu.memory_space<vmem>> -> memref<80xi32, #tpu.memory_space<vmem>>
        %dma_start3A_284 = arith.constant 0 : i32
        %dma_start3A_285 = arith.constant 0 : i32
        %dma_start3A_286 = tpu.memref_slice %arg7[%dma_start3A_284, %dma_start3A_285] : memref<10000x128xf32, #tpu.memory_space<vmem_shared>> -> memref<10000x128xf32, #tpu.memory_space<vmem_shared>>
        tpu.enqueue_indirect_dma source(%run_scoped3A : memref<80x128xf32, #tpu.memory_space<vmem>>) target(%dma_start3A_286 : memref<10000x128xf32, #tpu.memory_space<vmem_shared>>) offsets(%dma_start3A_283 : memref<80xi32, #tpu.memory_space<vmem>>) semaphore(%arg13 : memref<!tpu.dma_semaphore, #tpu.memory_space<semaphore_mem>>) {add = true}
        %add3A_287 = arith.constant 2 : i32
        %add3A_288 = arith.addi %add3A_262, %add3A_287 : i32
        %lt3A = arith.constant 125 : i32
        %lt3A_289 = arith.cmpi slt, %add3A_288, %lt3A : i32
        %convert_element_type3A = arith.extui %lt3A_289 : i1 to i32
        %cond3A = arith.constant 0 : i32
        %cond3A_290 = arith.cmpi ne, %convert_element_type3A, %cond3A : i32
        scf.if %cond3A_290 {
          %ge3A = arith.constant 1 : i32
          %ge3A_362 = arith.cmpi sge, %add3A_262, %ge3A : i32
          %convert_element_type3A_363 = arith.extui %ge3A_362 : i1 to i32
          %cond3A_364 = arith.constant 0 : i32
          %cond3A_365 = arith.cmpi ne, %convert_element_type3A_363, %cond3A_364 : i32
          scf.if %cond3A_365 {
            %sub3A = arith.constant 1 : i32
            %sub3A_386 = arith.subi %add3A_262, %sub3A : i32
            %dma_wait3A_387 = arith.constant 0 : i32
            %dma_wait3A_388 = tpu.memref_slice %arg9[%sub3A_386, %dma_wait3A_387] : memref<125x80xi32, #tpu.memory_space<vmem>> -> memref<1x80xi32, #tpu.memory_space<vmem>>
            %dma_wait3A_389 = tpu.memref_squeeze %dma_wait3A_388 : memref<1x80xi32, #tpu.memory_space<vmem>> -> memref<80xi32, #tpu.memory_space<vmem>>
            %dma_wait3A_390 = arith.constant 0 : i32
            %dma_wait3A_391 = arith.constant 0 : i32
            %dma_wait3A_392 = tpu.memref_slice %arg7[%dma_wait3A_390, %dma_wait3A_391] : memref<10000x128xf32, #tpu.memory_space<vmem_shared>> -> memref<10000x128xf32, #tpu.memory_space<vmem_shared>>
            tpu.wait_indirect_dma semaphore(%arg15 : memref<!tpu.dma_semaphore, #tpu.memory_space<semaphore_mem>>) src(%run_scoped3A_29 : memref<80x128xf32, #tpu.memory_space<vmem>>) dst(%dma_wait3A_392 : memref<10000x128xf32, #tpu.memory_space<vmem_shared>>)
          } else {
          }
          %add3A_366 = arith.constant 2 : i32
          %add3A_367 = arith.addi %add3A_262, %add3A_366 : i32
          %dma_start3A_368 = arith.constant 0 : i32
          %dma_start3A_369 = arith.constant 0 : i32
          %dma_start3A_370 = tpu.memref_slice %run_scoped3A_29[%dma_start3A_368, %dma_start3A_369] : memref<80x128xf32, #tpu.memory_space<vmem>> -> memref<40x128xf32, #tpu.memory_space<vmem>>
          %dma_start3A_371 = arith.constant 0 : i32
          %dma_start3A_372 = tpu.memref_slice %arg8[%add3A_367, %dma_start3A_371] : memref<125x80xi32, #tpu.memory_space<vmem>> -> memref<1x40xi32, #tpu.memory_space<vmem>>
          %dma_start3A_373 = tpu.memref_squeeze %dma_start3A_372 : memref<1x40xi32, #tpu.memory_space<vmem>> -> memref<40xi32, #tpu.memory_space<vmem>>
          %dma_start3A_374 = arith.constant 0 : i32
          %dma_start3A_375 = arith.constant 0 : i32
          %dma_start3A_376 = tpu.memref_slice %arg2[%dma_start3A_374, %dma_start3A_375] : memref<10000x128xf32, #tpu.memory_space<hbm>> -> memref<10000x128xf32, #tpu.memory_space<hbm>>
          tpu.enqueue_indirect_dma source(%dma_start3A_376 : memref<10000x128xf32, #tpu.memory_space<hbm>>) target(%dma_start3A_370 : memref<40x128xf32, #tpu.memory_space<vmem>>) offsets(%dma_start3A_373 : memref<40xi32, #tpu.memory_space<vmem>>) semaphore(%arg12 : memref<!tpu.dma_semaphore, #tpu.memory_space<semaphore_mem>>)
          %dma_start3A_377 = arith.constant 40 : i32
          %dma_start3A_378 = arith.constant 0 : i32
          %dma_start3A_379 = tpu.memref_slice %run_scoped3A_29[%dma_start3A_377, %dma_start3A_378] : memref<80x128xf32, #tpu.memory_space<vmem>> -> memref<40x128xf32, #tpu.memory_space<vmem>>
          %dma_start3A_380 = arith.constant 40 : i32
          %dma_start3A_381 = tpu.memref_slice %arg8[%add3A_367, %dma_start3A_380] : memref<125x80xi32, #tpu.memory_space<vmem>> -> memref<1x40xi32, #tpu.memory_space<vmem>>
          %dma_start3A_382 = tpu.memref_squeeze %dma_start3A_381 : memref<1x40xi32, #tpu.memory_space<vmem>> -> memref<40xi32, #tpu.memory_space<vmem>>
          %dma_start3A_383 = arith.constant 0 : i32
          %dma_start3A_384 = arith.constant 0 : i32
          %dma_start3A_385 = tpu.memref_slice %arg2[%dma_start3A_383, %dma_start3A_384] : memref<10000x128xf32, #tpu.memory_space<hbm>> -> memref<10000x128xf32, #tpu.memory_space<hbm>>
          tpu.enqueue_indirect_dma source(%dma_start3A_385 : memref<10000x128xf32, #tpu.memory_space<hbm>>) target(%dma_start3A_379 : memref<40x128xf32, #tpu.memory_space<vmem>>) offsets(%dma_start3A_382 : memref<40xi32, #tpu.memory_space<vmem>>) semaphore(%arg12 : memref<!tpu.dma_semaphore, #tpu.memory_space<semaphore_mem>>)
        } else {
        }
        %mul3A_291 = arith.constant 3 : i32
        %mul3A_292 = arith.muli %mul3A_291, %scan3A_257 : i32
        %add3A_293 = arith.constant 1 : i32
        %add3A_294 = arith.addi %mul3A_292, %add3A_293 : i32
        %dma_wait3A_295 = arith.constant 0 : i32
        %dma_wait3A_296 = arith.constant 0 : i32
        %dma_wait3A_297 = tpu.memref_slice %run_scoped3A_28[%dma_wait3A_295, %dma_wait3A_296] : memref<80x128xf32, #tpu.memory_space<vmem>> -> memref<40x128xf32, #tpu.memory_space<vmem>>
        %dma_wait3A_298 = arith.constant 0 : i32
        %dma_wait3A_299 = tpu.memref_slice %arg8[%add3A_294, %dma_wait3A_298] : memref<125x80xi32, #tpu.memory_space<vmem>> -> memref<1x40xi32, #tpu.memory_space<vmem>>
        %dma_wait3A_300 = tpu.memref_squeeze %dma_wait3A_299 : memref<1x40xi32, #tpu.memory_space<vmem>> -> memref<40xi32, #tpu.memory_space<vmem>>
        %dma_wait3A_301 = arith.constant 0 : i32
        %dma_wait3A_302 = arith.constant 0 : i32
        %dma_wait3A_303 = tpu.memref_slice %arg2[%dma_wait3A_301, %dma_wait3A_302] : memref<10000x128xf32, #tpu.memory_space<hbm>> -> memref<10000x128xf32, #tpu.memory_space<hbm>>
        tpu.wait_indirect_dma semaphore(%arg11 : memref<!tpu.dma_semaphore, #tpu.memory_space<semaphore_mem>>) src(%dma_wait3A_303 : memref<10000x128xf32, #tpu.memory_space<hbm>>) dst(%dma_wait3A_297 : memref<40x128xf32, #tpu.memory_space<vmem>>)
        %dma_wait3A_304 = arith.constant 40 : i32
        %dma_wait3A_305 = arith.constant 0 : i32
        %dma_wait3A_306 = tpu.memref_slice %run_scoped3A_28[%dma_wait3A_304, %dma_wait3A_305] : memref<80x128xf32, #tpu.memory_space<vmem>> -> memref<40x128xf32, #tpu.memory_space<vmem>>
        %dma_wait3A_307 = arith.constant 40 : i32
        %dma_wait3A_308 = tpu.memref_slice %arg8[%add3A_294, %dma_wait3A_307] : memref<125x80xi32, #tpu.memory_space<vmem>> -> memref<1x40xi32, #tpu.memory_space<vmem>>
        %dma_wait3A_309 = tpu.memref_squeeze %dma_wait3A_308 : memref<1x40xi32, #tpu.memory_space<vmem>> -> memref<40xi32, #tpu.memory_space<vmem>>
        %dma_wait3A_310 = arith.constant 0 : i32
        %dma_wait3A_311 = arith.constant 0 : i32
        %dma_wait3A_312 = tpu.memref_slice %arg2[%dma_wait3A_310, %dma_wait3A_311] : memref<10000x128xf32, #tpu.memory_space<hbm>> -> memref<10000x128xf32, #tpu.memory_space<hbm>>
        tpu.wait_indirect_dma semaphore(%arg11 : memref<!tpu.dma_semaphore, #tpu.memory_space<semaphore_mem>>) src(%dma_wait3A_312 : memref<10000x128xf32, #tpu.memory_space<hbm>>) dst(%dma_wait3A_306 : memref<40x128xf32, #tpu.memory_space<vmem>>)
        %dma_start3A_313 = arith.constant 0 : i32
        %dma_start3A_314 = tpu.memref_slice %arg9[%add3A_294, %dma_start3A_313] : memref<125x80xi32, #tpu.memory_space<vmem>> -> memref<1x80xi32, #tpu.memory_space<vmem>>
        %dma_start3A_315 = tpu.memref_squeeze %dma_start3A_314 : memref<1x80xi32, #tpu.memory_space<vmem>> -> memref<80xi32, #tpu.memory_space<vmem>>
        %dma_start3A_316 = arith.constant 0 : i32
        %dma_start3A_317 = arith.constant 0 : i32
        %dma_start3A_318 = tpu.memref_slice %arg7[%dma_start3A_316, %dma_start3A_317] : memref<10000x128xf32, #tpu.memory_space<vmem_shared>> -> memref<10000x128xf32, #tpu.memory_space<vmem_shared>>
        tpu.enqueue_indirect_dma source(%run_scoped3A_28 : memref<80x128xf32, #tpu.memory_space<vmem>>) target(%dma_start3A_318 : memref<10000x128xf32, #tpu.memory_space<vmem_shared>>) offsets(%dma_start3A_315 : memref<80xi32, #tpu.memory_space<vmem>>) semaphore(%arg14 : memref<!tpu.dma_semaphore, #tpu.memory_space<semaphore_mem>>) {add = true}
        %add3A_319 = arith.constant 2 : i32
        %add3A_320 = arith.addi %add3A_294, %add3A_319 : i32
        %lt3A_321 = arith.constant 125 : i32
        %lt3A_322 = arith.cmpi slt, %add3A_320, %lt3A_321 : i32
        %convert_element_type3A_323 = arith.extui %lt3A_322 : i1 to i32
        %cond3A_324 = arith.constant 0 : i32
        %cond3A_325 = arith.cmpi ne, %convert_element_type3A_323, %cond3A_324 : i32
        scf.if %cond3A_325 {
          %ge3A = arith.constant 1 : i32
          %ge3A_362 = arith.cmpi sge, %add3A_294, %ge3A : i32
          %convert_element_type3A_363 = arith.extui %ge3A_362 : i1 to i32
          %cond3A_364 = arith.constant 0 : i32
          %cond3A_365 = arith.cmpi ne, %convert_element_type3A_363, %cond3A_364 : i32
          scf.if %cond3A_365 {
            %sub3A = arith.constant 1 : i32
            %sub3A_386 = arith.subi %add3A_294, %sub3A : i32
            %dma_wait3A_387 = arith.constant 0 : i32
            %dma_wait3A_388 = tpu.memref_slice %arg9[%sub3A_386, %dma_wait3A_387] : memref<125x80xi32, #tpu.memory_space<vmem>> -> memref<1x80xi32, #tpu.memory_space<vmem>>
            %dma_wait3A_389 = tpu.memref_squeeze %dma_wait3A_388 : memref<1x80xi32, #tpu.memory_space<vmem>> -> memref<80xi32, #tpu.memory_space<vmem>>
            %dma_wait3A_390 = arith.constant 0 : i32
            %dma_wait3A_391 = arith.constant 0 : i32
            %dma_wait3A_392 = tpu.memref_slice %arg7[%dma_wait3A_390, %dma_wait3A_391] : memref<10000x128xf32, #tpu.memory_space<vmem_shared>> -> memref<10000x128xf32, #tpu.memory_space<vmem_shared>>
            tpu.wait_indirect_dma semaphore(%arg13 : memref<!tpu.dma_semaphore, #tpu.memory_space<semaphore_mem>>) src(%run_scoped3A : memref<80x128xf32, #tpu.memory_space<vmem>>) dst(%dma_wait3A_392 : memref<10000x128xf32, #tpu.memory_space<vmem_shared>>)
          } else {
          }
          %add3A_366 = arith.constant 2 : i32
          %add3A_367 = arith.addi %add3A_294, %add3A_366 : i32
          %dma_start3A_368 = arith.constant 0 : i32
          %dma_start3A_369 = arith.constant 0 : i32
          %dma_start3A_370 = tpu.memref_slice %run_scoped3A[%dma_start3A_368, %dma_start3A_369] : memref<80x128xf32, #tpu.memory_space<vmem>> -> memref<40x128xf32, #tpu.memory_space<vmem>>
          %dma_start3A_371 = arith.constant 0 : i32
          %dma_start3A_372 = tpu.memref_slice %arg8[%add3A_367, %dma_start3A_371] : memref<125x80xi32, #tpu.memory_space<vmem>> -> memref<1x40xi32, #tpu.memory_space<vmem>>
          %dma_start3A_373 = tpu.memref_squeeze %dma_start3A_372 : memref<1x40xi32, #tpu.memory_space<vmem>> -> memref<40xi32, #tpu.memory_space<vmem>>
          %dma_start3A_374 = arith.constant 0 : i32
          %dma_start3A_375 = arith.constant 0 : i32
          %dma_start3A_376 = tpu.memref_slice %arg2[%dma_start3A_374, %dma_start3A_375] : memref<10000x128xf32, #tpu.memory_space<hbm>> -> memref<10000x128xf32, #tpu.memory_space<hbm>>
          tpu.enqueue_indirect_dma source(%dma_start3A_376 : memref<10000x128xf32, #tpu.memory_space<hbm>>) target(%dma_start3A_370 : memref<40x128xf32, #tpu.memory_space<vmem>>) offsets(%dma_start3A_373 : memref<40xi32, #tpu.memory_space<vmem>>) semaphore(%arg10 : memref<!tpu.dma_semaphore, #tpu.memory_space<semaphore_mem>>)
          %dma_start3A_377 = arith.constant 40 : i32
          %dma_start3A_378 = arith.constant 0 : i32
          %dma_start3A_379 = tpu.memref_slice %run_scoped3A[%dma_start3A_377, %dma_start3A_378] : memref<80x128xf32, #tpu.memory_space<vmem>> -> memref<40x128xf32, #tpu.memory_space<vmem>>
          %dma_start3A_380 = arith.constant 40 : i32
          %dma_start3A_381 = tpu.memref_slice %arg8[%add3A_367, %dma_start3A_380] : memref<125x80xi32, #tpu.memory_space<vmem>> -> memref<1x40xi32, #tpu.memory_space<vmem>>
          %dma_start3A_382 = tpu.memref_squeeze %dma_start3A_381 : memref<1x40xi32, #tpu.memory_space<vmem>> -> memref<40xi32, #tpu.memory_space<vmem>>
          %dma_start3A_383 = arith.constant 0 : i32
          %dma_start3A_384 = arith.constant 0 : i32
          %dma_start3A_385 = tpu.memref_slice %arg2[%dma_start3A_383, %dma_start3A_384] : memref<10000x128xf32, #tpu.memory_space<hbm>> -> memref<10000x128xf32, #tpu.memory_space<hbm>>
          tpu.enqueue_indirect_dma source(%dma_start3A_385 : memref<10000x128xf32, #tpu.memory_space<hbm>>) target(%dma_start3A_379 : memref<40x128xf32, #tpu.memory_space<vmem>>) offsets(%dma_start3A_382 : memref<40xi32, #tpu.memory_space<vmem>>) semaphore(%arg10 : memref<!tpu.dma_semaphore, #tpu.memory_space<semaphore_mem>>)
        } else {
        }
        %mul3A_326 = arith.constant 3 : i32
        %mul3A_327 = arith.muli %mul3A_326, %scan3A_257 : i32
        %add3A_328 = arith.constant 2 : i32
        %add3A_329 = arith.addi %mul3A_327, %add3A_328 : i32
        %dma_wait3A_330 = arith.constant 0 : i32
        %dma_wait3A_331 = arith.constant 0 : i32
        %dma_wait3A_332 = tpu.memref_slice %run_scoped3A_29[%dma_wait3A_330, %dma_wait3A_331] : memref<80x128xf32, #tpu.memory_space<vmem>> -> memref<40x128xf32, #tpu.memory_space<vmem>>
        %dma_wait3A_333 = arith.constant 0 : i32
        %dma_wait3A_334 = tpu.memref_slice %arg8[%add3A_329, %dma_wait3A_333] : memref<125x80xi32, #tpu.memory_space<vmem>> -> memref<1x40xi32, #tpu.memory_space<vmem>>
        %dma_wait3A_335 = tpu.memref_squeeze %dma_wait3A_334 : memref<1x40xi32, #tpu.memory_space<vmem>> -> memref<40xi32, #tpu.memory_space<vmem>>
        %dma_wait3A_336 = arith.constant 0 : i32
        %dma_wait3A_337 = arith.constant 0 : i32
        %dma_wait3A_338 = tpu.memref_slice %arg2[%dma_wait3A_336, %dma_wait3A_337] : memref<10000x128xf32, #tpu.memory_space<hbm>> -> memref<10000x128xf32, #tpu.memory_space<hbm>>
        tpu.wait_indirect_dma semaphore(%arg12 : memref<!tpu.dma_semaphore, #tpu.memory_space<semaphore_mem>>) src(%dma_wait3A_338 : memref<10000x128xf32, #tpu.memory_space<hbm>>) dst(%dma_wait3A_332 : memref<40x128xf32, #tpu.memory_space<vmem>>)
        %dma_wait3A_339 = arith.constant 40 : i32
        %dma_wait3A_340 = arith.constant 0 : i32
        %dma_wait3A_341 = tpu.memref_slice %run_scoped3A_29[%dma_wait3A_339, %dma_wait3A_340] : memref<80x128xf32, #tpu.memory_space<vmem>> -> memref<40x128xf32, #tpu.memory_space<vmem>>
        %dma_wait3A_342 = arith.constant 40 : i32
        %dma_wait3A_343 = tpu.memref_slice %arg8[%add3A_329, %dma_wait3A_342] : memref<125x80xi32, #tpu.memory_space<vmem>> -> memref<1x40xi32, #tpu.memory_space<vmem>>
        %dma_wait3A_344 = tpu.memref_squeeze %dma_wait3A_343 : memref<1x40xi32, #tpu.memory_space<vmem>> -> memref<40xi32, #tpu.memory_space<vmem>>
        %dma_wait3A_345 = arith.constant 0 : i32
        %dma_wait3A_346 = arith.constant 0 : i32
        %dma_wait3A_347 = tpu.memref_slice %arg2[%dma_wait3A_345, %dma_wait3A_346] : memref<10000x128xf32, #tpu.memory_space<hbm>> -> memref<10000x128xf32, #tpu.memory_space<hbm>>
        tpu.wait_indirect_dma semaphore(%arg12 : memref<!tpu.dma_semaphore, #tpu.memory_space<semaphore_mem>>) src(%dma_wait3A_347 : memref<10000x128xf32, #tpu.memory_space<hbm>>) dst(%dma_wait3A_341 : memref<40x128xf32, #tpu.memory_space<vmem>>)
        %dma_start3A_348 = arith.constant 0 : i32
        %dma_start3A_349 = tpu.memref_slice %arg9[%add3A_329, %dma_start3A_348] : memref<125x80xi32, #tpu.memory_space<vmem>> -> memref<1x80xi32, #tpu.memory_space<vmem>>
        %dma_start3A_350 = tpu.memref_squeeze %dma_start3A_349 : memref<1x80xi32, #tpu.memory_space<vmem>> -> memref<80xi32, #tpu.memory_space<vmem>>
        %dma_start3A_351 = arith.constant 0 : i32
        %dma_start3A_352 = arith.constant 0 : i32
        %dma_start3A_353 = tpu.memref_slice %arg7[%dma_start3A_351, %dma_start3A_352] : memref<10000x128xf32, #tpu.memory_space<vmem_shared>> -> memref<10000x128xf32, #tpu.memory_space<vmem_shared>>
        tpu.enqueue_indirect_dma source(%run_scoped3A_29 : memref<80x128xf32, #tpu.memory_space<vmem>>) target(%dma_start3A_353 : memref<10000x128xf32, #tpu.memory_space<vmem_shared>>) offsets(%dma_start3A_350 : memref<80xi32, #tpu.memory_space<vmem>>) semaphore(%arg15 : memref<!tpu.dma_semaphore, #tpu.memory_space<semaphore_mem>>) {add = true}
        %add3A_354 = arith.constant 2 : i32
        %add3A_355 = arith.addi %add3A_329, %add3A_354 : i32
        %lt3A_356 = arith.constant 125 : i32
        %lt3A_357 = arith.cmpi slt, %add3A_355, %lt3A_356 : i32
        %convert_element_type3A_358 = arith.extui %lt3A_357 : i1 to i32
        %cond3A_359 = arith.constant 0 : i32
        %cond3A_360 = arith.cmpi ne, %convert_element_type3A_358, %cond3A_359 : i32
        scf.if %cond3A_360 {
          %ge3A = arith.constant 1 : i32
          %ge3A_362 = arith.cmpi sge, %add3A_329, %ge3A : i32
          %convert_element_type3A_363 = arith.extui %ge3A_362 : i1 to i32
          %cond3A_364 = arith.constant 0 : i32
          %cond3A_365 = arith.cmpi ne, %convert_element_type3A_363, %cond3A_364 : i32
          scf.if %cond3A_365 {
            %sub3A = arith.constant 1 : i32
            %sub3A_386 = arith.subi %add3A_329, %sub3A : i32
            %dma_wait3A_387 = arith.constant 0 : i32
            %dma_wait3A_388 = tpu.memref_slice %arg9[%sub3A_386, %dma_wait3A_387] : memref<125x80xi32, #tpu.memory_space<vmem>> -> memref<1x80xi32, #tpu.memory_space<vmem>>
            %dma_wait3A_389 = tpu.memref_squeeze %dma_wait3A_388 : memref<1x80xi32, #tpu.memory_space<vmem>> -> memref<80xi32, #tpu.memory_space<vmem>>
            %dma_wait3A_390 = arith.constant 0 : i32
            %dma_wait3A_391 = arith.constant 0 : i32
            %dma_wait3A_392 = tpu.memref_slice %arg7[%dma_wait3A_390, %dma_wait3A_391] : memref<10000x128xf32, #tpu.memory_space<vmem_shared>> -> memref<10000x128xf32, #tpu.memory_space<vmem_shared>>
            tpu.wait_indirect_dma semaphore(%arg14 : memref<!tpu.dma_semaphore, #tpu.memory_space<semaphore_mem>>) src(%run_scoped3A_28 : memref<80x128xf32, #tpu.memory_space<vmem>>) dst(%dma_wait3A_392 : memref<10000x128xf32, #tpu.memory_space<vmem_shared>>)
          } else {
          }
          %add3A_366 = arith.constant 2 : i32
          %add3A_367 = arith.addi %add3A_329, %add3A_366 : i32
          %dma_start3A_368 = arith.constant 0 : i32
          %dma_start3A_369 = arith.constant 0 : i32
          %dma_start3A_370 = tpu.memref_slice %run_scoped3A_28[%dma_start3A_368, %dma_start3A_369] : memref<80x128xf32, #tpu.memory_space<vmem>> -> memref<40x128xf32, #tpu.memory_space<vmem>>
          %dma_start3A_371 = arith.constant 0 : i32
          %dma_start3A_372 = tpu.memref_slice %arg8[%add3A_367, %dma_start3A_371] : memref<125x80xi32, #tpu.memory_space<vmem>> -> memref<1x40xi32, #tpu.memory_space<vmem>>
          %dma_start3A_373 = tpu.memref_squeeze %dma_start3A_372 : memref<1x40xi32, #tpu.memory_space<vmem>> -> memref<40xi32, #tpu.memory_space<vmem>>
          %dma_start3A_374 = arith.constant 0 : i32
          %dma_start3A_375 = arith.constant 0 : i32
          %dma_start3A_376 = tpu.memref_slice %arg2[%dma_start3A_374, %dma_start3A_375] : memref<10000x128xf32, #tpu.memory_space<hbm>> -> memref<10000x128xf32, #tpu.memory_space<hbm>>
          tpu.enqueue_indirect_dma source(%dma_start3A_376 : memref<10000x128xf32, #tpu.memory_space<hbm>>) target(%dma_start3A_370 : memref<40x128xf32, #tpu.memory_space<vmem>>) offsets(%dma_start3A_373 : memref<40xi32, #tpu.memory_space<vmem>>) semaphore(%arg11 : memref<!tpu.dma_semaphore, #tpu.memory_space<semaphore_mem>>)
          %dma_start3A_377 = arith.constant 40 : i32
          %dma_start3A_378 = arith.constant 0 : i32
          %dma_start3A_379 = tpu.memref_slice %run_scoped3A_28[%dma_start3A_377, %dma_start3A_378] : memref<80x128xf32, #tpu.memory_space<vmem>> -> memref<40x128xf32, #tpu.memory_space<vmem>>
          %dma_start3A_380 = arith.constant 40 : i32
          %dma_start3A_381 = tpu.memref_slice %arg8[%add3A_367, %dma_start3A_380] : memref<125x80xi32, #tpu.memory_space<vmem>> -> memref<1x40xi32, #tpu.memory_space<vmem>>
          %dma_start3A_382 = tpu.memref_squeeze %dma_start3A_381 : memref<1x40xi32, #tpu.memory_space<vmem>> -> memref<40xi32, #tpu.memory_space<vmem>>
          %dma_start3A_383 = arith.constant 0 : i32
          %dma_start3A_384 = arith.constant 0 : i32
          %dma_start3A_385 = tpu.memref_slice %arg2[%dma_start3A_383, %dma_start3A_384] : memref<10000x128xf32, #tpu.memory_space<hbm>> -> memref<10000x128xf32, #tpu.memory_space<hbm>>
          tpu.enqueue_indirect_dma source(%dma_start3A_385 : memref<10000x128xf32, #tpu.memory_space<hbm>>) target(%dma_start3A_379 : memref<40x128xf32, #tpu.memory_space<vmem>>) offsets(%dma_start3A_382 : memref<40xi32, #tpu.memory_space<vmem>>) semaphore(%arg11 : memref<!tpu.dma_semaphore, #tpu.memory_space<semaphore_mem>>)
        } else {
        }
        %scan3A_361 = arith.constant 0 : i32
        scf.yield %scan3A_361 : i32
      }
      %scan3A_207 = arith.constant 41 : i32
      %dma_wait3A_208 = arith.constant 122 : i32
      %dma_wait3A_209 = arith.constant 0 : i32
      %dma_wait3A_210 = tpu.memref_slice %arg9[%dma_wait3A_208, %dma_wait3A_209] : memref<125x80xi32, #tpu.memory_space<vmem>> -> memref<1x80xi32, #tpu.memory_space<vmem>>
      %dma_wait3A_211 = tpu.memref_squeeze %dma_wait3A_210 : memref<1x80xi32, #tpu.memory_space<vmem>> -> memref<80xi32, #tpu.memory_space<vmem>>
      %dma_wait3A_212 = arith.constant 0 : i32
      %dma_wait3A_213 = arith.constant 0 : i32
      %dma_wait3A_214 = tpu.memref_slice %arg7[%dma_wait3A_212, %dma_wait3A_213] : memref<10000x128xf32, #tpu.memory_space<vmem_shared>> -> memref<10000x128xf32, #tpu.memory_space<vmem_shared>>
      tpu.wait_indirect_dma semaphore(%arg15 : memref<!tpu.dma_semaphore, #tpu.memory_space<semaphore_mem>>) src(%run_scoped3A_29 : memref<80x128xf32, #tpu.memory_space<vmem>>) dst(%dma_wait3A_214 : memref<10000x128xf32, #tpu.memory_space<vmem_shared>>)
      %dma_wait3A_215 = arith.constant 123 : i32
      %dma_wait3A_216 = arith.constant 0 : i32
      %dma_wait3A_217 = arith.constant 0 : i32
      %dma_wait3A_218 = tpu.memref_slice %run_scoped3A[%dma_wait3A_216, %dma_wait3A_217] : memref<80x128xf32, #tpu.memory_space<vmem>> -> memref<40x128xf32, #tpu.memory_space<vmem>>
      %dma_wait3A_219 = arith.constant 0 : i32
      %dma_wait3A_220 = tpu.memref_slice %arg8[%dma_wait3A_215, %dma_wait3A_219] : memref<125x80xi32, #tpu.memory_space<vmem>> -> memref<1x40xi32, #tpu.memory_space<vmem>>
      %dma_wait3A_221 = tpu.memref_squeeze %dma_wait3A_220 : memref<1x40xi32, #tpu.memory_space<vmem>> -> memref<40xi32, #tpu.memory_space<vmem>>
      %dma_wait3A_222 = arith.constant 0 : i32
      %dma_wait3A_223 = arith.constant 0 : i32
      %dma_wait3A_224 = tpu.memref_slice %arg2[%dma_wait3A_222, %dma_wait3A_223] : memref<10000x128xf32, #tpu.memory_space<hbm>> -> memref<10000x128xf32, #tpu.memory_space<hbm>>
      tpu.wait_indirect_dma semaphore(%arg10 : memref<!tpu.dma_semaphore, #tpu.memory_space<semaphore_mem>>) src(%dma_wait3A_224 : memref<10000x128xf32, #tpu.memory_space<hbm>>) dst(%dma_wait3A_218 : memref<40x128xf32, #tpu.memory_space<vmem>>)
      %dma_wait3A_225 = arith.constant 123 : i32
      %dma_wait3A_226 = arith.constant 40 : i32
      %dma_wait3A_227 = arith.constant 0 : i32
      %dma_wait3A_228 = tpu.memref_slice %run_scoped3A[%dma_wait3A_226, %dma_wait3A_227] : memref<80x128xf32, #tpu.memory_space<vmem>> -> memref<40x128xf32, #tpu.memory_space<vmem>>
      %dma_wait3A_229 = arith.constant 40 : i32
      %dma_wait3A_230 = tpu.memref_slice %arg8[%dma_wait3A_225, %dma_wait3A_229] : memref<125x80xi32, #tpu.memory_space<vmem>> -> memref<1x40xi32, #tpu.memory_space<vmem>>
      %dma_wait3A_231 = tpu.memref_squeeze %dma_wait3A_230 : memref<1x40xi32, #tpu.memory_space<vmem>> -> memref<40xi32, #tpu.memory_space<vmem>>
      %dma_wait3A_232 = arith.constant 0 : i32
      %dma_wait3A_233 = arith.constant 0 : i32
      %dma_wait3A_234 = tpu.memref_slice %arg2[%dma_wait3A_232, %dma_wait3A_233] : memref<10000x128xf32, #tpu.memory_space<hbm>> -> memref<10000x128xf32, #tpu.memory_space<hbm>>
      tpu.wait_indirect_dma semaphore(%arg10 : memref<!tpu.dma_semaphore, #tpu.memory_space<semaphore_mem>>) src(%dma_wait3A_234 : memref<10000x128xf32, #tpu.memory_space<hbm>>) dst(%dma_wait3A_228 : memref<40x128xf32, #tpu.memory_space<vmem>>)
      %run_scoped3A_235 = arith.constant 123 : i32
      "tpu.region"() ({
        %run_scoped3A_257 = tpu.sem_alloc : memref<!tpu.dma_semaphore, #tpu.memory_space<semaphore_mem>>
        %dma_start3A_258 = arith.constant 0 : i32
        %dma_start3A_259 = tpu.memref_slice %arg9[%run_scoped3A_235, %dma_start3A_258] : memref<125x80xi32, #tpu.memory_space<vmem>> -> memref<1x80xi32, #tpu.memory_space<vmem>>
        %dma_start3A_260 = tpu.memref_squeeze %dma_start3A_259 : memref<1x80xi32, #tpu.memory_space<vmem>> -> memref<80xi32, #tpu.memory_space<vmem>>
        %dma_start3A_261 = arith.constant 0 : i32
        %dma_start3A_262 = arith.constant 0 : i32
        %dma_start3A_263 = tpu.memref_slice %arg7[%dma_start3A_261, %dma_start3A_262] : memref<10000x128xf32, #tpu.memory_space<vmem_shared>> -> memref<10000x128xf32, #tpu.memory_space<vmem_shared>>
        tpu.enqueue_indirect_dma source(%run_scoped3A : memref<80x128xf32, #tpu.memory_space<vmem>>) target(%dma_start3A_263 : memref<10000x128xf32, #tpu.memory_space<vmem_shared>>) offsets(%dma_start3A_260 : memref<80xi32, #tpu.memory_space<vmem>>) semaphore(%run_scoped3A_257 : memref<!tpu.dma_semaphore, #tpu.memory_space<semaphore_mem>>) {add = true}
        %dma_wait3A_264 = arith.constant 0 : i32
        %dma_wait3A_265 = tpu.memref_slice %arg9[%run_scoped3A_235, %dma_wait3A_264] : memref<125x80xi32, #tpu.memory_space<vmem>> -> memref<1x80xi32, #tpu.memory_space<vmem>>
        %dma_wait3A_266 = tpu.memref_squeeze %dma_wait3A_265 : memref<1x80xi32, #tpu.memory_space<vmem>> -> memref<80xi32, #tpu.memory_space<vmem>>
        %dma_wait3A_267 = arith.constant 0 : i32
        %dma_wait3A_268 = arith.constant 0 : i32
        %dma_wait3A_269 = tpu.memref_slice %arg7[%dma_wait3A_267, %dma_wait3A_268] : memref<10000x128xf32, #tpu.memory_space<vmem_shared>> -> memref<10000x128xf32, #tpu.memory_space<vmem_shared>>
        tpu.wait_indirect_dma semaphore(%run_scoped3A_257 : memref<!tpu.dma_semaphore, #tpu.memory_space<semaphore_mem>>) src(%run_scoped3A : memref<80x128xf32, #tpu.memory_space<vmem>>) dst(%dma_wait3A_269 : memref<10000x128xf32, #tpu.memory_space<vmem_shared>>)
        tpu.yield
      }) : () -> ()
      %dma_wait3A_236 = arith.constant 124 : i32
      %dma_wait3A_237 = arith.constant 0 : i32
      %dma_wait3A_238 = arith.constant 0 : i32
      %dma_wait3A_239 = tpu.memref_slice %run_scoped3A_28[%dma_wait3A_237, %dma_wait3A_238] : memref<80x128xf32, #tpu.memory_space<vmem>> -> memref<40x128xf32, #tpu.memory_space<vmem>>
      %dma_wait3A_240 = arith.constant 0 : i32
      %dma_wait3A_241 = tpu.memref_slice %arg8[%dma_wait3A_236, %dma_wait3A_240] : memref<125x80xi32, #tpu.memory_space<vmem>> -> memref<1x40xi32, #tpu.memory_space<vmem>>
      %dma_wait3A_242 = tpu.memref_squeeze %dma_wait3A_241 : memref<1x40xi32, #tpu.memory_space<vmem>> -> memref<40xi32, #tpu.memory_space<vmem>>
      %dma_wait3A_243 = arith.constant 0 : i32
      %dma_wait3A_244 = arith.constant 0 : i32
      %dma_wait3A_245 = tpu.memref_slice %arg2[%dma_wait3A_243, %dma_wait3A_244] : memref<10000x128xf32, #tpu.memory_space<hbm>> -> memref<10000x128xf32, #tpu.memory_space<hbm>>
      tpu.wait_indirect_dma semaphore(%arg11 : memref<!tpu.dma_semaphore, #tpu.memory_space<semaphore_mem>>) src(%dma_wait3A_245 : memref<10000x128xf32, #tpu.memory_space<hbm>>) dst(%dma_wait3A_239 : memref<40x128xf32, #tpu.memory_space<vmem>>)
      %dma_wait3A_246 = arith.constant 124 : i32
      %dma_wait3A_247 = arith.constant 40 : i32
      %dma_wait3A_248 = arith.constant 0 : i32
      %dma_wait3A_249 = tpu.memref_slice %run_scoped3A_28[%dma_wait3A_247, %dma_wait3A_248] : memref<80x128xf32, #tpu.memory_space<vmem>> -> memref<40x128xf32, #tpu.memory_space<vmem>>
      %dma_wait3A_250 = arith.constant 40 : i32
      %dma_wait3A_251 = tpu.memref_slice %arg8[%dma_wait3A_246, %dma_wait3A_250] : memref<125x80xi32, #tpu.memory_space<vmem>> -> memref<1x40xi32, #tpu.memory_space<vmem>>
      %dma_wait3A_252 = tpu.memref_squeeze %dma_wait3A_251 : memref<1x40xi32, #tpu.memory_space<vmem>> -> memref<40xi32, #tpu.memory_space<vmem>>
      %dma_wait3A_253 = arith.constant 0 : i32
      %dma_wait3A_254 = arith.constant 0 : i32
      %dma_wait3A_255 = tpu.memref_slice %arg2[%dma_wait3A_253, %dma_wait3A_254] : memref<10000x128xf32, #tpu.memory_space<hbm>> -> memref<10000x128xf32, #tpu.memory_space<hbm>>
      tpu.wait_indirect_dma semaphore(%arg11 : memref<!tpu.dma_semaphore, #tpu.memory_space<semaphore_mem>>) src(%dma_wait3A_255 : memref<10000x128xf32, #tpu.memory_space<hbm>>) dst(%dma_wait3A_249 : memref<40x128xf32, #tpu.memory_space<vmem>>)
      %run_scoped3A_256 = arith.constant 124 : i32
      "tpu.region"() ({
        %run_scoped3A_257 = tpu.sem_alloc : memref<!tpu.dma_semaphore, #tpu.memory_space<semaphore_mem>>
        %dma_start3A_258 = arith.constant 0 : i32
        %dma_start3A_259 = tpu.memref_slice %arg9[%run_scoped3A_256, %dma_start3A_258] : memref<125x80xi32, #tpu.memory_space<vmem>> -> memref<1x80xi32, #tpu.memory_space<vmem>>
        %dma_start3A_260 = tpu.memref_squeeze %dma_start3A_259 : memref<1x80xi32, #tpu.memory_space<vmem>> -> memref<80xi32, #tpu.memory_space<vmem>>
        %dma_start3A_261 = arith.constant 0 : i32
        %dma_start3A_262 = arith.constant 0 : i32
        %dma_start3A_263 = tpu.memref_slice %arg7[%dma_start3A_261, %dma_start3A_262] : memref<10000x128xf32, #tpu.memory_space<vmem_shared>> -> memref<10000x128xf32, #tpu.memory_space<vmem_shared>>
        tpu.enqueue_indirect_dma source(%run_scoped3A_28 : memref<80x128xf32, #tpu.memory_space<vmem>>) target(%dma_start3A_263 : memref<10000x128xf32, #tpu.memory_space<vmem_shared>>) offsets(%dma_start3A_260 : memref<80xi32, #tpu.memory_space<vmem>>) semaphore(%run_scoped3A_257 : memref<!tpu.dma_semaphore, #tpu.memory_space<semaphore_mem>>) {add = true}
        %dma_wait3A_264 = arith.constant 0 : i32
        %dma_wait3A_265 = tpu.memref_slice %arg9[%run_scoped3A_256, %dma_wait3A_264] : memref<125x80xi32, #tpu.memory_space<vmem>> -> memref<1x80xi32, #tpu.memory_space<vmem>>
        %dma_wait3A_266 = tpu.memref_squeeze %dma_wait3A_265 : memref<1x80xi32, #tpu.memory_space<vmem>> -> memref<80xi32, #tpu.memory_space<vmem>>
        %dma_wait3A_267 = arith.constant 0 : i32
        %dma_wait3A_268 = arith.constant 0 : i32
        %dma_wait3A_269 = tpu.memref_slice %arg7[%dma_wait3A_267, %dma_wait3A_268] : memref<10000x128xf32, #tpu.memory_space<vmem_shared>> -> memref<10000x128xf32, #tpu.memory_space<vmem_shared>>
        tpu.wait_indirect_dma semaphore(%run_scoped3A_257 : memref<!tpu.dma_semaphore, #tpu.memory_space<semaphore_mem>>) src(%run_scoped3A_28 : memref<80x128xf32, #tpu.memory_space<vmem>>) dst(%dma_wait3A_269 : memref<10000x128xf32, #tpu.memory_space<vmem_shared>>)
        tpu.yield
      }) : () -> ()
      tpu.yield
    }) : () -> ()
    %barrier3A = arith.constant 0 : index
    tpu.barrier barrier_id(%barrier3A)
    %dma_start3A_19 = arith.constant 0 : i32
    %dma_start3A_20 = tpu.memref_slice %arg5[%arg0, %mul3A_2, %dma_start3A_19] : memref<2x10000x128xf32, #tpu.memory_space<hbm>> -> memref<1x625x128xf32, #tpu.memory_space<hbm>>
    %dma_start3A_21 = tpu.memref_squeeze %dma_start3A_20 : memref<1x625x128xf32, #tpu.memory_space<hbm>> -> memref<625x128xf32, #tpu.memory_space<hbm>>
    %dma_start3A_22 = arith.constant 0 : i32
    %dma_start3A_23 = tpu.memref_slice %arg7[%mul3A_2, %dma_start3A_22] : memref<10000x128xf32, #tpu.memory_space<vmem_shared>> -> memref<625x128xf32, #tpu.memory_space<vmem_shared>>
    tpu.enqueue_dma source(%dma_start3A_23 : memref<625x128xf32, #tpu.memory_space<vmem_shared>>) target(%dma_start3A_21 : memref<625x128xf32, #tpu.memory_space<hbm>>) target_semaphore(%arg10 : memref<!tpu.dma_semaphore, #tpu.memory_space<semaphore_mem>>)
    "tpu.region"() ({
      %run_scoped3A = memref.alloca() : memref<10000xf32, #tpu.memory_space<vmem>>
      %scan3A = arith.constant 0 : i32
      %scan3A_28 = arith.constant 0 : i32
      %scan3A_29 = arith.constant 625 : i32
      %scan3A_30 = arith.addi %scan3A_28, %scan3A_29 : i32
      %scan3A_31 = arith.constant 1 : i32
      %scan3A_32 = scf.for %scan3A_43 = %scan3A_28 to %scan3A_30 step %scan3A_31 iter_args(%scan3A_44 = %scan3A) -> (i32)  : i32 {
        %mul3A_45 = arith.constant 16 : i32
        %mul3A_46 = arith.muli %scan3A_43, %mul3A_45 : i32
        %swap3A = arith.index_cast %mul3A_46 : i32 to index
        %swap3A_47 = tpu.vector_load %run_scoped3A[%swap3A] {strides = array<i32>} : memref<10000xf32, #tpu.memory_space<vmem>>, vector<16xf32>,
        tpu.vector_store %run_scoped3A[%swap3A], %broadcast_in_dim3A_3 {strides = array<i32>} : memref<10000xf32, #tpu.memory_space<vmem>>, vector<16xf32>,
        %scan3A_48 = arith.constant 0 : i32
        scf.yield %scan3A_48 : i32
      }
      %scan3A_33 = arith.constant 625 : i32
      %broadcast_in_dim3A_34 = arith.constant 1.000000e+00 : f32
      %broadcast_in_dim3A_35 = vector.broadcast %broadcast_in_dim3A_34 : f32 to vector<16xf32>
      %scan3A_36 = arith.constant 0 : i32
      %scan3A_37 = arith.constant 0 : i32
      %scan3A_38 = arith.constant 125 : i32
      %scan3A_39 = arith.addi %scan3A_37, %scan3A_38 : i32
      %scan3A_40 = arith.constant 1 : i32
      %scan3A_41 = scf.for %scan3A_43 = %scan3A_37 to %scan3A_39 step %scan3A_40 iter_args(%scan3A_44 = %scan3A_36) -> (i32)  : i32 {
        %get3A = arith.index_cast %scan3A_43 : i32 to index
        %get3A_45 = arith.constant 0 : index
        %get3A_46 = tpu.vector_load %arg9[%get3A, %get3A_45] {strides = array<i32>} : memref<125x80xi32, #tpu.memory_space<vmem>>, vector<16xi32>,
        tpu.vector_store_idx %run_scoped3A[%get3A_46], %broadcast_in_dim3A_35 {add = true} : memref<10000xf32, #tpu.memory_space<vmem>>[vector<16xi32>], vector<16xf32>,
        %get3A_47 = arith.index_cast %scan3A_43 : i32 to index
        %get3A_48 = arith.constant 16 : index
        %get3A_49 = tpu.vector_load %arg9[%get3A_47, %get3A_48] {strides = array<i32>} : memref<125x80xi32, #tpu.memory_space<vmem>>, vector<16xi32>,
        tpu.vector_store_idx %run_scoped3A[%get3A_49], %broadcast_in_dim3A_35 {add = true} : memref<10000xf32, #tpu.memory_space<vmem>>[vector<16xi32>], vector<16xf32>,
        %get3A_50 = arith.index_cast %scan3A_43 : i32 to index
        %get3A_51 = arith.constant 32 : index
        %get3A_52 = tpu.vector_load %arg9[%get3A_50, %get3A_51] {strides = array<i32>} : memref<125x80xi32, #tpu.memory_space<vmem>>, vector<16xi32>,
        tpu.vector_store_idx %run_scoped3A[%get3A_52], %broadcast_in_dim3A_35 {add = true} : memref<10000xf32, #tpu.memory_space<vmem>>[vector<16xi32>], vector<16xf32>,
        %get3A_53 = arith.index_cast %scan3A_43 : i32 to index
        %get3A_54 = arith.constant 48 : index
        %get3A_55 = tpu.vector_load %arg9[%get3A_53, %get3A_54] {strides = array<i32>} : memref<125x80xi32, #tpu.memory_space<vmem>>, vector<16xi32>,
        tpu.vector_store_idx %run_scoped3A[%get3A_55], %broadcast_in_dim3A_35 {add = true} : memref<10000xf32, #tpu.memory_space<vmem>>[vector<16xi32>], vector<16xf32>,
        %get3A_56 = arith.index_cast %scan3A_43 : i32 to index
        %get3A_57 = arith.constant 64 : index
        %get3A_58 = tpu.vector_load %arg9[%get3A_56, %get3A_57] {strides = array<i32>} : memref<125x80xi32, #tpu.memory_space<vmem>>, vector<16xi32>,
        tpu.vector_store_idx %run_scoped3A[%get3A_58], %broadcast_in_dim3A_35 {add = true} : memref<10000xf32, #tpu.memory_space<vmem>>[vector<16xi32>], vector<16xf32>,
        %scan3A_59 = arith.constant 0 : i32
        scf.yield %scan3A_59 : i32
      }
      %scan3A_42 = arith.constant 125 : i32
      "tpu.region"() ({
        %run_scoped3A_43 = tpu.sem_alloc : memref<!tpu.dma_semaphore, #tpu.memory_space<semaphore_mem>>
        %dma_start3A_44 = arith.constant 0 : i32
        %dma_start3A_45 = tpu.memref_slice %arg6[%arg0, %arg1, %dma_start3A_44] : memref<2x16x10000xf32, #tpu.memory_space<hbm>> -> memref<1x1x10000xf32, #tpu.memory_space<hbm>>
        %dma_start3A_46 = tpu.memref_squeeze %dma_start3A_45 : memref<1x1x10000xf32, #tpu.memory_space<hbm>> -> memref<10000xf32, #tpu.memory_space<hbm>>
        %dma_start3A_47 = arith.constant 0 : i32
        %dma_start3A_48 = tpu.memref_slice %arg6[%arg0, %arg1, %dma_start3A_47] : memref<2x16x10000xf32, #tpu.memory_space<hbm>> -> memref<1x1x10000xf32, #tpu.memory_space<hbm>>
        %dma_start3A_49 = tpu.memref_squeeze %dma_start3A_48 : memref<1x1x10000xf32, #tpu.memory_space<hbm>> -> memref<10000xf32, #tpu.memory_space<hbm>>
        tpu.enqueue_dma source(%run_scoped3A : memref<10000xf32, #tpu.memory_space<vmem>>) target(%dma_start3A_49 : memref<10000xf32, #tpu.memory_space<hbm>>) target_semaphore(%run_scoped3A_43 : memref<!tpu.dma_semaphore, #tpu.memory_space<semaphore_mem>>)
        %dma_wait3A_50 = arith.constant 0 : i32
        %dma_wait3A_51 = tpu.memref_slice %arg6[%arg0, %arg1, %dma_wait3A_50] : memref<2x16x10000xf32, #tpu.memory_space<hbm>> -> memref<1x1x10000xf32, #tpu.memory_space<hbm>>
        %dma_wait3A_52 = tpu.memref_squeeze %dma_wait3A_51 : memref<1x1x10000xf32, #tpu.memory_space<hbm>> -> memref<10000xf32, #tpu.memory_space<hbm>>
        %dma_wait3A_53 = arith.constant 0 : i32
        %dma_wait3A_54 = tpu.memref_slice %arg6[%arg0, %arg1, %dma_wait3A_53] : memref<2x16x10000xf32, #tpu.memory_space<hbm>> -> memref<1x1x10000xf32, #tpu.memory_space<hbm>>
        %dma_wait3A_55 = tpu.memref_squeeze %dma_wait3A_54 : memref<1x1x10000xf32, #tpu.memory_space<hbm>> -> memref<10000xf32, #tpu.memory_space<hbm>>
        tpu.wait_dma2 semaphore(%run_scoped3A_43 : memref<!tpu.dma_semaphore, #tpu.memory_space<semaphore_mem>>) src(%run_scoped3A : memref<10000xf32, #tpu.memory_space<vmem>>) dst(%dma_wait3A_55 : memref<10000xf32, #tpu.memory_space<hbm>>)
        tpu.yield
      }) : () -> ()
      tpu.yield
    }) : () -> ()
    %dma_wait3A = arith.constant 0 : i32
    %dma_wait3A_24 = tpu.memref_slice %arg5[%arg0, %mul3A_2, %dma_wait3A] : memref<2x10000x128xf32, #tpu.memory_space<hbm>> -> memref<1x625x128xf32, #tpu.memory_space<hbm>>
    %dma_wait3A_25 = tpu.memref_squeeze %dma_wait3A_24 : memref<1x625x128xf32, #tpu.memory_space<hbm>> -> memref<625x128xf32, #tpu.memory_space<hbm>>
    %dma_wait3A_26 = arith.constant 0 : i32
    %dma_wait3A_27 = tpu.memref_slice %arg7[%mul3A_2, %dma_wait3A_26] : memref<10000x128xf32, #tpu.memory_space<vmem_shared>> -> memref<625x128xf32, #tpu.memory_space<vmem_shared>>
    tpu.wait_dma2 semaphore(%arg10 : memref<!tpu.dma_semaphore, #tpu.memory_space<semaphore_mem>>) src(%dma_wait3A_27 : memref<625x128xf32, #tpu.memory_space<vmem_shared>>) dst(%dma_wait3A_25 : memref<625x128xf32, #tpu.memory_space<hbm>>)
    return
  }
}

module attributes {stable_mosaic.version = 14 : i64} {
  func.func @_dense_body(%arg0: memref<2x10000x128xf32, #tpu.memory_space<vmem>>, %arg1: memref<2x16x10000xf32, #tpu.memory_space<vmem>>, %arg2: memref<10000x128xf32, #tpu.memory_space<vmem>>, %arg3: memref<128x128xf32, #tpu.memory_space<vmem>>, %arg4: memref<128x128xf32, #tpu.memory_space<vmem>>, %arg5: memref<128xf32, #tpu.memory_space<vmem>>, %arg6: memref<128xf32, #tpu.memory_space<vmem>>, %arg7: memref<128xf32, #tpu.memory_space<vmem>>, %arg8: memref<1xf32, #tpu.memory_space<vmem>>, %arg9: memref<10000x128xf32, #tpu.memory_space<vmem>>) attributes {dimension_semantics = [], scalar_prefetch = 0 : i64, scratch_operands = 0 : i64, tpu.core_type = #tpu.core_type<tc>} {
    %get3A = arith.constant 0 : index
    %get3A_0 = arith.constant 0 : index
    %get3A_1 = arith.constant 0 : index
    %get3A_2 = vector.load %arg1[%get3A, %get3A_0, %get3A_1] : memref<2x16x10000xf32, #tpu.memory_space<vmem>>, vector<2x16x10000xf32>
    %reduce_sum3A = arith.constant dense<0.000000e+00> : vector<10000xf32>
    %reduce_sum3A_3 = vector.multi_reduction <add>, %get3A_2, %reduce_sum3A [0, 1] : vector<2x16x10000xf32> to vector<10000xf32>
    %max3A = arith.constant 1.000000e+00 : f32
    %max3A_4 = vector.broadcast %max3A : f32 to vector<10000xf32>
    %max3A_5 = arith.maximumf %reduce_sum3A_3, %max3A_4 : vector<10000xf32>
    %div3A = arith.constant 1.000000e+00 : f32
    %div3A_6 = vector.broadcast %div3A : f32 to vector<10000xf32>
    %div3A_7 = arith.divf %div3A_6, %max3A_5 : vector<10000xf32>
    %get3A_8 = arith.constant 0 : index
    %get3A_9 = arith.constant 0 : index
    %get3A_10 = arith.constant 0 : index
    %get3A_11 = vector.load %arg0[%get3A_8, %get3A_9, %get3A_10] : memref<2x10000x128xf32, #tpu.memory_space<vmem>>, vector<1x10000x128xf32>
    %get3A_12 = vector.shape_cast %get3A_11 : vector<1x10000x128xf32> to vector<10000x128xf32>
    %get3A_13 = arith.constant 1 : index
    %get3A_14 = arith.constant 0 : index
    %get3A_15 = arith.constant 0 : index
    %get3A_16 = vector.load %arg0[%get3A_13, %get3A_14, %get3A_15] : memref<2x10000x128xf32, #tpu.memory_space<vmem>>, vector<1x10000x128xf32>
    %get3A_17 = vector.shape_cast %get3A_16 : vector<1x10000x128xf32> to vector<10000x128xf32>
    %add3A = arith.addf %get3A_12, %get3A_17 : vector<10000x128xf32>
    %broadcast_in_dim3A = vector.shape_cast %div3A_7 : vector<10000xf32> to vector<10000x1xf32>
    %mul3A = vector.broadcast %broadcast_in_dim3A : vector<10000x1xf32> to vector<10000x128xf32>
    %mul3A_18 = arith.mulf %add3A, %mul3A : vector<10000x128xf32>
    %get3A_19 = arith.constant 0 : index
    %get3A_20 = arith.constant 0 : index
    %get3A_21 = vector.load %arg3[%get3A_19, %get3A_20] : memref<128x128xf32, #tpu.memory_space<vmem>>, vector<128x128xf32>
    %dot_general3A = arith.constant dense<0.000000e+00> : vector<10000x128xf32>
    %dot_general3A_22 = tpu.matmul %mul3A_18, %get3A_21, %dot_general3A {dimension_numbers = #tpu.dot_dimension_numbers<[1], [0], [0], [1], [0, 0, 1, 1], [], []>, transpose_lhs_hint = false} : vector<10000x128xf32>, vector<128x128xf32>, vector<10000x128xf32> -> vector<10000x128xf32>
    %get3A_23 = arith.constant 0 : index
    %get3A_24 = arith.constant 0 : index
    %get3A_25 = vector.load %arg2[%get3A_23, %get3A_24] : memref<10000x128xf32, #tpu.memory_space<vmem>>, vector<10000x128xf32>
    %get3A_26 = arith.constant 0 : index
    %get3A_27 = arith.constant 0 : index
    %get3A_28 = vector.load %arg4[%get3A_26, %get3A_27] : memref<128x128xf32, #tpu.memory_space<vmem>>, vector<128x128xf32>
    %dot_general3A_29 = arith.constant dense<0.000000e+00> : vector<10000x128xf32>
    %dot_general3A_30 = tpu.matmul %get3A_25, %get3A_28, %dot_general3A_29 {dimension_numbers = #tpu.dot_dimension_numbers<[1], [0], [0], [1], [0, 0, 1, 1], [], []>, transpose_lhs_hint = false} : vector<10000x128xf32>, vector<128x128xf32>, vector<10000x128xf32> -> vector<10000x128xf32>
    %add3A_31 = arith.addf %dot_general3A_22, %dot_general3A_30 : vector<10000x128xf32>
    %get3A_32 = arith.constant 0 : index
    %get3A_33 = vector.load %arg5[%get3A_32] : memref<128xf32, #tpu.memory_space<vmem>>, vector<128xf32>
    %broadcast_in_dim3A_34 = vector.shape_cast %get3A_33 : vector<128xf32> to vector<1x128xf32>
    %add3A_35 = vector.broadcast %broadcast_in_dim3A_34 : vector<1x128xf32> to vector<10000x128xf32>
    %add3A_36 = arith.addf %add3A_31, %add3A_35 : vector<10000x128xf32>
    %reduce_sum3A_37 = arith.constant dense<0.000000e+00> : vector<128xf32>
    %reduce_sum3A_38 = vector.multi_reduction <add>, %add3A_36, %reduce_sum3A_37 [0] : vector<10000x128xf32> to vector<128xf32>
    %div3A_39 = arith.constant 1.000000e+04 : f32
    %div3A_40 = vector.broadcast %div3A_39 : f32 to vector<128xf32>
    %div3A_41 = arith.divf %reduce_sum3A_38, %div3A_40 : vector<128xf32>
    %broadcast_in_dim3A_42 = vector.shape_cast %div3A_41 : vector<128xf32> to vector<1x128xf32>
    %sub3A = vector.broadcast %broadcast_in_dim3A_42 : vector<1x128xf32> to vector<10000x128xf32>
    %sub3A_43 = arith.subf %add3A_36, %sub3A : vector<10000x128xf32>
    %integer_pow3A = arith.mulf %sub3A_43, %sub3A_43 : vector<10000x128xf32>
    %reduce_sum3A_44 = arith.constant dense<0.000000e+00> : vector<128xf32>
    %reduce_sum3A_45 = vector.multi_reduction <add>, %integer_pow3A, %reduce_sum3A_44 [0] : vector<10000x128xf32> to vector<128xf32>
    %div3A_46 = arith.constant 1.000000e+04 : f32
    %div3A_47 = vector.broadcast %div3A_46 : f32 to vector<128xf32>
    %div3A_48 = arith.divf %reduce_sum3A_45, %div3A_47 : vector<128xf32>
    %broadcast_in_dim3A_49 = vector.shape_cast %div3A_41 : vector<128xf32> to vector<1x128xf32>
    %sub3A_50 = vector.broadcast %broadcast_in_dim3A_49 : vector<1x128xf32> to vector<10000x128xf32>
    %sub3A_51 = arith.subf %add3A_36, %sub3A_50 : vector<10000x128xf32>
    %add3A_52 = arith.constant 9.99999974E-6 : f32
    %add3A_53 = vector.broadcast %add3A_52 : f32 to vector<128xf32>
    %add3A_54 = arith.addf %div3A_48, %add3A_53 : vector<128xf32>
    %sqrt3A = math.sqrt %add3A_54 : vector<128xf32>
    %broadcast_in_dim3A_55 = vector.shape_cast %sqrt3A : vector<128xf32> to vector<1x128xf32>
    %div3A_56 = vector.broadcast %broadcast_in_dim3A_55 : vector<1x128xf32> to vector<10000x128xf32>
    %div3A_57 = arith.divf %sub3A_51, %div3A_56 : vector<10000x128xf32>
    %get3A_58 = arith.constant 0 : index
    %get3A_59 = vector.load %arg6[%get3A_58] : memref<128xf32, #tpu.memory_space<vmem>>, vector<128xf32>
    %broadcast_in_dim3A_60 = vector.shape_cast %get3A_59 : vector<128xf32> to vector<1x128xf32>
    %mul3A_61 = vector.broadcast %broadcast_in_dim3A_60 : vector<1x128xf32> to vector<10000x128xf32>
    %mul3A_62 = arith.mulf %div3A_57, %mul3A_61 : vector<10000x128xf32>
    %get3A_63 = arith.constant 0 : index
    %get3A_64 = vector.load %arg7[%get3A_63] : memref<128xf32, #tpu.memory_space<vmem>>, vector<128xf32>
    %broadcast_in_dim3A_65 = vector.shape_cast %get3A_64 : vector<128xf32> to vector<1x128xf32>
    %add3A_66 = vector.broadcast %broadcast_in_dim3A_65 : vector<1x128xf32> to vector<10000x128xf32>
    %add3A_67 = arith.addf %mul3A_62, %add3A_66 : vector<10000x128xf32>
    %gt3A = arith.constant 0.000000e+00 : f32
    %gt3A_68 = vector.broadcast %gt3A : f32 to vector<10000x128xf32>
    %gt3A_69 = arith.cmpf ogt, %add3A_67, %gt3A_68 : vector<10000x128xf32>
    %get3A_70 = arith.constant 0 : index
    %get3A_71 = vector.load %arg8[%get3A_70] : memref<1xf32, #tpu.memory_space<vmem>>, vector<1xf32>
    %broadcast_in_dim3A_72 = vector.shape_cast %get3A_71 : vector<1xf32> to vector<1x1xf32>
    %mul3A_73 = vector.broadcast %broadcast_in_dim3A_72 : vector<1x1xf32> to vector<10000x128xf32>
    %mul3A_74 = arith.mulf %mul3A_73, %add3A_67 : vector<10000x128xf32>
    %select_n3A = arith.select %gt3A_69, %add3A_67, %mul3A_74 : vector<10000x128xi1>, vector<10000x128xf32>
    %swap3A = arith.constant 0 : index
    %swap3A_75 = arith.constant 0 : index
    %swap3A_76 = vector.load %arg9[%swap3A, %swap3A_75] : memref<10000x128xf32, #tpu.memory_space<vmem>>, vector<10000x128xf32>
    tpu.vector_store %arg9[%swap3A, %swap3A_75], %select_n3A {strides = array<i32>} : memref<10000x128xf32, #tpu.memory_space<vmem>>, vector<10000x128xf32>,
    return
  }
}

module attributes {stable_mosaic.version = 14 : i64} {
  func.func @_final_body(%arg0: memref<2x10000x128xf32, #tpu.memory_space<vmem>>, %arg1: memref<2x16x10000xf32, #tpu.memory_space<vmem>>, %arg2: memref<10000x128xf32, #tpu.memory_space<vmem>>, %arg3: memref<10000x128xf32, #tpu.memory_space<vmem>>, %arg4: memref<10000xi32, #tpu.memory_space<vmem>>, %arg5: memref<128x128xf32, #tpu.memory_space<vmem>>, %arg6: memref<128x128xf32, #tpu.memory_space<vmem>>, %arg7: memref<128xf32, #tpu.memory_space<vmem>>, %arg8: memref<128xf32, #tpu.memory_space<vmem>>, %arg9: memref<128xf32, #tpu.memory_space<vmem>>, %arg10: memref<1xf32, #tpu.memory_space<vmem>>, %arg11: memref<3x128x128xf32, #tpu.memory_space<vmem>>, %arg12: memref<128xf32, #tpu.memory_space<vmem>>, %arg13: memref<128x64xf32, #tpu.memory_space<vmem>>, %arg14: memref<64xf32, #tpu.memory_space<vmem>>, %arg15: memref<64x64xf32, #tpu.memory_space<vmem>>) attributes {dimension_semantics = [], scalar_prefetch = 0 : i64, scratch_operands = 0 : i64, tpu.core_type = #tpu.core_type<tc>} {
    %get3A = arith.constant 0 : index
    %get3A_0 = arith.constant 0 : index
    %get3A_1 = arith.constant 0 : index
    %get3A_2 = vector.load %arg1[%get3A, %get3A_0, %get3A_1] : memref<2x16x10000xf32, #tpu.memory_space<vmem>>, vector<2x16x10000xf32>
    %reduce_sum3A = arith.constant dense<0.000000e+00> : vector<10000xf32>
    %reduce_sum3A_3 = vector.multi_reduction <add>, %get3A_2, %reduce_sum3A [0, 1] : vector<2x16x10000xf32> to vector<10000xf32>
    %max3A = arith.constant 1.000000e+00 : f32
    %max3A_4 = vector.broadcast %max3A : f32 to vector<10000xf32>
    %max3A_5 = arith.maximumf %reduce_sum3A_3, %max3A_4 : vector<10000xf32>
    %div3A = arith.constant 1.000000e+00 : f32
    %div3A_6 = vector.broadcast %div3A : f32 to vector<10000xf32>
    %div3A_7 = arith.divf %div3A_6, %max3A_5 : vector<10000xf32>
    %get3A_8 = arith.constant 0 : index
    %get3A_9 = arith.constant 0 : index
    %get3A_10 = arith.constant 0 : index
    %get3A_11 = vector.load %arg0[%get3A_8, %get3A_9, %get3A_10] : memref<2x10000x128xf32, #tpu.memory_space<vmem>>, vector<1x10000x128xf32>
    %get3A_12 = vector.shape_cast %get3A_11 : vector<1x10000x128xf32> to vector<10000x128xf32>
    %get3A_13 = arith.constant 1 : index
    %get3A_14 = arith.constant 0 : index
    %get3A_15 = arith.constant 0 : index
    %get3A_16 = vector.load %arg0[%get3A_13, %get3A_14, %get3A_15] : memref<2x10000x128xf32, #tpu.memory_space<vmem>>, vector<1x10000x128xf32>
    %get3A_17 = vector.shape_cast %get3A_16 : vector<1x10000x128xf32> to vector<10000x128xf32>
    %add3A = arith.addf %get3A_12, %get3A_17 : vector<10000x128xf32>
    %broadcast_in_dim3A = vector.shape_cast %div3A_7 : vector<10000xf32> to vector<10000x1xf32>
    %mul3A = vector.broadcast %broadcast_in_dim3A : vector<10000x1xf32> to vector<10000x128xf32>
    %mul3A_18 = arith.mulf %add3A, %mul3A : vector<10000x128xf32>
    %get3A_19 = arith.constant 0 : index
    %get3A_20 = arith.constant 0 : index
    %get3A_21 = vector.load %arg5[%get3A_19, %get3A_20] : memref<128x128xf32, #tpu.memory_space<vmem>>, vector<128x128xf32>
    %dot_general3A = arith.constant dense<0.000000e+00> : vector<10000x128xf32>
    %dot_general3A_22 = tpu.matmul %mul3A_18, %get3A_21, %dot_general3A {dimension_numbers = #tpu.dot_dimension_numbers<[1], [0], [0], [1], [0, 0, 1, 1], [], []>, transpose_lhs_hint = false} : vector<10000x128xf32>, vector<128x128xf32>, vector<10000x128xf32> -> vector<10000x128xf32>
    %get3A_23 = arith.constant 0 : index
    %get3A_24 = arith.constant 0 : index
    %get3A_25 = vector.load %arg2[%get3A_23, %get3A_24] : memref<10000x128xf32, #tpu.memory_space<vmem>>, vector<10000x128xf32>
    %get3A_26 = arith.constant 0 : index
    %get3A_27 = arith.constant 0 : index
    %get3A_28 = vector.load %arg6[%get3A_26, %get3A_27] : memref<128x128xf32, #tpu.memory_space<vmem>>, vector<128x128xf32>
    %dot_general3A_29 = arith.constant dense<0.000000e+00> : vector<10000x128xf32>
    %dot_general3A_30 = tpu.matmul %get3A_25, %get3A_28, %dot_general3A_29 {dimension_numbers = #tpu.dot_dimension_numbers<[1], [0], [0], [1], [0, 0, 1, 1], [], []>, transpose_lhs_hint = false} : vector<10000x128xf32>, vector<128x128xf32>, vector<10000x128xf32> -> vector<10000x128xf32>
    %add3A_31 = arith.addf %dot_general3A_22, %dot_general3A_30 : vector<10000x128xf32>
    %get3A_32 = arith.constant 0 : index
    %get3A_33 = vector.load %arg7[%get3A_32] : memref<128xf32, #tpu.memory_space<vmem>>, vector<128xf32>
    %broadcast_in_dim3A_34 = vector.shape_cast %get3A_33 : vector<128xf32> to vector<1x128xf32>
    %add3A_35 = vector.broadcast %broadcast_in_dim3A_34 : vector<1x128xf32> to vector<10000x128xf32>
    %add3A_36 = arith.addf %add3A_31, %add3A_35 : vector<10000x128xf32>
    %reduce_sum3A_37 = arith.constant dense<0.000000e+00> : vector<128xf32>
    %reduce_sum3A_38 = vector.multi_reduction <add>, %add3A_36, %reduce_sum3A_37 [0] : vector<10000x128xf32> to vector<128xf32>
    %div3A_39 = arith.constant 1.000000e+04 : f32
    %div3A_40 = vector.broadcast %div3A_39 : f32 to vector<128xf32>
    %div3A_41 = arith.divf %reduce_sum3A_38, %div3A_40 : vector<128xf32>
    %broadcast_in_dim3A_42 = vector.shape_cast %div3A_41 : vector<128xf32> to vector<1x128xf32>
    %sub3A = vector.broadcast %broadcast_in_dim3A_42 : vector<1x128xf32> to vector<10000x128xf32>
    %sub3A_43 = arith.subf %add3A_36, %sub3A : vector<10000x128xf32>
    %integer_pow3A = arith.mulf %sub3A_43, %sub3A_43 : vector<10000x128xf32>
    %reduce_sum3A_44 = arith.constant dense<0.000000e+00> : vector<128xf32>
    %reduce_sum3A_45 = vector.multi_reduction <add>, %integer_pow3A, %reduce_sum3A_44 [0] : vector<10000x128xf32> to vector<128xf32>
    %div3A_46 = arith.constant 1.000000e+04 : f32
    %div3A_47 = vector.broadcast %div3A_46 : f32 to vector<128xf32>
    %div3A_48 = arith.divf %reduce_sum3A_45, %div3A_47 : vector<128xf32>
    %broadcast_in_dim3A_49 = vector.shape_cast %div3A_41 : vector<128xf32> to vector<1x128xf32>
    %sub3A_50 = vector.broadcast %broadcast_in_dim3A_49 : vector<1x128xf32> to vector<10000x128xf32>
    %sub3A_51 = arith.subf %add3A_36, %sub3A_50 : vector<10000x128xf32>
    %add3A_52 = arith.constant 9.99999974E-6 : f32
    %add3A_53 = vector.broadcast %add3A_52 : f32 to vector<128xf32>
    %add3A_54 = arith.addf %div3A_48, %add3A_53 : vector<128xf32>
    %sqrt3A = math.sqrt %add3A_54 : vector<128xf32>
    %broadcast_in_dim3A_55 = vector.shape_cast %sqrt3A : vector<128xf32> to vector<1x128xf32>
    %div3A_56 = vector.broadcast %broadcast_in_dim3A_55 : vector<1x128xf32> to vector<10000x128xf32>
    %div3A_57 = arith.divf %sub3A_51, %div3A_56 : vector<10000x128xf32>
    %get3A_58 = arith.constant 0 : index
    %get3A_59 = vector.load %arg8[%get3A_58] : memref<128xf32, #tpu.memory_space<vmem>>, vector<128xf32>
    %broadcast_in_dim3A_60 = vector.shape_cast %get3A_59 : vector<128xf32> to vector<1x128xf32>
    %mul3A_61 = vector.broadcast %broadcast_in_dim3A_60 : vector<1x128xf32> to vector<10000x128xf32>
    %mul3A_62 = arith.mulf %div3A_57, %mul3A_61 : vector<10000x128xf32>
    %get3A_63 = arith.constant 0 : index
    %get3A_64 = vector.load %arg9[%get3A_63] : memref<128xf32, #tpu.memory_space<vmem>>, vector<128xf32>
    %broadcast_in_dim3A_65 = vector.shape_cast %get3A_64 : vector<128xf32> to vector<1x128xf32>
    %add3A_66 = vector.broadcast %broadcast_in_dim3A_65 : vector<1x128xf32> to vector<10000x128xf32>
    %add3A_67 = arith.addf %mul3A_62, %add3A_66 : vector<10000x128xf32>
    %gt3A = arith.constant 0.000000e+00 : f32
    %gt3A_68 = vector.broadcast %gt3A : f32 to vector<10000x128xf32>
    %gt3A_69 = arith.cmpf ogt, %add3A_67, %gt3A_68 : vector<10000x128xf32>
    %get3A_70 = arith.constant 0 : index
    %get3A_71 = vector.load %arg10[%get3A_70] : memref<1xf32, #tpu.memory_space<vmem>>, vector<1xf32>
    %broadcast_in_dim3A_72 = vector.shape_cast %get3A_71 : vector<1xf32> to vector<1x1xf32>
    %mul3A_73 = vector.broadcast %broadcast_in_dim3A_72 : vector<1x1xf32> to vector<10000x128xf32>
    %mul3A_74 = arith.mulf %mul3A_73, %add3A_67 : vector<10000x128xf32>
    %select_n3A = arith.select %gt3A_69, %add3A_67, %mul3A_74 : vector<10000x128xi1>, vector<10000x128xf32>
    %get3A_75 = arith.constant 0 : index
    %get3A_76 = arith.constant 0 : index
    %get3A_77 = vector.load %arg3[%get3A_75, %get3A_76] : memref<10000x128xf32, #tpu.memory_space<vmem>>, vector<10000x128xf32>
    %get3A_78 = arith.constant 0 : index
    %get3A_79 = arith.constant 0 : index
    %get3A_80 = arith.constant 0 : index
    %get3A_81 = vector.load %arg11[%get3A_78, %get3A_79, %get3A_80] : memref<3x128x128xf32, #tpu.memory_space<vmem>>, vector<1x128x128xf32>
    %get3A_82 = vector.shape_cast %get3A_81 : vector<1x128x128xf32> to vector<128x128xf32>
    %dot_general3A_83 = arith.constant dense<0.000000e+00> : vector<10000x128xf32>
    %dot_general3A_84 = tpu.matmul %get3A_77, %get3A_82, %dot_general3A_83 {dimension_numbers = #tpu.dot_dimension_numbers<[1], [0], [0], [1], [0, 0, 1, 1], [], []>, transpose_lhs_hint = false} : vector<10000x128xf32>, vector<128x128xf32>, vector<10000x128xf32> -> vector<10000x128xf32>
    %get3A_85 = arith.constant 0 : index
    %get3A_86 = arith.constant 0 : index
    %get3A_87 = vector.load %arg2[%get3A_85, %get3A_86] : memref<10000x128xf32, #tpu.memory_space<vmem>>, vector<10000x128xf32>
    %get3A_88 = arith.constant 1 : index
    %get3A_89 = arith.constant 0 : index
    %get3A_90 = arith.constant 0 : index
    %get3A_91 = vector.load %arg11[%get3A_88, %get3A_89, %get3A_90] : memref<3x128x128xf32, #tpu.memory_space<vmem>>, vector<1x128x128xf32>
    %get3A_92 = vector.shape_cast %get3A_91 : vector<1x128x128xf32> to vector<128x128xf32>
    %dot_general3A_93 = arith.constant dense<0.000000e+00> : vector<10000x128xf32>
    %dot_general3A_94 = tpu.matmul %get3A_87, %get3A_92, %dot_general3A_93 {dimension_numbers = #tpu.dot_dimension_numbers<[1], [0], [0], [1], [0, 0, 1, 1], [], []>, transpose_lhs_hint = false} : vector<10000x128xf32>, vector<128x128xf32>, vector<10000x128xf32> -> vector<10000x128xf32>
    %add3A_95 = arith.addf %dot_general3A_84, %dot_general3A_94 : vector<10000x128xf32>
    %get3A_96 = arith.constant 2 : index
    %get3A_97 = arith.constant 0 : index
    %get3A_98 = arith.constant 0 : index
    %get3A_99 = vector.load %arg11[%get3A_96, %get3A_97, %get3A_98] : memref<3x128x128xf32, #tpu.memory_space<vmem>>, vector<1x128x128xf32>
    %get3A_100 = vector.shape_cast %get3A_99 : vector<1x128x128xf32> to vector<128x128xf32>
    %dot_general3A_101 = arith.constant dense<0.000000e+00> : vector<10000x128xf32>
    %dot_general3A_102 = tpu.matmul %select_n3A, %get3A_100, %dot_general3A_101 {dimension_numbers = #tpu.dot_dimension_numbers<[1], [0], [0], [1], [0, 0, 1, 1], [], []>, transpose_lhs_hint = false} : vector<10000x128xf32>, vector<128x128xf32>, vector<10000x128xf32> -> vector<10000x128xf32>
    %add3A_103 = arith.addf %add3A_95, %dot_general3A_102 : vector<10000x128xf32>
    %get3A_104 = arith.constant 0 : index
    %get3A_105 = vector.load %arg12[%get3A_104] : memref<128xf32, #tpu.memory_space<vmem>>, vector<128xf32>
    %broadcast_in_dim3A_106 = vector.shape_cast %get3A_105 : vector<128xf32> to vector<1x128xf32>
    %add3A_107 = vector.broadcast %broadcast_in_dim3A_106 : vector<1x128xf32> to vector<10000x128xf32>
    %add3A_108 = arith.addf %add3A_103, %add3A_107 : vector<10000x128xf32>
    %max3A_109 = arith.constant 0.000000e+00 : f32
    %max3A_110 = vector.broadcast %max3A_109 : f32 to vector<10000x128xf32>
    %max3A_111 = arith.maximumf %add3A_108, %max3A_110 : vector<10000x128xf32>
    %iota3A = tpu.iota {dimensions = array<i32: 1>} : vector<10000x64xi32>
    %get3A_112 = arith.constant 0 : index
    %get3A_113 = vector.load %arg4[%get3A_112] : memref<10000xi32, #tpu.memory_space<vmem>>, vector<10000xi32>
    %broadcast_in_dim3A_114 = vector.shape_cast %get3A_113 : vector<10000xi32> to vector<10000x1xi32>
    %eq3A = vector.broadcast %broadcast_in_dim3A_114 : vector<10000x1xi32> to vector<10000x64xi32>
    %eq3A_115 = arith.cmpi eq, %eq3A, %iota3A : vector<10000x64xi32>
    %convert_element_type3A = arith.extui %eq3A_115 : vector<10000x64xi1> to vector<10000x64xi32>
    %convert_element_type3A_116 = arith.sitofp %convert_element_type3A : vector<10000x64xi32> to vector<10000x64xf32>
    %reduce_sum3A_117 = arith.constant dense<0.000000e+00> : vector<64xf32>
    %reduce_sum3A_118 = vector.multi_reduction <add>, %convert_element_type3A_116, %reduce_sum3A_117 [0] : vector<10000x64xf32> to vector<64xf32>
    %dot_general3A_119 = arith.constant dense<0.000000e+00> : vector<64x128xf32>
    %dot_general3A_120 = tpu.matmul %convert_element_type3A_116, %max3A_111, %dot_general3A_119 {dimension_numbers = #tpu.dot_dimension_numbers<[0], [0], [1], [1], [0, 1, 1, 1], [], []>, transpose_lhs_hint = false} : vector<10000x64xf32>, vector<10000x128xf32>, vector<64x128xf32> -> vector<64x128xf32>
    %max3A_121 = arith.constant 1.000000e+00 : f32
    %max3A_122 = vector.broadcast %max3A_121 : f32 to vector<64xf32>
    %max3A_123 = arith.maximumf %reduce_sum3A_118, %max3A_122 : vector<64xf32>
    %broadcast_in_dim3A_124 = vector.shape_cast %max3A_123 : vector<64xf32> to vector<64x1xf32>
    %div3A_125 = vector.broadcast %broadcast_in_dim3A_124 : vector<64x1xf32> to vector<64x128xf32>
    %div3A_126 = arith.divf %dot_general3A_120, %div3A_125 : vector<64x128xf32>
    %get3A_127 = arith.constant 0 : index
    %get3A_128 = arith.constant 0 : index
    %get3A_129 = vector.load %arg13[%get3A_127, %get3A_128] : memref<128x64xf32, #tpu.memory_space<vmem>>, vector<128x64xf32>
    %dot_general3A_130 = arith.constant dense<0.000000e+00> : vector<64x64xf32>
    %dot_general3A_131 = tpu.matmul %div3A_126, %get3A_129, %dot_general3A_130 {dimension_numbers = #tpu.dot_dimension_numbers<[1], [0], [0], [1], [0, 0, 1, 1], [], []>, transpose_lhs_hint = false} : vector<64x128xf32>, vector<128x64xf32>, vector<64x64xf32> -> vector<64x64xf32>
    %get3A_132 = arith.constant 0 : index
    %get3A_133 = vector.load %arg14[%get3A_132] : memref<64xf32, #tpu.memory_space<vmem>>, vector<64xf32>
    %broadcast_in_dim3A_134 = vector.shape_cast %get3A_133 : vector<64xf32> to vector<1x64xf32>
    %add3A_135 = vector.broadcast %broadcast_in_dim3A_134 : vector<1x64xf32> to vector<64x64xf32>
    %add3A_136 = arith.addf %dot_general3A_131, %add3A_135 : vector<64x64xf32>
    %swap3A = arith.constant 0 : index
    %swap3A_137 = arith.constant 0 : index
    %swap3A_138 = vector.load %arg15[%swap3A, %swap3A_137] : memref<64x64xf32, #tpu.memory_space<vmem>>, vector<64x64xf32>
    tpu.vector_store %arg15[%swap3A, %swap3A_137], %add3A_136 {strides = array<i32>} : memref<64x64xf32, #tpu.memory_space<vmem>>, vector<64x64xf32>,
    return
  }
}

</mosaic_0001>

<sc_bundles>
// kernel: kernel.11.cloned.1.call-start
scs
__scs_entry_jumppad:
0x0: {  	(pc) =	sbr.rel $0x88, $3  }
0x1: {  	(tag) =	ssettag $0x0;
	lr =	simm.s32 $0x1  }
0x2: {  	[smem:$0x3F88] =	sst lr;
	_ =	strace $0xD0000000  }
0x3: {  	_ = 	snop  }
0x4: {  	_ = 	snop  }
0x5: {  	_ = 	snop  }
0x6: {  	_ = 	snop  }
0x7: {  	_ = 	snop  }
__scs_overlays_trampoline_lowered:
0x8: {  	[smem:$0x3F97] =	sst s0  }
0x9: {  	[smem:$0x3F98] =	sst s1  }
0xa: {  	[smem:$0x3F99] =	sst s2  }
0xb: {  	[smem:$0x3F9A] =	sst s3  }
0xc: {  	[smem:$0x3F9B] =	sst s4  }
0xd: {  	[smem:$0x3F9C] =	sst s5  }
0xe: {  	[smem:$0x3F9D] =	sst s6  }
0xf: {  	[smem:$0x3F9E] =	sst s7  }
0x10: {  	[smem:$0x3F9F] =	sst s8  }
0x11: {  	[smem:$0x3FA0] =	sst s9;
	s0 =	simm.s32 @!p0 $0x0  }
0x12: {  	s1 =	sld [smem:$0x3F86];
	s0 =	simm.s32 @p0 $0x1  }
0x13: {  	[smem:$0x3FA1] =	sst s0;
	s0 =	simm.s32 @!p1 $0x0  }
0x14: {  	s2 =	sld [smem:$0x3F85];
	s0 =	simm.s32 @p1 $0x1  }
0x15: {  	[smem:$0x3FA2] =	sst s0;
	s0 =	simm.s32 @!p2 $0x0  }
0x16: {  	s3 =	sld [smem:$0x3FDB];
	s0 =	simm.s32 @p2 $0x1  }
0x17: {  	s4 =	simm.s32 $0x1BF5;
	[smem:$0x3FA4] =	sst s0  }
0x18: {  	s0 =	sld [smem:$0x3F87];
	_ =	swait.ge [sflag:s4], $0x0  }
0x19: {  	s7 =	sld [smem:$0x3F88]  }
0x1a: {  	s8 =	sadd.s32 $0xFFFFE003, lr  }
0x1b: {  	s9 =	sadd.s32 $0xFFFFFEF7, lr;
	s5 =	simm.s32 $0xFFFFFFFF;
	p2 =	slt.u32 s8, $0xFFFFF086  }
0x1c: {  	p1 =	slt.u32 s9, $0xF7A;
	s5 =	simm.s32 @!p2 $0x0  }
0x1d: {  	s5 =	simm.s32 @p1 $0x1;
	p0 =	seq.s32 s7, s2  }
0x1e: {  	s7 =	smul.u32 @!p0 $0xF7A, s2;
	p2 =	seq.s32 @!p0 s5, $0x0  }
0x1f: {  	s9 =	smul.u32 $0xF7A, s1;
	s8 =	simm.s32 @!p0 $0x1BF5;
	p2 =	por !p2, p0  }
0x20: {  	[sflag:s8] =	ssyncset.s32 @!p0 $0xFFFFF086;
	s6 =	sadd.s32 @!p0 s3, s7;
	s7 =	simm.s32 @!p0 $0x108  }
0x21: {  	s3 =	sadd.s32 s3, s9;
	s6 =	sadd.s32 @!p0 $0x88, s6;
	s7 =	simm.s32 @p2 $0x1082  }
0x22: {  	[simem:s7], [sflag:s8] =	dma.local @!p0 [hbm:s6], $0xF7A  }
0x23: {  	s9 =	sor.u32 $0xD0000000, s2;
	s6 =	simm.s32 $0x108;
	_ =	swait.ge @!p0 [sflag:s8], $0x0  }
0x24: {  	s3 =	sadd.s32 $0x88, s3;
	s6 =	simm.s32 @!p1 $0x1082;
	[sflag:s4] =	ssyncset.s32 $0xFFFFF086  }
0x25: {  	[simem:s6], [sflag:s4] =	dma.local [hbm:s3], $0xF7A  }
0x26: {  	[smem:$0x3F88] =	sst s1;
	(tag) =	ssettag s2;
	_ =	strace s9  }
0x27: {  	s1 =	sld [smem:$0x3F98]  }
0x28: {  	s2 =	sld [smem:$0x3F99]  }
0x29: {  	s4 =	sld [smem:$0x3F9B]  }
0x2a: {  	p0 =	seq.s32 s5, $0x0;
	s5 =	sld [smem:$0x3F9C]  }
0x2b: {  	s6 =	sld [smem:$0x3F9D]  }
0x2c: {  	s7 =	sld [smem:$0x3F9E]  }
0x2d: {  	s3 =	simm.s32 $0x108;
	s8 =	sld [smem:$0x3F9F]  }
0x2e: {  	s3 =	simm.s32 @!p0 $0x1082;
	s9 =	sld [smem:$0x3FA0]  }
0x2f: {  	lr =	sadd.s32 s0, s3;
	s0 =	sld [smem:$0x3F97]  }
0x30: {  	s3 =	sld [smem:$0x3F9A]  }
0x31: {  	[smem:$0x3FA3] =	sst s10  }
0x32: {  	s10 =	sld [smem:$0x3FA1];
	_ =	sdelay $0x3  }
0x33: {  	p0 =	seq.s32 s10, $0x1;
	s10 =	sld [smem:$0x3FA3];
	_ =	sdelay $0x3  }
0x34: {  	[smem:$0x3FA3] =	sst s10  }
0x35: {  	s10 =	sld [smem:$0x3FA2];
	_ =	sdelay $0x3  }
0x36: {  	p1 =	seq.s32 s10, $0x1;
	s10 =	sld [smem:$0x3FA3];
	_ =	sdelay $0x3  }
0x37: {  	[smem:$0x3FA3] =	sst s10  }
0x38: {  	s10 =	sld [smem:$0x3FA4]  }
0x39: {  	_ = 	snop;
	(pc) =	sbr.ind lr, $3  }
0x3a: {  	_ = 	snop  }
0x3b: {  	_ = 	snop  }
0x3c: {  	p2 =	seq.s32 s10, $0x1;
	s10 =	sld [smem:$0x3FA3]  }
0x3d: {  	_ =	shalt  }
0x3e: {  	_ =	shalt  }
0x3f: {  	_ =	shalt  }
0x40: {  	_ =	shalt  }
0x41: {  	_ =	shalt  }
0x42: {  	_ =	shalt  }
0x43: {  	_ =	shalt  }
0x44: {  	_ =	shalt  }
0x45: {  	_ =	shalt  }
0x46: {  	_ =	shalt  }
0x47: {  	_ =	shalt  }
0x48: {  	_ =	shalt  }
0x49: {  	_ =	shalt  }
0x4a: {  	_ =	shalt  }
0x4b: {  	_ =	shalt  }
0x4c: {  	_ =	shalt  }
0x4d: {  	_ =	shalt  }
0x4e: {  	_ =	shalt  }
0x4f: {  	_ =	shalt  }
0x50: {  	_ =	shalt  }
0x51: {  	_ =	shalt  }
0x52: {  	_ =	shalt  }
0x53: {  	_ =	shalt  }
0x54: {  	_ =	shalt  }
0x55: {  	_ =	shalt  }
0x56: {  	_ =	shalt  }
0x57: {  	_ =	shalt  }
0x58: {  	_ =	shalt  }
0x59: {  	_ =	shalt  }
0x5a: {  	_ =	shalt  }
0x5b: {  	_ =	shalt  }
0x5c: {  	_ =	shalt  }
0x5d: {  	_ =	shalt  }
0x5e: {  	_ =	shalt  }
0x5f: {  	_ =	shalt  }
0x60: {  	_ =	shalt  }
0x61: {  	_ =	shalt  }
0x62: {  	_ =	shalt  }
0x63: {  	_ =	shalt  }
0x64: {  	_ =	shalt  }
0x65: {  	_ =	shalt  }
0x66: {  	_ =	shalt  }
0x67: {  	_ =	shalt  }
0x68: {  	_ =	shalt  }
0x69: {  	_ =	shalt  }
0x6a: {  	_ =	shalt  }
0x6b: {  	_ =	shalt  }
0x6c: {  	_ =	shalt  }
0x6d: {  	_ =	shalt  }
0x6e: {  	_ =	shalt  }
0x6f: {  	_ =	shalt  }
0x70: {  	_ =	shalt  }
0x71: {  	_ =	shalt  }
0x72: {  	_ =	shalt  }
0x73: {  	_ =	shalt  }
0x74: {  	_ =	shalt  }
0x75: {  	_ =	shalt  }
0x76: {  	_ =	shalt  }
0x77: {  	_ =	shalt  }
0x78: {  	_ =	shalt  }
0x79: {  	_ =	shalt  }
0x7a: {  	_ =	shalt  }
0x7b: {  	_ =	shalt  }
0x7c: {  	_ =	shalt  }
0x7d: {  	_ =	shalt  }
0x7e: {  	_ =	shalt  }
0x7f: {  	_ =	shalt  }
0x80: {  	_ =	shalt  }
0x81: {  	_ =	shalt  }
0x82: {  	_ =	shalt  }
0x83: {  	_ =	shalt  }
0x84: {  	_ =	shalt  }
0x85: {  	_ =	shalt  }
0x86: {  	_ =	shalt  }
0x87: {  	_ =	shalt  }
.Lfunc_end0:
.L_simem_size_0:
called_computation.1_lowered:
.L_overlay_start_0:
0x88: {  	s2 =	sld [smem:$0x3FD9]  }
0x89: {  	s3 =	sld [smem:$0x3FFE];
	_ =	sdelay $0x1  }
0x8a: {  	s1 =	srdreg.scid  }
0x8b: {  	s0 =	sand.u32 $0x1, s1  }
0x8c: {  	s16 =	sshll.u32 s0, $0xA;
	s2 =	sadd.s32 s3, s2  }
0x8d: {  	s2 =	sadd.s32 s2, s16  }
0x8e: {  	[smem:$0x3FAF] =	sst s2  }
0x8f: {  	_ = 	snop  }
0x90: {  	(tm) =	ssettm $0x1  }
0x91: {  	s17 =	sld [smem:$0x3FFB];
	_ =	sdelay $0x3  }
0x92: {  	_ =	strace s17  }
0x93: {  	s2 =	sld [smem:$0x3FFC];
	_ =	sdelay $0x3  }
0x94: {  	_ =	strace s2  }
0x95: {  	s2 =	sld [smem:$0x3FFD];
	_ =	sdelay $0x3  }
0x96: {  	_ =	strace s2  }
0x97: {  	_ =	strace $0x8FFFFFFF  }
0x98: {  	s18 =	sld [smem:$0x3FDB];
	_ =	sdelay $0x1  }
0x99: {  	s19 =	simm.s32 $_scs_section_size  }
0x9a: {  	s4 =	simm.s32 $_size__tile_overlayer_lowered;
	s5 =	simm.s32 $_tile_overlayer_lowered  }
0x9b: {  	s22 =	simm.s32 $0x1BFF;
	s21 =	sshll.u32 s5, $0x1;
	s2 =	sadd.s32 s19, s18  }
0x9c: {  	s6 =	simm.s32 $0x0;
	s20 =	sshll.u32 s4, $0x1;
	s4 =	sadd.s32 s21, s2  }
0x9d: {  	[timem:s6], [sflag:s22] =	dma.local [hbm:s4], s20  }
0x9e: {  	_ =	swait.ge [sflag:s22], s20  }
0x9f: {  	s3 =	ssub.s32 $0x0, s20;
	[sflag:s22] =	ssyncset.done $0x0  }
0xa0: {  	[sflag:s22] =	ssyncadd.s32 s3;
	_ =	sdelay $0x1  }
0xa1: {  	s23 =	simm.s32 $0x1B8B  }
0xa2: {  	_ =	swait.ge [sflag:s23], $0x1  }
0xa3: {  	[sflag:s23] =	ssyncset.done $0x0  }
0xa4: {  	s25 =	simm.s32 $0x1B8E;
	s24 =	sld [smem:$0x3FFE];
	[sflag:s23] =	ssyncadd.s32 $0xFFFFFFFF  }
0xa5: {  	s26 =	simm.s32 $execute0_lowered;
	[smem:$0x3FD2] =	sst s25  }
0xa6: {  	s4 =	sshll.u32 s26, $0x1;
	_ =	strace $0x80000049;
	[dreg:$0x1] =	wrdreg $0xFFFFFFFF  }
0xa7: {  	s28 =	simm.s32 $_size_execute0_lowered;
	s2 =	sadd.s32 s2, s4;
	[dreg:$0x0] =	wrdreg $0x0  }
0xa8: {  	s4 =	sshll.u32 s28, $0x1;
	[dreg:$0x2] =	wrdreg s2  }
0xa9: {  	[dreg:$0x3] =	wrdreg s4  }
0xaa: {  	[dreg:$0x4] =	wrdreg $0xC0  }
0xab: {  	_ =	task [dreg:s6], $0x5FFFF  }
0xac: {  	[dreg:$0x1] =	wrdreg $0xFFFFFFFF  }
0xad: {  	[dreg:$0x0] =	wrdreg $0x60  }
0xae: {  	[dreg:$0x2] =	wrdreg s24  }
0xaf: {  	[dreg:$0x3] =	wrdreg $0x0  }
0xb0: {  	[dreg:$0x4] =	wrdreg $0x9  }
0xb1: {  	_ =	task.clear_ibuf [dreg:s6], $0x5FFFF;
	_ =	strace $0x90000049  }
0xb2: {  	s29 =	simm.s32 $0x9;
	_ =	strace $0x8000004B  }
0xb3: {  	_ =	swait.ge [sflag:s29], $0x1  }
0xb4: {  	[sflag:s29] =	ssyncadd.s32 $0xFFFFFFFF  }
0xb5: {  	_ =	strace $0x9000004B  }
0xb6: {  	_ =	sfence  }
0xb7: {  	s30 =	sld [smem:$0x0];
	_ =	sdelay $0x2  }
0xb8: {  	s31 =	sshll.u32 s1, $0xD;
	s1 =	sshrl.u32 s1, $0x2  }
0xb9: {  	s3 =	sand.u32 $0x4000, s31;
	s1 =	sadd.s32 s1, s30  }
0xba: {  	s0 =	sor.u32 s3, s0;
	s1 =	sshll.u32 s1, $0x11  }
0xbb: {  	s0 =	sor.u32 s1, s0  }
0xbc: {  	s0 =	sadd.s32 $0x8F2B, s0  }
0xbd: {  	[sflag:s0] =	ssyncadd.remote.s32 $0x1  }
0xbe: {  	_ =	sfence.sel $0xFFFF  }
0xbf: {  	[dreg:$0x0] =	wrdreg $0xFFFFFFFF;
	(pc) =	sbr.abs _section_cstart, $3  }
0xc0: {  	[dreg:$0x1] =	wrdreg $0xFFFFFFFF  }
0xc1: {  	_ =	task.clear_ibuf [dreg:s6], $0x2FFFF;
	_ =	strace $0x9FFFFFFF  }
0xc2: {  	(tm) =	ssettm $0x7FFFFFFF  }
0xc3: {  	_ =	shalt  }
tec
execute0_lowered:
.L_overlay_start_1:
0x0: {  	(tag) =	ssettag $0x1  }
0x1: {  	s0 =	rddreg [dreg:$0x0]  }
0x2: {  	s2 =	rddreg [dreg:$0x1];
	s4 =	simm.s32 $0x0;
	s1 =	srdreg.scid  }
0x3: {  	s7 =	stileid.u32;
	s17 =	simm.s32 $0x13880;
	s18 =	simm.s32 $0x15F90  }
0x4: {  	s19 =	simm.s32 $0x186A0;
	s20 =	simm.s32 $0x3;
	s21 =	simm.s32 $0x1  }
0x5: {  	s28 =	simm.s32 $0x1AEA0;
	s30 =	simm.s32 $0x1C2A0;
	s31 =	simm.s32 $0x50  }
0x6: {  	s29 =	simm.s32 $0x5;
	s1 =	sand.u32 $0x1, s1;
	s5 =	smul.u32 $0x13880, s7  }
0x7: {  	s3 =	sshll.u32 s7, $0x1;
	[smem:$0x7FF] =	sst s4;
	s7 =	smul.u32 $0x4E200, s7  }
0x8: {  	s4 =	sadd.s32 $0x18E00, s0;
	s3 =	sor.u32 s1, s3;
	s6 =	smul.u32 $0x138800, s1  }
0x9: {  	_ =	strace $0x8000004A;
	s1 =	ssub.s32 $0x2, s1;
	s3 =	smul.u32 $0x4E2, s3  }
0xa: {  	s22 =	sshrl.u32 s1, $0x1;
	s7 =	sshrl.u32 s7, $0x2;
	s6 =	sadd.s32 s5, s6  }
0xb: {  	s1 =	ssub.s32 s1, s22;
	s24 =	sadd.s32 s7, s2;
	s7 =	sadd.s32 s5, s2  }
0xc: {  	s22 =	simm.s32 $0x2;
	s5 =	simm.s32 $0x0;
	s3 =	sadd.s32 s3, s0  }
0xd: {  	s6 =	sshrl.u32 s6, $0x3;
	s25 =	sadd.s32 $0x2800, s24;
	s26 =	sadd.s32 $0x5000, s24  }
0xe: {  	s10 =	sadd.s32 $0x7800, s24;
	s11 =	sadd.s32 $0xA000, s24;
	s12 =	sadd.s32 $0xC800, s24  }
0xf: {  	s13 =	sadd.s32 $0xF000, s24;
	s14 =	sadd.s32 $0x11800, s24;
	s16 =	smax.u32 s1, $0x1  }
0x10: {  	s1 =	simm.s32 $0x1D6A0;
	s24 =	simm.s32 $0x6;
	[dreg:$0x5] =	wrdreg s25  }
0x11: {  	s0 =	sadd.s32 s6, s0;
	s23 =	sadd.s32 $0xF000, s3;
	[dreg:$0x6] =	wrdreg s26  }
0x12: {  	s3 =	sadd.s32 $0x5200, s3;
	s25 =	simm.s32 $0x19AA0;
	[dreg:$0x3] =	wrdreg s23  }
0x13: {  	s26 =	simm.s32 $0x1EAA0;
	[dreg:$0x4] =	wrdreg s3;
	s15 =	sadd.s32 $0x40000, s0  }
0x14: {  	v0 =	vimm.f32 $0.0e+00;
	s23 =	simm.s32 $0x28;
	s0 =	simm.s32 $0x4;
	s3 =	simm.s32 $0x7  }
.LBB2_1:
0x15: {  	s6 =	simm.s32 $0x0;
	s8 =	rddreg [dreg:$0x3]  }
0x16: {  	[tilespmem:s17], [sflag:$0x1] =	stream.linear.gather [hbm4b:s8+s6], $0x2710, $0x38;
	[tilespmem:$0x1FEA0] =	vst v63  }
0x17: {  	s9 =	rddreg [dreg:$0x4]  }
0x18: {  	[tilespmem:s18], [sflag:$0x2] =	stream.linear.gather [hbm4b:s9+s6], $0x2710, $0x38;
	[tilespmem:$0x1FEA0] =	vst v63  }
0x19: {  	s8 =	simm.s32 $0x200;
	s6 =	simm.s32 $0x0  }
.LBB2_2:
0x1a: {  	p0 =	sne.s32 s8, $0x9E00;
	[tilespmem:s6+$0x18710] =	vst v0  }
0x1b: {  	[tilespmem:s6+$0x186A0] =	vst v0  }
0x1c: {  	[tilespmem:s6+$0x186B0] =	vst v0  }
.Ltmp0:
0x1d: {  	[tilespmem:s6+$0x186C0] =	vst v0;
	(pc) =	sbr.rel @p0 .LBB2_2-.Ltmp0, $4  }
0x1e: {  	[tilespmem:s6+$0x186D0] =	vst v0  }
0x1f: {  	[tilespmem:s6+$0x186E0] =	vst v0  }
0x20: {  	[tilespmem:s6+$0x186F0] =	vst v0  }
0x21: {  	[tilespmem:s6+$0x18700] =	vst v0;
	s6 =	sshra.s32 s8, $0x2;
	s8 =	sadd.s32 $0x200, s8  }
0x22: {  	[tilespmem:s6+$0x18710] =	vst v0  }
0x23: {  	[tilespmem:s6+$0x186A0] =	vst v0  }
0x24: {  	[tilespmem:s6+$0x186B0] =	vst v0  }
0x25: {  	[tilespmem:s6+$0x186C0] =	vst v0  }
0x26: {  	[tilespmem:s6+$0x186D0] =	vst v0  }
0x27: {  	[tilespmem:s6+$0x186E0] =	vst v0  }
0x28: {  	[tilespmem:s6+$0x186F0] =	vst v0  }
0x29: {  	[tilespmem:s6+$0x18700] =	vst v0  }
0x2a: {  	[spmem:s7] =	stream.linear.scatter [tilespmem:s19], [sflag:$0x3], $0x2800, $0x38;
	[tilespmem:$0x1FEA0] =	vst v63  }
0x2b: {  	s9 =	rddreg [dreg:$0x5]  }
0x2c: {  	[spmem:s9] =	stream.linear.scatter [tilespmem:s19], [sflag:$0x3], $0x2800, $0x38;
	[tilespmem:$0x1FEA0] =	vst v63  }
0x2d: {  	s8 =	rddreg [dreg:$0x6]  }
0x2e: {  	[spmem:s8] =	stream.linear.scatter [tilespmem:s19], [sflag:$0x3], $0x2800, $0x38;
	[tilespmem:$0x1FEA0] =	vst v63  }
0x2f: {  	_ = 	snop  }
0x30: {  	[spmem:s10] =	stream.linear.scatter [tilespmem:s19], [sflag:$0x3], $0x2800, $0x38;
	[tilespmem:$0x1FEA0] =	vst v63  }
0x31: {  	_ = 	snop  }
0x32: {  	[spmem:s11] =	stream.linear.scatter [tilespmem:s19], [sflag:$0x3], $0x2800, $0x38;
	[tilespmem:$0x1FEA0] =	vst v63  }
0x33: {  	_ = 	snop  }
0x34: {  	[spmem:s12] =	stream.linear.scatter [tilespmem:s19], [sflag:$0x3], $0x2800, $0x38;
	[tilespmem:$0x1FEA0] =	vst v63  }
0x35: {  	_ = 	snop  }
0x36: {  	[spmem:s13] =	stream.linear.scatter [tilespmem:s19], [sflag:$0x3], $0x2800, $0x38;
	[tilespmem:$0x1FEA0] =	vst v63  }
0x37: {  	_ = 	snop  }
0x38: {  	[spmem:s14] =	stream.linear.scatter [tilespmem:s19], [sflag:$0x3], $0x2080, $0x38;
	[tilespmem:$0x1FEA0] =	vst v63  }
0x39: {  	_ =	swait.ge [sflag:s20], $0x2800  }
0x3a: {  	[sflag:s20] =	ssyncset.done $0x0  }
0x3b: {  	[sflag:s20] =	ssyncadd.s32 $0xFFFFD800  }
0x3c: {  	_ =	swait.ge [sflag:s20], $0x2800  }
0x3d: {  	[sflag:s20] =	ssyncset.done $0x0  }
0x3e: {  	[sflag:s20] =	ssyncadd.s32 $0xFFFFD800  }
0x3f: {  	_ =	swait.ge [sflag:s20], $0x2800  }
0x40: {  	[sflag:s20] =	ssyncset.done $0x0  }
0x41: {  	[sflag:s20] =	ssyncadd.s32 $0xFFFFD800  }
0x42: {  	_ =	swait.ge [sflag:s20], $0x2800  }
0x43: {  	[sflag:s20] =	ssyncset.done $0x0  }
0x44: {  	[sflag:s20] =	ssyncadd.s32 $0xFFFFD800  }
0x45: {  	_ =	swait.ge [sflag:s20], $0x2800  }
0x46: {  	[sflag:s20] =	ssyncset.done $0x0  }
0x47: {  	[sflag:s20] =	ssyncadd.s32 $0xFFFFD800  }
0x48: {  	_ =	swait.ge [sflag:s20], $0x2800  }
0x49: {  	[sflag:s20] =	ssyncset.done $0x0  }
0x4a: {  	[sflag:s20] =	ssyncadd.s32 $0xFFFFD800  }
0x4b: {  	_ =	swait.ge [sflag:s20], $0x2800  }
0x4c: {  	[sflag:s20] =	ssyncset.done $0x0  }
0x4d: {  	[sflag:s20] =	ssyncadd.s32 $0xFFFFD800  }
0x4e: {  	_ =	swait.ge [sflag:s20], $0x2080  }
0x4f: {  	[sflag:s20] =	ssyncset.done $0x0  }
0x50: {  	[sflag:s20] =	ssyncadd.s32 $0xFFFFDF80  }
0x51: {  	_ =	swait.ge [sflag:s21], $0x2710  }
0x52: {  	[sflag:s21] =	ssyncset.done $0x0  }
0x53: {  	[sflag:s21] =	ssyncadd.s32 $0xFFFFD8F0  }
0x54: {  	_ =	swait.ge [sflag:s22], $0x2710  }
0x55: {  	[sflag:s22] =	ssyncset.done $0x0  }
0x56: {  	[sflag:s22] =	ssyncadd.s32 $0xFFFFD8F0  }
0x57: {  	[bflag:$0x0] =	sbarrier.arrive $0xFFFF  }
0x58: {  	[tilespmem:s19], [sflag:$0x1] =	stream.indirect.gather [hbm4b:s4+s23], $0x80, s17, s23, $0xb8;
	[tilespmem:$0x1FEA0] =	vst v63  }
0x59: {  	s9 =	simm.s32 $0x138A8  }
0x5a: {  	[tilespmem:s25], [sflag:$0x1] =	stream.indirect.gather [hbm4b:s4+s23], $0x80, s9, s23, $0xb8;
	[tilespmem:$0x1FEA0] =	vst v63  }
0x5b: {  	s8 =	simm.s32 $0x138D0  }
0x5c: {  	[tilespmem:s28], [sflag:$0x2] =	stream.indirect.gather [hbm4b:s4+s23], $0x80, s8, s23, $0xb8;
	[tilespmem:$0x1FEA0] =	vst v63  }
0x5d: {  	s9 =	simm.s32 $0x138F8  }
0x5e: {  	[tilespmem:s30], [sflag:$0x2] =	stream.indirect.gather [hbm4b:s4+s23], $0x80, s9, s23, $0xb8;
	[tilespmem:$0x1FEA0] =	vst v63  }
0x5f: {  	_ =	swait.ge [sflag:s21], $0x1400  }
0x60: {  	[sflag:s21] =	ssyncset.done $0x0  }
0x61: {  	[sflag:s21] =	ssyncadd.s32 $0xFFFFEC00  }
0x62: {  	_ =	swait.ge [sflag:s21], $0x1400  }
0x63: {  	[sflag:s21] =	ssyncset.done $0x0  }
0x64: {  	[sflag:s21] =	ssyncadd.s32 $0xFFFFEC00  }
0x65: {  	[spmem:s2] =	stream.indirect.scatter.add.f32 [tilespmem:s19], [sflag:$0x4], $0x80, s18, s31, $0xb8;
	[tilespmem:$0x1FEA0] =	vst v63  }
0x66: {  	s8 =	simm.s32 $0x13920  }
0x67: {  	[tilespmem:s1], [sflag:$0x3] =	stream.indirect.gather [hbm4b:s4+s23], $0x80, s8, s23, $0xb8;
	[tilespmem:$0x1FEA0] =	vst v63  }
0x68: {  	s9 =	simm.s32 $0x13948  }
0x69: {  	[tilespmem:s26], [sflag:$0x3] =	stream.indirect.gather [hbm4b:s4+s23], $0x80, s9, s23, $0xb8;
	[tilespmem:$0x1FEA0] =	vst v63  }
0x6a: {  	_ =	swait.ge [sflag:s22], $0x1400  }
0x6b: {  	[sflag:s22] =	ssyncset.done $0x0  }
0x6c: {  	[sflag:s22] =	ssyncadd.s32 $0xFFFFEC00  }
0x6d: {  	_ =	swait.ge [sflag:s22], $0x1400  }
0x6e: {  	[sflag:s22] =	ssyncset.done $0x0  }
0x6f: {  	s8 =	simm.s32 $0x15FE0;
	[sflag:s22] =	ssyncadd.s32 $0xFFFFEC00  }
0x70: {  	[spmem:s2] =	stream.indirect.scatter.add.f32 [tilespmem:s28], [sflag:$0x5], $0x80, s8, s31, $0xb8;
	[tilespmem:$0x1FEA0] =	vst v63  }
0x71: {  	_ =	swait.ge [sflag:s0], $0x2800  }
0x72: {  	[sflag:s0] =	ssyncset.done $0x0  }
0x73: {  	s9 =	simm.s32 $0x13970;
	[sflag:s0] =	ssyncadd.s32 $0xFFFFD800  }
0x74: {  	[tilespmem:s19], [sflag:$0x1] =	stream.indirect.gather [hbm4b:s4+s23], $0x80, s9, s23, $0xb8;
	[tilespmem:$0x1FEA0] =	vst v63  }
0x75: {  	s8 =	simm.s32 $0x13998  }
0x76: {  	[tilespmem:s25], [sflag:$0x1] =	stream.indirect.gather [hbm4b:s4+s23], $0x80, s8, s23, $0xb8;
	[tilespmem:$0x1FEA0] =	vst v63  }
0x77: {  	_ =	swait.ge [sflag:s20], $0x1400  }
0x78: {  	[sflag:s20] =	ssyncset.done $0x0  }
0x79: {  	[sflag:s20] =	ssyncadd.s32 $0xFFFFEC00  }
0x7a: {  	_ =	swait.ge [sflag:s20], $0x1400  }
0x7b: {  	[sflag:s20] =	ssyncset.done $0x0  }
0x7c: {  	s9 =	simm.s32 $0x16030;
	[sflag:s20] =	ssyncadd.s32 $0xFFFFEC00  }
0x7d: {  	[spmem:s2] =	stream.indirect.scatter.add.f32 [tilespmem:s1], [sflag:$0x6], $0x80, s9, s31, $0xb8;
	[tilespmem:$0x1FEA0] =	vst v63  }
0x7e: {  	_ =	swait.ge [sflag:s29], $0x2800  }
0x7f: {  	[sflag:s29] =	ssyncset.done $0x0  }
0x80: {  	s8 =	simm.s32 $0x139C0;
	[sflag:s29] =	ssyncadd.s32 $0xFFFFD800  }
0x81: {  	[tilespmem:s28], [sflag:$0x2] =	stream.indirect.gather [hbm4b:s4+s23], $0x80, s8, s23, $0xb8;
	[tilespmem:$0x1FEA0] =	vst v63  }
0x82: {  	s9 =	simm.s32 $0x139E8  }
0x83: {  	[tilespmem:s30], [sflag:$0x2] =	stream.indirect.gather [hbm4b:s4+s23], $0x80, s9, s23, $0xb8;
	[tilespmem:$0x1FEA0] =	vst v63  }
0x84: {  	_ =	swait.ge [sflag:s21], $0x1400  }
0x85: {  	[sflag:s21] =	ssyncset.done $0x0  }
0x86: {  	[sflag:s21] =	ssyncadd.s32 $0xFFFFEC00  }
0x87: {  	_ =	swait.ge [sflag:s21], $0x1400  }
0x88: {  	[sflag:s21] =	ssyncset.done $0x0  }
0x89: {  	s8 =	simm.s32 $0x16080;
	[sflag:s21] =	ssyncadd.s32 $0xFFFFEC00  }
0x8a: {  	[spmem:s2] =	stream.indirect.scatter.add.f32 [tilespmem:s19], [sflag:$0x4], $0x80, s8, s31, $0xb8;
	[tilespmem:$0x1FEA0] =	vst v63  }
0x8b: {  	_ =	swait.ge [sflag:s24], $0x2800  }
0x8c: {  	[sflag:s24] =	ssyncset.done $0x0  }
0x8d: {  	s9 =	simm.s32 $0x13A10;
	[sflag:s24] =	ssyncadd.s32 $0xFFFFD800  }
0x8e: {  	[tilespmem:s1], [sflag:$0x3] =	stream.indirect.gather [hbm4b:s4+s23], $0x80, s9, s23, $0xb8;
	[tilespmem:$0x1FEA0] =	vst v63  }
0x8f: {  	s8 =	simm.s32 $0x13A38  }
0x90: {  	[tilespmem:s26], [sflag:$0x3] =	stream.indirect.gather [hbm4b:s4+s23], $0x80, s8, s23, $0xb8;
	[tilespmem:$0x1FEA0] =	vst v63  }
0x91: {  	_ =	swait.ge [sflag:s22], $0x1400  }
0x92: {  	[sflag:s22] =	ssyncset.done $0x0  }
0x93: {  	[sflag:s22] =	ssyncadd.s32 $0xFFFFEC00  }
0x94: {  	_ =	swait.ge [sflag:s22], $0x1400  }
0x95: {  	[sflag:s22] =	ssyncset.done $0x0  }
0x96: {  	s9 =	simm.s32 $0x160D0;
	[sflag:s22] =	ssyncadd.s32 $0xFFFFEC00  }
0x97: {  	[spmem:s2] =	stream.indirect.scatter.add.f32 [tilespmem:s28], [sflag:$0x5], $0x80, s9, s31, $0xb8;
	[tilespmem:$0x1FEA0] =	vst v63  }
0x98: {  	_ =	swait.ge [sflag:s0], $0x2800  }
0x99: {  	[sflag:s0] =	ssyncset.done $0x0  }
0x9a: {  	s8 =	simm.s32 $0x13A60;
	[sflag:s0] =	ssyncadd.s32 $0xFFFFD800  }
0x9b: {  	[tilespmem:s19], [sflag:$0x1] =	stream.indirect.gather [hbm4b:s4+s23], $0x80, s8, s23, $0xb8;
	[tilespmem:$0x1FEA0] =	vst v63  }
0x9c: {  	s9 =	simm.s32 $0x13A88  }
0x9d: {  	[tilespmem:s25], [sflag:$0x1] =	stream.indirect.gather [hbm4b:s4+s23], $0x80, s9, s23, $0xb8;
	[tilespmem:$0x1FEA0] =	vst v63  }
0x9e: {  	_ =	swait.ge [sflag:s20], $0x1400  }
0x9f: {  	[sflag:s20] =	ssyncset.done $0x0  }
0xa0: {  	[sflag:s20] =	ssyncadd.s32 $0xFFFFEC00  }
0xa1: {  	_ =	swait.ge [sflag:s20], $0x1400  }
0xa2: {  	[sflag:s20] =	ssyncset.done $0x0  }
0xa3: {  	s8 =	simm.s32 $0x16120;
	[sflag:s20] =	ssyncadd.s32 $0xFFFFEC00  }
0xa4: {  	[spmem:s2] =	stream.indirect.scatter.add.f32 [tilespmem:s1], [sflag:$0x6], $0x80, s8, s31, $0xb8;
	[tilespmem:$0x1FEA0] =	vst v63  }
0xa5: {  	_ =	swait.ge [sflag:s29], $0x2800  }
0xa6: {  	s6 =	simm.s32 $0x3C0;
	[sflag:s29] =	ssyncset.done $0x0  }
0xa7: {  	s9 =	simm.s32 $0x13AB0;
	s8 =	simm.s32 $0x13AD8;
	[sflag:s29] =	ssyncadd.s32 $0xFFFFD800  }
0xa8: {  	[tilespmem:s28], [sflag:$0x2] =	stream.indirect.gather [hbm4b:s4+s23], $0x80, s9, s23, $0xb8;
	[tilespmem:$0x1FEA0] =	vst v63  }
.LBB2_4:
0xa9: {  	[tilespmem:s30], [sflag:$0x2] =	stream.indirect.gather [hbm4b:s4+s23], $0x80, s8, s23, $0xb8;
	[tilespmem:$0x1FEA0] =	vst v63  }
0xaa: {  	s8 =	smov.u32 s6  }
0xab: {  	p0 =	sne.s32 s6, $0x9240;
	s6 =	sadd.s32 $0x3C0, s6;
	_ =	swait.ge [sflag:s21], $0x1400  }
0xac: {  	[sflag:s21] =	ssyncset.done $0x0  }
0xad: {  	[sflag:s21] =	ssyncadd.s32 $0xFFFFEC00  }
0xae: {  	_ =	swait.ge [sflag:s21], $0x1400  }
0xaf: {  	s8 =	sshra.s32 s8, $0x2;
	[sflag:s21] =	ssyncset.done $0x0  }
0xb0: {  	s9 =	sadd.s32 $0x16080, s8;
	[sflag:s21] =	ssyncadd.s32 $0xFFFFEC00  }
0xb1: {  	[spmem:s2] =	stream.indirect.scatter.add.f32 [tilespmem:s19], [sflag:$0x4], $0x80, s9, s31, $0xb8;
	[tilespmem:$0x1FEA0] =	vst v63  }
0xb2: {  	_ =	swait.ge [sflag:s24], $0x2800  }
0xb3: {  	[sflag:s24] =	ssyncset.done $0x0  }
0xb4: {  	s9 =	sadd.s32 $0x13A10, s8;
	[sflag:s24] =	ssyncadd.s32 $0xFFFFD800  }
0xb5: {  	[tilespmem:s1], [sflag:$0x3] =	stream.indirect.gather [hbm4b:s4+s23], $0x80, s9, s23, $0xb8;
	[tilespmem:$0x1FEA0] =	vst v63  }
0xb6: {  	s9 =	sadd.s32 $0x13A38, s8  }
0xb7: {  	[tilespmem:s26], [sflag:$0x3] =	stream.indirect.gather [hbm4b:s4+s23], $0x80, s9, s23, $0xb8;
	[tilespmem:$0x1FEA0] =	vst v63  }
0xb8: {  	_ =	swait.ge [sflag:s22], $0x1400  }
0xb9: {  	[sflag:s22] =	ssyncset.done $0x0  }
0xba: {  	[sflag:s22] =	ssyncadd.s32 $0xFFFFEC00  }
0xbb: {  	_ =	swait.ge [sflag:s22], $0x1400  }
0xbc: {  	[sflag:s22] =	ssyncset.done $0x0  }
0xbd: {  	s9 =	sadd.s32 $0x160D0, s8;
	[sflag:s22] =	ssyncadd.s32 $0xFFFFEC00  }
0xbe: {  	[spmem:s2] =	stream.indirect.scatter.add.f32 [tilespmem:s28], [sflag:$0x5], $0x80, s9, s31, $0xb8;
	[tilespmem:$0x1FEA0] =	vst v63  }
0xbf: {  	_ =	swait.ge [sflag:s0], $0x2800  }
0xc0: {  	[sflag:s0] =	ssyncset.done $0x0  }
0xc1: {  	s9 =	sadd.s32 $0x13A60, s8;
	[sflag:s0] =	ssyncadd.s32 $0xFFFFD800  }
0xc2: {  	[tilespmem:s19], [sflag:$0x1] =	stream.indirect.gather [hbm4b:s4+s23], $0x80, s9, s23, $0xb8;
	[tilespmem:$0x1FEA0] =	vst v63  }
0xc3: {  	s9 =	sadd.s32 $0x13A88, s8  }
0xc4: {  	[tilespmem:s25], [sflag:$0x1] =	stream.indirect.gather [hbm4b:s4+s23], $0x80, s9, s23, $0xb8;
	[tilespmem:$0x1FEA0] =	vst v63  }
0xc5: {  	_ =	swait.ge [sflag:s20], $0x1400  }
0xc6: {  	[sflag:s20] =	ssyncset.done $0x0  }
0xc7: {  	[sflag:s20] =	ssyncadd.s32 $0xFFFFEC00  }
0xc8: {  	_ =	swait.ge [sflag:s20], $0x1400  }
0xc9: {  	[sflag:s20] =	ssyncset.done $0x0  }
0xca: {  	s9 =	sadd.s32 $0x16120, s8;
	[sflag:s20] =	ssyncadd.s32 $0xFFFFEC00  }
0xcb: {  	[spmem:s2] =	stream.indirect.scatter.add.f32 [tilespmem:s1], [sflag:$0x6], $0x80, s9, s31, $0xb8;
	[tilespmem:$0x1FEA0] =	vst v63  }
.Ltmp1:
0xcc: {  	_ =	swait.ge [sflag:s29], $0x2800;
	(pc) =	sbr.rel @p0 .LBB2_4-.Ltmp1, $4  }
0xcd: {  	[sflag:s29] =	ssyncset.done $0x0  }
0xce: {  	s9 =	sadd.s32 $0x13AB0, s8;
	[sflag:s29] =	ssyncadd.s32 $0xFFFFD800  }
0xcf: {  	[tilespmem:s28], [sflag:$0x2] =	stream.indirect.gather [hbm4b:s4+s23], $0x80, s9, s23, $0xb8;
	[tilespmem:$0x1FEA0] =	vst v63  }
0xd0: {  	s8 =	sadd.s32 $0x13AD8, s8  }
0xd1: {  	[tilespmem:s30], [sflag:$0x2] =	stream.indirect.gather [hbm4b:s4+s23], $0x80, s8, s23, $0xb8;
	[tilespmem:$0x1FEA0] =	vst v63  }
0xd2: {  	_ =	swait.ge [sflag:s24], $0x2800  }
0xd3: {  	[sflag:s24] =	ssyncset.done $0x0  }
0xd4: {  	[sflag:s24] =	ssyncadd.s32 $0xFFFFD800  }
0xd5: {  	_ =	swait.ge [sflag:s21], $0x1400  }
0xd6: {  	[sflag:s21] =	ssyncset.done $0x0  }
0xd7: {  	[sflag:s21] =	ssyncadd.s32 $0xFFFFEC00  }
0xd8: {  	_ =	swait.ge [sflag:s21], $0x1400  }
0xd9: {  	[sflag:s21] =	ssyncset.done $0x0  }
0xda: {  	s6 =	simm.s32 $0x18600;
	[sflag:s21] =	ssyncadd.s32 $0xFFFFEC00  }
0xdb: {  	[spmem:s2] =	stream.indirect.scatter.add.f32 [tilespmem:s19], [sflag:$0x7], $0x80, s6, s31, $0xb8;
	[tilespmem:$0x1FEA0] =	vst v63  }
0xdc: {  	_ =	swait.ge [sflag:s3], $0x2800  }
0xdd: {  	[sflag:s3] =	ssyncset.done $0x0  }
0xde: {  	[sflag:s3] =	ssyncadd.s32 $0xFFFFD800  }
0xdf: {  	_ =	swait.ge [sflag:s22], $0x1400  }
0xe0: {  	[sflag:s22] =	ssyncset.done $0x0  }
0xe1: {  	[sflag:s22] =	ssyncadd.s32 $0xFFFFEC00  }
0xe2: {  	_ =	swait.ge [sflag:s22], $0x1400  }
0xe3: {  	[sflag:s22] =	ssyncset.done $0x0  }
0xe4: {  	s9 =	simm.s32 $0x18650;
	[sflag:s22] =	ssyncadd.s32 $0xFFFFEC00  }
0xe5: {  	[spmem:s2] =	stream.indirect.scatter.add.f32 [tilespmem:s28], [sflag:$0x7], $0x80, s9, s31, $0xb8;
	[tilespmem:$0x1FEA0] =	vst v63  }
0xe6: {  	s8 =	stileid.u32;
	_ =	swait.ge [sflag:s3], $0x2800  }
0xe7: {  	s5 =	sadd.s32 $0x1, s5;
	s6 =	sshll.u32 s8, $0x6;
	[sflag:s3] =	ssyncset.done $0x0  }
0xe8: {  	p0 =	sne.s32 s5, s16;
	s6 =	sor.u32 $0x1C01, s6;
	[sflag:s3] =	ssyncadd.s32 $0xFFFFD800  }
.Ltmp2:
0xe9: {  	s9 =	sshrl.u32 s7, $0x3;
	[bflag:$0x0] =	sbarrier.arrive $0xFFFF;
	(pc) =	sbr.rel @p0 .LBB2_1-.Ltmp2, $4  }
0xea: {  	[hbm:s15], [sflag:s6] =	dma.local [spmem:s9], $0x2710  }
0xeb: {  	_ =	swait.ge [sflag:s21], $0x2710  }
0xec: {  	[sflag:s21] =	ssyncset.done $0x0  }
0xed: {  	[sflag:s21] =	ssyncadd.s32 $0xFFFFD8F0  }
0xee: {  	_ =	sfence.sel $0x180000  }
0xef: {  	[bflag:$0x0] =	sbarrier.arrive $0xFFFF  }
0xf0: {  	_ =	strace $0x9000004A  }
0xf1: {  	s0 =	stileid.u32;
	[bflag:$0x2] =	sbarrier.arrive $0xFFFF  }
0xf2: {  	p0 =	sne.s32 s0, $0x0;
	s0 =	rddreg [dreg:$0x2]  }
0xf3: {  	s0 =	sadd.s32 @!p0 $0x100000, s0  }
0xf4: {  	[sflag:s0] =	ssyncadd.tile.s32 @!p0 $0x1;
	_ =	shalt  }
.Lfunc_end2:
_tile_overlayer_lowered:
.L_overlay_start_2:
0xf5: {  	(tag) =	ssettag $0x2  }
0xf6: {  	s0 =	rddreg [dreg:$0x0];
	s2 =	stileid.u32  }
0xf7: {  	s1 =	rddreg [dreg:$0x1];
	p0 =	sne.s32 s2, $0x0  }
0xf8: {  	s3 =	rddreg [dreg:$0x2];
	[bflag:$0x3] =	sbarrier.arrive $0xFFFF;
	s2 =	simm.s32 @!p0 $0x1C07  }
0xf9: {  	[timem:s3], [sflag:s2] =	dma.local @!p0 [hbm:s0], s1  }
0xfa: {  	s0 =	simm.s32 @!p0 $0x7  }
0xfb: {  	_ =	swait.ge @!p0 [sflag:s0], s1  }
0xfc: {  	s1 =	ssub.s32 @!p0 $0x0, s1;
	[sflag:s0] =	ssyncset.done @!p0 $0x0  }
0xfd: {  	[sflag:s0] =	ssyncadd.s32 @!p0 s1  }
0xfe: {  	[bflag:$0x3] =	sbarrier.arrive $0xFFFF  }
0xff: {  	_ =	shalt  }

// kernel: kernel.14.cloned.1.call-start
scs
__scs_entry_jumppad:
0x0: {  	(pc) =	sbr.rel $0x88, $3  }
0x1: {  	(tag) =	ssettag $0x0;
	lr =	simm.s32 $0x1  }
0x2: {  	[smem:$0x3F88] =	sst lr;
	_ =	strace $0xD0000000  }
0x3: {  	_ = 	snop  }
0x4: {  	_ = 	snop  }
0x5: {  	_ = 	snop  }
0x6: {  	_ = 	snop  }
0x7: {  	_ = 	snop  }
__scs_overlays_trampoline_lowered:
0x8: {  	[smem:$0x3F97] =	sst s0  }
0x9: {  	[smem:$0x3F98] =	sst s1  }
0xa: {  	[smem:$0x3F99] =	sst s2  }
0xb: {  	[smem:$0x3F9A] =	sst s3  }
0xc: {  	[smem:$0x3F9B] =	sst s4  }
0xd: {  	[smem:$0x3F9C] =	sst s5  }
0xe: {  	[smem:$0x3F9D] =	sst s6  }
0xf: {  	[smem:$0x3F9E] =	sst s7  }
0x10: {  	[smem:$0x3F9F] =	sst s8  }
0x11: {  	[smem:$0x3FA0] =	sst s9;
	s0 =	simm.s32 @!p0 $0x0  }
0x12: {  	s1 =	sld [smem:$0x3F86];
	s0 =	simm.s32 @p0 $0x1  }
0x13: {  	[smem:$0x3FA1] =	sst s0;
	s0 =	simm.s32 @!p1 $0x0  }
0x14: {  	s2 =	sld [smem:$0x3F85];
	s0 =	simm.s32 @p1 $0x1  }
0x15: {  	[smem:$0x3FA2] =	sst s0;
	s0 =	simm.s32 @!p2 $0x0  }
0x16: {  	s3 =	sld [smem:$0x3FDB];
	s0 =	simm.s32 @p2 $0x1  }
0x17: {  	s4 =	simm.s32 $0x1BF5;
	[smem:$0x3FA4] =	sst s0  }
0x18: {  	s0 =	sld [smem:$0x3F87];
	_ =	swait.ge [sflag:s4], $0x0  }
0x19: {  	s7 =	sld [smem:$0x3F88]  }
0x1a: {  	s8 =	sadd.s32 $0xFFFFE003, lr  }
0x1b: {  	s9 =	sadd.s32 $0xFFFFFEF7, lr;
	s5 =	simm.s32 $0xFFFFFFFF;
	p2 =	slt.u32 s8, $0xFFFFF086  }
0x1c: {  	p1 =	slt.u32 s9, $0xF7A;
	s5 =	simm.s32 @!p2 $0x0  }
0x1d: {  	s5 =	simm.s32 @p1 $0x1;
	p0 =	seq.s32 s7, s2  }
0x1e: {  	s7 =	smul.u32 @!p0 $0xF7A, s2;
	p2 =	seq.s32 @!p0 s5, $0x0  }
0x1f: {  	s9 =	smul.u32 $0xF7A, s1;
	s8 =	simm.s32 @!p0 $0x1BF5;
	p2 =	por !p2, p0  }
0x20: {  	[sflag:s8] =	ssyncset.s32 @!p0 $0xFFFFF086;
	s6 =	sadd.s32 @!p0 s3, s7;
	s7 =	simm.s32 @!p0 $0x108  }
0x21: {  	s3 =	sadd.s32 s3, s9;
	s6 =	sadd.s32 @!p0 $0x88, s6;
	s7 =	simm.s32 @p2 $0x1082  }
0x22: {  	[simem:s7], [sflag:s8] =	dma.local @!p0 [hbm:s6], $0xF7A  }
0x23: {  	s9 =	sor.u32 $0xD0000000, s2;
	s6 =	simm.s32 $0x108;
	_ =	swait.ge @!p0 [sflag:s8], $0x0  }
0x24: {  	s3 =	sadd.s32 $0x88, s3;
	s6 =	simm.s32 @!p1 $0x1082;
	[sflag:s4] =	ssyncset.s32 $0xFFFFF086  }
0x25: {  	[simem:s6], [sflag:s4] =	dma.local [hbm:s3], $0xF7A  }
0x26: {  	[smem:$0x3F88] =	sst s1;
	(tag) =	ssettag s2;
	_ =	strace s9  }
0x27: {  	s1 =	sld [smem:$0x3F98]  }
0x28: {  	s2 =	sld [smem:$0x3F99]  }
0x29: {  	s4 =	sld [smem:$0x3F9B]  }
0x2a: {  	p0 =	seq.s32 s5, $0x0;
	s5 =	sld [smem:$0x3F9C]  }
0x2b: {  	s6 =	sld [smem:$0x3F9D]  }
0x2c: {  	s7 =	sld [smem:$0x3F9E]  }
0x2d: {  	s3 =	simm.s32 $0x108;
	s8 =	sld [smem:$0x3F9F]  }
0x2e: {  	s3 =	simm.s32 @!p0 $0x1082;
	s9 =	sld [smem:$0x3FA0]  }
0x2f: {  	lr =	sadd.s32 s0, s3;
	s0 =	sld [smem:$0x3F97]  }
0x30: {  	s3 =	sld [smem:$0x3F9A]  }
0x31: {  	[smem:$0x3FA3] =	sst s10  }
0x32: {  	s10 =	sld [smem:$0x3FA1];
	_ =	sdelay $0x3  }
0x33: {  	p0 =	seq.s32 s10, $0x1;
	s10 =	sld [smem:$0x3FA3];
	_ =	sdelay $0x3  }
0x34: {  	[smem:$0x3FA3] =	sst s10  }
0x35: {  	s10 =	sld [smem:$0x3FA2];
	_ =	sdelay $0x3  }
0x36: {  	p1 =	seq.s32 s10, $0x1;
	s10 =	sld [smem:$0x3FA3];
	_ =	sdelay $0x3  }
0x37: {  	[smem:$0x3FA3] =	sst s10  }
0x38: {  	s10 =	sld [smem:$0x3FA4]  }
0x39: {  	_ = 	snop;
	(pc) =	sbr.ind lr, $3  }
0x3a: {  	_ = 	snop  }
0x3b: {  	_ = 	snop  }
0x3c: {  	p2 =	seq.s32 s10, $0x1;
	s10 =	sld [smem:$0x3FA3]  }
0x3d: {  	_ =	shalt  }
0x3e: {  	_ =	shalt  }
0x3f: {  	_ =	shalt  }
0x40: {  	_ =	shalt  }
0x41: {  	_ =	shalt  }
0x42: {  	_ =	shalt  }
0x43: {  	_ =	shalt  }
0x44: {  	_ =	shalt  }
0x45: {  	_ =	shalt  }
0x46: {  	_ =	shalt  }
0x47: {  	_ =	shalt  }
0x48: {  	_ =	shalt  }
0x49: {  	_ =	shalt  }
0x4a: {  	_ =	shalt  }
0x4b: {  	_ =	shalt  }
0x4c: {  	_ =	shalt  }
0x4d: {  	_ =	shalt  }
0x4e: {  	_ =	shalt  }
0x4f: {  	_ =	shalt  }
0x50: {  	_ =	shalt  }
0x51: {  	_ =	shalt  }
0x52: {  	_ =	shalt  }
0x53: {  	_ =	shalt  }
0x54: {  	_ =	shalt  }
0x55: {  	_ =	shalt  }
0x56: {  	_ =	shalt  }
0x57: {  	_ =	shalt  }
0x58: {  	_ =	shalt  }
0x59: {  	_ =	shalt  }
0x5a: {  	_ =	shalt  }
0x5b: {  	_ =	shalt  }
0x5c: {  	_ =	shalt  }
0x5d: {  	_ =	shalt  }
0x5e: {  	_ =	shalt  }
0x5f: {  	_ =	shalt  }
0x60: {  	_ =	shalt  }
0x61: {  	_ =	shalt  }
0x62: {  	_ =	shalt  }
0x63: {  	_ =	shalt  }
0x64: {  	_ =	shalt  }
0x65: {  	_ =	shalt  }
0x66: {  	_ =	shalt  }
0x67: {  	_ =	shalt  }
0x68: {  	_ =	shalt  }
0x69: {  	_ =	shalt  }
0x6a: {  	_ =	shalt  }
0x6b: {  	_ =	shalt  }
0x6c: {  	_ =	shalt  }
0x6d: {  	_ =	shalt  }
0x6e: {  	_ =	shalt  }
0x6f: {  	_ =	shalt  }
0x70: {  	_ =	shalt  }
0x71: {  	_ =	shalt  }
0x72: {  	_ =	shalt  }
0x73: {  	_ =	shalt  }
0x74: {  	_ =	shalt  }
0x75: {  	_ =	shalt  }
0x76: {  	_ =	shalt  }
0x77: {  	_ =	shalt  }
0x78: {  	_ =	shalt  }
0x79: {  	_ =	shalt  }
0x7a: {  	_ =	shalt  }
0x7b: {  	_ =	shalt  }
0x7c: {  	_ =	shalt  }
0x7d: {  	_ =	shalt  }
0x7e: {  	_ =	shalt  }
0x7f: {  	_ =	shalt  }
0x80: {  	_ =	shalt  }
0x81: {  	_ =	shalt  }
0x82: {  	_ =	shalt  }
0x83: {  	_ =	shalt  }
0x84: {  	_ =	shalt  }
0x85: {  	_ =	shalt  }
0x86: {  	_ =	shalt  }
0x87: {  	_ =	shalt  }
.Lfunc_end0:
.L_simem_size_0:
called_computation.2_lowered:
.L_overlay_start_0:
0x88: {  	s2 =	sld [smem:$0x3FD9]  }
0x89: {  	s3 =	sld [smem:$0x3FFE];
	_ =	sdelay $0x1  }
0x8a: {  	s1 =	srdreg.scid  }
0x8b: {  	s0 =	sand.u32 $0x1, s1  }
0x8c: {  	s16 =	sshll.u32 s0, $0xA;
	s2 =	sadd.s32 s3, s2  }
0x8d: {  	s2 =	sadd.s32 s2, s16  }
0x8e: {  	[smem:$0x3FAF] =	sst s2  }
0x8f: {  	_ = 	snop  }
0x90: {  	(tm) =	ssettm $0x1  }
0x91: {  	s17 =	sld [smem:$0x3FFB];
	_ =	sdelay $0x3  }
0x92: {  	_ =	strace s17  }
0x93: {  	s2 =	sld [smem:$0x3FFC];
	_ =	sdelay $0x3  }
0x94: {  	_ =	strace s2  }
0x95: {  	s2 =	sld [smem:$0x3FFD];
	_ =	sdelay $0x3  }
0x96: {  	_ =	strace s2  }
0x97: {  	_ =	strace $0x8FFFFFFF  }
0x98: {  	s18 =	sld [smem:$0x3FDB];
	_ =	sdelay $0x1  }
0x99: {  	s19 =	simm.s32 $_scs_section_size  }
0x9a: {  	s4 =	simm.s32 $_size__tile_overlayer_lowered;
	s5 =	simm.s32 $_tile_overlayer_lowered  }
0x9b: {  	s22 =	simm.s32 $0x1BFF;
	s21 =	sshll.u32 s5, $0x1;
	s2 =	sadd.s32 s19, s18  }
0x9c: {  	s6 =	simm.s32 $0x0;
	s20 =	sshll.u32 s4, $0x1;
	s4 =	sadd.s32 s21, s2  }
0x9d: {  	[timem:s6], [sflag:s22] =	dma.local [hbm:s4], s20  }
0x9e: {  	_ =	swait.ge [sflag:s22], s20  }
0x9f: {  	s3 =	ssub.s32 $0x0, s20;
	[sflag:s22] =	ssyncset.done $0x0  }
0xa0: {  	[sflag:s22] =	ssyncadd.s32 s3;
	_ =	sdelay $0x1  }
0xa1: {  	s23 =	simm.s32 $0x1B8B  }
0xa2: {  	_ =	swait.ge [sflag:s23], $0x1  }
0xa3: {  	[sflag:s23] =	ssyncset.done $0x0  }
0xa4: {  	s25 =	simm.s32 $0x1B8E;
	s24 =	sld [smem:$0x3FFE];
	[sflag:s23] =	ssyncadd.s32 $0xFFFFFFFF  }
0xa5: {  	s26 =	simm.s32 $execute0_lowered;
	[smem:$0x3FD2] =	sst s25  }
0xa6: {  	s4 =	sshll.u32 s26, $0x1;
	_ =	strace $0x8000004C;
	[dreg:$0x1] =	wrdreg $0xFFFFFFFF  }
0xa7: {  	s28 =	simm.s32 $_size_execute0_lowered;
	s2 =	sadd.s32 s2, s4;
	[dreg:$0x0] =	wrdreg $0x0  }
0xa8: {  	s4 =	sshll.u32 s28, $0x1;
	[dreg:$0x2] =	wrdreg s2  }
0xa9: {  	[dreg:$0x3] =	wrdreg s4  }
0xaa: {  	[dreg:$0x4] =	wrdreg $0xC0  }
0xab: {  	_ =	task [dreg:s6], $0x5FFFF  }
0xac: {  	[dreg:$0x1] =	wrdreg $0xFFFFFFFF  }
0xad: {  	[dreg:$0x0] =	wrdreg $0x60  }
0xae: {  	[dreg:$0x2] =	wrdreg s24  }
0xaf: {  	[dreg:$0x3] =	wrdreg $0x0  }
0xb0: {  	[dreg:$0x4] =	wrdreg $0x9  }
0xb1: {  	_ =	task.clear_ibuf [dreg:s6], $0x5FFFF;
	_ =	strace $0x9000004C  }
0xb2: {  	s29 =	simm.s32 $0x9;
	_ =	strace $0x8000004E  }
0xb3: {  	_ =	swait.ge [sflag:s29], $0x1  }
0xb4: {  	[sflag:s29] =	ssyncadd.s32 $0xFFFFFFFF  }
0xb5: {  	_ =	strace $0x9000004E  }
0xb6: {  	_ =	sfence  }
0xb7: {  	s30 =	sld [smem:$0x0];
	_ =	sdelay $0x2  }
0xb8: {  	s31 =	sshll.u32 s1, $0xD;
	s1 =	sshrl.u32 s1, $0x2  }
0xb9: {  	s3 =	sand.u32 $0x4000, s31;
	s1 =	sadd.s32 s1, s30  }
0xba: {  	s0 =	sor.u32 s3, s0;
	s1 =	sshll.u32 s1, $0x11  }
0xbb: {  	s0 =	sor.u32 s1, s0  }
0xbc: {  	s0 =	sadd.s32 $0x8F2B, s0  }
0xbd: {  	[sflag:s0] =	ssyncadd.remote.s32 $0x1  }
0xbe: {  	_ =	sfence.sel $0xFFFF  }
0xbf: {  	[dreg:$0x0] =	wrdreg $0xFFFFFFFF;
	(pc) =	sbr.abs _section_cstart, $3  }
0xc0: {  	[dreg:$0x1] =	wrdreg $0xFFFFFFFF  }
0xc1: {  	_ =	task.clear_ibuf [dreg:s6], $0x2FFFF;
	_ =	strace $0x9FFFFFFF  }
0xc2: {  	(tm) =	ssettm $0x7FFFFFFF  }
0xc3: {  	_ =	shalt  }
tec
execute0_lowered:
.L_overlay_start_1:
0x0: {  	(tag) =	ssettag $0x1  }
0x1: {  	s0 =	rddreg [dreg:$0x0]  }
0x2: {  	s2 =	rddreg [dreg:$0x1];
	s4 =	simm.s32 $0x0;
	s1 =	srdreg.scid  }
0x3: {  	s7 =	stileid.u32;
	s17 =	simm.s32 $0x13880;
	s18 =	simm.s32 $0x15F90  }
0x4: {  	s19 =	simm.s32 $0x186A0;
	s20 =	simm.s32 $0x3;
	s21 =	simm.s32 $0x1  }
0x5: {  	s28 =	simm.s32 $0x1AEA0;
	s30 =	simm.s32 $0x1C2A0;
	s31 =	simm.s32 $0x50  }
0x6: {  	s29 =	simm.s32 $0x5;
	s1 =	sand.u32 $0x1, s1;
	s5 =	smul.u32 $0x13880, s7  }
0x7: {  	s3 =	sshll.u32 s7, $0x1;
	[smem:$0x7FF] =	sst s4;
	s7 =	smul.u32 $0x4E200, s7  }
0x8: {  	s4 =	sadd.s32 $0x18E00, s0;
	s3 =	sor.u32 s1, s3;
	s6 =	smul.u32 $0x138800, s1  }
0x9: {  	_ =	strace $0x8000004D;
	s1 =	ssub.s32 $0x2, s1;
	s3 =	smul.u32 $0x4E2, s3  }
0xa: {  	s22 =	sshrl.u32 s1, $0x1;
	s7 =	sshrl.u32 s7, $0x2;
	s6 =	sadd.s32 s5, s6  }
0xb: {  	s1 =	ssub.s32 s1, s22;
	s24 =	sadd.s32 s7, s2;
	s7 =	sadd.s32 s5, s2  }
0xc: {  	s22 =	simm.s32 $0x2;
	s5 =	simm.s32 $0x0;
	s3 =	sadd.s32 s3, s0  }
0xd: {  	s6 =	sshrl.u32 s6, $0x3;
	s25 =	sadd.s32 $0x2800, s24;
	s26 =	sadd.s32 $0x5000, s24  }
0xe: {  	s10 =	sadd.s32 $0x7800, s24;
	s11 =	sadd.s32 $0xA000, s24;
	s12 =	sadd.s32 $0xC800, s24  }
0xf: {  	s13 =	sadd.s32 $0xF000, s24;
	s14 =	sadd.s32 $0x11800, s24;
	s16 =	smax.u32 s1, $0x1  }
0x10: {  	s1 =	simm.s32 $0x1D6A0;
	s24 =	simm.s32 $0x6;
	[dreg:$0x5] =	wrdreg s25  }
0x11: {  	s0 =	sadd.s32 s6, s0;
	s23 =	sadd.s32 $0xF000, s3;
	[dreg:$0x6] =	wrdreg s26  }
0x12: {  	s3 =	sadd.s32 $0x5200, s3;
	s25 =	simm.s32 $0x19AA0;
	[dreg:$0x3] =	wrdreg s23  }
0x13: {  	s26 =	simm.s32 $0x1EAA0;
	[dreg:$0x4] =	wrdreg s3;
	s15 =	sadd.s32 $0x40000, s0  }
0x14: {  	v0 =	vimm.f32 $0.0e+00;
	s23 =	simm.s32 $0x28;
	s0 =	simm.s32 $0x4;
	s3 =	simm.s32 $0x7  }
.LBB2_1:
0x15: {  	s6 =	simm.s32 $0x0;
	s8 =	rddreg [dreg:$0x3]  }
0x16: {  	[tilespmem:s17], [sflag:$0x1] =	stream.linear.gather [hbm4b:s8+s6], $0x2710, $0x38;
	[tilespmem:$0x1FEA0] =	vst v63  }
0x17: {  	s9 =	rddreg [dreg:$0x4]  }
0x18: {  	[tilespmem:s18], [sflag:$0x2] =	stream.linear.gather [hbm4b:s9+s6], $0x2710, $0x38;
	[tilespmem:$0x1FEA0] =	vst v63  }
0x19: {  	s8 =	simm.s32 $0x200;
	s6 =	simm.s32 $0x0  }
.LBB2_2:
0x1a: {  	p0 =	sne.s32 s8, $0x9E00;
	[tilespmem:s6+$0x18710] =	vst v0  }
0x1b: {  	[tilespmem:s6+$0x186A0] =	vst v0  }
0x1c: {  	[tilespmem:s6+$0x186B0] =	vst v0  }
.Ltmp0:
0x1d: {  	[tilespmem:s6+$0x186C0] =	vst v0;
	(pc) =	sbr.rel @p0 .LBB2_2-.Ltmp0, $4  }
0x1e: {  	[tilespmem:s6+$0x186D0] =	vst v0  }
0x1f: {  	[tilespmem:s6+$0x186E0] =	vst v0  }
0x20: {  	[tilespmem:s6+$0x186F0] =	vst v0  }
0x21: {  	[tilespmem:s6+$0x18700] =	vst v0;
	s6 =	sshra.s32 s8, $0x2;
	s8 =	sadd.s32 $0x200, s8  }
0x22: {  	[tilespmem:s6+$0x18710] =	vst v0  }
0x23: {  	[tilespmem:s6+$0x186A0] =	vst v0  }
0x24: {  	[tilespmem:s6+$0x186B0] =	vst v0  }
0x25: {  	[tilespmem:s6+$0x186C0] =	vst v0  }
0x26: {  	[tilespmem:s6+$0x186D0] =	vst v0  }
0x27: {  	[tilespmem:s6+$0x186E0] =	vst v0  }
0x28: {  	[tilespmem:s6+$0x186F0] =	vst v0  }
0x29: {  	[tilespmem:s6+$0x18700] =	vst v0  }
0x2a: {  	[spmem:s7] =	stream.linear.scatter [tilespmem:s19], [sflag:$0x3], $0x2800, $0x38;
	[tilespmem:$0x1FEA0] =	vst v63  }
0x2b: {  	s9 =	rddreg [dreg:$0x5]  }
0x2c: {  	[spmem:s9] =	stream.linear.scatter [tilespmem:s19], [sflag:$0x3], $0x2800, $0x38;
	[tilespmem:$0x1FEA0] =	vst v63  }
0x2d: {  	s8 =	rddreg [dreg:$0x6]  }
0x2e: {  	[spmem:s8] =	stream.linear.scatter [tilespmem:s19], [sflag:$0x3], $0x2800, $0x38;
	[tilespmem:$0x1FEA0] =	vst v63  }
0x2f: {  	_ = 	snop  }
0x30: {  	[spmem:s10] =	stream.linear.scatter [tilespmem:s19], [sflag:$0x3], $0x2800, $0x38;
	[tilespmem:$0x1FEA0] =	vst v63  }
0x31: {  	_ = 	snop  }
0x32: {  	[spmem:s11] =	stream.linear.scatter [tilespmem:s19], [sflag:$0x3], $0x2800, $0x38;
	[tilespmem:$0x1FEA0] =	vst v63  }
0x33: {  	_ = 	snop  }
0x34: {  	[spmem:s12] =	stream.linear.scatter [tilespmem:s19], [sflag:$0x3], $0x2800, $0x38;
	[tilespmem:$0x1FEA0] =	vst v63  }
0x35: {  	_ = 	snop  }
0x36: {  	[spmem:s13] =	stream.linear.scatter [tilespmem:s19], [sflag:$0x3], $0x2800, $0x38;
	[tilespmem:$0x1FEA0] =	vst v63  }
0x37: {  	_ = 	snop  }
0x38: {  	[spmem:s14] =	stream.linear.scatter [tilespmem:s19], [sflag:$0x3], $0x2080, $0x38;
	[tilespmem:$0x1FEA0] =	vst v63  }
0x39: {  	_ =	swait.ge [sflag:s20], $0x2800  }
0x3a: {  	[sflag:s20] =	ssyncset.done $0x0  }
0x3b: {  	[sflag:s20] =	ssyncadd.s32 $0xFFFFD800  }
0x3c: {  	_ =	swait.ge [sflag:s20], $0x2800  }
0x3d: {  	[sflag:s20] =	ssyncset.done $0x0  }
0x3e: {  	[sflag:s20] =	ssyncadd.s32 $0xFFFFD800  }
0x3f: {  	_ =	swait.ge [sflag:s20], $0x2800  }
0x40: {  	[sflag:s20] =	ssyncset.done $0x0  }
0x41: {  	[sflag:s20] =	ssyncadd.s32 $0xFFFFD800  }
0x42: {  	_ =	swait.ge [sflag:s20], $0x2800  }
0x43: {  	[sflag:s20] =	ssyncset.done $0x0  }
0x44: {  	[sflag:s20] =	ssyncadd.s32 $0xFFFFD800  }
0x45: {  	_ =	swait.ge [sflag:s20], $0x2800  }
0x46: {  	[sflag:s20] =	ssyncset.done $0x0  }
0x47: {  	[sflag:s20] =	ssyncadd.s32 $0xFFFFD800  }
0x48: {  	_ =	swait.ge [sflag:s20], $0x2800  }
0x49: {  	[sflag:s20] =	ssyncset.done $0x0  }
0x4a: {  	[sflag:s20] =	ssyncadd.s32 $0xFFFFD800  }
0x4b: {  	_ =	swait.ge [sflag:s20], $0x2800  }
0x4c: {  	[sflag:s20] =	ssyncset.done $0x0  }
0x4d: {  	[sflag:s20] =	ssyncadd.s32 $0xFFFFD800  }
0x4e: {  	_ =	swait.ge [sflag:s20], $0x2080  }
0x4f: {  	[sflag:s20] =	ssyncset.done $0x0  }
0x50: {  	[sflag:s20] =	ssyncadd.s32 $0xFFFFDF80  }
0x51: {  	_ =	swait.ge [sflag:s21], $0x2710  }
0x52: {  	[sflag:s21] =	ssyncset.done $0x0  }
0x53: {  	[sflag:s21] =	ssyncadd.s32 $0xFFFFD8F0  }
0x54: {  	_ =	swait.ge [sflag:s22], $0x2710  }
0x55: {  	[sflag:s22] =	ssyncset.done $0x0  }
0x56: {  	[sflag:s22] =	ssyncadd.s32 $0xFFFFD8F0  }
0x57: {  	[bflag:$0x0] =	sbarrier.arrive $0xFFFF  }
0x58: {  	[tilespmem:s19], [sflag:$0x1] =	stream.indirect.gather [hbm4b:s4+s23], $0x80, s17, s23, $0xb8;
	[tilespmem:$0x1FEA0] =	vst v63  }
0x59: {  	s9 =	simm.s32 $0x138A8  }
0x5a: {  	[tilespmem:s25], [sflag:$0x1] =	stream.indirect.gather [hbm4b:s4+s23], $0x80, s9, s23, $0xb8;
	[tilespmem:$0x1FEA0] =	vst v63  }
0x5b: {  	s8 =	simm.s32 $0x138D0  }
0x5c: {  	[tilespmem:s28], [sflag:$0x2] =	stream.indirect.gather [hbm4b:s4+s23], $0x80, s8, s23, $0xb8;
	[tilespmem:$0x1FEA0] =	vst v63  }
0x5d: {  	s9 =	simm.s32 $0x138F8  }
0x5e: {  	[tilespmem:s30], [sflag:$0x2] =	stream.indirect.gather [hbm4b:s4+s23], $0x80, s9, s23, $0xb8;
	[tilespmem:$0x1FEA0] =	vst v63  }
0x5f: {  	_ =	swait.ge [sflag:s21], $0x1400  }
0x60: {  	[sflag:s21] =	ssyncset.done $0x0  }
0x61: {  	[sflag:s21] =	ssyncadd.s32 $0xFFFFEC00  }
0x62: {  	_ =	swait.ge [sflag:s21], $0x1400  }
0x63: {  	[sflag:s21] =	ssyncset.done $0x0  }
0x64: {  	[sflag:s21] =	ssyncadd.s32 $0xFFFFEC00  }
0x65: {  	[spmem:s2] =	stream.indirect.scatter.add.f32 [tilespmem:s19], [sflag:$0x4], $0x80, s18, s31, $0xb8;
	[tilespmem:$0x1FEA0] =	vst v63  }
0x66: {  	s8 =	simm.s32 $0x13920  }
0x67: {  	[tilespmem:s1], [sflag:$0x3] =	stream.indirect.gather [hbm4b:s4+s23], $0x80, s8, s23, $0xb8;
	[tilespmem:$0x1FEA0] =	vst v63  }
0x68: {  	s9 =	simm.s32 $0x13948  }
0x69: {  	[tilespmem:s26], [sflag:$0x3] =	stream.indirect.gather [hbm4b:s4+s23], $0x80, s9, s23, $0xb8;
	[tilespmem:$0x1FEA0] =	vst v63  }
0x6a: {  	_ =	swait.ge [sflag:s22], $0x1400  }
0x6b: {  	[sflag:s22] =	ssyncset.done $0x0  }
0x6c: {  	[sflag:s22] =	ssyncadd.s32 $0xFFFFEC00  }
0x6d: {  	_ =	swait.ge [sflag:s22], $0x1400  }
0x6e: {  	[sflag:s22] =	ssyncset.done $0x0  }
0x6f: {  	s8 =	simm.s32 $0x15FE0;
	[sflag:s22] =	ssyncadd.s32 $0xFFFFEC00  }
0x70: {  	[spmem:s2] =	stream.indirect.scatter.add.f32 [tilespmem:s28], [sflag:$0x5], $0x80, s8, s31, $0xb8;
	[tilespmem:$0x1FEA0] =	vst v63  }
0x71: {  	_ =	swait.ge [sflag:s0], $0x2800  }
0x72: {  	[sflag:s0] =	ssyncset.done $0x0  }
0x73: {  	s9 =	simm.s32 $0x13970;
	[sflag:s0] =	ssyncadd.s32 $0xFFFFD800  }
0x74: {  	[tilespmem:s19], [sflag:$0x1] =	stream.indirect.gather [hbm4b:s4+s23], $0x80, s9, s23, $0xb8;
	[tilespmem:$0x1FEA0] =	vst v63  }
0x75: {  	s8 =	simm.s32 $0x13998  }
0x76: {  	[tilespmem:s25], [sflag:$0x1] =	stream.indirect.gather [hbm4b:s4+s23], $0x80, s8, s23, $0xb8;
	[tilespmem:$0x1FEA0] =	vst v63  }
0x77: {  	_ =	swait.ge [sflag:s20], $0x1400  }
0x78: {  	[sflag:s20] =	ssyncset.done $0x0  }
0x79: {  	[sflag:s20] =	ssyncadd.s32 $0xFFFFEC00  }
0x7a: {  	_ =	swait.ge [sflag:s20], $0x1400  }
0x7b: {  	[sflag:s20] =	ssyncset.done $0x0  }
0x7c: {  	s9 =	simm.s32 $0x16030;
	[sflag:s20] =	ssyncadd.s32 $0xFFFFEC00  }
0x7d: {  	[spmem:s2] =	stream.indirect.scatter.add.f32 [tilespmem:s1], [sflag:$0x6], $0x80, s9, s31, $0xb8;
	[tilespmem:$0x1FEA0] =	vst v63  }
0x7e: {  	_ =	swait.ge [sflag:s29], $0x2800  }
0x7f: {  	[sflag:s29] =	ssyncset.done $0x0  }
0x80: {  	s8 =	simm.s32 $0x139C0;
	[sflag:s29] =	ssyncadd.s32 $0xFFFFD800  }
0x81: {  	[tilespmem:s28], [sflag:$0x2] =	stream.indirect.gather [hbm4b:s4+s23], $0x80, s8, s23, $0xb8;
	[tilespmem:$0x1FEA0] =	vst v63  }
0x82: {  	s9 =	simm.s32 $0x139E8  }
0x83: {  	[tilespmem:s30], [sflag:$0x2] =	stream.indirect.gather [hbm4b:s4+s23], $0x80, s9, s23, $0xb8;
	[tilespmem:$0x1FEA0] =	vst v63  }
0x84: {  	_ =	swait.ge [sflag:s21], $0x1400  }
0x85: {  	[sflag:s21] =	ssyncset.done $0x0  }
0x86: {  	[sflag:s21] =	ssyncadd.s32 $0xFFFFEC00  }
0x87: {  	_ =	swait.ge [sflag:s21], $0x1400  }
0x88: {  	[sflag:s21] =	ssyncset.done $0x0  }
0x89: {  	s8 =	simm.s32 $0x16080;
	[sflag:s21] =	ssyncadd.s32 $0xFFFFEC00  }
0x8a: {  	[spmem:s2] =	stream.indirect.scatter.add.f32 [tilespmem:s19], [sflag:$0x4], $0x80, s8, s31, $0xb8;
	[tilespmem:$0x1FEA0] =	vst v63  }
0x8b: {  	_ =	swait.ge [sflag:s24], $0x2800  }
0x8c: {  	[sflag:s24] =	ssyncset.done $0x0  }
0x8d: {  	s9 =	simm.s32 $0x13A10;
	[sflag:s24] =	ssyncadd.s32 $0xFFFFD800  }
0x8e: {  	[tilespmem:s1], [sflag:$0x3] =	stream.indirect.gather [hbm4b:s4+s23], $0x80, s9, s23, $0xb8;
	[tilespmem:$0x1FEA0] =	vst v63  }
0x8f: {  	s8 =	simm.s32 $0x13A38  }
0x90: {  	[tilespmem:s26], [sflag:$0x3] =	stream.indirect.gather [hbm4b:s4+s23], $0x80, s8, s23, $0xb8;
	[tilespmem:$0x1FEA0] =	vst v63  }
0x91: {  	_ =	swait.ge [sflag:s22], $0x1400  }
0x92: {  	[sflag:s22] =	ssyncset.done $0x0  }
0x93: {  	[sflag:s22] =	ssyncadd.s32 $0xFFFFEC00  }
0x94: {  	_ =	swait.ge [sflag:s22], $0x1400  }
0x95: {  	[sflag:s22] =	ssyncset.done $0x0  }
0x96: {  	s9 =	simm.s32 $0x160D0;
	[sflag:s22] =	ssyncadd.s32 $0xFFFFEC00  }
0x97: {  	[spmem:s2] =	stream.indirect.scatter.add.f32 [tilespmem:s28], [sflag:$0x5], $0x80, s9, s31, $0xb8;
	[tilespmem:$0x1FEA0] =	vst v63  }
0x98: {  	_ =	swait.ge [sflag:s0], $0x2800  }
0x99: {  	[sflag:s0] =	ssyncset.done $0x0  }
0x9a: {  	s8 =	simm.s32 $0x13A60;
	[sflag:s0] =	ssyncadd.s32 $0xFFFFD800  }
0x9b: {  	[tilespmem:s19], [sflag:$0x1] =	stream.indirect.gather [hbm4b:s4+s23], $0x80, s8, s23, $0xb8;
	[tilespmem:$0x1FEA0] =	vst v63  }
0x9c: {  	s9 =	simm.s32 $0x13A88  }
0x9d: {  	[tilespmem:s25], [sflag:$0x1] =	stream.indirect.gather [hbm4b:s4+s23], $0x80, s9, s23, $0xb8;
	[tilespmem:$0x1FEA0] =	vst v63  }
0x9e: {  	_ =	swait.ge [sflag:s20], $0x1400  }
0x9f: {  	[sflag:s20] =	ssyncset.done $0x0  }
0xa0: {  	[sflag:s20] =	ssyncadd.s32 $0xFFFFEC00  }
0xa1: {  	_ =	swait.ge [sflag:s20], $0x1400  }
0xa2: {  	[sflag:s20] =	ssyncset.done $0x0  }
0xa3: {  	s8 =	simm.s32 $0x16120;
	[sflag:s20] =	ssyncadd.s32 $0xFFFFEC00  }
0xa4: {  	[spmem:s2] =	stream.indirect.scatter.add.f32 [tilespmem:s1], [sflag:$0x6], $0x80, s8, s31, $0xb8;
	[tilespmem:$0x1FEA0] =	vst v63  }
0xa5: {  	_ =	swait.ge [sflag:s29], $0x2800  }
0xa6: {  	s6 =	simm.s32 $0x3C0;
	[sflag:s29] =	ssyncset.done $0x0  }
0xa7: {  	s9 =	simm.s32 $0x13AB0;
	s8 =	simm.s32 $0x13AD8;
	[sflag:s29] =	ssyncadd.s32 $0xFFFFD800  }
0xa8: {  	[tilespmem:s28], [sflag:$0x2] =	stream.indirect.gather [hbm4b:s4+s23], $0x80, s9, s23, $0xb8;
	[tilespmem:$0x1FEA0] =	vst v63  }
.LBB2_4:
0xa9: {  	[tilespmem:s30], [sflag:$0x2] =	stream.indirect.gather [hbm4b:s4+s23], $0x80, s8, s23, $0xb8;
	[tilespmem:$0x1FEA0] =	vst v63  }
0xaa: {  	s8 =	smov.u32 s6  }
0xab: {  	p0 =	sne.s32 s6, $0x9240;
	s6 =	sadd.s32 $0x3C0, s6;
	_ =	swait.ge [sflag:s21], $0x1400  }
0xac: {  	[sflag:s21] =	ssyncset.done $0x0  }
0xad: {  	[sflag:s21] =	ssyncadd.s32 $0xFFFFEC00  }
0xae: {  	_ =	swait.ge [sflag:s21], $0x1400  }
0xaf: {  	s8 =	sshra.s32 s8, $0x2;
	[sflag:s21] =	ssyncset.done $0x0  }
0xb0: {  	s9 =	sadd.s32 $0x16080, s8;
	[sflag:s21] =	ssyncadd.s32 $0xFFFFEC00  }
0xb1: {  	[spmem:s2] =	stream.indirect.scatter.add.f32 [tilespmem:s19], [sflag:$0x4], $0x80, s9, s31, $0xb8;
	[tilespmem:$0x1FEA0] =	vst v63  }
0xb2: {  	_ =	swait.ge [sflag:s24], $0x2800  }
0xb3: {  	[sflag:s24] =	ssyncset.done $0x0  }
0xb4: {  	s9 =	sadd.s32 $0x13A10, s8;
	[sflag:s24] =	ssyncadd.s32 $0xFFFFD800  }
0xb5: {  	[tilespmem:s1], [sflag:$0x3] =	stream.indirect.gather [hbm4b:s4+s23], $0x80, s9, s23, $0xb8;
	[tilespmem:$0x1FEA0] =	vst v63  }
0xb6: {  	s9 =	sadd.s32 $0x13A38, s8  }
0xb7: {  	[tilespmem:s26], [sflag:$0x3] =	stream.indirect.gather [hbm4b:s4+s23], $0x80, s9, s23, $0xb8;
	[tilespmem:$0x1FEA0] =	vst v63  }
0xb8: {  	_ =	swait.ge [sflag:s22], $0x1400  }
0xb9: {  	[sflag:s22] =	ssyncset.done $0x0  }
0xba: {  	[sflag:s22] =	ssyncadd.s32 $0xFFFFEC00  }
0xbb: {  	_ =	swait.ge [sflag:s22], $0x1400  }
0xbc: {  	[sflag:s22] =	ssyncset.done $0x0  }
0xbd: {  	s9 =	sadd.s32 $0x160D0, s8;
	[sflag:s22] =	ssyncadd.s32 $0xFFFFEC00  }
0xbe: {  	[spmem:s2] =	stream.indirect.scatter.add.f32 [tilespmem:s28], [sflag:$0x5], $0x80, s9, s31, $0xb8;
	[tilespmem:$0x1FEA0] =	vst v63  }
0xbf: {  	_ =	swait.ge [sflag:s0], $0x2800  }
0xc0: {  	[sflag:s0] =	ssyncset.done $0x0  }
0xc1: {  	s9 =	sadd.s32 $0x13A60, s8;
	[sflag:s0] =	ssyncadd.s32 $0xFFFFD800  }
0xc2: {  	[tilespmem:s19], [sflag:$0x1] =	stream.indirect.gather [hbm4b:s4+s23], $0x80, s9, s23, $0xb8;
	[tilespmem:$0x1FEA0] =	vst v63  }
0xc3: {  	s9 =	sadd.s32 $0x13A88, s8  }
0xc4: {  	[tilespmem:s25], [sflag:$0x1] =	stream.indirect.gather [hbm4b:s4+s23], $0x80, s9, s23, $0xb8;
	[tilespmem:$0x1FEA0] =	vst v63  }
0xc5: {  	_ =	swait.ge [sflag:s20], $0x1400  }
0xc6: {  	[sflag:s20] =	ssyncset.done $0x0  }
0xc7: {  	[sflag:s20] =	ssyncadd.s32 $0xFFFFEC00  }
0xc8: {  	_ =	swait.ge [sflag:s20], $0x1400  }
0xc9: {  	[sflag:s20] =	ssyncset.done $0x0  }
0xca: {  	s9 =	sadd.s32 $0x16120, s8;
	[sflag:s20] =	ssyncadd.s32 $0xFFFFEC00  }
0xcb: {  	[spmem:s2] =	stream.indirect.scatter.add.f32 [tilespmem:s1], [sflag:$0x6], $0x80, s9, s31, $0xb8;
	[tilespmem:$0x1FEA0] =	vst v63  }
.Ltmp1:
0xcc: {  	_ =	swait.ge [sflag:s29], $0x2800;
	(pc) =	sbr.rel @p0 .LBB2_4-.Ltmp1, $4  }
0xcd: {  	[sflag:s29] =	ssyncset.done $0x0  }
0xce: {  	s9 =	sadd.s32 $0x13AB0, s8;
	[sflag:s29] =	ssyncadd.s32 $0xFFFFD800  }
0xcf: {  	[tilespmem:s28], [sflag:$0x2] =	stream.indirect.gather [hbm4b:s4+s23], $0x80, s9, s23, $0xb8;
	[tilespmem:$0x1FEA0] =	vst v63  }
0xd0: {  	s8 =	sadd.s32 $0x13AD8, s8  }
0xd1: {  	[tilespmem:s30], [sflag:$0x2] =	stream.indirect.gather [hbm4b:s4+s23], $0x80, s8, s23, $0xb8;
	[tilespmem:$0x1FEA0] =	vst v63  }
0xd2: {  	_ =	swait.ge [sflag:s24], $0x2800  }
0xd3: {  	[sflag:s24] =	ssyncset.done $0x0  }
0xd4: {  	[sflag:s24] =	ssyncadd.s32 $0xFFFFD800  }
0xd5: {  	_ =	swait.ge [sflag:s21], $0x1400  }
0xd6: {  	[sflag:s21] =	ssyncset.done $0x0  }
0xd7: {  	[sflag:s21] =	ssyncadd.s32 $0xFFFFEC00  }
0xd8: {  	_ =	swait.ge [sflag:s21], $0x1400  }
0xd9: {  	[sflag:s21] =	ssyncset.done $0x0  }
0xda: {  	s6 =	simm.s32 $0x18600;
	[sflag:s21] =	ssyncadd.s32 $0xFFFFEC00  }
0xdb: {  	[spmem:s2] =	stream.indirect.scatter.add.f32 [tilespmem:s19], [sflag:$0x7], $0x80, s6, s31, $0xb8;
	[tilespmem:$0x1FEA0] =	vst v63  }
0xdc: {  	_ =	swait.ge [sflag:s3], $0x2800  }
0xdd: {  	[sflag:s3] =	ssyncset.done $0x0  }
0xde: {  	[sflag:s3] =	ssyncadd.s32 $0xFFFFD800  }
0xdf: {  	_ =	swait.ge [sflag:s22], $0x1400  }
0xe0: {  	[sflag:s22] =	ssyncset.done $0x0  }
0xe1: {  	[sflag:s22] =	ssyncadd.s32 $0xFFFFEC00  }
0xe2: {  	_ =	swait.ge [sflag:s22], $0x1400  }
0xe3: {  	[sflag:s22] =	ssyncset.done $0x0  }
0xe4: {  	s9 =	simm.s32 $0x18650;
	[sflag:s22] =	ssyncadd.s32 $0xFFFFEC00  }
0xe5: {  	[spmem:s2] =	stream.indirect.scatter.add.f32 [tilespmem:s28], [sflag:$0x7], $0x80, s9, s31, $0xb8;
	[tilespmem:$0x1FEA0] =	vst v63  }
0xe6: {  	s8 =	stileid.u32;
	_ =	swait.ge [sflag:s3], $0x2800  }
0xe7: {  	s5 =	sadd.s32 $0x1, s5;
	s6 =	sshll.u32 s8, $0x6;
	[sflag:s3] =	ssyncset.done $0x0  }
0xe8: {  	p0 =	sne.s32 s5, s16;
	s6 =	sor.u32 $0x1C01, s6;
	[sflag:s3] =	ssyncadd.s32 $0xFFFFD800  }
.Ltmp2:
0xe9: {  	s9 =	sshrl.u32 s7, $0x3;
	[bflag:$0x0] =	sbarrier.arrive $0xFFFF;
	(pc) =	sbr.rel @p0 .LBB2_1-.Ltmp2, $4  }
0xea: {  	[hbm:s15], [sflag:s6] =	dma.local [spmem:s9], $0x2710  }
0xeb: {  	_ =	swait.ge [sflag:s21], $0x2710  }
0xec: {  	[sflag:s21] =	ssyncset.done $0x0  }
0xed: {  	[sflag:s21] =	ssyncadd.s32 $0xFFFFD8F0  }
0xee: {  	_ =	sfence.sel $0x180000  }
0xef: {  	[bflag:$0x0] =	sbarrier.arrive $0xFFFF  }
0xf0: {  	_ =	strace $0x9000004D  }
0xf1: {  	s0 =	stileid.u32;
	[bflag:$0x2] =	sbarrier.arrive $0xFFFF  }
0xf2: {  	p0 =	sne.s32 s0, $0x0;
	s0 =	rddreg [dreg:$0x2]  }
0xf3: {  	s0 =	sadd.s32 @!p0 $0x100000, s0  }
0xf4: {  	[sflag:s0] =	ssyncadd.tile.s32 @!p0 $0x1;
	_ =	shalt  }
.Lfunc_end2:
_tile_overlayer_lowered:
.L_overlay_start_2:
0xf5: {  	(tag) =	ssettag $0x2  }
0xf6: {  	s0 =	rddreg [dreg:$0x0];
	s2 =	stileid.u32  }
0xf7: {  	s1 =	rddreg [dreg:$0x1];
	p0 =	sne.s32 s2, $0x0  }
0xf8: {  	s3 =	rddreg [dreg:$0x2];
	[bflag:$0x3] =	sbarrier.arrive $0xFFFF;
	s2 =	simm.s32 @!p0 $0x1C07  }
0xf9: {  	[timem:s3], [sflag:s2] =	dma.local @!p0 [hbm:s0], s1  }
0xfa: {  	s0 =	simm.s32 @!p0 $0x7  }
0xfb: {  	_ =	swait.ge @!p0 [sflag:s0], s1  }
0xfc: {  	s1 =	ssub.s32 @!p0 $0x0, s1;
	[sflag:s0] =	ssyncset.done @!p0 $0x0  }
0xfd: {  	[sflag:s0] =	ssyncadd.s32 @!p0 s1  }
0xfe: {  	[bflag:$0x3] =	sbarrier.arrive $0xFFFF  }
0xff: {  	_ =	shalt  }

// kernel: kernel.8.cloned.1.call-start
scs
__scs_entry_jumppad:
0x0: {  	(pc) =	sbr.rel $0x88, $3  }
0x1: {  	(tag) =	ssettag $0x0;
	lr =	simm.s32 $0x1  }
0x2: {  	[smem:$0x3F88] =	sst lr;
	_ =	strace $0xD0000000  }
0x3: {  	_ = 	snop  }
0x4: {  	_ = 	snop  }
0x5: {  	_ = 	snop  }
0x6: {  	_ = 	snop  }
0x7: {  	_ = 	snop  }
__scs_overlays_trampoline_lowered:
0x8: {  	[smem:$0x3F97] =	sst s0  }
0x9: {  	[smem:$0x3F98] =	sst s1  }
0xa: {  	[smem:$0x3F99] =	sst s2  }
0xb: {  	[smem:$0x3F9A] =	sst s3  }
0xc: {  	[smem:$0x3F9B] =	sst s4  }
0xd: {  	[smem:$0x3F9C] =	sst s5  }
0xe: {  	[smem:$0x3F9D] =	sst s6  }
0xf: {  	[smem:$0x3F9E] =	sst s7  }
0x10: {  	[smem:$0x3F9F] =	sst s8  }
0x11: {  	[smem:$0x3FA0] =	sst s9;
	s0 =	simm.s32 @!p0 $0x0  }
0x12: {  	s1 =	sld [smem:$0x3F86];
	s0 =	simm.s32 @p0 $0x1  }
0x13: {  	[smem:$0x3FA1] =	sst s0;
	s0 =	simm.s32 @!p1 $0x0  }
0x14: {  	s2 =	sld [smem:$0x3F85];
	s0 =	simm.s32 @p1 $0x1  }
0x15: {  	[smem:$0x3FA2] =	sst s0;
	s0 =	simm.s32 @!p2 $0x0  }
0x16: {  	s3 =	sld [smem:$0x3FDB];
	s0 =	simm.s32 @p2 $0x1  }
0x17: {  	s4 =	simm.s32 $0x1BF5;
	[smem:$0x3FA4] =	sst s0  }
0x18: {  	s0 =	sld [smem:$0x3F87];
	_ =	swait.ge [sflag:s4], $0x0  }
0x19: {  	s7 =	sld [smem:$0x3F88]  }
0x1a: {  	s8 =	sadd.s32 $0xFFFFE003, lr  }
0x1b: {  	s9 =	sadd.s32 $0xFFFFFEF7, lr;
	s5 =	simm.s32 $0xFFFFFFFF;
	p2 =	slt.u32 s8, $0xFFFFF086  }
0x1c: {  	p1 =	slt.u32 s9, $0xF7A;
	s5 =	simm.s32 @!p2 $0x0  }
0x1d: {  	s5 =	simm.s32 @p1 $0x1;
	p0 =	seq.s32 s7, s2  }
0x1e: {  	s7 =	smul.u32 @!p0 $0xF7A, s2;
	p2 =	seq.s32 @!p0 s5, $0x0  }
0x1f: {  	s9 =	smul.u32 $0xF7A, s1;
	s8 =	simm.s32 @!p0 $0x1BF5;
	p2 =	por !p2, p0  }
0x20: {  	[sflag:s8] =	ssyncset.s32 @!p0 $0xFFFFF086;
	s6 =	sadd.s32 @!p0 s3, s7;
	s7 =	simm.s32 @!p0 $0x108  }
0x21: {  	s3 =	sadd.s32 s3, s9;
	s6 =	sadd.s32 @!p0 $0x88, s6;
	s7 =	simm.s32 @p2 $0x1082  }
0x22: {  	[simem:s7], [sflag:s8] =	dma.local @!p0 [hbm:s6], $0xF7A  }
0x23: {  	s9 =	sor.u32 $0xD0000000, s2;
	s6 =	simm.s32 $0x108;
	_ =	swait.ge @!p0 [sflag:s8], $0x0  }
0x24: {  	s3 =	sadd.s32 $0x88, s3;
	s6 =	simm.s32 @!p1 $0x1082;
	[sflag:s4] =	ssyncset.s32 $0xFFFFF086  }
0x25: {  	[simem:s6], [sflag:s4] =	dma.local [hbm:s3], $0xF7A  }
0x26: {  	[smem:$0x3F88] =	sst s1;
	(tag) =	ssettag s2;
	_ =	strace s9  }
0x27: {  	s1 =	sld [smem:$0x3F98]  }
0x28: {  	s2 =	sld [smem:$0x3F99]  }
0x29: {  	s4 =	sld [smem:$0x3F9B]  }
0x2a: {  	p0 =	seq.s32 s5, $0x0;
	s5 =	sld [smem:$0x3F9C]  }
0x2b: {  	s6 =	sld [smem:$0x3F9D]  }
0x2c: {  	s7 =	sld [smem:$0x3F9E]  }
0x2d: {  	s3 =	simm.s32 $0x108;
	s8 =	sld [smem:$0x3F9F]  }
0x2e: {  	s3 =	simm.s32 @!p0 $0x1082;
	s9 =	sld [smem:$0x3FA0]  }
0x2f: {  	lr =	sadd.s32 s0, s3;
	s0 =	sld [smem:$0x3F97]  }
0x30: {  	s3 =	sld [smem:$0x3F9A]  }
0x31: {  	[smem:$0x3FA3] =	sst s10  }
0x32: {  	s10 =	sld [smem:$0x3FA1];
	_ =	sdelay $0x3  }
0x33: {  	p0 =	seq.s32 s10, $0x1;
	s10 =	sld [smem:$0x3FA3];
	_ =	sdelay $0x3  }
0x34: {  	[smem:$0x3FA3] =	sst s10  }
0x35: {  	s10 =	sld [smem:$0x3FA2];
	_ =	sdelay $0x3  }
0x36: {  	p1 =	seq.s32 s10, $0x1;
	s10 =	sld [smem:$0x3FA3];
	_ =	sdelay $0x3  }
0x37: {  	[smem:$0x3FA3] =	sst s10  }
0x38: {  	s10 =	sld [smem:$0x3FA4]  }
0x39: {  	_ = 	snop;
	(pc) =	sbr.ind lr, $3  }
0x3a: {  	_ = 	snop  }
0x3b: {  	_ = 	snop  }
0x3c: {  	p2 =	seq.s32 s10, $0x1;
	s10 =	sld [smem:$0x3FA3]  }
0x3d: {  	_ =	shalt  }
0x3e: {  	_ =	shalt  }
0x3f: {  	_ =	shalt  }
0x40: {  	_ =	shalt  }
0x41: {  	_ =	shalt  }
0x42: {  	_ =	shalt  }
0x43: {  	_ =	shalt  }
0x44: {  	_ =	shalt  }
0x45: {  	_ =	shalt  }
0x46: {  	_ =	shalt  }
0x47: {  	_ =	shalt  }
0x48: {  	_ =	shalt  }
0x49: {  	_ =	shalt  }
0x4a: {  	_ =	shalt  }
0x4b: {  	_ =	shalt  }
0x4c: {  	_ =	shalt  }
0x4d: {  	_ =	shalt  }
0x4e: {  	_ =	shalt  }
0x4f: {  	_ =	shalt  }
0x50: {  	_ =	shalt  }
0x51: {  	_ =	shalt  }
0x52: {  	_ =	shalt  }
0x53: {  	_ =	shalt  }
0x54: {  	_ =	shalt  }
0x55: {  	_ =	shalt  }
0x56: {  	_ =	shalt  }
0x57: {  	_ =	shalt  }
0x58: {  	_ =	shalt  }
0x59: {  	_ =	shalt  }
0x5a: {  	_ =	shalt  }
0x5b: {  	_ =	shalt  }
0x5c: {  	_ =	shalt  }
0x5d: {  	_ =	shalt  }
0x5e: {  	_ =	shalt  }
0x5f: {  	_ =	shalt  }
0x60: {  	_ =	shalt  }
0x61: {  	_ =	shalt  }
0x62: {  	_ =	shalt  }
0x63: {  	_ =	shalt  }
0x64: {  	_ =	shalt  }
0x65: {  	_ =	shalt  }
0x66: {  	_ =	shalt  }
0x67: {  	_ =	shalt  }
0x68: {  	_ =	shalt  }
0x69: {  	_ =	shalt  }
0x6a: {  	_ =	shalt  }
0x6b: {  	_ =	shalt  }
0x6c: {  	_ =	shalt  }
0x6d: {  	_ =	shalt  }
0x6e: {  	_ =	shalt  }
0x6f: {  	_ =	shalt  }
0x70: {  	_ =	shalt  }
0x71: {  	_ =	shalt  }
0x72: {  	_ =	shalt  }
0x73: {  	_ =	shalt  }
0x74: {  	_ =	shalt  }
0x75: {  	_ =	shalt  }
0x76: {  	_ =	shalt  }
0x77: {  	_ =	shalt  }
0x78: {  	_ =	shalt  }
0x79: {  	_ =	shalt  }
0x7a: {  	_ =	shalt  }
0x7b: {  	_ =	shalt  }
0x7c: {  	_ =	shalt  }
0x7d: {  	_ =	shalt  }
0x7e: {  	_ =	shalt  }
0x7f: {  	_ =	shalt  }
0x80: {  	_ =	shalt  }
0x81: {  	_ =	shalt  }
0x82: {  	_ =	shalt  }
0x83: {  	_ =	shalt  }
0x84: {  	_ =	shalt  }
0x85: {  	_ =	shalt  }
0x86: {  	_ =	shalt  }
0x87: {  	_ =	shalt  }
.Lfunc_end0:
.L_simem_size_0:
called_computation_lowered:
.L_overlay_start_0:
0x88: {  	s2 =	sld [smem:$0x3FD9]  }
0x89: {  	s3 =	sld [smem:$0x3FFE];
	_ =	sdelay $0x1  }
0x8a: {  	s1 =	srdreg.scid  }
0x8b: {  	s0 =	sand.u32 $0x1, s1  }
0x8c: {  	s17 =	sshll.u32 s0, $0xA;
	s2 =	sadd.s32 s3, s2  }
0x8d: {  	s2 =	sadd.s32 s2, s17  }
0x8e: {  	[smem:$0x3FAF] =	sst s2  }
0x8f: {  	_ = 	snop  }
0x90: {  	s2 =	sld [smem:$0x3FC9];
	(tm) =	ssettm $0x1  }
0x91: {  	s18 =	sld [smem:$0x3FFB];
	_ =	sdelay $0x3  }
0x92: {  	_ =	strace s18  }
0x93: {  	s3 =	sld [smem:$0x3FFC];
	_ =	sdelay $0x3  }
0x94: {  	_ =	strace s3  }
0x95: {  	s3 =	sld [smem:$0x3FFD];
	_ =	sdelay $0x3  }
0x96: {  	_ =	strace s3  }
0x97: {  	_ =	strace $0x8FFFFFFF  }
0x98: {  	s19 =	sld [smem:$0x3FDB];
	_ =	sdelay $0x1  }
0x99: {  	s4 =	simm.s32 $_scs_section_size  }
0x9a: {  	s5 =	simm.s32 $_size__tile_overlayer_lowered;
	s6 =	simm.s32 $_tile_overlayer_lowered  }
0x9b: {  	s22 =	simm.s32 $0x1BFF;
	s21 =	sshll.u32 s6, $0x1;
	s3 =	sadd.s32 s4, s19  }
0x9c: {  	s7 =	simm.s32 $0x0;
	s20 =	sshll.u32 s5, $0x1;
	s5 =	sadd.s32 s21, s3  }
0x9d: {  	[timem:s7], [sflag:s22] =	dma.local [hbm:s5], s20  }
0x9e: {  	_ =	swait.ge [sflag:s22], s20  }
0x9f: {  	s4 =	ssub.s32 $0x0, s20;
	[sflag:s22] =	ssyncset.done $0x0  }
0xa0: {  	[sflag:s22] =	ssyncadd.s32 s4;
	_ =	sdelay $0x1  }
0xa1: {  	s23 =	simm.s32 $0x1B8B  }
0xa2: {  	_ =	swait.ge [sflag:s23], $0x1  }
0xa3: {  	[sflag:s23] =	ssyncset.done $0x0  }
0xa4: {  	s25 =	simm.s32 $0x1B8E;
	s24 =	sld [smem:$0x3FFE];
	[sflag:s23] =	ssyncadd.s32 $0xFFFFFFFF  }
0xa5: {  	s26 =	simm.s32 $execute0_lowered;
	[smem:$0x3FD2] =	sst s25  }
0xa6: {  	s5 =	sshll.u32 s26, $0x1;
	_ =	strace $0x80000046;
	[dreg:$0x1] =	wrdreg $0xFFFFFFFF  }
0xa7: {  	s28 =	simm.s32 $_size_execute0_lowered;
	s3 =	sadd.s32 s3, s5;
	[dreg:$0x0] =	wrdreg $0x0  }
0xa8: {  	s5 =	sshll.u32 s28, $0x1;
	[dreg:$0x2] =	wrdreg s3  }
0xa9: {  	[dreg:$0x3] =	wrdreg s5  }
0xaa: {  	[dreg:$0x4] =	wrdreg $0xC0  }
0xab: {  	_ =	task [dreg:s7], $0x5FFFF  }
0xac: {  	[dreg:$0x1] =	wrdreg $0xFFFFFFFF  }
0xad: {  	[dreg:$0x0] =	wrdreg $0x60  }
0xae: {  	[dreg:$0x2] =	wrdreg s2  }
0xaf: {  	[dreg:$0x3] =	wrdreg s24  }
0xb0: {  	[dreg:$0x4] =	wrdreg $0x0  }
0xb1: {  	[dreg:$0x5] =	wrdreg $0x9  }
0xb2: {  	_ =	task.clear_ibuf [dreg:s7], $0x6FFFF;
	_ =	strace $0x90000046  }
0xb3: {  	s29 =	simm.s32 $0x9;
	_ =	strace $0x80000048  }
0xb4: {  	_ =	swait.ge [sflag:s29], $0x1  }
0xb5: {  	[sflag:s29] =	ssyncadd.s32 $0xFFFFFFFF  }
0xb6: {  	_ =	strace $0x90000048  }
0xb7: {  	_ =	sfence  }
0xb8: {  	s30 =	sld [smem:$0x0];
	_ =	sdelay $0x2  }
0xb9: {  	s31 =	sshll.u32 s1, $0xD;
	s1 =	sshrl.u32 s1, $0x2  }
0xba: {  	s3 =	sand.u32 $0x4000, s31;
	s1 =	sadd.s32 s1, s30  }
0xbb: {  	s0 =	sor.u32 s3, s0;
	s1 =	sshll.u32 s1, $0x11  }
0xbc: {  	s0 =	sor.u32 s1, s0  }
0xbd: {  	s0 =	sadd.s32 $0x8F2B, s0  }
0xbe: {  	[sflag:s0] =	ssyncadd.remote.s32 $0x1  }
0xbf: {  	_ =	sfence.sel $0xFFFF  }
0xc0: {  	[dreg:$0x0] =	wrdreg $0xFFFFFFFF;
	(pc) =	sbr.abs _section_cstart, $3  }
0xc1: {  	[dreg:$0x1] =	wrdreg $0xFFFFFFFF  }
0xc2: {  	_ =	task.clear_ibuf [dreg:s7], $0x2FFFF;
	_ =	strace $0x9FFFFFFF  }
0xc3: {  	(tm) =	ssettm $0x7FFFFFFF  }
tec
execute0_lowered:
.L_overlay_start_1:
0x0: {  	(tag) =	ssettag $0x1  }
0x1: {  	s2 =	rddreg [dreg:$0x0]  }
0x2: {  	s0 =	srdreg.scid;
	s5 =	rddreg [dreg:$0x1]  }
0x3: {  	s10 =	stileid.u32;
	s3 =	rddreg [dreg:$0x2];
	s4 =	simm.s32 $0x0  }
0x4: {  	s29 =	simm.s32 $0x1AEA0;
	s31 =	simm.s32 $0x1C2A0;
	s6 =	smul.u32 $0x13880, s10  }
0x5: {  	s28 =	simm.s32 $0x1D6A0;
	s30 =	simm.s32 $0x1EAA0;
	s9 =	smul.u32 $0x2710, s10  }
0x6: {  	s0 =	sand.u32 $0x1, s0;
	s1 =	sshll.u32 s10, $0x1;
	s16 =	smul.u32 $0x4E200, s10  }
0x7: {  	[smem:$0x7FF] =	sst s4;
	s1 =	sor.u32 s0, s1;
	s7 =	smul.u32 $0x138800, s0  }
0x8: {  	s8 =	smul.u32 $0x27100, s0;
	_ =	strace $0x80000047;
	s0 =	ssub.s32 $0x2, s0  }
0x9: {  	s1 =	smul.u32 $0x4E2, s1;
	s19 =	sshrl.u32 s0, $0x1;
	s20 =	sshrl.u32 s16, $0x2  }
0xa: {  	s7 =	sadd.s32 s6, s7;
	s8 =	sadd.s32 s9, s8;
	s0 =	ssub.s32 s0, s19  }
0xb: {  	s22 =	sadd.s32 s20, s3;
	s19 =	simm.s32 $0x15F90;
	s20 =	simm.s32 $0x186A0  }
0xc: {  	s1 =	sadd.s32 s1, s5;
	s7 =	sshrl.u32 s7, $0x3;
	s18 =	sshrl.u32 s8, $0x3  }
0xd: {  	s23 =	sadd.s32 $0x2800, s22;
	s24 =	sadd.s32 $0x5000, s22;
	s25 =	sadd.s32 $0x7800, s22  }
0xe: {  	s26 =	sadd.s32 $0xA000, s22;
	s12 =	sadd.s32 $0xC800, s22;
	s13 =	sadd.s32 $0xF000, s22  }
0xf: {  	s14 =	sadd.s32 $0x11800, s22;
	s22 =	simm.s32 $0x1;
	[dreg:$0x6] =	wrdreg s23  }
0x10: {  	s8 =	simm.s32 $0x0;
	s17 =	sadd.s32 s7, s5;
	[dreg:$0x7] =	wrdreg s24  }
0x11: {  	s5 =	sadd.s32 s18, s5;
	s21 =	sadd.s32 $0xF000, s1;
	[dreg:$0x8] =	wrdreg s25  }
0x12: {  	s1 =	sadd.s32 $0x5200, s1;
	s7 =	sadd.s32 s6, s3;
	[dreg:$0x9] =	wrdreg s26  }
0x13: {  	s18 =	simm.s32 $0x13880;
	s23 =	simm.s32 $0x2;
	s24 =	simm.s32 $0x28  }
0x14: {  	s26 =	simm.s32 $0x19AA0;
	s25 =	simm.s32 $0x5;
	[dreg:$0x4] =	wrdreg s21  }
0x15: {  	s6 =	simm.s32 $0x7;
	[dreg:$0x5] =	wrdreg s1;
	s15 =	sadd.s32 $0x22C00, s17  }
0x16: {  	s16 =	sadd.s32 $0x18E00, s5;
	s17 =	smax.u32 s0, $0x1;
	s21 =	simm.s32 $0x3  }
0x17: {  	v0 =	vimm.f32 $0.0e+00;
	v1 =	vimm.f32 $1.000000000e+00;
	s1 =	simm.s32 $0x50;
	s0 =	simm.s32 $0x4;
	s5 =	simm.s32 $0x6  }
.LBB2_1:
0x18: {  	s9 =	rddreg [dreg:$0x4]  }
0x19: {  	[tilespmem:s18], [sflag:$0x1] =	stream.linear.gather [hbm4b:s9+s4], $0x2710, $0x38;
	[tilespmem:$0x1FEA0] =	vst v63  }
0x1a: {  	s11 =	rddreg [dreg:$0x5];
	s10 =	simm.s32 $0x200;
	s9 =	simm.s32 $0x0  }
0x1b: {  	[tilespmem:s19], [sflag:$0x2] =	stream.linear.gather [hbm4b:s11+s4], $0x2710, $0x38;
	[tilespmem:$0x1FEA0] =	vst v63  }
.LBB2_2:
0x1c: {  	p0 =	sne.s32 s10, $0x9E00;
	[tilespmem:s9+$0x18710] =	vst v0  }
0x1d: {  	[tilespmem:s9+$0x186A0] =	vst v0  }
0x1e: {  	[tilespmem:s9+$0x186B0] =	vst v0  }
.Ltmp0:
0x1f: {  	[tilespmem:s9+$0x186C0] =	vst v0;
	(pc) =	sbr.rel @p0 .LBB2_2-.Ltmp0, $4  }
0x20: {  	[tilespmem:s9+$0x186D0] =	vst v0  }
0x21: {  	[tilespmem:s9+$0x186E0] =	vst v0  }
0x22: {  	[tilespmem:s9+$0x186F0] =	vst v0  }
0x23: {  	[tilespmem:s9+$0x18700] =	vst v0;
	s9 =	sshra.s32 s10, $0x2;
	s10 =	sadd.s32 $0x200, s10  }
0x24: {  	[tilespmem:s9+$0x18710] =	vst v0  }
0x25: {  	[tilespmem:s9+$0x186A0] =	vst v0  }
0x26: {  	[tilespmem:s9+$0x186B0] =	vst v0  }
0x27: {  	[tilespmem:s9+$0x186C0] =	vst v0  }
0x28: {  	[tilespmem:s9+$0x186D0] =	vst v0  }
0x29: {  	[tilespmem:s9+$0x186E0] =	vst v0  }
0x2a: {  	[tilespmem:s9+$0x186F0] =	vst v0  }
0x2b: {  	[tilespmem:s9+$0x18700] =	vst v0  }
0x2c: {  	[spmem:s7] =	stream.linear.scatter [tilespmem:s20], [sflag:$0x3], $0x2800, $0x38;
	[tilespmem:$0x1FEA0] =	vst v63  }
0x2d: {  	s11 =	rddreg [dreg:$0x6]  }
0x2e: {  	[spmem:s11] =	stream.linear.scatter [tilespmem:s20], [sflag:$0x3], $0x2800, $0x38;
	[tilespmem:$0x1FEA0] =	vst v63  }
0x2f: {  	s10 =	rddreg [dreg:$0x7]  }
0x30: {  	[spmem:s10] =	stream.linear.scatter [tilespmem:s20], [sflag:$0x3], $0x2800, $0x38;
	[tilespmem:$0x1FEA0] =	vst v63  }
0x31: {  	s11 =	rddreg [dreg:$0x8]  }
0x32: {  	[spmem:s11] =	stream.linear.scatter [tilespmem:s20], [sflag:$0x3], $0x2800, $0x38;
	[tilespmem:$0x1FEA0] =	vst v63  }
0x33: {  	s10 =	rddreg [dreg:$0x9]  }
0x34: {  	[spmem:s10] =	stream.linear.scatter [tilespmem:s20], [sflag:$0x3], $0x2800, $0x38;
	[tilespmem:$0x1FEA0] =	vst v63  }
0x35: {  	_ = 	snop  }
0x36: {  	[spmem:s12] =	stream.linear.scatter [tilespmem:s20], [sflag:$0x3], $0x2800, $0x38;
	[tilespmem:$0x1FEA0] =	vst v63  }
0x37: {  	_ = 	snop  }
0x38: {  	[spmem:s13] =	stream.linear.scatter [tilespmem:s20], [sflag:$0x3], $0x2800, $0x38;
	[tilespmem:$0x1FEA0] =	vst v63  }
0x39: {  	_ = 	snop  }
0x3a: {  	[spmem:s14] =	stream.linear.scatter [tilespmem:s20], [sflag:$0x3], $0x2080, $0x38;
	[tilespmem:$0x1FEA0] =	vst v63  }
0x3b: {  	_ =	swait.ge [sflag:s21], $0x2800  }
0x3c: {  	[sflag:s21] =	ssyncset.done $0x0  }
0x3d: {  	[sflag:s21] =	ssyncadd.s32 $0xFFFFD800  }
0x3e: {  	_ =	swait.ge [sflag:s21], $0x2800  }
0x3f: {  	[sflag:s21] =	ssyncset.done $0x0  }
0x40: {  	[sflag:s21] =	ssyncadd.s32 $0xFFFFD800  }
0x41: {  	_ =	swait.ge [sflag:s21], $0x2800  }
0x42: {  	[sflag:s21] =	ssyncset.done $0x0  }
0x43: {  	[sflag:s21] =	ssyncadd.s32 $0xFFFFD800  }
0x44: {  	_ =	swait.ge [sflag:s21], $0x2800  }
0x45: {  	[sflag:s21] =	ssyncset.done $0x0  }
0x46: {  	[sflag:s21] =	ssyncadd.s32 $0xFFFFD800  }
0x47: {  	_ =	swait.ge [sflag:s21], $0x2800  }
0x48: {  	[sflag:s21] =	ssyncset.done $0x0  }
0x49: {  	[sflag:s21] =	ssyncadd.s32 $0xFFFFD800  }
0x4a: {  	_ =	swait.ge [sflag:s21], $0x2800  }
0x4b: {  	[sflag:s21] =	ssyncset.done $0x0  }
0x4c: {  	[sflag:s21] =	ssyncadd.s32 $0xFFFFD800  }
0x4d: {  	_ =	swait.ge [sflag:s21], $0x2800  }
0x4e: {  	[sflag:s21] =	ssyncset.done $0x0  }
0x4f: {  	[sflag:s21] =	ssyncadd.s32 $0xFFFFD800  }
0x50: {  	_ =	swait.ge [sflag:s21], $0x2080  }
0x51: {  	[sflag:s21] =	ssyncset.done $0x0  }
0x52: {  	[sflag:s21] =	ssyncadd.s32 $0xFFFFDF80  }
0x53: {  	_ =	swait.ge [sflag:s22], $0x2710  }
0x54: {  	[sflag:s22] =	ssyncset.done $0x0  }
0x55: {  	[sflag:s22] =	ssyncadd.s32 $0xFFFFD8F0  }
0x56: {  	_ =	swait.ge [sflag:s23], $0x2710  }
0x57: {  	[sflag:s23] =	ssyncset.done $0x0  }
0x58: {  	[sflag:s23] =	ssyncadd.s32 $0xFFFFD8F0  }
0x59: {  	[bflag:$0x0] =	sbarrier.arrive $0xFFFF  }
0x5a: {  	[tilespmem:s20], [sflag:$0x1] =	stream.indirect.gather [hbm4b:s2+s24], $0x80, s18, s24, $0xb8;
	[tilespmem:$0x1FEA0] =	vst v63  }
0x5b: {  	s11 =	simm.s32 $0x138A8  }
0x5c: {  	[tilespmem:s26], [sflag:$0x1] =	stream.indirect.gather [hbm4b:s2+s24], $0x80, s11, s24, $0xb8;
	[tilespmem:$0x1FEA0] =	vst v63  }
0x5d: {  	s10 =	simm.s32 $0x138D0  }
0x5e: {  	[tilespmem:s29], [sflag:$0x2] =	stream.indirect.gather [hbm4b:s2+s24], $0x80, s10, s24, $0xb8;
	[tilespmem:$0x1FEA0] =	vst v63  }
0x5f: {  	s11 =	simm.s32 $0x138F8  }
0x60: {  	[tilespmem:s31], [sflag:$0x2] =	stream.indirect.gather [hbm4b:s2+s24], $0x80, s11, s24, $0xb8;
	[tilespmem:$0x1FEA0] =	vst v63  }
0x61: {  	_ =	swait.ge [sflag:s22], $0x1400  }
0x62: {  	[sflag:s22] =	ssyncset.done $0x0  }
0x63: {  	[sflag:s22] =	ssyncadd.s32 $0xFFFFEC00  }
0x64: {  	_ =	swait.ge [sflag:s22], $0x1400  }
0x65: {  	[sflag:s22] =	ssyncset.done $0x0  }
0x66: {  	[sflag:s22] =	ssyncadd.s32 $0xFFFFEC00  }
0x67: {  	[spmem:s3] =	stream.indirect.scatter.add.f32 [tilespmem:s20], [sflag:$0x4], $0x80, s19, s1, $0xb8;
	[tilespmem:$0x1FEA0] =	vst v63  }
0x68: {  	s10 =	simm.s32 $0x13920  }
0x69: {  	[tilespmem:s28], [sflag:$0x3] =	stream.indirect.gather [hbm4b:s2+s24], $0x80, s10, s24, $0xb8;
	[tilespmem:$0x1FEA0] =	vst v63  }
0x6a: {  	s11 =	simm.s32 $0x13948  }
0x6b: {  	[tilespmem:s30], [sflag:$0x3] =	stream.indirect.gather [hbm4b:s2+s24], $0x80, s11, s24, $0xb8;
	[tilespmem:$0x1FEA0] =	vst v63  }
0x6c: {  	_ =	swait.ge [sflag:s23], $0x1400  }
0x6d: {  	[sflag:s23] =	ssyncset.done $0x0  }
0x6e: {  	[sflag:s23] =	ssyncadd.s32 $0xFFFFEC00  }
0x6f: {  	_ =	swait.ge [sflag:s23], $0x1400  }
0x70: {  	[sflag:s23] =	ssyncset.done $0x0  }
0x71: {  	s10 =	simm.s32 $0x15FE0;
	[sflag:s23] =	ssyncadd.s32 $0xFFFFEC00  }
0x72: {  	[spmem:s3] =	stream.indirect.scatter.add.f32 [tilespmem:s29], [sflag:$0x5], $0x80, s10, s1, $0xb8;
	[tilespmem:$0x1FEA0] =	vst v63  }
0x73: {  	_ =	swait.ge [sflag:s0], $0x2800  }
0x74: {  	[sflag:s0] =	ssyncset.done $0x0  }
0x75: {  	s11 =	simm.s32 $0x13970;
	[sflag:s0] =	ssyncadd.s32 $0xFFFFD800  }
0x76: {  	[tilespmem:s20], [sflag:$0x1] =	stream.indirect.gather [hbm4b:s2+s24], $0x80, s11, s24, $0xb8;
	[tilespmem:$0x1FEA0] =	vst v63  }
0x77: {  	s10 =	simm.s32 $0x13998  }
0x78: {  	[tilespmem:s26], [sflag:$0x1] =	stream.indirect.gather [hbm4b:s2+s24], $0x80, s10, s24, $0xb8;
	[tilespmem:$0x1FEA0] =	vst v63  }
0x79: {  	_ =	swait.ge [sflag:s21], $0x1400  }
0x7a: {  	[sflag:s21] =	ssyncset.done $0x0  }
0x7b: {  	[sflag:s21] =	ssyncadd.s32 $0xFFFFEC00  }
0x7c: {  	_ =	swait.ge [sflag:s21], $0x1400  }
0x7d: {  	[sflag:s21] =	ssyncset.done $0x0  }
0x7e: {  	s11 =	simm.s32 $0x16030;
	[sflag:s21] =	ssyncadd.s32 $0xFFFFEC00  }
0x7f: {  	[spmem:s3] =	stream.indirect.scatter.add.f32 [tilespmem:s28], [sflag:$0x6], $0x80, s11, s1, $0xb8;
	[tilespmem:$0x1FEA0] =	vst v63  }
0x80: {  	_ =	swait.ge [sflag:s25], $0x2800  }
0x81: {  	[sflag:s25] =	ssyncset.done $0x0  }
0x82: {  	s10 =	simm.s32 $0x139C0;
	[sflag:s25] =	ssyncadd.s32 $0xFFFFD800  }
0x83: {  	[tilespmem:s29], [sflag:$0x2] =	stream.indirect.gather [hbm4b:s2+s24], $0x80, s10, s24, $0xb8;
	[tilespmem:$0x1FEA0] =	vst v63  }
0x84: {  	s11 =	simm.s32 $0x139E8  }
0x85: {  	[tilespmem:s31], [sflag:$0x2] =	stream.indirect.gather [hbm4b:s2+s24], $0x80, s11, s24, $0xb8;
	[tilespmem:$0x1FEA0] =	vst v63  }
0x86: {  	_ =	swait.ge [sflag:s22], $0x1400  }
0x87: {  	[sflag:s22] =	ssyncset.done $0x0  }
0x88: {  	[sflag:s22] =	ssyncadd.s32 $0xFFFFEC00  }
0x89: {  	_ =	swait.ge [sflag:s22], $0x1400  }
0x8a: {  	[sflag:s22] =	ssyncset.done $0x0  }
0x8b: {  	s10 =	simm.s32 $0x16080;
	[sflag:s22] =	ssyncadd.s32 $0xFFFFEC00  }
0x8c: {  	[spmem:s3] =	stream.indirect.scatter.add.f32 [tilespmem:s20], [sflag:$0x4], $0x80, s10, s1, $0xb8;
	[tilespmem:$0x1FEA0] =	vst v63  }
0x8d: {  	_ =	swait.ge [sflag:s5], $0x2800  }
0x8e: {  	[sflag:s5] =	ssyncset.done $0x0  }
0x8f: {  	s11 =	simm.s32 $0x13A10;
	[sflag:s5] =	ssyncadd.s32 $0xFFFFD800  }
0x90: {  	[tilespmem:s28], [sflag:$0x3] =	stream.indirect.gather [hbm4b:s2+s24], $0x80, s11, s24, $0xb8;
	[tilespmem:$0x1FEA0] =	vst v63  }
0x91: {  	s10 =	simm.s32 $0x13A38  }
0x92: {  	[tilespmem:s30], [sflag:$0x3] =	stream.indirect.gather [hbm4b:s2+s24], $0x80, s10, s24, $0xb8;
	[tilespmem:$0x1FEA0] =	vst v63  }
0x93: {  	_ =	swait.ge [sflag:s23], $0x1400  }
0x94: {  	[sflag:s23] =	ssyncset.done $0x0  }
0x95: {  	[sflag:s23] =	ssyncadd.s32 $0xFFFFEC00  }
0x96: {  	_ =	swait.ge [sflag:s23], $0x1400  }
0x97: {  	[sflag:s23] =	ssyncset.done $0x0  }
0x98: {  	s11 =	simm.s32 $0x160D0;
	[sflag:s23] =	ssyncadd.s32 $0xFFFFEC00  }
0x99: {  	[spmem:s3] =	stream.indirect.scatter.add.f32 [tilespmem:s29], [sflag:$0x5], $0x80, s11, s1, $0xb8;
	[tilespmem:$0x1FEA0] =	vst v63  }
0x9a: {  	_ =	swait.ge [sflag:s0], $0x2800  }
0x9b: {  	[sflag:s0] =	ssyncset.done $0x0  }
0x9c: {  	s10 =	simm.s32 $0x13A60;
	[sflag:s0] =	ssyncadd.s32 $0xFFFFD800  }
0x9d: {  	[tilespmem:s20], [sflag:$0x1] =	stream.indirect.gather [hbm4b:s2+s24], $0x80, s10, s24, $0xb8;
	[tilespmem:$0x1FEA0] =	vst v63  }
0x9e: {  	s11 =	simm.s32 $0x13A88  }
0x9f: {  	[tilespmem:s26], [sflag:$0x1] =	stream.indirect.gather [hbm4b:s2+s24], $0x80, s11, s24, $0xb8;
	[tilespmem:$0x1FEA0] =	vst v63  }
0xa0: {  	_ =	swait.ge [sflag:s21], $0x1400  }
0xa1: {  	[sflag:s21] =	ssyncset.done $0x0  }
0xa2: {  	[sflag:s21] =	ssyncadd.s32 $0xFFFFEC00  }
0xa3: {  	_ =	swait.ge [sflag:s21], $0x1400  }
0xa4: {  	[sflag:s21] =	ssyncset.done $0x0  }
0xa5: {  	s10 =	simm.s32 $0x16120;
	[sflag:s21] =	ssyncadd.s32 $0xFFFFEC00  }
0xa6: {  	[spmem:s3] =	stream.indirect.scatter.add.f32 [tilespmem:s28], [sflag:$0x6], $0x80, s10, s1, $0xb8;
	[tilespmem:$0x1FEA0] =	vst v63  }
0xa7: {  	_ =	swait.ge [sflag:s25], $0x2800  }
0xa8: {  	s9 =	simm.s32 $0x3C0;
	[sflag:s25] =	ssyncset.done $0x0  }
0xa9: {  	s11 =	simm.s32 $0x13AB0;
	s10 =	simm.s32 $0x13AD8;
	[sflag:s25] =	ssyncadd.s32 $0xFFFFD800  }
0xaa: {  	[tilespmem:s29], [sflag:$0x2] =	stream.indirect.gather [hbm4b:s2+s24], $0x80, s11, s24, $0xb8;
	[tilespmem:$0x1FEA0] =	vst v63  }
.LBB2_4:
0xab: {  	[tilespmem:s31], [sflag:$0x2] =	stream.indirect.gather [hbm4b:s2+s24], $0x80, s10, s24, $0xb8;
	[tilespmem:$0x1FEA0] =	vst v63  }
0xac: {  	s10 =	smov.u32 s9  }
0xad: {  	p0 =	sne.s32 s9, $0x9240;
	s9 =	sadd.s32 $0x3C0, s9;
	_ =	swait.ge [sflag:s22], $0x1400  }
0xae: {  	[sflag:s22] =	ssyncset.done $0x0  }
0xaf: {  	[sflag:s22] =	ssyncadd.s32 $0xFFFFEC00  }
0xb0: {  	_ =	swait.ge [sflag:s22], $0x1400  }
0xb1: {  	s10 =	sshra.s32 s10, $0x2;
	[sflag:s22] =	ssyncset.done $0x0  }
0xb2: {  	s11 =	sadd.s32 $0x16080, s10;
	[sflag:s22] =	ssyncadd.s32 $0xFFFFEC00  }
0xb3: {  	[spmem:s3] =	stream.indirect.scatter.add.f32 [tilespmem:s20], [sflag:$0x4], $0x80, s11, s1, $0xb8;
	[tilespmem:$0x1FEA0] =	vst v63  }
0xb4: {  	_ =	swait.ge [sflag:s5], $0x2800  }
0xb5: {  	[sflag:s5] =	ssyncset.done $0x0  }
0xb6: {  	s11 =	sadd.s32 $0x13A10, s10;
	[sflag:s5] =	ssyncadd.s32 $0xFFFFD800  }
0xb7: {  	[tilespmem:s28], [sflag:$0x3] =	stream.indirect.gather [hbm4b:s2+s24], $0x80, s11, s24, $0xb8;
	[tilespmem:$0x1FEA0] =	vst v63  }
0xb8: {  	s11 =	sadd.s32 $0x13A38, s10  }
0xb9: {  	[tilespmem:s30], [sflag:$0x3] =	stream.indirect.gather [hbm4b:s2+s24], $0x80, s11, s24, $0xb8;
	[tilespmem:$0x1FEA0] =	vst v63  }
0xba: {  	_ =	swait.ge [sflag:s23], $0x1400  }
0xbb: {  	[sflag:s23] =	ssyncset.done $0x0  }
0xbc: {  	[sflag:s23] =	ssyncadd.s32 $0xFFFFEC00  }
0xbd: {  	_ =	swait.ge [sflag:s23], $0x1400  }
0xbe: {  	[sflag:s23] =	ssyncset.done $0x0  }
0xbf: {  	s11 =	sadd.s32 $0x160D0, s10;
	[sflag:s23] =	ssyncadd.s32 $0xFFFFEC00  }
0xc0: {  	[spmem:s3] =	stream.indirect.scatter.add.f32 [tilespmem:s29], [sflag:$0x5], $0x80, s11, s1, $0xb8;
	[tilespmem:$0x1FEA0] =	vst v63  }
0xc1: {  	_ =	swait.ge [sflag:s0], $0x2800  }
0xc2: {  	[sflag:s0] =	ssyncset.done $0x0  }
0xc3: {  	s11 =	sadd.s32 $0x13A60, s10;
	[sflag:s0] =	ssyncadd.s32 $0xFFFFD800  }
0xc4: {  	[tilespmem:s20], [sflag:$0x1] =	stream.indirect.gather [hbm4b:s2+s24], $0x80, s11, s24, $0xb8;
	[tilespmem:$0x1FEA0] =	vst v63  }
0xc5: {  	s11 =	sadd.s32 $0x13A88, s10  }
0xc6: {  	[tilespmem:s26], [sflag:$0x1] =	stream.indirect.gather [hbm4b:s2+s24], $0x80, s11, s24, $0xb8;
	[tilespmem:$0x1FEA0] =	vst v63  }
0xc7: {  	_ =	swait.ge [sflag:s21], $0x1400  }
0xc8: {  	[sflag:s21] =	ssyncset.done $0x0  }
0xc9: {  	[sflag:s21] =	ssyncadd.s32 $0xFFFFEC00  }
0xca: {  	_ =	swait.ge [sflag:s21], $0x1400  }
0xcb: {  	[sflag:s21] =	ssyncset.done $0x0  }
0xcc: {  	s11 =	sadd.s32 $0x16120, s10;
	[sflag:s21] =	ssyncadd.s32 $0xFFFFEC00  }
0xcd: {  	[spmem:s3] =	stream.indirect.scatter.add.f32 [tilespmem:s28], [sflag:$0x6], $0x80, s11, s1, $0xb8;
	[tilespmem:$0x1FEA0] =	vst v63  }
.Ltmp1:
0xce: {  	_ =	swait.ge [sflag:s25], $0x2800;
	(pc) =	sbr.rel @p0 .LBB2_4-.Ltmp1, $4  }
0xcf: {  	[sflag:s25] =	ssyncset.done $0x0  }
0xd0: {  	s11 =	sadd.s32 $0x13AB0, s10;
	[sflag:s25] =	ssyncadd.s32 $0xFFFFD800  }
0xd1: {  	[tilespmem:s29], [sflag:$0x2] =	stream.indirect.gather [hbm4b:s2+s24], $0x80, s11, s24, $0xb8;
	[tilespmem:$0x1FEA0] =	vst v63  }
0xd2: {  	s10 =	sadd.s32 $0x13AD8, s10  }
0xd3: {  	[tilespmem:s31], [sflag:$0x2] =	stream.indirect.gather [hbm4b:s2+s24], $0x80, s10, s24, $0xb8;
	[tilespmem:$0x1FEA0] =	vst v63  }
0xd4: {  	_ =	swait.ge [sflag:s5], $0x2800  }
0xd5: {  	[sflag:s5] =	ssyncset.done $0x0  }
0xd6: {  	[sflag:s5] =	ssyncadd.s32 $0xFFFFD800  }
0xd7: {  	_ =	swait.ge [sflag:s22], $0x1400  }
0xd8: {  	[sflag:s22] =	ssyncset.done $0x0  }
0xd9: {  	[sflag:s22] =	ssyncadd.s32 $0xFFFFEC00  }
0xda: {  	_ =	swait.ge [sflag:s22], $0x1400  }
0xdb: {  	[sflag:s22] =	ssyncset.done $0x0  }
0xdc: {  	s9 =	simm.s32 $0x18600;
	[sflag:s22] =	ssyncadd.s32 $0xFFFFEC00  }
0xdd: {  	[spmem:s3] =	stream.indirect.scatter.add.f32 [tilespmem:s20], [sflag:$0x7], $0x80, s9, s1, $0xb8;
	[tilespmem:$0x1FEA0] =	vst v63  }
0xde: {  	_ =	swait.ge [sflag:s6], $0x2800  }
0xdf: {  	[sflag:s6] =	ssyncset.done $0x0  }
0xe0: {  	[sflag:s6] =	ssyncadd.s32 $0xFFFFD800  }
0xe1: {  	_ =	swait.ge [sflag:s23], $0x1400  }
0xe2: {  	[sflag:s23] =	ssyncset.done $0x0  }
0xe3: {  	[sflag:s23] =	ssyncadd.s32 $0xFFFFEC00  }
0xe4: {  	_ =	swait.ge [sflag:s23], $0x1400  }
0xe5: {  	[sflag:s23] =	ssyncset.done $0x0  }
0xe6: {  	s11 =	simm.s32 $0x18650;
	[sflag:s23] =	ssyncadd.s32 $0xFFFFEC00  }
0xe7: {  	[spmem:s3] =	stream.indirect.scatter.add.f32 [tilespmem:s29], [sflag:$0x7], $0x80, s11, s1, $0xb8;
	[tilespmem:$0x1FEA0] =	vst v63  }
0xe8: {  	_ =	swait.ge [sflag:s6], $0x2800  }
0xe9: {  	s10 =	stileid.u32;
	[sflag:s6] =	ssyncset.done $0x0  }
0xea: {  	s9 =	sshll.u32 s10, $0x6;
	[sflag:s6] =	ssyncadd.s32 $0xFFFFD800  }
0xeb: {  	s9 =	sor.u32 $0x1C01, s9;
	s11 =	sshrl.u32 s7, $0x3;
	[bflag:$0x0] =	sbarrier.arrive $0xFFFF  }
0xec: {  	[hbm:s15], [sflag:s9] =	dma.local [spmem:s11], $0x2710  }
0xed: {  	s10 =	simm.s32 $0x40;
	s9 =	simm.s32 $0x0;
	s11 =	simm.s32 $0x0  }
.LBB2_6:
0xee: {  	p0 =	sne.s32 s10, $0x9C00;
	[tilespmem:s11+$0x186A0] =	vst v0;
	s11 =	smov.u32 s10;
	s10 =	sadd.s32 $0x40, s10  }
.Ltmp2:
0xef: {  	(pc) =	sbr.rel @p0 .LBB2_6-.Ltmp2, $2  }
0xf0: {  	_ =	sdelay $0x2  }
0xf1: {  	s11 =	sshra.s32 s11, $0x2  }
0xf2: {  	[tilespmem:s11+$0x186A0] =	vst v0  }
.LBB2_8:
0xf3: {  	s10 =	sshra.s32 s9, $0x2  }
0xf4: {  	v2 =	vld [tilespmem:s10+$0x15F90];
	_ =	sdelay $0x7  }
0xf5: {  	[tilespmem:v2+s20+$0x0] =	vst.idx.add.f32.msk $0xffff, v1  }
0xf6: {  	v2 =	vld [tilespmem:s10+$0x15FA0];
	_ =	sdelay $0x7  }
0xf7: {  	[tilespmem:v2+s20+$0x0] =	vst.idx.add.f32.msk $0xffff, v1  }
0xf8: {  	v2 =	vld [tilespmem:s10+$0x15FB0];
	_ =	sdelay $0x7  }
0xf9: {  	[tilespmem:v2+s20+$0x0] =	vst.idx.add.f32.msk $0xffff, v1  }
0xfa: {  	v2 =	vld [tilespmem:s10+$0x15FC0];
	_ =	sdelay $0x7  }
0xfb: {  	[tilespmem:v2+s20+$0x0] =	vst.idx.add.f32.msk $0xffff, v1  }
0xfc: {  	v2 =	vld [tilespmem:s10+$0x15FD0];
	_ =	sdelay $0x2  }
0xfd: {  	p0 =	sne.s32 s9, $0x9B00  }
.Ltmp3:
0xfe: {  	_ = 	snop;
	(pc) =	sbr.rel @p0 .LBB2_8-.Ltmp3, $2  }
0xff: {  	_ =	sdelay $0x2  }
0x100: {  	s9 =	sadd.s32 $0x140, s9;
	[tilespmem:v2+s20+$0x0] =	vst.idx.add.f32.msk $0xffff, v1  }
0x101: {  	[hbm4b:s16+s4] =	stream.linear.scatter [tilespmem:s20], [sflag:$0x7], $0x2710, $0x38;
	[tilespmem:$0x1FEA0] =	vst v63  }
0x102: {  	s8 =	sadd.s32 $0x1, s8  }
0x103: {  	_ =	swait.ge [sflag:s6], $0x2710;
	p0 =	sne.s32 s8, s17  }
.Ltmp4:
0x104: {  	[sflag:s6] =	ssyncset.done $0x0;
	(pc) =	sbr.rel @p0 .LBB2_1-.Ltmp4, $4  }
0x105: {  	[sflag:s6] =	ssyncadd.s32 $0xFFFFD8F0  }
0x106: {  	_ =	swait.ge [sflag:s22], $0x2710  }
0x107: {  	[sflag:s22] =	ssyncset.done $0x0  }
0x108: {  	[sflag:s22] =	ssyncadd.s32 $0xFFFFD8F0  }
0x109: {  	_ =	sfence.sel $0x180000  }
0x10a: {  	[bflag:$0x0] =	sbarrier.arrive $0xFFFF  }
0x10b: {  	_ =	strace $0x90000047  }
0x10c: {  	s0 =	stileid.u32;
	[bflag:$0x2] =	sbarrier.arrive $0xFFFF  }
0x10d: {  	p0 =	sne.s32 s0, $0x0;
	s0 =	rddreg [dreg:$0x3]  }
0x10e: {  	s0 =	sadd.s32 @!p0 $0x100000, s0  }
0x10f: {  	[sflag:s0] =	ssyncadd.tile.s32 @!p0 $0x1;
	_ =	shalt  }
.Lfunc_end2:
_tile_overlayer_lowered:
.L_overlay_start_2:
0x110: {  	(tag) =	ssettag $0x2  }
0x111: {  	s0 =	rddreg [dreg:$0x0];
	s2 =	stileid.u32  }
0x112: {  	s1 =	rddreg [dreg:$0x1];
	p0 =	sne.s32 s2, $0x0  }
0x113: {  	s3 =	rddreg [dreg:$0x2];
	[bflag:$0x3] =	sbarrier.arrive $0xFFFF;
	s2 =	simm.s32 @!p0 $0x1C07  }
0x114: {  	[timem:s3], [sflag:s2] =	dma.local @!p0 [hbm:s0], s1  }
0x115: {  	s0 =	simm.s32 @!p0 $0x7  }
0x116: {  	_ =	swait.ge @!p0 [sflag:s0], s1  }
0x117: {  	s1 =	ssub.s32 @!p0 $0x0, s1;
	[sflag:s0] =	ssyncset.done @!p0 $0x0  }
0x118: {  	[sflag:s0] =	ssyncadd.s32 @!p0 s1  }
0x119: {  	[bflag:$0x3] =	sbarrier.arrive $0xFFFF  }
0x11a: {  	_ =	shalt  }

</sc_bundles>
